<compile_context>
chip_gen: v7x
topology: tpu7x:2x2x1
jax: 0.10.2.dev20260603
libtpu: 0.0.44.dev20260713+nightly
codegen_flags: <defaults>
</compile_context>

<pallas_src>
import functools

import jax
import jax.numpy as jnp
from jax import lax
from jax.experimental import pallas as pl
from jax.experimental.pallas import tpu as pltpu
from jax.experimental.pallas import tpu_sc as plsc

_EMB = 32
_CB = 4
_SP = 80
_SCM = 40
_L = 16


def _sum_rows(ref, slot, base, n, unroll):
    z = jnp.zeros((_L,), jnp.float32)

    def body(jb, accs):
        a0, a1, a2, a3 = accs
        r0 = base + jb * unroll
        for u in range(unroll):
            lo = ref[slot, r0 + u, pl.ds(0, _L)]
            hi = ref[slot, r0 + u, pl.ds(_L, _L)]
            if u % 2 == 0:
                a0 = a0 + lo
                a1 = a1 + hi
            else:
                a2 = a2 + lo
                a3 = a3 + hi
        return (a0, a1, a2, a3)

    a0, a1, a2, a3 = lax.fori_loop(0, n // unroll, body, (z, z, z, z))
    return a0 + a2, a1 + a3


@functools.lru_cache(maxsize=None)
def _build_pool(B, LP, LC):
    info = plsc.get_sparse_core_info()
    nw = info.num_cores * info.num_subcores
    rpw = B // nw
    nch = rpw // _CB
    ps = LP * _CB // _SP
    cs = LC * _CB // _SCM
    assert B % nw == 0 and rpw % _CB == 0 and nch % 2 == 0
    assert LP * _CB % _SP == 0 and LC * _CB % _SCM == 0
    assert LP % 8 == 0 and LC % 10 == 0

    mesh = plsc.VectorSubcoreMesh(core_axis_name="c", subcore_axis_name="s")

    @functools.partial(
        pl.kernel,
        mesh=mesh,
        out_type=jax.ShapeDtypeStruct((B, 2 * _EMB), jnp.float32),
        compiler_params=pltpu.CompilerParams(use_tc_tiling_on_sc=False),
        scratch_types=[
            pltpu.VMEM((2, ps, _SP), jnp.int32),
            pltpu.VMEM((2, cs, _SCM), jnp.int32),
            pltpu.VMEM((2, _CB * LP, _EMB), jnp.float32),
            pltpu.VMEM((2, _CB * LC, _EMB), jnp.float32),
            pltpu.VMEM((rpw, 2 * _EMB), jnp.float32),
            pltpu.SemaphoreType.DMA,
            pltpu.SemaphoreType.DMA,
            pltpu.SemaphoreType.DMA,
            pltpu.SemaphoreType.DMA,
        ],
    )
    def pool(pidx_hbm, cidx_hbm, pt_hbm, ct_hbm, out_hbm,
             pidx_v, cidx_v, prows_v, crows_v, pooled_v, ps0, ps1, cs0, cs1):
        wid = lax.axis_index("s") * info.num_cores + lax.axis_index("c")
        psems = (ps0, ps1)
        csems = (cs0, cs1)

        def fire(slot, c):
            pltpu.sync_copy(pidx_hbm.at[pl.ds(wid * (nch * ps) + c * ps, ps)],
                            pidx_v.at[slot])
            pltpu.sync_copy(cidx_hbm.at[pl.ds(wid * (nch * cs) + c * cs, cs)],
                            cidx_v.at[slot])
            for j in range(ps):
                pltpu.async_copy(pt_hbm.at[pidx_v.at[slot].at[j]],
                                 prows_v.at[slot].at[pl.ds(j * _SP, _SP)],
                                 psems[slot])
            for j in range(cs):
                pltpu.async_copy(ct_hbm.at[cidx_v.at[slot].at[j]],
                                 crows_v.at[slot].at[pl.ds(j * _SCM, _SCM)],
                                 csems[slot])

        def drain(slot):
            pltpu.make_async_copy(pt_hbm.at[pl.ds(0, _CB * LP)],
                                  prows_v.at[slot], psems[slot]).wait()
            pltpu.make_async_copy(ct_hbm.at[pl.ds(0, _CB * LC)],
                                  crows_v.at[slot], csems[slot]).wait()

        def reduce_store(slot, c):
            for i in range(_CB):
                row = c * _CB + i
                plo, phi = _sum_rows(prows_v, slot, i * LP, LP, 8)
                clo, chi = _sum_rows(crows_v, slot, i * LC, LC, 10)
                pooled_v[row, pl.ds(0, _L)] = plo * (1.0 / LP)
                pooled_v[row, pl.ds(_L, _L)] = phi * (1.0 / LP)
                pooled_v[row, pl.ds(2 * _L, _L)] = clo * (1.0 / LC)
                pooled_v[row, pl.ds(3 * _L, _L)] = chi * (1.0 / LC)

        fire(0, 0)

        def body(i, carry):
            c0 = 2 * i
            fire(1, c0 + 1)
            drain(0)
            reduce_store(0, c0)

            @pl.when(i < nch // 2 - 1)
            def _():
                fire(0, c0 + 2)

            drain(1)
            reduce_store(1, c0 + 1)
            return carry

        lax.fori_loop(0, nch // 2, body, jnp.int32(0))
        pltpu.sync_copy(pooled_v, out_hbm.at[pl.ds(wid * rpw, rpw)])

    return pool


def _mlp_body(x_ref, w1t_ref, b1_ref, w2t_ref, b2_ref, o_ref):
    h = jnp.dot(x_ref[...], w1t_ref[...], preferred_element_type=jnp.float32)
    h = jnp.maximum(h + b1_ref[...], 0.0)
    o_ref[...] = jnp.dot(h, w2t_ref[...], preferred_element_type=jnp.float32) + b2_ref[...]


@functools.lru_cache(maxsize=None)
def _build_mlp(B, dj, dh):
    blk = min(B, 2048)
    assert B % blk == 0
    return pl.pallas_call(
        _mlp_body,
        grid=(B // blk,),
        in_specs=[
            pl.BlockSpec((blk, dj), lambda i: (i, 0)),
            pl.BlockSpec((dj, dh), lambda i: (0, 0)),
            pl.BlockSpec((1, dh), lambda i: (0, 0)),
            pl.BlockSpec((dh, 1), lambda i: (0, 0)),
            pl.BlockSpec((1, 1), lambda i: (0, 0)),
        ],
        out_specs=pl.BlockSpec((blk, 1), lambda i: (i, 0)),
        out_shape=jax.ShapeDtypeStruct((B, 1), jnp.float32),
    )


def kernel(protein_input, compound_input, protein_table, compound_table, W1, b1, W2, b2):
    B, LP = protein_input.shape
    LC = compound_input.shape[1]
    pidx = protein_input.astype(jnp.int32).reshape(B * LP // _SP, _SP)
    cidx = compound_input.astype(jnp.int32).reshape(B * LC // _SCM, _SCM)
    pooled = _build_pool(B, LP, LC)(pidx, cidx,
                                    protein_table.astype(jnp.float32),
                                    compound_table.astype(jnp.float32))
    w1t = W1.T.astype(jnp.float32)
    w2t = W2.T.astype(jnp.float32)
    mlp = _build_mlp(B, w1t.shape[0], w1t.shape[1])
    return mlp(pooled, w1t, b1.reshape(1, -1).astype(jnp.float32),
               w2t, b2.reshape(1, 1).astype(jnp.float32))

# --- scband reference (transcript-rebuilt; emitter-appended) ---
"""Pipeline reference for scband-baseline-9165460209689 (READ-ONLY COPY).

The authoritative reference and input builder live on the scoring server;
editing this copy changes nothing except your own understanding.
"""

import jax, jax.numpy as jnp
import numpy as np

NUM_KMERS = 1000000
NUM_FPS = 100000
EMB = 32
B = 16384
LP = 200
LC = 50


def setup_inputs(seed: int = 0) -> dict:
    key = jax.random.key(seed)
    k1, k2, k3, k4, k5, k6, k7, k8 = jax.random.split(key, 8)
    protein_input = jax.random.randint(k1, (B, LP), 0, NUM_KMERS, dtype=jnp.int64 if jax.config.jax_enable_x64 else jnp.int32)
    compound_input = jax.random.randint(k2, (B, LC), 0, NUM_FPS, dtype=jnp.int64 if jax.config.jax_enable_x64 else jnp.int32)
    protein_table = jax.random.normal(k3, (NUM_KMERS, EMB), dtype=jnp.float32)
    compound_table = jax.random.normal(k4, (NUM_FPS, EMB), dtype=jnp.float32)
    W1 = jax.random.normal(k5, (EMB, 2 * EMB), dtype=jnp.float32) * (1.0 / np.sqrt(2 * EMB))
    b1 = jnp.zeros((EMB,), dtype=jnp.float32)
    W2 = jax.random.normal(k6, (1, EMB), dtype=jnp.float32) * (1.0 / np.sqrt(EMB))
    b2 = jnp.zeros((1,), dtype=jnp.float32)
    return {
        "protein_input": protein_input,
        "compound_input": compound_input,
        "protein_table": protein_table,
        "compound_table": compound_table,
        "W1": W1,
        "b1": b1,
        "W2": W2,
        "b2": b2,
    }


def reference(protein_input, compound_input, protein_table, compound_table, W1, b1, W2, b2):
    protein_embedding = jnp.take(protein_table, protein_input, axis=0)  # [B, LP, EMB]
    compound_embedding = jnp.take(compound_table, compound_input, axis=0)  # [B, LC, EMB]
    joined = jnp.concatenate([protein_embedding.mean(axis=1), compound_embedding.mean(axis=1)], axis=1)  # [B, 2*EMB]
    h = jax.nn.relu(joined @ W1.T + b1)
    out = h @ W2.T + b2  # [B, 1]
    return out

if __name__ == "__main__":
    import jax
    _d = setup_inputs()
    print(jax.jit(kernel)(*tuple(_d.values())))

</pallas_src>

<mosaic_0001>
#map = affine_map<(d0, d1) -> (0, 0)>
module attributes {stable_mosaic.version = 14 : i64} {
  func.func @pool(%arg0: i32, %arg1: i32, %arg2: memref<40960x80xi32, #tpu.memory_space<hbm>>, %arg3: memref<20480x40xi32, #tpu.memory_space<hbm>>, %arg4: memref<1000000x32xf32, #tpu.memory_space<hbm>>, %arg5: memref<100000x32xf32, #tpu.memory_space<hbm>>, %arg6: memref<16384x64xf32, #tpu.memory_space<hbm>>, %arg7: memref<2x10x80xi32, #tpu.memory_space<vmem>>, %arg8: memref<2x5x40xi32, #tpu.memory_space<vmem>>, %arg9: memref<2x800x32xf32, #tpu.memory_space<vmem>>, %arg10: memref<2x200x32xf32, #tpu.memory_space<vmem>>, %arg11: memref<512x64xf32, #tpu.memory_space<vmem>>, %arg12: memref<!tpu.dma_semaphore, #tpu.memory_space<semaphore_mem>>, %arg13: memref<!tpu.dma_semaphore, #tpu.memory_space<semaphore_mem>>, %arg14: memref<!tpu.dma_semaphore, #tpu.memory_space<semaphore_mem>>, %arg15: memref<!tpu.dma_semaphore, #tpu.memory_space<semaphore_mem>>) attributes {dimension_semantics = [#tpu.dimension_semantics<core_parallel>, #tpu.dimension_semantics<subcore_parallel>], iteration_bounds = array<i64: 2, 16>, scalar_prefetch = 0 : i64, scratch_operands = 9 : i64, tpu.core_type = #tpu.core_type<sc_vector_subcore>, window_params = [{transform_indices = #map}, {transform_indices = #map}, {transform_indices = #map}, {transform_indices = #map}, {transform_indices = #map}]} {
    %mul3A = arith.constant 2 : i32
    %mul3A_0 = arith.muli %arg1, %mul3A : i32
    %add3A = arith.addi %mul3A_0, %arg0 : i32
    %mul3A_1 = arith.constant 1280 : i32
    %mul3A_2 = arith.muli %add3A, %mul3A_1 : i32
    %add3A_3 = arith.constant 0 : i32
    %add3A_4 = arith.addi %mul3A_2, %add3A_3 : i32
    %run_scoped3A = arith.constant 0 : i32
    "tpu.region"() ({
      %run_scoped3A_316 = tpu.sem_alloc : memref<!tpu.dma_semaphore, #tpu.memory_space<semaphore_mem>>
      %dma_start3A_317 = arith.constant 0 : i32
      %dma_start3A_318 = arith.constant 0 : i32
      %dma_start3A_319 = tpu.memref_slice %arg7[%run_scoped3A, %dma_start3A_317, %dma_start3A_318] : memref<2x10x80xi32, #tpu.memory_space<vmem>> -> memref<1x10x80xi32, #tpu.memory_space<vmem>>
      %dma_start3A_320 = tpu.memref_squeeze %dma_start3A_319 : memref<1x10x80xi32, #tpu.memory_space<vmem>> -> memref<10x80xi32, #tpu.memory_space<vmem>>
      %dma_start3A_321 = arith.constant 0 : i32
      %dma_start3A_322 = tpu.memref_slice %arg2[%add3A_4, %dma_start3A_321] : memref<40960x80xi32, #tpu.memory_space<hbm>> -> memref<10x80xi32, #tpu.memory_space<hbm>>
      %dma_start3A_323 = arith.constant 0 : i32
      %dma_start3A_324 = arith.constant 0 : i32
      %dma_start3A_325 = tpu.memref_slice %arg7[%run_scoped3A, %dma_start3A_323, %dma_start3A_324] : memref<2x10x80xi32, #tpu.memory_space<vmem>> -> memref<1x10x80xi32, #tpu.memory_space<vmem>>
      %dma_start3A_326 = tpu.memref_squeeze %dma_start3A_325 : memref<1x10x80xi32, #tpu.memory_space<vmem>> -> memref<10x80xi32, #tpu.memory_space<vmem>>
      %dma_start3A_327 = arith.constant 0 : i32
      %dma_start3A_328 = tpu.memref_slice %arg2[%add3A_4, %dma_start3A_327] : memref<40960x80xi32, #tpu.memory_space<hbm>> -> memref<10x80xi32, #tpu.memory_space<hbm>>
      tpu.enqueue_dma source(%dma_start3A_328 : memref<10x80xi32, #tpu.memory_space<hbm>>) target(%dma_start3A_326 : memref<10x80xi32, #tpu.memory_space<vmem>>) target_semaphore(%run_scoped3A_316 : memref<!tpu.dma_semaphore, #tpu.memory_space<semaphore_mem>>)
      %dma_wait3A = arith.constant 0 : i32
      %dma_wait3A_329 = arith.constant 0 : i32
      %dma_wait3A_330 = tpu.memref_slice %arg7[%run_scoped3A, %dma_wait3A, %dma_wait3A_329] : memref<2x10x80xi32, #tpu.memory_space<vmem>> -> memref<1x10x80xi32, #tpu.memory_space<vmem>>
      %dma_wait3A_331 = tpu.memref_squeeze %dma_wait3A_330 : memref<1x10x80xi32, #tpu.memory_space<vmem>> -> memref<10x80xi32, #tpu.memory_space<vmem>>
      %dma_wait3A_332 = arith.constant 0 : i32
      %dma_wait3A_333 = tpu.memref_slice %arg2[%add3A_4, %dma_wait3A_332] : memref<40960x80xi32, #tpu.memory_space<hbm>> -> memref<10x80xi32, #tpu.memory_space<hbm>>
      %dma_wait3A_334 = arith.constant 0 : i32
      %dma_wait3A_335 = arith.constant 0 : i32
      %dma_wait3A_336 = tpu.memref_slice %arg7[%run_scoped3A, %dma_wait3A_334, %dma_wait3A_335] : memref<2x10x80xi32, #tpu.memory_space<vmem>> -> memref<1x10x80xi32, #tpu.memory_space<vmem>>
      %dma_wait3A_337 = tpu.memref_squeeze %dma_wait3A_336 : memref<1x10x80xi32, #tpu.memory_space<vmem>> -> memref<10x80xi32, #tpu.memory_space<vmem>>
      %dma_wait3A_338 = arith.constant 0 : i32
      %dma_wait3A_339 = tpu.memref_slice %arg2[%add3A_4, %dma_wait3A_338] : memref<40960x80xi32, #tpu.memory_space<hbm>> -> memref<10x80xi32, #tpu.memory_space<hbm>>
      tpu.wait_dma2 semaphore(%run_scoped3A_316 : memref<!tpu.dma_semaphore, #tpu.memory_space<semaphore_mem>>) src(%dma_wait3A_339 : memref<10x80xi32, #tpu.memory_space<hbm>>) dst(%dma_wait3A_337 : memref<10x80xi32, #tpu.memory_space<vmem>>)
      tpu.yield
    }) : () -> ()
    %mul3A_5 = arith.constant 640 : i32
    %mul3A_6 = arith.muli %add3A, %mul3A_5 : i32
    %add3A_7 = arith.constant 0 : i32
    %add3A_8 = arith.addi %mul3A_6, %add3A_7 : i32
    %run_scoped3A_9 = arith.constant 0 : i32
    "tpu.region"() ({
      %run_scoped3A_316 = tpu.sem_alloc : memref<!tpu.dma_semaphore, #tpu.memory_space<semaphore_mem>>
      %dma_start3A_317 = arith.constant 0 : i32
      %dma_start3A_318 = arith.constant 0 : i32
      %dma_start3A_319 = tpu.memref_slice %arg8[%run_scoped3A_9, %dma_start3A_317, %dma_start3A_318] : memref<2x5x40xi32, #tpu.memory_space<vmem>> -> memref<1x5x40xi32, #tpu.memory_space<vmem>>
      %dma_start3A_320 = tpu.memref_squeeze %dma_start3A_319 : memref<1x5x40xi32, #tpu.memory_space<vmem>> -> memref<5x40xi32, #tpu.memory_space<vmem>>
      %dma_start3A_321 = arith.constant 0 : i32
      %dma_start3A_322 = tpu.memref_slice %arg3[%add3A_8, %dma_start3A_321] : memref<20480x40xi32, #tpu.memory_space<hbm>> -> memref<5x40xi32, #tpu.memory_space<hbm>>
      %dma_start3A_323 = arith.constant 0 : i32
      %dma_start3A_324 = arith.constant 0 : i32
      %dma_start3A_325 = tpu.memref_slice %arg8[%run_scoped3A_9, %dma_start3A_323, %dma_start3A_324] : memref<2x5x40xi32, #tpu.memory_space<vmem>> -> memref<1x5x40xi32, #tpu.memory_space<vmem>>
      %dma_start3A_326 = tpu.memref_squeeze %dma_start3A_325 : memref<1x5x40xi32, #tpu.memory_space<vmem>> -> memref<5x40xi32, #tpu.memory_space<vmem>>
      %dma_start3A_327 = arith.constant 0 : i32
      %dma_start3A_328 = tpu.memref_slice %arg3[%add3A_8, %dma_start3A_327] : memref<20480x40xi32, #tpu.memory_space<hbm>> -> memref<5x40xi32, #tpu.memory_space<hbm>>
      tpu.enqueue_dma source(%dma_start3A_328 : memref<5x40xi32, #tpu.memory_space<hbm>>) target(%dma_start3A_326 : memref<5x40xi32, #tpu.memory_space<vmem>>) target_semaphore(%run_scoped3A_316 : memref<!tpu.dma_semaphore, #tpu.memory_space<semaphore_mem>>)
      %dma_wait3A = arith.constant 0 : i32
      %dma_wait3A_329 = arith.constant 0 : i32
      %dma_wait3A_330 = tpu.memref_slice %arg8[%run_scoped3A_9, %dma_wait3A, %dma_wait3A_329] : memref<2x5x40xi32, #tpu.memory_space<vmem>> -> memref<1x5x40xi32, #tpu.memory_space<vmem>>
      %dma_wait3A_331 = tpu.memref_squeeze %dma_wait3A_330 : memref<1x5x40xi32, #tpu.memory_space<vmem>> -> memref<5x40xi32, #tpu.memory_space<vmem>>
      %dma_wait3A_332 = arith.constant 0 : i32
      %dma_wait3A_333 = tpu.memref_slice %arg3[%add3A_8, %dma_wait3A_332] : memref<20480x40xi32, #tpu.memory_space<hbm>> -> memref<5x40xi32, #tpu.memory_space<hbm>>
      %dma_wait3A_334 = arith.constant 0 : i32
      %dma_wait3A_335 = arith.constant 0 : i32
      %dma_wait3A_336 = tpu.memref_slice %arg8[%run_scoped3A_9, %dma_wait3A_334, %dma_wait3A_335] : memref<2x5x40xi32, #tpu.memory_space<vmem>> -> memref<1x5x40xi32, #tpu.memory_space<vmem>>
      %dma_wait3A_337 = tpu.memref_squeeze %dma_wait3A_336 : memref<1x5x40xi32, #tpu.memory_space<vmem>> -> memref<5x40xi32, #tpu.memory_space<vmem>>
      %dma_wait3A_338 = arith.constant 0 : i32
      %dma_wait3A_339 = tpu.memref_slice %arg3[%add3A_8, %dma_wait3A_338] : memref<20480x40xi32, #tpu.memory_space<hbm>> -> memref<5x40xi32, #tpu.memory_space<hbm>>
      tpu.wait_dma2 semaphore(%run_scoped3A_316 : memref<!tpu.dma_semaphore, #tpu.memory_space<semaphore_mem>>) src(%dma_wait3A_339 : memref<5x40xi32, #tpu.memory_space<hbm>>) dst(%dma_wait3A_337 : memref<5x40xi32, #tpu.memory_space<vmem>>)
      tpu.yield
    }) : () -> ()
    %dma_start3A = arith.constant 0 : i32
    %dma_start3A_10 = arith.constant 0 : i32
    %dma_start3A_11 = arith.constant 0 : i32
    %dma_start3A_12 = arith.constant 0 : i32
    %dma_start3A_13 = arith.constant 0 : i32
    %dma_start3A_14 = tpu.memref_slice %arg9[%dma_start3A_11, %dma_start3A_12, %dma_start3A_13] : memref<2x800x32xf32, #tpu.memory_space<vmem>> -> memref<1x800x32xf32, #tpu.memory_space<vmem>>
    %dma_start3A_15 = tpu.memref_squeeze %dma_start3A_14 : memref<1x800x32xf32, #tpu.memory_space<vmem>> -> memref<800x32xf32, #tpu.memory_space<vmem>>
    %dma_start3A_16 = arith.constant 0 : i32
    %dma_start3A_17 = arith.constant 0 : i32
    %dma_start3A_18 = tpu.memref_slice %dma_start3A_15[%dma_start3A_16, %dma_start3A_17] : memref<800x32xf32, #tpu.memory_space<vmem>> -> memref<80x32xf32, #tpu.memory_space<vmem>>
    %dma_start3A_19 = arith.constant 0 : i32
    %dma_start3A_20 = arith.constant 0 : i32
    %dma_start3A_21 = tpu.memref_slice %arg7[%dma_start3A, %dma_start3A_19, %dma_start3A_20] : memref<2x10x80xi32, #tpu.memory_space<vmem>> -> memref<1x10x80xi32, #tpu.memory_space<vmem>>
    %dma_start3A_22 = tpu.memref_squeeze %dma_start3A_21 : memref<1x10x80xi32, #tpu.memory_space<vmem>> -> memref<10x80xi32, #tpu.memory_space<vmem>>
    %dma_start3A_23 = arith.constant 0 : i32
    %dma_start3A_24 = tpu.memref_slice %dma_start3A_22[%dma_start3A_10, %dma_start3A_23] : memref<10x80xi32, #tpu.memory_space<vmem>> -> memref<1x80xi32, #tpu.memory_space<vmem>>
    %dma_start3A_25 = tpu.memref_squeeze %dma_start3A_24 : memref<1x80xi32, #tpu.memory_space<vmem>> -> memref<80xi32, #tpu.memory_space<vmem>>
    %dma_start3A_26 = arith.constant 0 : i32
    %dma_start3A_27 = arith.constant 0 : i32
    %dma_start3A_28 = tpu.memref_slice %arg4[%dma_start3A_26, %dma_start3A_27] : memref<1000000x32xf32, #tpu.memory_space<hbm>> -> memref<1000000x32xf32, #tpu.memory_space<hbm>>
    tpu.enqueue_indirect_dma source(%dma_start3A_28 : memref<1000000x32xf32, #tpu.memory_space<hbm>>) target(%dma_start3A_18 : memref<80x32xf32, #tpu.memory_space<vmem>>) offsets(%dma_start3A_25 : memref<80xi32, #tpu.memory_space<vmem>>) semaphore(%arg12 : memref<!tpu.dma_semaphore, #tpu.memory_space<semaphore_mem>>)
    %dma_start3A_29 = arith.constant 0 : i32
    %dma_start3A_30 = arith.constant 1 : i32
    %dma_start3A_31 = arith.constant 0 : i32
    %dma_start3A_32 = arith.constant 0 : i32
    %dma_start3A_33 = arith.constant 0 : i32
    %dma_start3A_34 = tpu.memref_slice %arg9[%dma_start3A_31, %dma_start3A_32, %dma_start3A_33] : memref<2x800x32xf32, #tpu.memory_space<vmem>> -> memref<1x800x32xf32, #tpu.memory_space<vmem>>
    %dma_start3A_35 = tpu.memref_squeeze %dma_start3A_34 : memref<1x800x32xf32, #tpu.memory_space<vmem>> -> memref<800x32xf32, #tpu.memory_space<vmem>>
    %dma_start3A_36 = arith.constant 80 : i32
    %dma_start3A_37 = arith.constant 0 : i32
    %dma_start3A_38 = tpu.memref_slice %dma_start3A_35[%dma_start3A_36, %dma_start3A_37] : memref<800x32xf32, #tpu.memory_space<vmem>> -> memref<80x32xf32, #tpu.memory_space<vmem>>
    %dma_start3A_39 = arith.constant 0 : i32
    %dma_start3A_40 = arith.constant 0 : i32
    %dma_start3A_41 = tpu.memref_slice %arg7[%dma_start3A_29, %dma_start3A_39, %dma_start3A_40] : memref<2x10x80xi32, #tpu.memory_space<vmem>> -> memref<1x10x80xi32, #tpu.memory_space<vmem>>
    %dma_start3A_42 = tpu.memref_squeeze %dma_start3A_41 : memref<1x10x80xi32, #tpu.memory_space<vmem>> -> memref<10x80xi32, #tpu.memory_space<vmem>>
    %dma_start3A_43 = arith.constant 0 : i32
    %dma_start3A_44 = tpu.memref_slice %dma_start3A_42[%dma_start3A_30, %dma_start3A_43] : memref<10x80xi32, #tpu.memory_space<vmem>> -> memref<1x80xi32, #tpu.memory_space<vmem>>
    %dma_start3A_45 = tpu.memref_squeeze %dma_start3A_44 : memref<1x80xi32, #tpu.memory_space<vmem>> -> memref<80xi32, #tpu.memory_space<vmem>>
    %dma_start3A_46 = arith.constant 0 : i32
    %dma_start3A_47 = arith.constant 0 : i32
    %dma_start3A_48 = tpu.memref_slice %arg4[%dma_start3A_46, %dma_start3A_47] : memref<1000000x32xf32, #tpu.memory_space<hbm>> -> memref<1000000x32xf32, #tpu.memory_space<hbm>>
    tpu.enqueue_indirect_dma source(%dma_start3A_48 : memref<1000000x32xf32, #tpu.memory_space<hbm>>) target(%dma_start3A_38 : memref<80x32xf32, #tpu.memory_space<vmem>>) offsets(%dma_start3A_45 : memref<80xi32, #tpu.memory_space<vmem>>) semaphore(%arg12 : memref<!tpu.dma_semaphore, #tpu.memory_space<semaphore_mem>>)
    %dma_start3A_49 = arith.constant 0 : i32
    %dma_start3A_50 = arith.constant 2 : i32
    %dma_start3A_51 = arith.constant 0 : i32
    %dma_start3A_52 = arith.constant 0 : i32
    %dma_start3A_53 = arith.constant 0 : i32
    %dma_start3A_54 = tpu.memref_slice %arg9[%dma_start3A_51, %dma_start3A_52, %dma_start3A_53] : memref<2x800x32xf32, #tpu.memory_space<vmem>> -> memref<1x800x32xf32, #tpu.memory_space<vmem>>
    %dma_start3A_55 = tpu.memref_squeeze %dma_start3A_54 : memref<1x800x32xf32, #tpu.memory_space<vmem>> -> memref<800x32xf32, #tpu.memory_space<vmem>>
    %dma_start3A_56 = arith.constant 160 : i32
    %dma_start3A_57 = arith.constant 0 : i32
    %dma_start3A_58 = tpu.memref_slice %dma_start3A_55[%dma_start3A_56, %dma_start3A_57] : memref<800x32xf32, #tpu.memory_space<vmem>> -> memref<80x32xf32, #tpu.memory_space<vmem>>
    %dma_start3A_59 = arith.constant 0 : i32
    %dma_start3A_60 = arith.constant 0 : i32
    %dma_start3A_61 = tpu.memref_slice %arg7[%dma_start3A_49, %dma_start3A_59, %dma_start3A_60] : memref<2x10x80xi32, #tpu.memory_space<vmem>> -> memref<1x10x80xi32, #tpu.memory_space<vmem>>
    %dma_start3A_62 = tpu.memref_squeeze %dma_start3A_61 : memref<1x10x80xi32, #tpu.memory_space<vmem>> -> memref<10x80xi32, #tpu.memory_space<vmem>>
    %dma_start3A_63 = arith.constant 0 : i32
    %dma_start3A_64 = tpu.memref_slice %dma_start3A_62[%dma_start3A_50, %dma_start3A_63] : memref<10x80xi32, #tpu.memory_space<vmem>> -> memref<1x80xi32, #tpu.memory_space<vmem>>
    %dma_start3A_65 = tpu.memref_squeeze %dma_start3A_64 : memref<1x80xi32, #tpu.memory_space<vmem>> -> memref<80xi32, #tpu.memory_space<vmem>>
    %dma_start3A_66 = arith.constant 0 : i32
    %dma_start3A_67 = arith.constant 0 : i32
    %dma_start3A_68 = tpu.memref_slice %arg4[%dma_start3A_66, %dma_start3A_67] : memref<1000000x32xf32, #tpu.memory_space<hbm>> -> memref<1000000x32xf32, #tpu.memory_space<hbm>>
    tpu.enqueue_indirect_dma source(%dma_start3A_68 : memref<1000000x32xf32, #tpu.memory_space<hbm>>) target(%dma_start3A_58 : memref<80x32xf32, #tpu.memory_space<vmem>>) offsets(%dma_start3A_65 : memref<80xi32, #tpu.memory_space<vmem>>) semaphore(%arg12 : memref<!tpu.dma_semaphore, #tpu.memory_space<semaphore_mem>>)
    %dma_start3A_69 = arith.constant 0 : i32
    %dma_start3A_70 = arith.constant 3 : i32
    %dma_start3A_71 = arith.constant 0 : i32
    %dma_start3A_72 = arith.constant 0 : i32
    %dma_start3A_73 = arith.constant 0 : i32
    %dma_start3A_74 = tpu.memref_slice %arg9[%dma_start3A_71, %dma_start3A_72, %dma_start3A_73] : memref<2x800x32xf32, #tpu.memory_space<vmem>> -> memref<1x800x32xf32, #tpu.memory_space<vmem>>
    %dma_start3A_75 = tpu.memref_squeeze %dma_start3A_74 : memref<1x800x32xf32, #tpu.memory_space<vmem>> -> memref<800x32xf32, #tpu.memory_space<vmem>>
    %dma_start3A_76 = arith.constant 240 : i32
    %dma_start3A_77 = arith.constant 0 : i32
    %dma_start3A_78 = tpu.memref_slice %dma_start3A_75[%dma_start3A_76, %dma_start3A_77] : memref<800x32xf32, #tpu.memory_space<vmem>> -> memref<80x32xf32, #tpu.memory_space<vmem>>
    %dma_start3A_79 = arith.constant 0 : i32
    %dma_start3A_80 = arith.constant 0 : i32
    %dma_start3A_81 = tpu.memref_slice %arg7[%dma_start3A_69, %dma_start3A_79, %dma_start3A_80] : memref<2x10x80xi32, #tpu.memory_space<vmem>> -> memref<1x10x80xi32, #tpu.memory_space<vmem>>
    %dma_start3A_82 = tpu.memref_squeeze %dma_start3A_81 : memref<1x10x80xi32, #tpu.memory_space<vmem>> -> memref<10x80xi32, #tpu.memory_space<vmem>>
    %dma_start3A_83 = arith.constant 0 : i32
    %dma_start3A_84 = tpu.memref_slice %dma_start3A_82[%dma_start3A_70, %dma_start3A_83] : memref<10x80xi32, #tpu.memory_space<vmem>> -> memref<1x80xi32, #tpu.memory_space<vmem>>
    %dma_start3A_85 = tpu.memref_squeeze %dma_start3A_84 : memref<1x80xi32, #tpu.memory_space<vmem>> -> memref<80xi32, #tpu.memory_space<vmem>>
    %dma_start3A_86 = arith.constant 0 : i32
    %dma_start3A_87 = arith.constant 0 : i32
    %dma_start3A_88 = tpu.memref_slice %arg4[%dma_start3A_86, %dma_start3A_87] : memref<1000000x32xf32, #tpu.memory_space<hbm>> -> memref<1000000x32xf32, #tpu.memory_space<hbm>>
    tpu.enqueue_indirect_dma source(%dma_start3A_88 : memref<1000000x32xf32, #tpu.memory_space<hbm>>) target(%dma_start3A_78 : memref<80x32xf32, #tpu.memory_space<vmem>>) offsets(%dma_start3A_85 : memref<80xi32, #tpu.memory_space<vmem>>) semaphore(%arg12 : memref<!tpu.dma_semaphore, #tpu.memory_space<semaphore_mem>>)
    %dma_start3A_89 = arith.constant 0 : i32
    %dma_start3A_90 = arith.constant 4 : i32
    %dma_start3A_91 = arith.constant 0 : i32
    %dma_start3A_92 = arith.constant 0 : i32
    %dma_start3A_93 = arith.constant 0 : i32
    %dma_start3A_94 = tpu.memref_slice %arg9[%dma_start3A_91, %dma_start3A_92, %dma_start3A_93] : memref<2x800x32xf32, #tpu.memory_space<vmem>> -> memref<1x800x32xf32, #tpu.memory_space<vmem>>
    %dma_start3A_95 = tpu.memref_squeeze %dma_start3A_94 : memref<1x800x32xf32, #tpu.memory_space<vmem>> -> memref<800x32xf32, #tpu.memory_space<vmem>>
    %dma_start3A_96 = arith.constant 320 : i32
    %dma_start3A_97 = arith.constant 0 : i32
    %dma_start3A_98 = tpu.memref_slice %dma_start3A_95[%dma_start3A_96, %dma_start3A_97] : memref<800x32xf32, #tpu.memory_space<vmem>> -> memref<80x32xf32, #tpu.memory_space<vmem>>
    %dma_start3A_99 = arith.constant 0 : i32
    %dma_start3A_100 = arith.constant 0 : i32
    %dma_start3A_101 = tpu.memref_slice %arg7[%dma_start3A_89, %dma_start3A_99, %dma_start3A_100] : memref<2x10x80xi32, #tpu.memory_space<vmem>> -> memref<1x10x80xi32, #tpu.memory_space<vmem>>
    %dma_start3A_102 = tpu.memref_squeeze %dma_start3A_101 : memref<1x10x80xi32, #tpu.memory_space<vmem>> -> memref<10x80xi32, #tpu.memory_space<vmem>>
    %dma_start3A_103 = arith.constant 0 : i32
    %dma_start3A_104 = tpu.memref_slice %dma_start3A_102[%dma_start3A_90, %dma_start3A_103] : memref<10x80xi32, #tpu.memory_space<vmem>> -> memref<1x80xi32, #tpu.memory_space<vmem>>
    %dma_start3A_105 = tpu.memref_squeeze %dma_start3A_104 : memref<1x80xi32, #tpu.memory_space<vmem>> -> memref<80xi32, #tpu.memory_space<vmem>>
    %dma_start3A_106 = arith.constant 0 : i32
    %dma_start3A_107 = arith.constant 0 : i32
    %dma_start3A_108 = tpu.memref_slice %arg4[%dma_start3A_106, %dma_start3A_107] : memref<1000000x32xf32, #tpu.memory_space<hbm>> -> memref<1000000x32xf32, #tpu.memory_space<hbm>>
    tpu.enqueue_indirect_dma source(%dma_start3A_108 : memref<1000000x32xf32, #tpu.memory_space<hbm>>) target(%dma_start3A_98 : memref<80x32xf32, #tpu.memory_space<vmem>>) offsets(%dma_start3A_105 : memref<80xi32, #tpu.memory_space<vmem>>) semaphore(%arg12 : memref<!tpu.dma_semaphore, #tpu.memory_space<semaphore_mem>>)
    %dma_start3A_109 = arith.constant 0 : i32
    %dma_start3A_110 = arith.constant 5 : i32
    %dma_start3A_111 = arith.constant 0 : i32
    %dma_start3A_112 = arith.constant 0 : i32
    %dma_start3A_113 = arith.constant 0 : i32
    %dma_start3A_114 = tpu.memref_slice %arg9[%dma_start3A_111, %dma_start3A_112, %dma_start3A_113] : memref<2x800x32xf32, #tpu.memory_space<vmem>> -> memref<1x800x32xf32, #tpu.memory_space<vmem>>
    %dma_start3A_115 = tpu.memref_squeeze %dma_start3A_114 : memref<1x800x32xf32, #tpu.memory_space<vmem>> -> memref<800x32xf32, #tpu.memory_space<vmem>>
    %dma_start3A_116 = arith.constant 400 : i32
    %dma_start3A_117 = arith.constant 0 : i32
    %dma_start3A_118 = tpu.memref_slice %dma_start3A_115[%dma_start3A_116, %dma_start3A_117] : memref<800x32xf32, #tpu.memory_space<vmem>> -> memref<80x32xf32, #tpu.memory_space<vmem>>
    %dma_start3A_119 = arith.constant 0 : i32
    %dma_start3A_120 = arith.constant 0 : i32
    %dma_start3A_121 = tpu.memref_slice %arg7[%dma_start3A_109, %dma_start3A_119, %dma_start3A_120] : memref<2x10x80xi32, #tpu.memory_space<vmem>> -> memref<1x10x80xi32, #tpu.memory_space<vmem>>
    %dma_start3A_122 = tpu.memref_squeeze %dma_start3A_121 : memref<1x10x80xi32, #tpu.memory_space<vmem>> -> memref<10x80xi32, #tpu.memory_space<vmem>>
    %dma_start3A_123 = arith.constant 0 : i32
    %dma_start3A_124 = tpu.memref_slice %dma_start3A_122[%dma_start3A_110, %dma_start3A_123] : memref<10x80xi32, #tpu.memory_space<vmem>> -> memref<1x80xi32, #tpu.memory_space<vmem>>
    %dma_start3A_125 = tpu.memref_squeeze %dma_start3A_124 : memref<1x80xi32, #tpu.memory_space<vmem>> -> memref<80xi32, #tpu.memory_space<vmem>>
    %dma_start3A_126 = arith.constant 0 : i32
    %dma_start3A_127 = arith.constant 0 : i32
    %dma_start3A_128 = tpu.memref_slice %arg4[%dma_start3A_126, %dma_start3A_127] : memref<1000000x32xf32, #tpu.memory_space<hbm>> -> memref<1000000x32xf32, #tpu.memory_space<hbm>>
    tpu.enqueue_indirect_dma source(%dma_start3A_128 : memref<1000000x32xf32, #tpu.memory_space<hbm>>) target(%dma_start3A_118 : memref<80x32xf32, #tpu.memory_space<vmem>>) offsets(%dma_start3A_125 : memref<80xi32, #tpu.memory_space<vmem>>) semaphore(%arg12 : memref<!tpu.dma_semaphore, #tpu.memory_space<semaphore_mem>>)
    %dma_start3A_129 = arith.constant 0 : i32
    %dma_start3A_130 = arith.constant 6 : i32
    %dma_start3A_131 = arith.constant 0 : i32
    %dma_start3A_132 = arith.constant 0 : i32
    %dma_start3A_133 = arith.constant 0 : i32
    %dma_start3A_134 = tpu.memref_slice %arg9[%dma_start3A_131, %dma_start3A_132, %dma_start3A_133] : memref<2x800x32xf32, #tpu.memory_space<vmem>> -> memref<1x800x32xf32, #tpu.memory_space<vmem>>
    %dma_start3A_135 = tpu.memref_squeeze %dma_start3A_134 : memref<1x800x32xf32, #tpu.memory_space<vmem>> -> memref<800x32xf32, #tpu.memory_space<vmem>>
    %dma_start3A_136 = arith.constant 480 : i32
    %dma_start3A_137 = arith.constant 0 : i32
    %dma_start3A_138 = tpu.memref_slice %dma_start3A_135[%dma_start3A_136, %dma_start3A_137] : memref<800x32xf32, #tpu.memory_space<vmem>> -> memref<80x32xf32, #tpu.memory_space<vmem>>
    %dma_start3A_139 = arith.constant 0 : i32
    %dma_start3A_140 = arith.constant 0 : i32
    %dma_start3A_141 = tpu.memref_slice %arg7[%dma_start3A_129, %dma_start3A_139, %dma_start3A_140] : memref<2x10x80xi32, #tpu.memory_space<vmem>> -> memref<1x10x80xi32, #tpu.memory_space<vmem>>
    %dma_start3A_142 = tpu.memref_squeeze %dma_start3A_141 : memref<1x10x80xi32, #tpu.memory_space<vmem>> -> memref<10x80xi32, #tpu.memory_space<vmem>>
    %dma_start3A_143 = arith.constant 0 : i32
    %dma_start3A_144 = tpu.memref_slice %dma_start3A_142[%dma_start3A_130, %dma_start3A_143] : memref<10x80xi32, #tpu.memory_space<vmem>> -> memref<1x80xi32, #tpu.memory_space<vmem>>
    %dma_start3A_145 = tpu.memref_squeeze %dma_start3A_144 : memref<1x80xi32, #tpu.memory_space<vmem>> -> memref<80xi32, #tpu.memory_space<vmem>>
    %dma_start3A_146 = arith.constant 0 : i32
    %dma_start3A_147 = arith.constant 0 : i32
    %dma_start3A_148 = tpu.memref_slice %arg4[%dma_start3A_146, %dma_start3A_147] : memref<1000000x32xf32, #tpu.memory_space<hbm>> -> memref<1000000x32xf32, #tpu.memory_space<hbm>>
    tpu.enqueue_indirect_dma source(%dma_start3A_148 : memref<1000000x32xf32, #tpu.memory_space<hbm>>) target(%dma_start3A_138 : memref<80x32xf32, #tpu.memory_space<vmem>>) offsets(%dma_start3A_145 : memref<80xi32, #tpu.memory_space<vmem>>) semaphore(%arg12 : memref<!tpu.dma_semaphore, #tpu.memory_space<semaphore_mem>>)
    %dma_start3A_149 = arith.constant 0 : i32
    %dma_start3A_150 = arith.constant 7 : i32
    %dma_start3A_151 = arith.constant 0 : i32
    %dma_start3A_152 = arith.constant 0 : i32
    %dma_start3A_153 = arith.constant 0 : i32
    %dma_start3A_154 = tpu.memref_slice %arg9[%dma_start3A_151, %dma_start3A_152, %dma_start3A_153] : memref<2x800x32xf32, #tpu.memory_space<vmem>> -> memref<1x800x32xf32, #tpu.memory_space<vmem>>
    %dma_start3A_155 = tpu.memref_squeeze %dma_start3A_154 : memref<1x800x32xf32, #tpu.memory_space<vmem>> -> memref<800x32xf32, #tpu.memory_space<vmem>>
    %dma_start3A_156 = arith.constant 560 : i32
    %dma_start3A_157 = arith.constant 0 : i32
    %dma_start3A_158 = tpu.memref_slice %dma_start3A_155[%dma_start3A_156, %dma_start3A_157] : memref<800x32xf32, #tpu.memory_space<vmem>> -> memref<80x32xf32, #tpu.memory_space<vmem>>
    %dma_start3A_159 = arith.constant 0 : i32
    %dma_start3A_160 = arith.constant 0 : i32
    %dma_start3A_161 = tpu.memref_slice %arg7[%dma_start3A_149, %dma_start3A_159, %dma_start3A_160] : memref<2x10x80xi32, #tpu.memory_space<vmem>> -> memref<1x10x80xi32, #tpu.memory_space<vmem>>
    %dma_start3A_162 = tpu.memref_squeeze %dma_start3A_161 : memref<1x10x80xi32, #tpu.memory_space<vmem>> -> memref<10x80xi32, #tpu.memory_space<vmem>>
    %dma_start3A_163 = arith.constant 0 : i32
    %dma_start3A_164 = tpu.memref_slice %dma_start3A_162[%dma_start3A_150, %dma_start3A_163] : memref<10x80xi32, #tpu.memory_space<vmem>> -> memref<1x80xi32, #tpu.memory_space<vmem>>
    %dma_start3A_165 = tpu.memref_squeeze %dma_start3A_164 : memref<1x80xi32, #tpu.memory_space<vmem>> -> memref<80xi32, #tpu.memory_space<vmem>>
    %dma_start3A_166 = arith.constant 0 : i32
    %dma_start3A_167 = arith.constant 0 : i32
    %dma_start3A_168 = tpu.memref_slice %arg4[%dma_start3A_166, %dma_start3A_167] : memref<1000000x32xf32, #tpu.memory_space<hbm>> -> memref<1000000x32xf32, #tpu.memory_space<hbm>>
    tpu.enqueue_indirect_dma source(%dma_start3A_168 : memref<1000000x32xf32, #tpu.memory_space<hbm>>) target(%dma_start3A_158 : memref<80x32xf32, #tpu.memory_space<vmem>>) offsets(%dma_start3A_165 : memref<80xi32, #tpu.memory_space<vmem>>) semaphore(%arg12 : memref<!tpu.dma_semaphore, #tpu.memory_space<semaphore_mem>>)
    %dma_start3A_169 = arith.constant 0 : i32
    %dma_start3A_170 = arith.constant 8 : i32
    %dma_start3A_171 = arith.constant 0 : i32
    %dma_start3A_172 = arith.constant 0 : i32
    %dma_start3A_173 = arith.constant 0 : i32
    %dma_start3A_174 = tpu.memref_slice %arg9[%dma_start3A_171, %dma_start3A_172, %dma_start3A_173] : memref<2x800x32xf32, #tpu.memory_space<vmem>> -> memref<1x800x32xf32, #tpu.memory_space<vmem>>
    %dma_start3A_175 = tpu.memref_squeeze %dma_start3A_174 : memref<1x800x32xf32, #tpu.memory_space<vmem>> -> memref<800x32xf32, #tpu.memory_space<vmem>>
    %dma_start3A_176 = arith.constant 640 : i32
    %dma_start3A_177 = arith.constant 0 : i32
    %dma_start3A_178 = tpu.memref_slice %dma_start3A_175[%dma_start3A_176, %dma_start3A_177] : memref<800x32xf32, #tpu.memory_space<vmem>> -> memref<80x32xf32, #tpu.memory_space<vmem>>
    %dma_start3A_179 = arith.constant 0 : i32
    %dma_start3A_180 = arith.constant 0 : i32
    %dma_start3A_181 = tpu.memref_slice %arg7[%dma_start3A_169, %dma_start3A_179, %dma_start3A_180] : memref<2x10x80xi32, #tpu.memory_space<vmem>> -> memref<1x10x80xi32, #tpu.memory_space<vmem>>
    %dma_start3A_182 = tpu.memref_squeeze %dma_start3A_181 : memref<1x10x80xi32, #tpu.memory_space<vmem>> -> memref<10x80xi32, #tpu.memory_space<vmem>>
    %dma_start3A_183 = arith.constant 0 : i32
    %dma_start3A_184 = tpu.memref_slice %dma_start3A_182[%dma_start3A_170, %dma_start3A_183] : memref<10x80xi32, #tpu.memory_space<vmem>> -> memref<1x80xi32, #tpu.memory_space<vmem>>
    %dma_start3A_185 = tpu.memref_squeeze %dma_start3A_184 : memref<1x80xi32, #tpu.memory_space<vmem>> -> memref<80xi32, #tpu.memory_space<vmem>>
    %dma_start3A_186 = arith.constant 0 : i32
    %dma_start3A_187 = arith.constant 0 : i32
    %dma_start3A_188 = tpu.memref_slice %arg4[%dma_start3A_186, %dma_start3A_187] : memref<1000000x32xf32, #tpu.memory_space<hbm>> -> memref<1000000x32xf32, #tpu.memory_space<hbm>>
    tpu.enqueue_indirect_dma source(%dma_start3A_188 : memref<1000000x32xf32, #tpu.memory_space<hbm>>) target(%dma_start3A_178 : memref<80x32xf32, #tpu.memory_space<vmem>>) offsets(%dma_start3A_185 : memref<80xi32, #tpu.memory_space<vmem>>) semaphore(%arg12 : memref<!tpu.dma_semaphore, #tpu.memory_space<semaphore_mem>>)
    %dma_start3A_189 = arith.constant 0 : i32
    %dma_start3A_190 = arith.constant 9 : i32
    %dma_start3A_191 = arith.constant 0 : i32
    %dma_start3A_192 = arith.constant 0 : i32
    %dma_start3A_193 = arith.constant 0 : i32
    %dma_start3A_194 = tpu.memref_slice %arg9[%dma_start3A_191, %dma_start3A_192, %dma_start3A_193] : memref<2x800x32xf32, #tpu.memory_space<vmem>> -> memref<1x800x32xf32, #tpu.memory_space<vmem>>
    %dma_start3A_195 = tpu.memref_squeeze %dma_start3A_194 : memref<1x800x32xf32, #tpu.memory_space<vmem>> -> memref<800x32xf32, #tpu.memory_space<vmem>>
    %dma_start3A_196 = arith.constant 720 : i32
    %dma_start3A_197 = arith.constant 0 : i32
    %dma_start3A_198 = tpu.memref_slice %dma_start3A_195[%dma_start3A_196, %dma_start3A_197] : memref<800x32xf32, #tpu.memory_space<vmem>> -> memref<80x32xf32, #tpu.memory_space<vmem>>
    %dma_start3A_199 = arith.constant 0 : i32
    %dma_start3A_200 = arith.constant 0 : i32
    %dma_start3A_201 = tpu.memref_slice %arg7[%dma_start3A_189, %dma_start3A_199, %dma_start3A_200] : memref<2x10x80xi32, #tpu.memory_space<vmem>> -> memref<1x10x80xi32, #tpu.memory_space<vmem>>
    %dma_start3A_202 = tpu.memref_squeeze %dma_start3A_201 : memref<1x10x80xi32, #tpu.memory_space<vmem>> -> memref<10x80xi32, #tpu.memory_space<vmem>>
    %dma_start3A_203 = arith.constant 0 : i32
    %dma_start3A_204 = tpu.memref_slice %dma_start3A_202[%dma_start3A_190, %dma_start3A_203] : memref<10x80xi32, #tpu.memory_space<vmem>> -> memref<1x80xi32, #tpu.memory_space<vmem>>
    %dma_start3A_205 = tpu.memref_squeeze %dma_start3A_204 : memref<1x80xi32, #tpu.memory_space<vmem>> -> memref<80xi32, #tpu.memory_space<vmem>>
    %dma_start3A_206 = arith.constant 0 : i32
    %dma_start3A_207 = arith.constant 0 : i32
    %dma_start3A_208 = tpu.memref_slice %arg4[%dma_start3A_206, %dma_start3A_207] : memref<1000000x32xf32, #tpu.memory_space<hbm>> -> memref<1000000x32xf32, #tpu.memory_space<hbm>>
    tpu.enqueue_indirect_dma source(%dma_start3A_208 : memref<1000000x32xf32, #tpu.memory_space<hbm>>) target(%dma_start3A_198 : memref<80x32xf32, #tpu.memory_space<vmem>>) offsets(%dma_start3A_205 : memref<80xi32, #tpu.memory_space<vmem>>) semaphore(%arg12 : memref<!tpu.dma_semaphore, #tpu.memory_space<semaphore_mem>>)
    %dma_start3A_209 = arith.constant 0 : i32
    %dma_start3A_210 = arith.constant 0 : i32
    %dma_start3A_211 = arith.constant 0 : i32
    %dma_start3A_212 = arith.constant 0 : i32
    %dma_start3A_213 = arith.constant 0 : i32
    %dma_start3A_214 = tpu.memref_slice %arg10[%dma_start3A_211, %dma_start3A_212, %dma_start3A_213] : memref<2x200x32xf32, #tpu.memory_space<vmem>> -> memref<1x200x32xf32, #tpu.memory_space<vmem>>
    %dma_start3A_215 = tpu.memref_squeeze %dma_start3A_214 : memref<1x200x32xf32, #tpu.memory_space<vmem>> -> memref<200x32xf32, #tpu.memory_space<vmem>>
    %dma_start3A_216 = arith.constant 0 : i32
    %dma_start3A_217 = arith.constant 0 : i32
    %dma_start3A_218 = tpu.memref_slice %dma_start3A_215[%dma_start3A_216, %dma_start3A_217] : memref<200x32xf32, #tpu.memory_space<vmem>> -> memref<40x32xf32, #tpu.memory_space<vmem>>
    %dma_start3A_219 = arith.constant 0 : i32
    %dma_start3A_220 = arith.constant 0 : i32
    %dma_start3A_221 = tpu.memref_slice %arg8[%dma_start3A_209, %dma_start3A_219, %dma_start3A_220] : memref<2x5x40xi32, #tpu.memory_space<vmem>> -> memref<1x5x40xi32, #tpu.memory_space<vmem>>
    %dma_start3A_222 = tpu.memref_squeeze %dma_start3A_221 : memref<1x5x40xi32, #tpu.memory_space<vmem>> -> memref<5x40xi32, #tpu.memory_space<vmem>>
    %dma_start3A_223 = arith.constant 0 : i32
    %dma_start3A_224 = tpu.memref_slice %dma_start3A_222[%dma_start3A_210, %dma_start3A_223] : memref<5x40xi32, #tpu.memory_space<vmem>> -> memref<1x40xi32, #tpu.memory_space<vmem>>
    %dma_start3A_225 = tpu.memref_squeeze %dma_start3A_224 : memref<1x40xi32, #tpu.memory_space<vmem>> -> memref<40xi32, #tpu.memory_space<vmem>>
    %dma_start3A_226 = arith.constant 0 : i32
    %dma_start3A_227 = arith.constant 0 : i32
    %dma_start3A_228 = tpu.memref_slice %arg5[%dma_start3A_226, %dma_start3A_227] : memref<100000x32xf32, #tpu.memory_space<hbm>> -> memref<100000x32xf32, #tpu.memory_space<hbm>>
    tpu.enqueue_indirect_dma source(%dma_start3A_228 : memref<100000x32xf32, #tpu.memory_space<hbm>>) target(%dma_start3A_218 : memref<40x32xf32, #tpu.memory_space<vmem>>) offsets(%dma_start3A_225 : memref<40xi32, #tpu.memory_space<vmem>>) semaphore(%arg14 : memref<!tpu.dma_semaphore, #tpu.memory_space<semaphore_mem>>)
    %dma_start3A_229 = arith.constant 0 : i32
    %dma_start3A_230 = arith.constant 1 : i32
    %dma_start3A_231 = arith.constant 0 : i32
    %dma_start3A_232 = arith.constant 0 : i32
    %dma_start3A_233 = arith.constant 0 : i32
    %dma_start3A_234 = tpu.memref_slice %arg10[%dma_start3A_231, %dma_start3A_232, %dma_start3A_233] : memref<2x200x32xf32, #tpu.memory_space<vmem>> -> memref<1x200x32xf32, #tpu.memory_space<vmem>>
    %dma_start3A_235 = tpu.memref_squeeze %dma_start3A_234 : memref<1x200x32xf32, #tpu.memory_space<vmem>> -> memref<200x32xf32, #tpu.memory_space<vmem>>
    %dma_start3A_236 = arith.constant 40 : i32
    %dma_start3A_237 = arith.constant 0 : i32
    %dma_start3A_238 = tpu.memref_slice %dma_start3A_235[%dma_start3A_236, %dma_start3A_237] : memref<200x32xf32, #tpu.memory_space<vmem>> -> memref<40x32xf32, #tpu.memory_space<vmem>>
    %dma_start3A_239 = arith.constant 0 : i32
    %dma_start3A_240 = arith.constant 0 : i32
    %dma_start3A_241 = tpu.memref_slice %arg8[%dma_start3A_229, %dma_start3A_239, %dma_start3A_240] : memref<2x5x40xi32, #tpu.memory_space<vmem>> -> memref<1x5x40xi32, #tpu.memory_space<vmem>>
    %dma_start3A_242 = tpu.memref_squeeze %dma_start3A_241 : memref<1x5x40xi32, #tpu.memory_space<vmem>> -> memref<5x40xi32, #tpu.memory_space<vmem>>
    %dma_start3A_243 = arith.constant 0 : i32
    %dma_start3A_244 = tpu.memref_slice %dma_start3A_242[%dma_start3A_230, %dma_start3A_243] : memref<5x40xi32, #tpu.memory_space<vmem>> -> memref<1x40xi32, #tpu.memory_space<vmem>>
    %dma_start3A_245 = tpu.memref_squeeze %dma_start3A_244 : memref<1x40xi32, #tpu.memory_space<vmem>> -> memref<40xi32, #tpu.memory_space<vmem>>
    %dma_start3A_246 = arith.constant 0 : i32
    %dma_start3A_247 = arith.constant 0 : i32
    %dma_start3A_248 = tpu.memref_slice %arg5[%dma_start3A_246, %dma_start3A_247] : memref<100000x32xf32, #tpu.memory_space<hbm>> -> memref<100000x32xf32, #tpu.memory_space<hbm>>
    tpu.enqueue_indirect_dma source(%dma_start3A_248 : memref<100000x32xf32, #tpu.memory_space<hbm>>) target(%dma_start3A_238 : memref<40x32xf32, #tpu.memory_space<vmem>>) offsets(%dma_start3A_245 : memref<40xi32, #tpu.memory_space<vmem>>) semaphore(%arg14 : memref<!tpu.dma_semaphore, #tpu.memory_space<semaphore_mem>>)
    %dma_start3A_249 = arith.constant 0 : i32
    %dma_start3A_250 = arith.constant 2 : i32
    %dma_start3A_251 = arith.constant 0 : i32
    %dma_start3A_252 = arith.constant 0 : i32
    %dma_start3A_253 = arith.constant 0 : i32
    %dma_start3A_254 = tpu.memref_slice %arg10[%dma_start3A_251, %dma_start3A_252, %dma_start3A_253] : memref<2x200x32xf32, #tpu.memory_space<vmem>> -> memref<1x200x32xf32, #tpu.memory_space<vmem>>
    %dma_start3A_255 = tpu.memref_squeeze %dma_start3A_254 : memref<1x200x32xf32, #tpu.memory_space<vmem>> -> memref<200x32xf32, #tpu.memory_space<vmem>>
    %dma_start3A_256 = arith.constant 80 : i32
    %dma_start3A_257 = arith.constant 0 : i32
    %dma_start3A_258 = tpu.memref_slice %dma_start3A_255[%dma_start3A_256, %dma_start3A_257] : memref<200x32xf32, #tpu.memory_space<vmem>> -> memref<40x32xf32, #tpu.memory_space<vmem>>
    %dma_start3A_259 = arith.constant 0 : i32
    %dma_start3A_260 = arith.constant 0 : i32
    %dma_start3A_261 = tpu.memref_slice %arg8[%dma_start3A_249, %dma_start3A_259, %dma_start3A_260] : memref<2x5x40xi32, #tpu.memory_space<vmem>> -> memref<1x5x40xi32, #tpu.memory_space<vmem>>
    %dma_start3A_262 = tpu.memref_squeeze %dma_start3A_261 : memref<1x5x40xi32, #tpu.memory_space<vmem>> -> memref<5x40xi32, #tpu.memory_space<vmem>>
    %dma_start3A_263 = arith.constant 0 : i32
    %dma_start3A_264 = tpu.memref_slice %dma_start3A_262[%dma_start3A_250, %dma_start3A_263] : memref<5x40xi32, #tpu.memory_space<vmem>> -> memref<1x40xi32, #tpu.memory_space<vmem>>
    %dma_start3A_265 = tpu.memref_squeeze %dma_start3A_264 : memref<1x40xi32, #tpu.memory_space<vmem>> -> memref<40xi32, #tpu.memory_space<vmem>>
    %dma_start3A_266 = arith.constant 0 : i32
    %dma_start3A_267 = arith.constant 0 : i32
    %dma_start3A_268 = tpu.memref_slice %arg5[%dma_start3A_266, %dma_start3A_267] : memref<100000x32xf32, #tpu.memory_space<hbm>> -> memref<100000x32xf32, #tpu.memory_space<hbm>>
    tpu.enqueue_indirect_dma source(%dma_start3A_268 : memref<100000x32xf32, #tpu.memory_space<hbm>>) target(%dma_start3A_258 : memref<40x32xf32, #tpu.memory_space<vmem>>) offsets(%dma_start3A_265 : memref<40xi32, #tpu.memory_space<vmem>>) semaphore(%arg14 : memref<!tpu.dma_semaphore, #tpu.memory_space<semaphore_mem>>)
    %dma_start3A_269 = arith.constant 0 : i32
    %dma_start3A_270 = arith.constant 3 : i32
    %dma_start3A_271 = arith.constant 0 : i32
    %dma_start3A_272 = arith.constant 0 : i32
    %dma_start3A_273 = arith.constant 0 : i32
    %dma_start3A_274 = tpu.memref_slice %arg10[%dma_start3A_271, %dma_start3A_272, %dma_start3A_273] : memref<2x200x32xf32, #tpu.memory_space<vmem>> -> memref<1x200x32xf32, #tpu.memory_space<vmem>>
    %dma_start3A_275 = tpu.memref_squeeze %dma_start3A_274 : memref<1x200x32xf32, #tpu.memory_space<vmem>> -> memref<200x32xf32, #tpu.memory_space<vmem>>
    %dma_start3A_276 = arith.constant 120 : i32
    %dma_start3A_277 = arith.constant 0 : i32
    %dma_start3A_278 = tpu.memref_slice %dma_start3A_275[%dma_start3A_276, %dma_start3A_277] : memref<200x32xf32, #tpu.memory_space<vmem>> -> memref<40x32xf32, #tpu.memory_space<vmem>>
    %dma_start3A_279 = arith.constant 0 : i32
    %dma_start3A_280 = arith.constant 0 : i32
    %dma_start3A_281 = tpu.memref_slice %arg8[%dma_start3A_269, %dma_start3A_279, %dma_start3A_280] : memref<2x5x40xi32, #tpu.memory_space<vmem>> -> memref<1x5x40xi32, #tpu.memory_space<vmem>>
    %dma_start3A_282 = tpu.memref_squeeze %dma_start3A_281 : memref<1x5x40xi32, #tpu.memory_space<vmem>> -> memref<5x40xi32, #tpu.memory_space<vmem>>
    %dma_start3A_283 = arith.constant 0 : i32
    %dma_start3A_284 = tpu.memref_slice %dma_start3A_282[%dma_start3A_270, %dma_start3A_283] : memref<5x40xi32, #tpu.memory_space<vmem>> -> memref<1x40xi32, #tpu.memory_space<vmem>>
    %dma_start3A_285 = tpu.memref_squeeze %dma_start3A_284 : memref<1x40xi32, #tpu.memory_space<vmem>> -> memref<40xi32, #tpu.memory_space<vmem>>
    %dma_start3A_286 = arith.constant 0 : i32
    %dma_start3A_287 = arith.constant 0 : i32
    %dma_start3A_288 = tpu.memref_slice %arg5[%dma_start3A_286, %dma_start3A_287] : memref<100000x32xf32, #tpu.memory_space<hbm>> -> memref<100000x32xf32, #tpu.memory_space<hbm>>
    tpu.enqueue_indirect_dma source(%dma_start3A_288 : memref<100000x32xf32, #tpu.memory_space<hbm>>) target(%dma_start3A_278 : memref<40x32xf32, #tpu.memory_space<vmem>>) offsets(%dma_start3A_285 : memref<40xi32, #tpu.memory_space<vmem>>) semaphore(%arg14 : memref<!tpu.dma_semaphore, #tpu.memory_space<semaphore_mem>>)
    %dma_start3A_289 = arith.constant 0 : i32
    %dma_start3A_290 = arith.constant 4 : i32
    %dma_start3A_291 = arith.constant 0 : i32
    %dma_start3A_292 = arith.constant 0 : i32
    %dma_start3A_293 = arith.constant 0 : i32
    %dma_start3A_294 = tpu.memref_slice %arg10[%dma_start3A_291, %dma_start3A_292, %dma_start3A_293] : memref<2x200x32xf32, #tpu.memory_space<vmem>> -> memref<1x200x32xf32, #tpu.memory_space<vmem>>
    %dma_start3A_295 = tpu.memref_squeeze %dma_start3A_294 : memref<1x200x32xf32, #tpu.memory_space<vmem>> -> memref<200x32xf32, #tpu.memory_space<vmem>>
    %dma_start3A_296 = arith.constant 160 : i32
    %dma_start3A_297 = arith.constant 0 : i32
    %dma_start3A_298 = tpu.memref_slice %dma_start3A_295[%dma_start3A_296, %dma_start3A_297] : memref<200x32xf32, #tpu.memory_space<vmem>> -> memref<40x32xf32, #tpu.memory_space<vmem>>
    %dma_start3A_299 = arith.constant 0 : i32
    %dma_start3A_300 = arith.constant 0 : i32
    %dma_start3A_301 = tpu.memref_slice %arg8[%dma_start3A_289, %dma_start3A_299, %dma_start3A_300] : memref<2x5x40xi32, #tpu.memory_space<vmem>> -> memref<1x5x40xi32, #tpu.memory_space<vmem>>
    %dma_start3A_302 = tpu.memref_squeeze %dma_start3A_301 : memref<1x5x40xi32, #tpu.memory_space<vmem>> -> memref<5x40xi32, #tpu.memory_space<vmem>>
    %dma_start3A_303 = arith.constant 0 : i32
    %dma_start3A_304 = tpu.memref_slice %dma_start3A_302[%dma_start3A_290, %dma_start3A_303] : memref<5x40xi32, #tpu.memory_space<vmem>> -> memref<1x40xi32, #tpu.memory_space<vmem>>
    %dma_start3A_305 = tpu.memref_squeeze %dma_start3A_304 : memref<1x40xi32, #tpu.memory_space<vmem>> -> memref<40xi32, #tpu.memory_space<vmem>>
    %dma_start3A_306 = arith.constant 0 : i32
    %dma_start3A_307 = arith.constant 0 : i32
    %dma_start3A_308 = tpu.memref_slice %arg5[%dma_start3A_306, %dma_start3A_307] : memref<100000x32xf32, #tpu.memory_space<hbm>> -> memref<100000x32xf32, #tpu.memory_space<hbm>>
    tpu.enqueue_indirect_dma source(%dma_start3A_308 : memref<100000x32xf32, #tpu.memory_space<hbm>>) target(%dma_start3A_298 : memref<40x32xf32, #tpu.memory_space<vmem>>) offsets(%dma_start3A_305 : memref<40xi32, #tpu.memory_space<vmem>>) semaphore(%arg14 : memref<!tpu.dma_semaphore, #tpu.memory_space<semaphore_mem>>)
    %scan3A = arith.constant 0 : i32
    %scan3A_309 = arith.constant 0 : i32
    %scan3A_310 = arith.constant 64 : i32
    %scan3A_311 = arith.addi %scan3A_309, %scan3A_310 : i32
    %scan3A_312 = arith.constant 1 : i32
    scf.for %scan3A_316 = %scan3A_309 to %scan3A_311 step %scan3A_312  : i32 {
      %mul3A_317 = arith.constant 2 : i32
      %mul3A_318 = arith.muli %mul3A_317, %scan3A_316 : i32
      %add3A_319 = arith.constant 1 : i32
      %add3A_320 = arith.addi %mul3A_318, %add3A_319 : i32
      %mul3A_321 = arith.constant 1280 : i32
      %mul3A_322 = arith.muli %add3A, %mul3A_321 : i32
      %mul3A_323 = arith.constant 10 : i32
      %mul3A_324 = arith.muli %add3A_320, %mul3A_323 : i32
      %add3A_325 = arith.addi %mul3A_322, %mul3A_324 : i32
      %run_scoped3A_326 = arith.constant 1 : i32
      "tpu.region"() ({
        %run_scoped3A_1142 = tpu.sem_alloc : memref<!tpu.dma_semaphore, #tpu.memory_space<semaphore_mem>>
        %dma_start3A_1143 = arith.constant 0 : i32
        %dma_start3A_1144 = arith.constant 0 : i32
        %dma_start3A_1145 = tpu.memref_slice %arg7[%run_scoped3A_326, %dma_start3A_1143, %dma_start3A_1144] : memref<2x10x80xi32, #tpu.memory_space<vmem>> -> memref<1x10x80xi32, #tpu.memory_space<vmem>>
        %dma_start3A_1146 = tpu.memref_squeeze %dma_start3A_1145 : memref<1x10x80xi32, #tpu.memory_space<vmem>> -> memref<10x80xi32, #tpu.memory_space<vmem>>
        %dma_start3A_1147 = arith.constant 0 : i32
        %dma_start3A_1148 = tpu.memref_slice %arg2[%add3A_325, %dma_start3A_1147] : memref<40960x80xi32, #tpu.memory_space<hbm>> -> memref<10x80xi32, #tpu.memory_space<hbm>>
        %dma_start3A_1149 = arith.constant 0 : i32
        %dma_start3A_1150 = arith.constant 0 : i32
        %dma_start3A_1151 = tpu.memref_slice %arg7[%run_scoped3A_326, %dma_start3A_1149, %dma_start3A_1150] : memref<2x10x80xi32, #tpu.memory_space<vmem>> -> memref<1x10x80xi32, #tpu.memory_space<vmem>>
        %dma_start3A_1152 = tpu.memref_squeeze %dma_start3A_1151 : memref<1x10x80xi32, #tpu.memory_space<vmem>> -> memref<10x80xi32, #tpu.memory_space<vmem>>
        %dma_start3A_1153 = arith.constant 0 : i32
        %dma_start3A_1154 = tpu.memref_slice %arg2[%add3A_325, %dma_start3A_1153] : memref<40960x80xi32, #tpu.memory_space<hbm>> -> memref<10x80xi32, #tpu.memory_space<hbm>>
        tpu.enqueue_dma source(%dma_start3A_1154 : memref<10x80xi32, #tpu.memory_space<hbm>>) target(%dma_start3A_1152 : memref<10x80xi32, #tpu.memory_space<vmem>>) target_semaphore(%run_scoped3A_1142 : memref<!tpu.dma_semaphore, #tpu.memory_space<semaphore_mem>>)
        %dma_wait3A_1155 = arith.constant 0 : i32
        %dma_wait3A_1156 = arith.constant 0 : i32
        %dma_wait3A_1157 = tpu.memref_slice %arg7[%run_scoped3A_326, %dma_wait3A_1155, %dma_wait3A_1156] : memref<2x10x80xi32, #tpu.memory_space<vmem>> -> memref<1x10x80xi32, #tpu.memory_space<vmem>>
        %dma_wait3A_1158 = tpu.memref_squeeze %dma_wait3A_1157 : memref<1x10x80xi32, #tpu.memory_space<vmem>> -> memref<10x80xi32, #tpu.memory_space<vmem>>
        %dma_wait3A_1159 = arith.constant 0 : i32
        %dma_wait3A_1160 = tpu.memref_slice %arg2[%add3A_325, %dma_wait3A_1159] : memref<40960x80xi32, #tpu.memory_space<hbm>> -> memref<10x80xi32, #tpu.memory_space<hbm>>
        %dma_wait3A_1161 = arith.constant 0 : i32
        %dma_wait3A_1162 = arith.constant 0 : i32
        %dma_wait3A_1163 = tpu.memref_slice %arg7[%run_scoped3A_326, %dma_wait3A_1161, %dma_wait3A_1162] : memref<2x10x80xi32, #tpu.memory_space<vmem>> -> memref<1x10x80xi32, #tpu.memory_space<vmem>>
        %dma_wait3A_1164 = tpu.memref_squeeze %dma_wait3A_1163 : memref<1x10x80xi32, #tpu.memory_space<vmem>> -> memref<10x80xi32, #tpu.memory_space<vmem>>
        %dma_wait3A_1165 = arith.constant 0 : i32
        %dma_wait3A_1166 = tpu.memref_slice %arg2[%add3A_325, %dma_wait3A_1165] : memref<40960x80xi32, #tpu.memory_space<hbm>> -> memref<10x80xi32, #tpu.memory_space<hbm>>
        tpu.wait_dma2 semaphore(%run_scoped3A_1142 : memref<!tpu.dma_semaphore, #tpu.memory_space<semaphore_mem>>) src(%dma_wait3A_1166 : memref<10x80xi32, #tpu.memory_space<hbm>>) dst(%dma_wait3A_1164 : memref<10x80xi32, #tpu.memory_space<vmem>>)
        tpu.yield
      }) : () -> ()
      %mul3A_327 = arith.constant 640 : i32
      %mul3A_328 = arith.muli %add3A, %mul3A_327 : i32
      %mul3A_329 = arith.constant 5 : i32
      %mul3A_330 = arith.muli %add3A_320, %mul3A_329 : i32
      %add3A_331 = arith.addi %mul3A_328, %mul3A_330 : i32
      %run_scoped3A_332 = arith.constant 1 : i32
      "tpu.region"() ({
        %run_scoped3A_1142 = tpu.sem_alloc : memref<!tpu.dma_semaphore, #tpu.memory_space<semaphore_mem>>
        %dma_start3A_1143 = arith.constant 0 : i32
        %dma_start3A_1144 = arith.constant 0 : i32
        %dma_start3A_1145 = tpu.memref_slice %arg8[%run_scoped3A_332, %dma_start3A_1143, %dma_start3A_1144] : memref<2x5x40xi32, #tpu.memory_space<vmem>> -> memref<1x5x40xi32, #tpu.memory_space<vmem>>
        %dma_start3A_1146 = tpu.memref_squeeze %dma_start3A_1145 : memref<1x5x40xi32, #tpu.memory_space<vmem>> -> memref<5x40xi32, #tpu.memory_space<vmem>>
        %dma_start3A_1147 = arith.constant 0 : i32
        %dma_start3A_1148 = tpu.memref_slice %arg3[%add3A_331, %dma_start3A_1147] : memref<20480x40xi32, #tpu.memory_space<hbm>> -> memref<5x40xi32, #tpu.memory_space<hbm>>
        %dma_start3A_1149 = arith.constant 0 : i32
        %dma_start3A_1150 = arith.constant 0 : i32
        %dma_start3A_1151 = tpu.memref_slice %arg8[%run_scoped3A_332, %dma_start3A_1149, %dma_start3A_1150] : memref<2x5x40xi32, #tpu.memory_space<vmem>> -> memref<1x5x40xi32, #tpu.memory_space<vmem>>
        %dma_start3A_1152 = tpu.memref_squeeze %dma_start3A_1151 : memref<1x5x40xi32, #tpu.memory_space<vmem>> -> memref<5x40xi32, #tpu.memory_space<vmem>>
        %dma_start3A_1153 = arith.constant 0 : i32
        %dma_start3A_1154 = tpu.memref_slice %arg3[%add3A_331, %dma_start3A_1153] : memref<20480x40xi32, #tpu.memory_space<hbm>> -> memref<5x40xi32, #tpu.memory_space<hbm>>
        tpu.enqueue_dma source(%dma_start3A_1154 : memref<5x40xi32, #tpu.memory_space<hbm>>) target(%dma_start3A_1152 : memref<5x40xi32, #tpu.memory_space<vmem>>) target_semaphore(%run_scoped3A_1142 : memref<!tpu.dma_semaphore, #tpu.memory_space<semaphore_mem>>)
        %dma_wait3A_1155 = arith.constant 0 : i32
        %dma_wait3A_1156 = arith.constant 0 : i32
        %dma_wait3A_1157 = tpu.memref_slice %arg8[%run_scoped3A_332, %dma_wait3A_1155, %dma_wait3A_1156] : memref<2x5x40xi32, #tpu.memory_space<vmem>> -> memref<1x5x40xi32, #tpu.memory_space<vmem>>
        %dma_wait3A_1158 = tpu.memref_squeeze %dma_wait3A_1157 : memref<1x5x40xi32, #tpu.memory_space<vmem>> -> memref<5x40xi32, #tpu.memory_space<vmem>>
        %dma_wait3A_1159 = arith.constant 0 : i32
        %dma_wait3A_1160 = tpu.memref_slice %arg3[%add3A_331, %dma_wait3A_1159] : memref<20480x40xi32, #tpu.memory_space<hbm>> -> memref<5x40xi32, #tpu.memory_space<hbm>>
        %dma_wait3A_1161 = arith.constant 0 : i32
        %dma_wait3A_1162 = arith.constant 0 : i32
        %dma_wait3A_1163 = tpu.memref_slice %arg8[%run_scoped3A_332, %dma_wait3A_1161, %dma_wait3A_1162] : memref<2x5x40xi32, #tpu.memory_space<vmem>> -> memref<1x5x40xi32, #tpu.memory_space<vmem>>
        %dma_wait3A_1164 = tpu.memref_squeeze %dma_wait3A_1163 : memref<1x5x40xi32, #tpu.memory_space<vmem>> -> memref<5x40xi32, #tpu.memory_space<vmem>>
        %dma_wait3A_1165 = arith.constant 0 : i32
        %dma_wait3A_1166 = tpu.memref_slice %arg3[%add3A_331, %dma_wait3A_1165] : memref<20480x40xi32, #tpu.memory_space<hbm>> -> memref<5x40xi32, #tpu.memory_space<hbm>>
        tpu.wait_dma2 semaphore(%run_scoped3A_1142 : memref<!tpu.dma_semaphore, #tpu.memory_space<semaphore_mem>>) src(%dma_wait3A_1166 : memref<5x40xi32, #tpu.memory_space<hbm>>) dst(%dma_wait3A_1164 : memref<5x40xi32, #tpu.memory_space<vmem>>)
        tpu.yield
      }) : () -> ()
      %dma_start3A_333 = arith.constant 1 : i32
      %dma_start3A_334 = arith.constant 0 : i32
      %dma_start3A_335 = arith.constant 1 : i32
      %dma_start3A_336 = arith.constant 0 : i32
      %dma_start3A_337 = arith.constant 0 : i32
      %dma_start3A_338 = tpu.memref_slice %arg9[%dma_start3A_335, %dma_start3A_336, %dma_start3A_337] : memref<2x800x32xf32, #tpu.memory_space<vmem>> -> memref<1x800x32xf32, #tpu.memory_space<vmem>>
      %dma_start3A_339 = tpu.memref_squeeze %dma_start3A_338 : memref<1x800x32xf32, #tpu.memory_space<vmem>> -> memref<800x32xf32, #tpu.memory_space<vmem>>
      %dma_start3A_340 = arith.constant 0 : i32
      %dma_start3A_341 = arith.constant 0 : i32
      %dma_start3A_342 = tpu.memref_slice %dma_start3A_339[%dma_start3A_340, %dma_start3A_341] : memref<800x32xf32, #tpu.memory_space<vmem>> -> memref<80x32xf32, #tpu.memory_space<vmem>>
      %dma_start3A_343 = arith.constant 0 : i32
      %dma_start3A_344 = arith.constant 0 : i32
      %dma_start3A_345 = tpu.memref_slice %arg7[%dma_start3A_333, %dma_start3A_343, %dma_start3A_344] : memref<2x10x80xi32, #tpu.memory_space<vmem>> -> memref<1x10x80xi32, #tpu.memory_space<vmem>>
      %dma_start3A_346 = tpu.memref_squeeze %dma_start3A_345 : memref<1x10x80xi32, #tpu.memory_space<vmem>> -> memref<10x80xi32, #tpu.memory_space<vmem>>
      %dma_start3A_347 = arith.constant 0 : i32
      %dma_start3A_348 = tpu.memref_slice %dma_start3A_346[%dma_start3A_334, %dma_start3A_347] : memref<10x80xi32, #tpu.memory_space<vmem>> -> memref<1x80xi32, #tpu.memory_space<vmem>>
      %dma_start3A_349 = tpu.memref_squeeze %dma_start3A_348 : memref<1x80xi32, #tpu.memory_space<vmem>> -> memref<80xi32, #tpu.memory_space<vmem>>
      %dma_start3A_350 = arith.constant 0 : i32
      %dma_start3A_351 = arith.constant 0 : i32
      %dma_start3A_352 = tpu.memref_slice %arg4[%dma_start3A_350, %dma_start3A_351] : memref<1000000x32xf32, #tpu.memory_space<hbm>> -> memref<1000000x32xf32, #tpu.memory_space<hbm>>
      tpu.enqueue_indirect_dma source(%dma_start3A_352 : memref<1000000x32xf32, #tpu.memory_space<hbm>>) target(%dma_start3A_342 : memref<80x32xf32, #tpu.memory_space<vmem>>) offsets(%dma_start3A_349 : memref<80xi32, #tpu.memory_space<vmem>>) semaphore(%arg13 : memref<!tpu.dma_semaphore, #tpu.memory_space<semaphore_mem>>)
      %dma_start3A_353 = arith.constant 1 : i32
      %dma_start3A_354 = arith.constant 1 : i32
      %dma_start3A_355 = arith.constant 1 : i32
      %dma_start3A_356 = arith.constant 0 : i32
      %dma_start3A_357 = arith.constant 0 : i32
      %dma_start3A_358 = tpu.memref_slice %arg9[%dma_start3A_355, %dma_start3A_356, %dma_start3A_357] : memref<2x800x32xf32, #tpu.memory_space<vmem>> -> memref<1x800x32xf32, #tpu.memory_space<vmem>>
      %dma_start3A_359 = tpu.memref_squeeze %dma_start3A_358 : memref<1x800x32xf32, #tpu.memory_space<vmem>> -> memref<800x32xf32, #tpu.memory_space<vmem>>
      %dma_start3A_360 = arith.constant 80 : i32
      %dma_start3A_361 = arith.constant 0 : i32
      %dma_start3A_362 = tpu.memref_slice %dma_start3A_359[%dma_start3A_360, %dma_start3A_361] : memref<800x32xf32, #tpu.memory_space<vmem>> -> memref<80x32xf32, #tpu.memory_space<vmem>>
      %dma_start3A_363 = arith.constant 0 : i32
      %dma_start3A_364 = arith.constant 0 : i32
      %dma_start3A_365 = tpu.memref_slice %arg7[%dma_start3A_353, %dma_start3A_363, %dma_start3A_364] : memref<2x10x80xi32, #tpu.memory_space<vmem>> -> memref<1x10x80xi32, #tpu.memory_space<vmem>>
      %dma_start3A_366 = tpu.memref_squeeze %dma_start3A_365 : memref<1x10x80xi32, #tpu.memory_space<vmem>> -> memref<10x80xi32, #tpu.memory_space<vmem>>
      %dma_start3A_367 = arith.constant 0 : i32
      %dma_start3A_368 = tpu.memref_slice %dma_start3A_366[%dma_start3A_354, %dma_start3A_367] : memref<10x80xi32, #tpu.memory_space<vmem>> -> memref<1x80xi32, #tpu.memory_space<vmem>>
      %dma_start3A_369 = tpu.memref_squeeze %dma_start3A_368 : memref<1x80xi32, #tpu.memory_space<vmem>> -> memref<80xi32, #tpu.memory_space<vmem>>
      %dma_start3A_370 = arith.constant 0 : i32
      %dma_start3A_371 = arith.constant 0 : i32
      %dma_start3A_372 = tpu.memref_slice %arg4[%dma_start3A_370, %dma_start3A_371] : memref<1000000x32xf32, #tpu.memory_space<hbm>> -> memref<1000000x32xf32, #tpu.memory_space<hbm>>
      tpu.enqueue_indirect_dma source(%dma_start3A_372 : memref<1000000x32xf32, #tpu.memory_space<hbm>>) target(%dma_start3A_362 : memref<80x32xf32, #tpu.memory_space<vmem>>) offsets(%dma_start3A_369 : memref<80xi32, #tpu.memory_space<vmem>>) semaphore(%arg13 : memref<!tpu.dma_semaphore, #tpu.memory_space<semaphore_mem>>)
      %dma_start3A_373 = arith.constant 1 : i32
      %dma_start3A_374 = arith.constant 2 : i32
      %dma_start3A_375 = arith.constant 1 : i32
      %dma_start3A_376 = arith.constant 0 : i32
      %dma_start3A_377 = arith.constant 0 : i32
      %dma_start3A_378 = tpu.memref_slice %arg9[%dma_start3A_375, %dma_start3A_376, %dma_start3A_377] : memref<2x800x32xf32, #tpu.memory_space<vmem>> -> memref<1x800x32xf32, #tpu.memory_space<vmem>>
      %dma_start3A_379 = tpu.memref_squeeze %dma_start3A_378 : memref<1x800x32xf32, #tpu.memory_space<vmem>> -> memref<800x32xf32, #tpu.memory_space<vmem>>
      %dma_start3A_380 = arith.constant 160 : i32
      %dma_start3A_381 = arith.constant 0 : i32
      %dma_start3A_382 = tpu.memref_slice %dma_start3A_379[%dma_start3A_380, %dma_start3A_381] : memref<800x32xf32, #tpu.memory_space<vmem>> -> memref<80x32xf32, #tpu.memory_space<vmem>>
      %dma_start3A_383 = arith.constant 0 : i32
      %dma_start3A_384 = arith.constant 0 : i32
      %dma_start3A_385 = tpu.memref_slice %arg7[%dma_start3A_373, %dma_start3A_383, %dma_start3A_384] : memref<2x10x80xi32, #tpu.memory_space<vmem>> -> memref<1x10x80xi32, #tpu.memory_space<vmem>>
      %dma_start3A_386 = tpu.memref_squeeze %dma_start3A_385 : memref<1x10x80xi32, #tpu.memory_space<vmem>> -> memref<10x80xi32, #tpu.memory_space<vmem>>
      %dma_start3A_387 = arith.constant 0 : i32
      %dma_start3A_388 = tpu.memref_slice %dma_start3A_386[%dma_start3A_374, %dma_start3A_387] : memref<10x80xi32, #tpu.memory_space<vmem>> -> memref<1x80xi32, #tpu.memory_space<vmem>>
      %dma_start3A_389 = tpu.memref_squeeze %dma_start3A_388 : memref<1x80xi32, #tpu.memory_space<vmem>> -> memref<80xi32, #tpu.memory_space<vmem>>
      %dma_start3A_390 = arith.constant 0 : i32
      %dma_start3A_391 = arith.constant 0 : i32
      %dma_start3A_392 = tpu.memref_slice %arg4[%dma_start3A_390, %dma_start3A_391] : memref<1000000x32xf32, #tpu.memory_space<hbm>> -> memref<1000000x32xf32, #tpu.memory_space<hbm>>
      tpu.enqueue_indirect_dma source(%dma_start3A_392 : memref<1000000x32xf32, #tpu.memory_space<hbm>>) target(%dma_start3A_382 : memref<80x32xf32, #tpu.memory_space<vmem>>) offsets(%dma_start3A_389 : memref<80xi32, #tpu.memory_space<vmem>>) semaphore(%arg13 : memref<!tpu.dma_semaphore, #tpu.memory_space<semaphore_mem>>)
      %dma_start3A_393 = arith.constant 1 : i32
      %dma_start3A_394 = arith.constant 3 : i32
      %dma_start3A_395 = arith.constant 1 : i32
      %dma_start3A_396 = arith.constant 0 : i32
      %dma_start3A_397 = arith.constant 0 : i32
      %dma_start3A_398 = tpu.memref_slice %arg9[%dma_start3A_395, %dma_start3A_396, %dma_start3A_397] : memref<2x800x32xf32, #tpu.memory_space<vmem>> -> memref<1x800x32xf32, #tpu.memory_space<vmem>>
      %dma_start3A_399 = tpu.memref_squeeze %dma_start3A_398 : memref<1x800x32xf32, #tpu.memory_space<vmem>> -> memref<800x32xf32, #tpu.memory_space<vmem>>
      %dma_start3A_400 = arith.constant 240 : i32
      %dma_start3A_401 = arith.constant 0 : i32
      %dma_start3A_402 = tpu.memref_slice %dma_start3A_399[%dma_start3A_400, %dma_start3A_401] : memref<800x32xf32, #tpu.memory_space<vmem>> -> memref<80x32xf32, #tpu.memory_space<vmem>>
      %dma_start3A_403 = arith.constant 0 : i32
      %dma_start3A_404 = arith.constant 0 : i32
      %dma_start3A_405 = tpu.memref_slice %arg7[%dma_start3A_393, %dma_start3A_403, %dma_start3A_404] : memref<2x10x80xi32, #tpu.memory_space<vmem>> -> memref<1x10x80xi32, #tpu.memory_space<vmem>>
      %dma_start3A_406 = tpu.memref_squeeze %dma_start3A_405 : memref<1x10x80xi32, #tpu.memory_space<vmem>> -> memref<10x80xi32, #tpu.memory_space<vmem>>
      %dma_start3A_407 = arith.constant 0 : i32
      %dma_start3A_408 = tpu.memref_slice %dma_start3A_406[%dma_start3A_394, %dma_start3A_407] : memref<10x80xi32, #tpu.memory_space<vmem>> -> memref<1x80xi32, #tpu.memory_space<vmem>>
      %dma_start3A_409 = tpu.memref_squeeze %dma_start3A_408 : memref<1x80xi32, #tpu.memory_space<vmem>> -> memref<80xi32, #tpu.memory_space<vmem>>
      %dma_start3A_410 = arith.constant 0 : i32
      %dma_start3A_411 = arith.constant 0 : i32
      %dma_start3A_412 = tpu.memref_slice %arg4[%dma_start3A_410, %dma_start3A_411] : memref<1000000x32xf32, #tpu.memory_space<hbm>> -> memref<1000000x32xf32, #tpu.memory_space<hbm>>
      tpu.enqueue_indirect_dma source(%dma_start3A_412 : memref<1000000x32xf32, #tpu.memory_space<hbm>>) target(%dma_start3A_402 : memref<80x32xf32, #tpu.memory_space<vmem>>) offsets(%dma_start3A_409 : memref<80xi32, #tpu.memory_space<vmem>>) semaphore(%arg13 : memref<!tpu.dma_semaphore, #tpu.memory_space<semaphore_mem>>)
      %dma_start3A_413 = arith.constant 1 : i32
      %dma_start3A_414 = arith.constant 4 : i32
      %dma_start3A_415 = arith.constant 1 : i32
      %dma_start3A_416 = arith.constant 0 : i32
      %dma_start3A_417 = arith.constant 0 : i32
      %dma_start3A_418 = tpu.memref_slice %arg9[%dma_start3A_415, %dma_start3A_416, %dma_start3A_417] : memref<2x800x32xf32, #tpu.memory_space<vmem>> -> memref<1x800x32xf32, #tpu.memory_space<vmem>>
      %dma_start3A_419 = tpu.memref_squeeze %dma_start3A_418 : memref<1x800x32xf32, #tpu.memory_space<vmem>> -> memref<800x32xf32, #tpu.memory_space<vmem>>
      %dma_start3A_420 = arith.constant 320 : i32
      %dma_start3A_421 = arith.constant 0 : i32
      %dma_start3A_422 = tpu.memref_slice %dma_start3A_419[%dma_start3A_420, %dma_start3A_421] : memref<800x32xf32, #tpu.memory_space<vmem>> -> memref<80x32xf32, #tpu.memory_space<vmem>>
      %dma_start3A_423 = arith.constant 0 : i32
      %dma_start3A_424 = arith.constant 0 : i32
      %dma_start3A_425 = tpu.memref_slice %arg7[%dma_start3A_413, %dma_start3A_423, %dma_start3A_424] : memref<2x10x80xi32, #tpu.memory_space<vmem>> -> memref<1x10x80xi32, #tpu.memory_space<vmem>>
      %dma_start3A_426 = tpu.memref_squeeze %dma_start3A_425 : memref<1x10x80xi32, #tpu.memory_space<vmem>> -> memref<10x80xi32, #tpu.memory_space<vmem>>
      %dma_start3A_427 = arith.constant 0 : i32
      %dma_start3A_428 = tpu.memref_slice %dma_start3A_426[%dma_start3A_414, %dma_start3A_427] : memref<10x80xi32, #tpu.memory_space<vmem>> -> memref<1x80xi32, #tpu.memory_space<vmem>>
      %dma_start3A_429 = tpu.memref_squeeze %dma_start3A_428 : memref<1x80xi32, #tpu.memory_space<vmem>> -> memref<80xi32, #tpu.memory_space<vmem>>
      %dma_start3A_430 = arith.constant 0 : i32
      %dma_start3A_431 = arith.constant 0 : i32
      %dma_start3A_432 = tpu.memref_slice %arg4[%dma_start3A_430, %dma_start3A_431] : memref<1000000x32xf32, #tpu.memory_space<hbm>> -> memref<1000000x32xf32, #tpu.memory_space<hbm>>
      tpu.enqueue_indirect_dma source(%dma_start3A_432 : memref<1000000x32xf32, #tpu.memory_space<hbm>>) target(%dma_start3A_422 : memref<80x32xf32, #tpu.memory_space<vmem>>) offsets(%dma_start3A_429 : memref<80xi32, #tpu.memory_space<vmem>>) semaphore(%arg13 : memref<!tpu.dma_semaphore, #tpu.memory_space<semaphore_mem>>)
      %dma_start3A_433 = arith.constant 1 : i32
      %dma_start3A_434 = arith.constant 5 : i32
      %dma_start3A_435 = arith.constant 1 : i32
      %dma_start3A_436 = arith.constant 0 : i32
      %dma_start3A_437 = arith.constant 0 : i32
      %dma_start3A_438 = tpu.memref_slice %arg9[%dma_start3A_435, %dma_start3A_436, %dma_start3A_437] : memref<2x800x32xf32, #tpu.memory_space<vmem>> -> memref<1x800x32xf32, #tpu.memory_space<vmem>>
      %dma_start3A_439 = tpu.memref_squeeze %dma_start3A_438 : memref<1x800x32xf32, #tpu.memory_space<vmem>> -> memref<800x32xf32, #tpu.memory_space<vmem>>
      %dma_start3A_440 = arith.constant 400 : i32
      %dma_start3A_441 = arith.constant 0 : i32
      %dma_start3A_442 = tpu.memref_slice %dma_start3A_439[%dma_start3A_440, %dma_start3A_441] : memref<800x32xf32, #tpu.memory_space<vmem>> -> memref<80x32xf32, #tpu.memory_space<vmem>>
      %dma_start3A_443 = arith.constant 0 : i32
      %dma_start3A_444 = arith.constant 0 : i32
      %dma_start3A_445 = tpu.memref_slice %arg7[%dma_start3A_433, %dma_start3A_443, %dma_start3A_444] : memref<2x10x80xi32, #tpu.memory_space<vmem>> -> memref<1x10x80xi32, #tpu.memory_space<vmem>>
      %dma_start3A_446 = tpu.memref_squeeze %dma_start3A_445 : memref<1x10x80xi32, #tpu.memory_space<vmem>> -> memref<10x80xi32, #tpu.memory_space<vmem>>
      %dma_start3A_447 = arith.constant 0 : i32
      %dma_start3A_448 = tpu.memref_slice %dma_start3A_446[%dma_start3A_434, %dma_start3A_447] : memref<10x80xi32, #tpu.memory_space<vmem>> -> memref<1x80xi32, #tpu.memory_space<vmem>>
      %dma_start3A_449 = tpu.memref_squeeze %dma_start3A_448 : memref<1x80xi32, #tpu.memory_space<vmem>> -> memref<80xi32, #tpu.memory_space<vmem>>
      %dma_start3A_450 = arith.constant 0 : i32
      %dma_start3A_451 = arith.constant 0 : i32
      %dma_start3A_452 = tpu.memref_slice %arg4[%dma_start3A_450, %dma_start3A_451] : memref<1000000x32xf32, #tpu.memory_space<hbm>> -> memref<1000000x32xf32, #tpu.memory_space<hbm>>
      tpu.enqueue_indirect_dma source(%dma_start3A_452 : memref<1000000x32xf32, #tpu.memory_space<hbm>>) target(%dma_start3A_442 : memref<80x32xf32, #tpu.memory_space<vmem>>) offsets(%dma_start3A_449 : memref<80xi32, #tpu.memory_space<vmem>>) semaphore(%arg13 : memref<!tpu.dma_semaphore, #tpu.memory_space<semaphore_mem>>)
      %dma_start3A_453 = arith.constant 1 : i32
      %dma_start3A_454 = arith.constant 6 : i32
      %dma_start3A_455 = arith.constant 1 : i32
      %dma_start3A_456 = arith.constant 0 : i32
      %dma_start3A_457 = arith.constant 0 : i32
      %dma_start3A_458 = tpu.memref_slice %arg9[%dma_start3A_455, %dma_start3A_456, %dma_start3A_457] : memref<2x800x32xf32, #tpu.memory_space<vmem>> -> memref<1x800x32xf32, #tpu.memory_space<vmem>>
      %dma_start3A_459 = tpu.memref_squeeze %dma_start3A_458 : memref<1x800x32xf32, #tpu.memory_space<vmem>> -> memref<800x32xf32, #tpu.memory_space<vmem>>
      %dma_start3A_460 = arith.constant 480 : i32
      %dma_start3A_461 = arith.constant 0 : i32
      %dma_start3A_462 = tpu.memref_slice %dma_start3A_459[%dma_start3A_460, %dma_start3A_461] : memref<800x32xf32, #tpu.memory_space<vmem>> -> memref<80x32xf32, #tpu.memory_space<vmem>>
      %dma_start3A_463 = arith.constant 0 : i32
      %dma_start3A_464 = arith.constant 0 : i32
      %dma_start3A_465 = tpu.memref_slice %arg7[%dma_start3A_453, %dma_start3A_463, %dma_start3A_464] : memref<2x10x80xi32, #tpu.memory_space<vmem>> -> memref<1x10x80xi32, #tpu.memory_space<vmem>>
      %dma_start3A_466 = tpu.memref_squeeze %dma_start3A_465 : memref<1x10x80xi32, #tpu.memory_space<vmem>> -> memref<10x80xi32, #tpu.memory_space<vmem>>
      %dma_start3A_467 = arith.constant 0 : i32
      %dma_start3A_468 = tpu.memref_slice %dma_start3A_466[%dma_start3A_454, %dma_start3A_467] : memref<10x80xi32, #tpu.memory_space<vmem>> -> memref<1x80xi32, #tpu.memory_space<vmem>>
      %dma_start3A_469 = tpu.memref_squeeze %dma_start3A_468 : memref<1x80xi32, #tpu.memory_space<vmem>> -> memref<80xi32, #tpu.memory_space<vmem>>
      %dma_start3A_470 = arith.constant 0 : i32
      %dma_start3A_471 = arith.constant 0 : i32
      %dma_start3A_472 = tpu.memref_slice %arg4[%dma_start3A_470, %dma_start3A_471] : memref<1000000x32xf32, #tpu.memory_space<hbm>> -> memref<1000000x32xf32, #tpu.memory_space<hbm>>
      tpu.enqueue_indirect_dma source(%dma_start3A_472 : memref<1000000x32xf32, #tpu.memory_space<hbm>>) target(%dma_start3A_462 : memref<80x32xf32, #tpu.memory_space<vmem>>) offsets(%dma_start3A_469 : memref<80xi32, #tpu.memory_space<vmem>>) semaphore(%arg13 : memref<!tpu.dma_semaphore, #tpu.memory_space<semaphore_mem>>)
      %dma_start3A_473 = arith.constant 1 : i32
      %dma_start3A_474 = arith.constant 7 : i32
      %dma_start3A_475 = arith.constant 1 : i32
      %dma_start3A_476 = arith.constant 0 : i32
      %dma_start3A_477 = arith.constant 0 : i32
      %dma_start3A_478 = tpu.memref_slice %arg9[%dma_start3A_475, %dma_start3A_476, %dma_start3A_477] : memref<2x800x32xf32, #tpu.memory_space<vmem>> -> memref<1x800x32xf32, #tpu.memory_space<vmem>>
      %dma_start3A_479 = tpu.memref_squeeze %dma_start3A_478 : memref<1x800x32xf32, #tpu.memory_space<vmem>> -> memref<800x32xf32, #tpu.memory_space<vmem>>
      %dma_start3A_480 = arith.constant 560 : i32
      %dma_start3A_481 = arith.constant 0 : i32
      %dma_start3A_482 = tpu.memref_slice %dma_start3A_479[%dma_start3A_480, %dma_start3A_481] : memref<800x32xf32, #tpu.memory_space<vmem>> -> memref<80x32xf32, #tpu.memory_space<vmem>>
      %dma_start3A_483 = arith.constant 0 : i32
      %dma_start3A_484 = arith.constant 0 : i32
      %dma_start3A_485 = tpu.memref_slice %arg7[%dma_start3A_473, %dma_start3A_483, %dma_start3A_484] : memref<2x10x80xi32, #tpu.memory_space<vmem>> -> memref<1x10x80xi32, #tpu.memory_space<vmem>>
      %dma_start3A_486 = tpu.memref_squeeze %dma_start3A_485 : memref<1x10x80xi32, #tpu.memory_space<vmem>> -> memref<10x80xi32, #tpu.memory_space<vmem>>
      %dma_start3A_487 = arith.constant 0 : i32
      %dma_start3A_488 = tpu.memref_slice %dma_start3A_486[%dma_start3A_474, %dma_start3A_487] : memref<10x80xi32, #tpu.memory_space<vmem>> -> memref<1x80xi32, #tpu.memory_space<vmem>>
      %dma_start3A_489 = tpu.memref_squeeze %dma_start3A_488 : memref<1x80xi32, #tpu.memory_space<vmem>> -> memref<80xi32, #tpu.memory_space<vmem>>
      %dma_start3A_490 = arith.constant 0 : i32
      %dma_start3A_491 = arith.constant 0 : i32
      %dma_start3A_492 = tpu.memref_slice %arg4[%dma_start3A_490, %dma_start3A_491] : memref<1000000x32xf32, #tpu.memory_space<hbm>> -> memref<1000000x32xf32, #tpu.memory_space<hbm>>
      tpu.enqueue_indirect_dma source(%dma_start3A_492 : memref<1000000x32xf32, #tpu.memory_space<hbm>>) target(%dma_start3A_482 : memref<80x32xf32, #tpu.memory_space<vmem>>) offsets(%dma_start3A_489 : memref<80xi32, #tpu.memory_space<vmem>>) semaphore(%arg13 : memref<!tpu.dma_semaphore, #tpu.memory_space<semaphore_mem>>)
      %dma_start3A_493 = arith.constant 1 : i32
      %dma_start3A_494 = arith.constant 8 : i32
      %dma_start3A_495 = arith.constant 1 : i32
      %dma_start3A_496 = arith.constant 0 : i32
      %dma_start3A_497 = arith.constant 0 : i32
      %dma_start3A_498 = tpu.memref_slice %arg9[%dma_start3A_495, %dma_start3A_496, %dma_start3A_497] : memref<2x800x32xf32, #tpu.memory_space<vmem>> -> memref<1x800x32xf32, #tpu.memory_space<vmem>>
      %dma_start3A_499 = tpu.memref_squeeze %dma_start3A_498 : memref<1x800x32xf32, #tpu.memory_space<vmem>> -> memref<800x32xf32, #tpu.memory_space<vmem>>
      %dma_start3A_500 = arith.constant 640 : i32
      %dma_start3A_501 = arith.constant 0 : i32
      %dma_start3A_502 = tpu.memref_slice %dma_start3A_499[%dma_start3A_500, %dma_start3A_501] : memref<800x32xf32, #tpu.memory_space<vmem>> -> memref<80x32xf32, #tpu.memory_space<vmem>>
      %dma_start3A_503 = arith.constant 0 : i32
      %dma_start3A_504 = arith.constant 0 : i32
      %dma_start3A_505 = tpu.memref_slice %arg7[%dma_start3A_493, %dma_start3A_503, %dma_start3A_504] : memref<2x10x80xi32, #tpu.memory_space<vmem>> -> memref<1x10x80xi32, #tpu.memory_space<vmem>>
      %dma_start3A_506 = tpu.memref_squeeze %dma_start3A_505 : memref<1x10x80xi32, #tpu.memory_space<vmem>> -> memref<10x80xi32, #tpu.memory_space<vmem>>
      %dma_start3A_507 = arith.constant 0 : i32
      %dma_start3A_508 = tpu.memref_slice %dma_start3A_506[%dma_start3A_494, %dma_start3A_507] : memref<10x80xi32, #tpu.memory_space<vmem>> -> memref<1x80xi32, #tpu.memory_space<vmem>>
      %dma_start3A_509 = tpu.memref_squeeze %dma_start3A_508 : memref<1x80xi32, #tpu.memory_space<vmem>> -> memref<80xi32, #tpu.memory_space<vmem>>
      %dma_start3A_510 = arith.constant 0 : i32
      %dma_start3A_511 = arith.constant 0 : i32
      %dma_start3A_512 = tpu.memref_slice %arg4[%dma_start3A_510, %dma_start3A_511] : memref<1000000x32xf32, #tpu.memory_space<hbm>> -> memref<1000000x32xf32, #tpu.memory_space<hbm>>
      tpu.enqueue_indirect_dma source(%dma_start3A_512 : memref<1000000x32xf32, #tpu.memory_space<hbm>>) target(%dma_start3A_502 : memref<80x32xf32, #tpu.memory_space<vmem>>) offsets(%dma_start3A_509 : memref<80xi32, #tpu.memory_space<vmem>>) semaphore(%arg13 : memref<!tpu.dma_semaphore, #tpu.memory_space<semaphore_mem>>)
      %dma_start3A_513 = arith.constant 1 : i32
      %dma_start3A_514 = arith.constant 9 : i32
      %dma_start3A_515 = arith.constant 1 : i32
      %dma_start3A_516 = arith.constant 0 : i32
      %dma_start3A_517 = arith.constant 0 : i32
      %dma_start3A_518 = tpu.memref_slice %arg9[%dma_start3A_515, %dma_start3A_516, %dma_start3A_517] : memref<2x800x32xf32, #tpu.memory_space<vmem>> -> memref<1x800x32xf32, #tpu.memory_space<vmem>>
      %dma_start3A_519 = tpu.memref_squeeze %dma_start3A_518 : memref<1x800x32xf32, #tpu.memory_space<vmem>> -> memref<800x32xf32, #tpu.memory_space<vmem>>
      %dma_start3A_520 = arith.constant 720 : i32
      %dma_start3A_521 = arith.constant 0 : i32
      %dma_start3A_522 = tpu.memref_slice %dma_start3A_519[%dma_start3A_520, %dma_start3A_521] : memref<800x32xf32, #tpu.memory_space<vmem>> -> memref<80x32xf32, #tpu.memory_space<vmem>>
      %dma_start3A_523 = arith.constant 0 : i32
      %dma_start3A_524 = arith.constant 0 : i32
      %dma_start3A_525 = tpu.memref_slice %arg7[%dma_start3A_513, %dma_start3A_523, %dma_start3A_524] : memref<2x10x80xi32, #tpu.memory_space<vmem>> -> memref<1x10x80xi32, #tpu.memory_space<vmem>>
      %dma_start3A_526 = tpu.memref_squeeze %dma_start3A_525 : memref<1x10x80xi32, #tpu.memory_space<vmem>> -> memref<10x80xi32, #tpu.memory_space<vmem>>
      %dma_start3A_527 = arith.constant 0 : i32
      %dma_start3A_528 = tpu.memref_slice %dma_start3A_526[%dma_start3A_514, %dma_start3A_527] : memref<10x80xi32, #tpu.memory_space<vmem>> -> memref<1x80xi32, #tpu.memory_space<vmem>>
      %dma_start3A_529 = tpu.memref_squeeze %dma_start3A_528 : memref<1x80xi32, #tpu.memory_space<vmem>> -> memref<80xi32, #tpu.memory_space<vmem>>
      %dma_start3A_530 = arith.constant 0 : i32
      %dma_start3A_531 = arith.constant 0 : i32
      %dma_start3A_532 = tpu.memref_slice %arg4[%dma_start3A_530, %dma_start3A_531] : memref<1000000x32xf32, #tpu.memory_space<hbm>> -> memref<1000000x32xf32, #tpu.memory_space<hbm>>
      tpu.enqueue_indirect_dma source(%dma_start3A_532 : memref<1000000x32xf32, #tpu.memory_space<hbm>>) target(%dma_start3A_522 : memref<80x32xf32, #tpu.memory_space<vmem>>) offsets(%dma_start3A_529 : memref<80xi32, #tpu.memory_space<vmem>>) semaphore(%arg13 : memref<!tpu.dma_semaphore, #tpu.memory_space<semaphore_mem>>)
      %dma_start3A_533 = arith.constant 1 : i32
      %dma_start3A_534 = arith.constant 0 : i32
      %dma_start3A_535 = arith.constant 1 : i32
      %dma_start3A_536 = arith.constant 0 : i32
      %dma_start3A_537 = arith.constant 0 : i32
      %dma_start3A_538 = tpu.memref_slice %arg10[%dma_start3A_535, %dma_start3A_536, %dma_start3A_537] : memref<2x200x32xf32, #tpu.memory_space<vmem>> -> memref<1x200x32xf32, #tpu.memory_space<vmem>>
      %dma_start3A_539 = tpu.memref_squeeze %dma_start3A_538 : memref<1x200x32xf32, #tpu.memory_space<vmem>> -> memref<200x32xf32, #tpu.memory_space<vmem>>
      %dma_start3A_540 = arith.constant 0 : i32
      %dma_start3A_541 = arith.constant 0 : i32
      %dma_start3A_542 = tpu.memref_slice %dma_start3A_539[%dma_start3A_540, %dma_start3A_541] : memref<200x32xf32, #tpu.memory_space<vmem>> -> memref<40x32xf32, #tpu.memory_space<vmem>>
      %dma_start3A_543 = arith.constant 0 : i32
      %dma_start3A_544 = arith.constant 0 : i32
      %dma_start3A_545 = tpu.memref_slice %arg8[%dma_start3A_533, %dma_start3A_543, %dma_start3A_544] : memref<2x5x40xi32, #tpu.memory_space<vmem>> -> memref<1x5x40xi32, #tpu.memory_space<vmem>>
      %dma_start3A_546 = tpu.memref_squeeze %dma_start3A_545 : memref<1x5x40xi32, #tpu.memory_space<vmem>> -> memref<5x40xi32, #tpu.memory_space<vmem>>
      %dma_start3A_547 = arith.constant 0 : i32
      %dma_start3A_548 = tpu.memref_slice %dma_start3A_546[%dma_start3A_534, %dma_start3A_547] : memref<5x40xi32, #tpu.memory_space<vmem>> -> memref<1x40xi32, #tpu.memory_space<vmem>>
      %dma_start3A_549 = tpu.memref_squeeze %dma_start3A_548 : memref<1x40xi32, #tpu.memory_space<vmem>> -> memref<40xi32, #tpu.memory_space<vmem>>
      %dma_start3A_550 = arith.constant 0 : i32
      %dma_start3A_551 = arith.constant 0 : i32
      %dma_start3A_552 = tpu.memref_slice %arg5[%dma_start3A_550, %dma_start3A_551] : memref<100000x32xf32, #tpu.memory_space<hbm>> -> memref<100000x32xf32, #tpu.memory_space<hbm>>
      tpu.enqueue_indirect_dma source(%dma_start3A_552 : memref<100000x32xf32, #tpu.memory_space<hbm>>) target(%dma_start3A_542 : memref<40x32xf32, #tpu.memory_space<vmem>>) offsets(%dma_start3A_549 : memref<40xi32, #tpu.memory_space<vmem>>) semaphore(%arg15 : memref<!tpu.dma_semaphore, #tpu.memory_space<semaphore_mem>>)
      %dma_start3A_553 = arith.constant 1 : i32
      %dma_start3A_554 = arith.constant 1 : i32
      %dma_start3A_555 = arith.constant 1 : i32
      %dma_start3A_556 = arith.constant 0 : i32
      %dma_start3A_557 = arith.constant 0 : i32
      %dma_start3A_558 = tpu.memref_slice %arg10[%dma_start3A_555, %dma_start3A_556, %dma_start3A_557] : memref<2x200x32xf32, #tpu.memory_space<vmem>> -> memref<1x200x32xf32, #tpu.memory_space<vmem>>
      %dma_start3A_559 = tpu.memref_squeeze %dma_start3A_558 : memref<1x200x32xf32, #tpu.memory_space<vmem>> -> memref<200x32xf32, #tpu.memory_space<vmem>>
      %dma_start3A_560 = arith.constant 40 : i32
      %dma_start3A_561 = arith.constant 0 : i32
      %dma_start3A_562 = tpu.memref_slice %dma_start3A_559[%dma_start3A_560, %dma_start3A_561] : memref<200x32xf32, #tpu.memory_space<vmem>> -> memref<40x32xf32, #tpu.memory_space<vmem>>
      %dma_start3A_563 = arith.constant 0 : i32
      %dma_start3A_564 = arith.constant 0 : i32
      %dma_start3A_565 = tpu.memref_slice %arg8[%dma_start3A_553, %dma_start3A_563, %dma_start3A_564] : memref<2x5x40xi32, #tpu.memory_space<vmem>> -> memref<1x5x40xi32, #tpu.memory_space<vmem>>
      %dma_start3A_566 = tpu.memref_squeeze %dma_start3A_565 : memref<1x5x40xi32, #tpu.memory_space<vmem>> -> memref<5x40xi32, #tpu.memory_space<vmem>>
      %dma_start3A_567 = arith.constant 0 : i32
      %dma_start3A_568 = tpu.memref_slice %dma_start3A_566[%dma_start3A_554, %dma_start3A_567] : memref<5x40xi32, #tpu.memory_space<vmem>> -> memref<1x40xi32, #tpu.memory_space<vmem>>
      %dma_start3A_569 = tpu.memref_squeeze %dma_start3A_568 : memref<1x40xi32, #tpu.memory_space<vmem>> -> memref<40xi32, #tpu.memory_space<vmem>>
      %dma_start3A_570 = arith.constant 0 : i32
      %dma_start3A_571 = arith.constant 0 : i32
      %dma_start3A_572 = tpu.memref_slice %arg5[%dma_start3A_570, %dma_start3A_571] : memref<100000x32xf32, #tpu.memory_space<hbm>> -> memref<100000x32xf32, #tpu.memory_space<hbm>>
      tpu.enqueue_indirect_dma source(%dma_start3A_572 : memref<100000x32xf32, #tpu.memory_space<hbm>>) target(%dma_start3A_562 : memref<40x32xf32, #tpu.memory_space<vmem>>) offsets(%dma_start3A_569 : memref<40xi32, #tpu.memory_space<vmem>>) semaphore(%arg15 : memref<!tpu.dma_semaphore, #tpu.memory_space<semaphore_mem>>)
      %dma_start3A_573 = arith.constant 1 : i32
      %dma_start3A_574 = arith.constant 2 : i32
      %dma_start3A_575 = arith.constant 1 : i32
      %dma_start3A_576 = arith.constant 0 : i32
      %dma_start3A_577 = arith.constant 0 : i32
      %dma_start3A_578 = tpu.memref_slice %arg10[%dma_start3A_575, %dma_start3A_576, %dma_start3A_577] : memref<2x200x32xf32, #tpu.memory_space<vmem>> -> memref<1x200x32xf32, #tpu.memory_space<vmem>>
      %dma_start3A_579 = tpu.memref_squeeze %dma_start3A_578 : memref<1x200x32xf32, #tpu.memory_space<vmem>> -> memref<200x32xf32, #tpu.memory_space<vmem>>
      %dma_start3A_580 = arith.constant 80 : i32
      %dma_start3A_581 = arith.constant 0 : i32
      %dma_start3A_582 = tpu.memref_slice %dma_start3A_579[%dma_start3A_580, %dma_start3A_581] : memref<200x32xf32, #tpu.memory_space<vmem>> -> memref<40x32xf32, #tpu.memory_space<vmem>>
      %dma_start3A_583 = arith.constant 0 : i32
      %dma_start3A_584 = arith.constant 0 : i32
      %dma_start3A_585 = tpu.memref_slice %arg8[%dma_start3A_573, %dma_start3A_583, %dma_start3A_584] : memref<2x5x40xi32, #tpu.memory_space<vmem>> -> memref<1x5x40xi32, #tpu.memory_space<vmem>>
      %dma_start3A_586 = tpu.memref_squeeze %dma_start3A_585 : memref<1x5x40xi32, #tpu.memory_space<vmem>> -> memref<5x40xi32, #tpu.memory_space<vmem>>
      %dma_start3A_587 = arith.constant 0 : i32
      %dma_start3A_588 = tpu.memref_slice %dma_start3A_586[%dma_start3A_574, %dma_start3A_587] : memref<5x40xi32, #tpu.memory_space<vmem>> -> memref<1x40xi32, #tpu.memory_space<vmem>>
      %dma_start3A_589 = tpu.memref_squeeze %dma_start3A_588 : memref<1x40xi32, #tpu.memory_space<vmem>> -> memref<40xi32, #tpu.memory_space<vmem>>
      %dma_start3A_590 = arith.constant 0 : i32
      %dma_start3A_591 = arith.constant 0 : i32
      %dma_start3A_592 = tpu.memref_slice %arg5[%dma_start3A_590, %dma_start3A_591] : memref<100000x32xf32, #tpu.memory_space<hbm>> -> memref<100000x32xf32, #tpu.memory_space<hbm>>
      tpu.enqueue_indirect_dma source(%dma_start3A_592 : memref<100000x32xf32, #tpu.memory_space<hbm>>) target(%dma_start3A_582 : memref<40x32xf32, #tpu.memory_space<vmem>>) offsets(%dma_start3A_589 : memref<40xi32, #tpu.memory_space<vmem>>) semaphore(%arg15 : memref<!tpu.dma_semaphore, #tpu.memory_space<semaphore_mem>>)
      %dma_start3A_593 = arith.constant 1 : i32
      %dma_start3A_594 = arith.constant 3 : i32
      %dma_start3A_595 = arith.constant 1 : i32
      %dma_start3A_596 = arith.constant 0 : i32
      %dma_start3A_597 = arith.constant 0 : i32
      %dma_start3A_598 = tpu.memref_slice %arg10[%dma_start3A_595, %dma_start3A_596, %dma_start3A_597] : memref<2x200x32xf32, #tpu.memory_space<vmem>> -> memref<1x200x32xf32, #tpu.memory_space<vmem>>
      %dma_start3A_599 = tpu.memref_squeeze %dma_start3A_598 : memref<1x200x32xf32, #tpu.memory_space<vmem>> -> memref<200x32xf32, #tpu.memory_space<vmem>>
      %dma_start3A_600 = arith.constant 120 : i32
      %dma_start3A_601 = arith.constant 0 : i32
      %dma_start3A_602 = tpu.memref_slice %dma_start3A_599[%dma_start3A_600, %dma_start3A_601] : memref<200x32xf32, #tpu.memory_space<vmem>> -> memref<40x32xf32, #tpu.memory_space<vmem>>
      %dma_start3A_603 = arith.constant 0 : i32
      %dma_start3A_604 = arith.constant 0 : i32
      %dma_start3A_605 = tpu.memref_slice %arg8[%dma_start3A_593, %dma_start3A_603, %dma_start3A_604] : memref<2x5x40xi32, #tpu.memory_space<vmem>> -> memref<1x5x40xi32, #tpu.memory_space<vmem>>
      %dma_start3A_606 = tpu.memref_squeeze %dma_start3A_605 : memref<1x5x40xi32, #tpu.memory_space<vmem>> -> memref<5x40xi32, #tpu.memory_space<vmem>>
      %dma_start3A_607 = arith.constant 0 : i32
      %dma_start3A_608 = tpu.memref_slice %dma_start3A_606[%dma_start3A_594, %dma_start3A_607] : memref<5x40xi32, #tpu.memory_space<vmem>> -> memref<1x40xi32, #tpu.memory_space<vmem>>
      %dma_start3A_609 = tpu.memref_squeeze %dma_start3A_608 : memref<1x40xi32, #tpu.memory_space<vmem>> -> memref<40xi32, #tpu.memory_space<vmem>>
      %dma_start3A_610 = arith.constant 0 : i32
      %dma_start3A_611 = arith.constant 0 : i32
      %dma_start3A_612 = tpu.memref_slice %arg5[%dma_start3A_610, %dma_start3A_611] : memref<100000x32xf32, #tpu.memory_space<hbm>> -> memref<100000x32xf32, #tpu.memory_space<hbm>>
      tpu.enqueue_indirect_dma source(%dma_start3A_612 : memref<100000x32xf32, #tpu.memory_space<hbm>>) target(%dma_start3A_602 : memref<40x32xf32, #tpu.memory_space<vmem>>) offsets(%dma_start3A_609 : memref<40xi32, #tpu.memory_space<vmem>>) semaphore(%arg15 : memref<!tpu.dma_semaphore, #tpu.memory_space<semaphore_mem>>)
      %dma_start3A_613 = arith.constant 1 : i32
      %dma_start3A_614 = arith.constant 4 : i32
      %dma_start3A_615 = arith.constant 1 : i32
      %dma_start3A_616 = arith.constant 0 : i32
      %dma_start3A_617 = arith.constant 0 : i32
      %dma_start3A_618 = tpu.memref_slice %arg10[%dma_start3A_615, %dma_start3A_616, %dma_start3A_617] : memref<2x200x32xf32, #tpu.memory_space<vmem>> -> memref<1x200x32xf32, #tpu.memory_space<vmem>>
      %dma_start3A_619 = tpu.memref_squeeze %dma_start3A_618 : memref<1x200x32xf32, #tpu.memory_space<vmem>> -> memref<200x32xf32, #tpu.memory_space<vmem>>
      %dma_start3A_620 = arith.constant 160 : i32
      %dma_start3A_621 = arith.constant 0 : i32
      %dma_start3A_622 = tpu.memref_slice %dma_start3A_619[%dma_start3A_620, %dma_start3A_621] : memref<200x32xf32, #tpu.memory_space<vmem>> -> memref<40x32xf32, #tpu.memory_space<vmem>>
      %dma_start3A_623 = arith.constant 0 : i32
      %dma_start3A_624 = arith.constant 0 : i32
      %dma_start3A_625 = tpu.memref_slice %arg8[%dma_start3A_613, %dma_start3A_623, %dma_start3A_624] : memref<2x5x40xi32, #tpu.memory_space<vmem>> -> memref<1x5x40xi32, #tpu.memory_space<vmem>>
      %dma_start3A_626 = tpu.memref_squeeze %dma_start3A_625 : memref<1x5x40xi32, #tpu.memory_space<vmem>> -> memref<5x40xi32, #tpu.memory_space<vmem>>
      %dma_start3A_627 = arith.constant 0 : i32
      %dma_start3A_628 = tpu.memref_slice %dma_start3A_626[%dma_start3A_614, %dma_start3A_627] : memref<5x40xi32, #tpu.memory_space<vmem>> -> memref<1x40xi32, #tpu.memory_space<vmem>>
      %dma_start3A_629 = tpu.memref_squeeze %dma_start3A_628 : memref<1x40xi32, #tpu.memory_space<vmem>> -> memref<40xi32, #tpu.memory_space<vmem>>
      %dma_start3A_630 = arith.constant 0 : i32
      %dma_start3A_631 = arith.constant 0 : i32
      %dma_start3A_632 = tpu.memref_slice %arg5[%dma_start3A_630, %dma_start3A_631] : memref<100000x32xf32, #tpu.memory_space<hbm>> -> memref<100000x32xf32, #tpu.memory_space<hbm>>
      tpu.enqueue_indirect_dma source(%dma_start3A_632 : memref<100000x32xf32, #tpu.memory_space<hbm>>) target(%dma_start3A_622 : memref<40x32xf32, #tpu.memory_space<vmem>>) offsets(%dma_start3A_629 : memref<40xi32, #tpu.memory_space<vmem>>) semaphore(%arg15 : memref<!tpu.dma_semaphore, #tpu.memory_space<semaphore_mem>>)
      %dma_wait3A = arith.constant 0 : i32
      %dma_wait3A_633 = arith.constant 0 : i32
      %dma_wait3A_634 = arith.constant 0 : i32
      %dma_wait3A_635 = tpu.memref_slice %arg9[%dma_wait3A, %dma_wait3A_633, %dma_wait3A_634] : memref<2x800x32xf32, #tpu.memory_space<vmem>> -> memref<1x800x32xf32, #tpu.memory_space<vmem>>
      %dma_wait3A_636 = tpu.memref_squeeze %dma_wait3A_635 : memref<1x800x32xf32, #tpu.memory_space<vmem>> -> memref<800x32xf32, #tpu.memory_space<vmem>>
      %dma_wait3A_637 = arith.constant 0 : i32
      %dma_wait3A_638 = arith.constant 0 : i32
      %dma_wait3A_639 = tpu.memref_slice %arg4[%dma_wait3A_637, %dma_wait3A_638] : memref<1000000x32xf32, #tpu.memory_space<hbm>> -> memref<800x32xf32, #tpu.memory_space<hbm>>
      %dma_wait3A_640 = arith.constant 0 : i32
      %dma_wait3A_641 = arith.constant 0 : i32
      %dma_wait3A_642 = tpu.memref_slice %arg9[%dma_wait3A, %dma_wait3A_640, %dma_wait3A_641] : memref<2x800x32xf32, #tpu.memory_space<vmem>> -> memref<1x800x32xf32, #tpu.memory_space<vmem>>
      %dma_wait3A_643 = tpu.memref_squeeze %dma_wait3A_642 : memref<1x800x32xf32, #tpu.memory_space<vmem>> -> memref<800x32xf32, #tpu.memory_space<vmem>>
      %dma_wait3A_644 = arith.constant 0 : i32
      %dma_wait3A_645 = arith.constant 0 : i32
      %dma_wait3A_646 = tpu.memref_slice %arg4[%dma_wait3A_644, %dma_wait3A_645] : memref<1000000x32xf32, #tpu.memory_space<hbm>> -> memref<800x32xf32, #tpu.memory_space<hbm>>
      tpu.wait_dma2 semaphore(%arg12 : memref<!tpu.dma_semaphore, #tpu.memory_space<semaphore_mem>>) src(%dma_wait3A_646 : memref<800x32xf32, #tpu.memory_space<hbm>>) dst(%dma_wait3A_643 : memref<800x32xf32, #tpu.memory_space<vmem>>)
      %dma_wait3A_647 = arith.constant 0 : i32
      %dma_wait3A_648 = arith.constant 0 : i32
      %dma_wait3A_649 = arith.constant 0 : i32
      %dma_wait3A_650 = tpu.memref_slice %arg10[%dma_wait3A_647, %dma_wait3A_648, %dma_wait3A_649] : memref<2x200x32xf32, #tpu.memory_space<vmem>> -> memref<1x200x32xf32, #tpu.memory_space<vmem>>
      %dma_wait3A_651 = tpu.memref_squeeze %dma_wait3A_650 : memref<1x200x32xf32, #tpu.memory_space<vmem>> -> memref<200x32xf32, #tpu.memory_space<vmem>>
      %dma_wait3A_652 = arith.constant 0 : i32
      %dma_wait3A_653 = arith.constant 0 : i32
      %dma_wait3A_654 = tpu.memref_slice %arg5[%dma_wait3A_652, %dma_wait3A_653] : memref<100000x32xf32, #tpu.memory_space<hbm>> -> memref<200x32xf32, #tpu.memory_space<hbm>>
      %dma_wait3A_655 = arith.constant 0 : i32
      %dma_wait3A_656 = arith.constant 0 : i32
      %dma_wait3A_657 = tpu.memref_slice %arg10[%dma_wait3A_647, %dma_wait3A_655, %dma_wait3A_656] : memref<2x200x32xf32, #tpu.memory_space<vmem>> -> memref<1x200x32xf32, #tpu.memory_space<vmem>>
      %dma_wait3A_658 = tpu.memref_squeeze %dma_wait3A_657 : memref<1x200x32xf32, #tpu.memory_space<vmem>> -> memref<200x32xf32, #tpu.memory_space<vmem>>
      %dma_wait3A_659 = arith.constant 0 : i32
      %dma_wait3A_660 = arith.constant 0 : i32
      %dma_wait3A_661 = tpu.memref_slice %arg5[%dma_wait3A_659, %dma_wait3A_660] : memref<100000x32xf32, #tpu.memory_space<hbm>> -> memref<200x32xf32, #tpu.memory_space<hbm>>
      tpu.wait_dma2 semaphore(%arg14 : memref<!tpu.dma_semaphore, #tpu.memory_space<semaphore_mem>>) src(%dma_wait3A_661 : memref<200x32xf32, #tpu.memory_space<hbm>>) dst(%dma_wait3A_658 : memref<200x32xf32, #tpu.memory_space<vmem>>)
      %mul3A_662 = arith.constant 4 : i32
      %mul3A_663 = arith.muli %mul3A_318, %mul3A_662 : i32
      %add3A_664 = arith.constant 0 : i32
      %add3A_665 = arith.addi %mul3A_663, %add3A_664 : i32
      %broadcast_in_dim3A = arith.constant 0.000000e+00 : f32
      %broadcast_in_dim3A_666 = vector.broadcast %broadcast_in_dim3A : f32 to vector<16xf32>
      %scan3A_667 = arith.constant 0 : i32
      %scan3A_668 = arith.constant 25 : i32
      %scan3A_669 = arith.addi %scan3A_667, %scan3A_668 : i32
      %scan3A_670 = arith.constant 1 : i32
      %scan3A_671:4 = scf.for %scan3A_1142 = %scan3A_667 to %scan3A_669 step %scan3A_670 iter_args(%scan3A_1143 = %broadcast_in_dim3A_666, %scan3A_1144 = %broadcast_in_dim3A_666, %scan3A_1145 = %broadcast_in_dim3A_666, %scan3A_1146 = %broadcast_in_dim3A_666) -> (vector<16xf32>, vector<16xf32>, vector<16xf32>, vector<16xf32>)  : i32 {
        %mul3A_1147 = arith.constant 8 : i32
        %mul3A_1148 = arith.muli %scan3A_1142, %mul3A_1147 : i32
        %add3A_1149 = arith.constant 0 : i32
        %add3A_1150 = arith.addi %add3A_1149, %mul3A_1148 : i32
        %add3A_1151 = arith.constant 0 : i32
        %add3A_1152 = arith.addi %add3A_1150, %add3A_1151 : i32
        %get3A = arith.constant 0 : i32
        %get3A_1153 = arith.index_cast %get3A : i32 to index
        %get3A_1154 = arith.index_cast %add3A_1152 : i32 to index
        %get3A_1155 = arith.constant 0 : index
        %get3A_1156 = tpu.vector_load %arg9[%get3A_1153, %get3A_1154, %get3A_1155] {strides = array<i32>} : memref<2x800x32xf32, #tpu.memory_space<vmem>>, vector<1x1x16xf32>,
        %get3A_1157 = vector.shape_cast %get3A_1156 : vector<1x1x16xf32> to vector<16xf32>
        %add3A_1158 = arith.constant 0 : i32
        %add3A_1159 = arith.addi %add3A_1150, %add3A_1158 : i32
        %get3A_1160 = arith.constant 0 : i32
        %get3A_1161 = arith.index_cast %get3A_1160 : i32 to index
        %get3A_1162 = arith.index_cast %add3A_1159 : i32 to index
        %get3A_1163 = arith.constant 16 : index
        %get3A_1164 = tpu.vector_load %arg9[%get3A_1161, %get3A_1162, %get3A_1163] {strides = array<i32>} : memref<2x800x32xf32, #tpu.memory_space<vmem>>, vector<1x1x16xf32>,
        %get3A_1165 = vector.shape_cast %get3A_1164 : vector<1x1x16xf32> to vector<16xf32>
        %add3A_1166 = arith.addf %scan3A_1143, %get3A_1157 : vector<16xf32>
        %add3A_1167 = arith.addf %scan3A_1144, %get3A_1165 : vector<16xf32>
        %add3A_1168 = arith.constant 1 : i32
        %add3A_1169 = arith.addi %add3A_1150, %add3A_1168 : i32
        %get3A_1170 = arith.constant 0 : i32
        %get3A_1171 = arith.index_cast %get3A_1170 : i32 to index
        %get3A_1172 = arith.index_cast %add3A_1169 : i32 to index
        %get3A_1173 = arith.constant 0 : index
        %get3A_1174 = tpu.vector_load %arg9[%get3A_1171, %get3A_1172, %get3A_1173] {strides = array<i32>} : memref<2x800x32xf32, #tpu.memory_space<vmem>>, vector<1x1x16xf32>,
        %get3A_1175 = vector.shape_cast %get3A_1174 : vector<1x1x16xf32> to vector<16xf32>
        %add3A_1176 = arith.constant 1 : i32
        %add3A_1177 = arith.addi %add3A_1150, %add3A_1176 : i32
        %get3A_1178 = arith.constant 0 : i32
        %get3A_1179 = arith.index_cast %get3A_1178 : i32 to index
        %get3A_1180 = arith.index_cast %add3A_1177 : i32 to index
        %get3A_1181 = arith.constant 16 : index
        %get3A_1182 = tpu.vector_load %arg9[%get3A_1179, %get3A_1180, %get3A_1181] {strides = array<i32>} : memref<2x800x32xf32, #tpu.memory_space<vmem>>, vector<1x1x16xf32>,
        %get3A_1183 = vector.shape_cast %get3A_1182 : vector<1x1x16xf32> to vector<16xf32>
        %add3A_1184 = arith.addf %scan3A_1145, %get3A_1175 : vector<16xf32>
        %add3A_1185 = arith.addf %scan3A_1146, %get3A_1183 : vector<16xf32>
        %add3A_1186 = arith.constant 2 : i32
        %add3A_1187 = arith.addi %add3A_1150, %add3A_1186 : i32
        %get3A_1188 = arith.constant 0 : i32
        %get3A_1189 = arith.index_cast %get3A_1188 : i32 to index
        %get3A_1190 = arith.index_cast %add3A_1187 : i32 to index
        %get3A_1191 = arith.constant 0 : index
        %get3A_1192 = tpu.vector_load %arg9[%get3A_1189, %get3A_1190, %get3A_1191] {strides = array<i32>} : memref<2x800x32xf32, #tpu.memory_space<vmem>>, vector<1x1x16xf32>,
        %get3A_1193 = vector.shape_cast %get3A_1192 : vector<1x1x16xf32> to vector<16xf32>
        %add3A_1194 = arith.constant 2 : i32
        %add3A_1195 = arith.addi %add3A_1150, %add3A_1194 : i32
        %get3A_1196 = arith.constant 0 : i32
        %get3A_1197 = arith.index_cast %get3A_1196 : i32 to index
        %get3A_1198 = arith.index_cast %add3A_1195 : i32 to index
        %get3A_1199 = arith.constant 16 : index
        %get3A_1200 = tpu.vector_load %arg9[%get3A_1197, %get3A_1198, %get3A_1199] {strides = array<i32>} : memref<2x800x32xf32, #tpu.memory_space<vmem>>, vector<1x1x16xf32>,
        %get3A_1201 = vector.shape_cast %get3A_1200 : vector<1x1x16xf32> to vector<16xf32>
        %add3A_1202 = arith.addf %add3A_1166, %get3A_1193 : vector<16xf32>
        %add3A_1203 = arith.addf %add3A_1167, %get3A_1201 : vector<16xf32>
        %add3A_1204 = arith.constant 3 : i32
        %add3A_1205 = arith.addi %add3A_1150, %add3A_1204 : i32
        %get3A_1206 = arith.constant 0 : i32
        %get3A_1207 = arith.index_cast %get3A_1206 : i32 to index
        %get3A_1208 = arith.index_cast %add3A_1205 : i32 to index
        %get3A_1209 = arith.constant 0 : index
        %get3A_1210 = tpu.vector_load %arg9[%get3A_1207, %get3A_1208, %get3A_1209] {strides = array<i32>} : memref<2x800x32xf32, #tpu.memory_space<vmem>>, vector<1x1x16xf32>,
        %get3A_1211 = vector.shape_cast %get3A_1210 : vector<1x1x16xf32> to vector<16xf32>
        %add3A_1212 = arith.constant 3 : i32
        %add3A_1213 = arith.addi %add3A_1150, %add3A_1212 : i32
        %get3A_1214 = arith.constant 0 : i32
        %get3A_1215 = arith.index_cast %get3A_1214 : i32 to index
        %get3A_1216 = arith.index_cast %add3A_1213 : i32 to index
        %get3A_1217 = arith.constant 16 : index
        %get3A_1218 = tpu.vector_load %arg9[%get3A_1215, %get3A_1216, %get3A_1217] {strides = array<i32>} : memref<2x800x32xf32, #tpu.memory_space<vmem>>, vector<1x1x16xf32>,
        %get3A_1219 = vector.shape_cast %get3A_1218 : vector<1x1x16xf32> to vector<16xf32>
        %add3A_1220 = arith.addf %add3A_1184, %get3A_1211 : vector<16xf32>
        %add3A_1221 = arith.addf %add3A_1185, %get3A_1219 : vector<16xf32>
        %add3A_1222 = arith.constant 4 : i32
        %add3A_1223 = arith.addi %add3A_1150, %add3A_1222 : i32
        %get3A_1224 = arith.constant 0 : i32
        %get3A_1225 = arith.index_cast %get3A_1224 : i32 to index
        %get3A_1226 = arith.index_cast %add3A_1223 : i32 to index
        %get3A_1227 = arith.constant 0 : index
        %get3A_1228 = tpu.vector_load %arg9[%get3A_1225, %get3A_1226, %get3A_1227] {strides = array<i32>} : memref<2x800x32xf32, #tpu.memory_space<vmem>>, vector<1x1x16xf32>,
        %get3A_1229 = vector.shape_cast %get3A_1228 : vector<1x1x16xf32> to vector<16xf32>
        %add3A_1230 = arith.constant 4 : i32
        %add3A_1231 = arith.addi %add3A_1150, %add3A_1230 : i32
        %get3A_1232 = arith.constant 0 : i32
        %get3A_1233 = arith.index_cast %get3A_1232 : i32 to index
        %get3A_1234 = arith.index_cast %add3A_1231 : i32 to index
        %get3A_1235 = arith.constant 16 : index
        %get3A_1236 = tpu.vector_load %arg9[%get3A_1233, %get3A_1234, %get3A_1235] {strides = array<i32>} : memref<2x800x32xf32, #tpu.memory_space<vmem>>, vector<1x1x16xf32>,
        %get3A_1237 = vector.shape_cast %get3A_1236 : vector<1x1x16xf32> to vector<16xf32>
        %add3A_1238 = arith.addf %add3A_1202, %get3A_1229 : vector<16xf32>
        %add3A_1239 = arith.addf %add3A_1203, %get3A_1237 : vector<16xf32>
        %add3A_1240 = arith.constant 5 : i32
        %add3A_1241 = arith.addi %add3A_1150, %add3A_1240 : i32
        %get3A_1242 = arith.constant 0 : i32
        %get3A_1243 = arith.index_cast %get3A_1242 : i32 to index
        %get3A_1244 = arith.index_cast %add3A_1241 : i32 to index
        %get3A_1245 = arith.constant 0 : index
        %get3A_1246 = tpu.vector_load %arg9[%get3A_1243, %get3A_1244, %get3A_1245] {strides = array<i32>} : memref<2x800x32xf32, #tpu.memory_space<vmem>>, vector<1x1x16xf32>,
        %get3A_1247 = vector.shape_cast %get3A_1246 : vector<1x1x16xf32> to vector<16xf32>
        %add3A_1248 = arith.constant 5 : i32
        %add3A_1249 = arith.addi %add3A_1150, %add3A_1248 : i32
        %get3A_1250 = arith.constant 0 : i32
        %get3A_1251 = arith.index_cast %get3A_1250 : i32 to index
        %get3A_1252 = arith.index_cast %add3A_1249 : i32 to index
        %get3A_1253 = arith.constant 16 : index
        %get3A_1254 = tpu.vector_load %arg9[%get3A_1251, %get3A_1252, %get3A_1253] {strides = array<i32>} : memref<2x800x32xf32, #tpu.memory_space<vmem>>, vector<1x1x16xf32>,
        %get3A_1255 = vector.shape_cast %get3A_1254 : vector<1x1x16xf32> to vector<16xf32>
        %add3A_1256 = arith.addf %add3A_1220, %get3A_1247 : vector<16xf32>
        %add3A_1257 = arith.addf %add3A_1221, %get3A_1255 : vector<16xf32>
        %add3A_1258 = arith.constant 6 : i32
        %add3A_1259 = arith.addi %add3A_1150, %add3A_1258 : i32
        %get3A_1260 = arith.constant 0 : i32
        %get3A_1261 = arith.index_cast %get3A_1260 : i32 to index
        %get3A_1262 = arith.index_cast %add3A_1259 : i32 to index
        %get3A_1263 = arith.constant 0 : index
        %get3A_1264 = tpu.vector_load %arg9[%get3A_1261, %get3A_1262, %get3A_1263] {strides = array<i32>} : memref<2x800x32xf32, #tpu.memory_space<vmem>>, vector<1x1x16xf32>,
        %get3A_1265 = vector.shape_cast %get3A_1264 : vector<1x1x16xf32> to vector<16xf32>
        %add3A_1266 = arith.constant 6 : i32
        %add3A_1267 = arith.addi %add3A_1150, %add3A_1266 : i32
        %get3A_1268 = arith.constant 0 : i32
        %get3A_1269 = arith.index_cast %get3A_1268 : i32 to index
        %get3A_1270 = arith.index_cast %add3A_1267 : i32 to index
        %get3A_1271 = arith.constant 16 : index
        %get3A_1272 = tpu.vector_load %arg9[%get3A_1269, %get3A_1270, %get3A_1271] {strides = array<i32>} : memref<2x800x32xf32, #tpu.memory_space<vmem>>, vector<1x1x16xf32>,
        %get3A_1273 = vector.shape_cast %get3A_1272 : vector<1x1x16xf32> to vector<16xf32>
        %add3A_1274 = arith.addf %add3A_1238, %get3A_1265 : vector<16xf32>
        %add3A_1275 = arith.addf %add3A_1239, %get3A_1273 : vector<16xf32>
        %add3A_1276 = arith.constant 7 : i32
        %add3A_1277 = arith.addi %add3A_1150, %add3A_1276 : i32
        %get3A_1278 = arith.constant 0 : i32
        %get3A_1279 = arith.index_cast %get3A_1278 : i32 to index
        %get3A_1280 = arith.index_cast %add3A_1277 : i32 to index
        %get3A_1281 = arith.constant 0 : index
        %get3A_1282 = tpu.vector_load %arg9[%get3A_1279, %get3A_1280, %get3A_1281] {strides = array<i32>} : memref<2x800x32xf32, #tpu.memory_space<vmem>>, vector<1x1x16xf32>,
        %get3A_1283 = vector.shape_cast %get3A_1282 : vector<1x1x16xf32> to vector<16xf32>
        %add3A_1284 = arith.constant 7 : i32
        %add3A_1285 = arith.addi %add3A_1150, %add3A_1284 : i32
        %get3A_1286 = arith.constant 0 : i32
        %get3A_1287 = arith.index_cast %get3A_1286 : i32 to index
        %get3A_1288 = arith.index_cast %add3A_1285 : i32 to index
        %get3A_1289 = arith.constant 16 : index
        %get3A_1290 = tpu.vector_load %arg9[%get3A_1287, %get3A_1288, %get3A_1289] {strides = array<i32>} : memref<2x800x32xf32, #tpu.memory_space<vmem>>, vector<1x1x16xf32>,
        %get3A_1291 = vector.shape_cast %get3A_1290 : vector<1x1x16xf32> to vector<16xf32>
        %add3A_1292 = arith.addf %add3A_1256, %get3A_1283 : vector<16xf32>
        %add3A_1293 = arith.addf %add3A_1257, %get3A_1291 : vector<16xf32>
        scf.yield %add3A_1274, %add3A_1275, %add3A_1292, %add3A_1293 : vector<16xf32>, vector<16xf32>, vector<16xf32>, vector<16xf32>
      }
      %scan3A_672 = arith.constant 25 : i32
      %add3A_673 = arith.addf %scan3A_671#0, %scan3A_671#2 : vector<16xf32>
      %add3A_674 = arith.addf %scan3A_671#1, %scan3A_671#3 : vector<16xf32>
      %broadcast_in_dim3A_675 = arith.constant 0.000000e+00 : f32
      %broadcast_in_dim3A_676 = vector.broadcast %broadcast_in_dim3A_675 : f32 to vector<16xf32>
      %scan3A_677 = arith.constant 0 : i32
      %scan3A_678 = arith.constant 5 : i32
      %scan3A_679 = arith.addi %scan3A_677, %scan3A_678 : i32
      %scan3A_680 = arith.constant 1 : i32
      %scan3A_681:4 = scf.for %scan3A_1142 = %scan3A_677 to %scan3A_679 step %scan3A_680 iter_args(%scan3A_1143 = %broadcast_in_dim3A_676, %scan3A_1144 = %broadcast_in_dim3A_676, %scan3A_1145 = %broadcast_in_dim3A_676, %scan3A_1146 = %broadcast_in_dim3A_676) -> (vector<16xf32>, vector<16xf32>, vector<16xf32>, vector<16xf32>)  : i32 {
        %mul3A_1147 = arith.constant 10 : i32
        %mul3A_1148 = arith.muli %scan3A_1142, %mul3A_1147 : i32
        %add3A_1149 = arith.constant 0 : i32
        %add3A_1150 = arith.addi %add3A_1149, %mul3A_1148 : i32
        %add3A_1151 = arith.constant 0 : i32
        %add3A_1152 = arith.addi %add3A_1150, %add3A_1151 : i32
        %get3A = arith.constant 0 : i32
        %get3A_1153 = arith.index_cast %get3A : i32 to index
        %get3A_1154 = arith.index_cast %add3A_1152 : i32 to index
        %get3A_1155 = arith.constant 0 : index
        %get3A_1156 = tpu.vector_load %arg10[%get3A_1153, %get3A_1154, %get3A_1155] {strides = array<i32>} : memref<2x200x32xf32, #tpu.memory_space<vmem>>, vector<1x1x16xf32>,
        %get3A_1157 = vector.shape_cast %get3A_1156 : vector<1x1x16xf32> to vector<16xf32>
        %add3A_1158 = arith.constant 0 : i32
        %add3A_1159 = arith.addi %add3A_1150, %add3A_1158 : i32
        %get3A_1160 = arith.constant 0 : i32
        %get3A_1161 = arith.index_cast %get3A_1160 : i32 to index
        %get3A_1162 = arith.index_cast %add3A_1159 : i32 to index
        %get3A_1163 = arith.constant 16 : index
        %get3A_1164 = tpu.vector_load %arg10[%get3A_1161, %get3A_1162, %get3A_1163] {strides = array<i32>} : memref<2x200x32xf32, #tpu.memory_space<vmem>>, vector<1x1x16xf32>,
        %get3A_1165 = vector.shape_cast %get3A_1164 : vector<1x1x16xf32> to vector<16xf32>
        %add3A_1166 = arith.addf %scan3A_1143, %get3A_1157 : vector<16xf32>
        %add3A_1167 = arith.addf %scan3A_1144, %get3A_1165 : vector<16xf32>
        %add3A_1168 = arith.constant 1 : i32
        %add3A_1169 = arith.addi %add3A_1150, %add3A_1168 : i32
        %get3A_1170 = arith.constant 0 : i32
        %get3A_1171 = arith.index_cast %get3A_1170 : i32 to index
        %get3A_1172 = arith.index_cast %add3A_1169 : i32 to index
        %get3A_1173 = arith.constant 0 : index
        %get3A_1174 = tpu.vector_load %arg10[%get3A_1171, %get3A_1172, %get3A_1173] {strides = array<i32>} : memref<2x200x32xf32, #tpu.memory_space<vmem>>, vector<1x1x16xf32>,
        %get3A_1175 = vector.shape_cast %get3A_1174 : vector<1x1x16xf32> to vector<16xf32>
        %add3A_1176 = arith.constant 1 : i32
        %add3A_1177 = arith.addi %add3A_1150, %add3A_1176 : i32
        %get3A_1178 = arith.constant 0 : i32
        %get3A_1179 = arith.index_cast %get3A_1178 : i32 to index
        %get3A_1180 = arith.index_cast %add3A_1177 : i32 to index
        %get3A_1181 = arith.constant 16 : index
        %get3A_1182 = tpu.vector_load %arg10[%get3A_1179, %get3A_1180, %get3A_1181] {strides = array<i32>} : memref<2x200x32xf32, #tpu.memory_space<vmem>>, vector<1x1x16xf32>,
        %get3A_1183 = vector.shape_cast %get3A_1182 : vector<1x1x16xf32> to vector<16xf32>
        %add3A_1184 = arith.addf %scan3A_1145, %get3A_1175 : vector<16xf32>
        %add3A_1185 = arith.addf %scan3A_1146, %get3A_1183 : vector<16xf32>
        %add3A_1186 = arith.constant 2 : i32
        %add3A_1187 = arith.addi %add3A_1150, %add3A_1186 : i32
        %get3A_1188 = arith.constant 0 : i32
        %get3A_1189 = arith.index_cast %get3A_1188 : i32 to index
        %get3A_1190 = arith.index_cast %add3A_1187 : i32 to index
        %get3A_1191 = arith.constant 0 : index
        %get3A_1192 = tpu.vector_load %arg10[%get3A_1189, %get3A_1190, %get3A_1191] {strides = array<i32>} : memref<2x200x32xf32, #tpu.memory_space<vmem>>, vector<1x1x16xf32>,
        %get3A_1193 = vector.shape_cast %get3A_1192 : vector<1x1x16xf32> to vector<16xf32>
        %add3A_1194 = arith.constant 2 : i32
        %add3A_1195 = arith.addi %add3A_1150, %add3A_1194 : i32
        %get3A_1196 = arith.constant 0 : i32
        %get3A_1197 = arith.index_cast %get3A_1196 : i32 to index
        %get3A_1198 = arith.index_cast %add3A_1195 : i32 to index
        %get3A_1199 = arith.constant 16 : index
        %get3A_1200 = tpu.vector_load %arg10[%get3A_1197, %get3A_1198, %get3A_1199] {strides = array<i32>} : memref<2x200x32xf32, #tpu.memory_space<vmem>>, vector<1x1x16xf32>,
        %get3A_1201 = vector.shape_cast %get3A_1200 : vector<1x1x16xf32> to vector<16xf32>
        %add3A_1202 = arith.addf %add3A_1166, %get3A_1193 : vector<16xf32>
        %add3A_1203 = arith.addf %add3A_1167, %get3A_1201 : vector<16xf32>
        %add3A_1204 = arith.constant 3 : i32
        %add3A_1205 = arith.addi %add3A_1150, %add3A_1204 : i32
        %get3A_1206 = arith.constant 0 : i32
        %get3A_1207 = arith.index_cast %get3A_1206 : i32 to index
        %get3A_1208 = arith.index_cast %add3A_1205 : i32 to index
        %get3A_1209 = arith.constant 0 : index
        %get3A_1210 = tpu.vector_load %arg10[%get3A_1207, %get3A_1208, %get3A_1209] {strides = array<i32>} : memref<2x200x32xf32, #tpu.memory_space<vmem>>, vector<1x1x16xf32>,
        %get3A_1211 = vector.shape_cast %get3A_1210 : vector<1x1x16xf32> to vector<16xf32>
        %add3A_1212 = arith.constant 3 : i32
        %add3A_1213 = arith.addi %add3A_1150, %add3A_1212 : i32
        %get3A_1214 = arith.constant 0 : i32
        %get3A_1215 = arith.index_cast %get3A_1214 : i32 to index
        %get3A_1216 = arith.index_cast %add3A_1213 : i32 to index
        %get3A_1217 = arith.constant 16 : index
        %get3A_1218 = tpu.vector_load %arg10[%get3A_1215, %get3A_1216, %get3A_1217] {strides = array<i32>} : memref<2x200x32xf32, #tpu.memory_space<vmem>>, vector<1x1x16xf32>,
        %get3A_1219 = vector.shape_cast %get3A_1218 : vector<1x1x16xf32> to vector<16xf32>
        %add3A_1220 = arith.addf %add3A_1184, %get3A_1211 : vector<16xf32>
        %add3A_1221 = arith.addf %add3A_1185, %get3A_1219 : vector<16xf32>
        %add3A_1222 = arith.constant 4 : i32
        %add3A_1223 = arith.addi %add3A_1150, %add3A_1222 : i32
        %get3A_1224 = arith.constant 0 : i32
        %get3A_1225 = arith.index_cast %get3A_1224 : i32 to index
        %get3A_1226 = arith.index_cast %add3A_1223 : i32 to index
        %get3A_1227 = arith.constant 0 : index
        %get3A_1228 = tpu.vector_load %arg10[%get3A_1225, %get3A_1226, %get3A_1227] {strides = array<i32>} : memref<2x200x32xf32, #tpu.memory_space<vmem>>, vector<1x1x16xf32>,
        %get3A_1229 = vector.shape_cast %get3A_1228 : vector<1x1x16xf32> to vector<16xf32>
        %add3A_1230 = arith.constant 4 : i32
        %add3A_1231 = arith.addi %add3A_1150, %add3A_1230 : i32
        %get3A_1232 = arith.constant 0 : i32
        %get3A_1233 = arith.index_cast %get3A_1232 : i32 to index
        %get3A_1234 = arith.index_cast %add3A_1231 : i32 to index
        %get3A_1235 = arith.constant 16 : index
        %get3A_1236 = tpu.vector_load %arg10[%get3A_1233, %get3A_1234, %get3A_1235] {strides = array<i32>} : memref<2x200x32xf32, #tpu.memory_space<vmem>>, vector<1x1x16xf32>,
        %get3A_1237 = vector.shape_cast %get3A_1236 : vector<1x1x16xf32> to vector<16xf32>
        %add3A_1238 = arith.addf %add3A_1202, %get3A_1229 : vector<16xf32>
        %add3A_1239 = arith.addf %add3A_1203, %get3A_1237 : vector<16xf32>
        %add3A_1240 = arith.constant 5 : i32
        %add3A_1241 = arith.addi %add3A_1150, %add3A_1240 : i32
        %get3A_1242 = arith.constant 0 : i32
        %get3A_1243 = arith.index_cast %get3A_1242 : i32 to index
        %get3A_1244 = arith.index_cast %add3A_1241 : i32 to index
        %get3A_1245 = arith.constant 0 : index
        %get3A_1246 = tpu.vector_load %arg10[%get3A_1243, %get3A_1244, %get3A_1245] {strides = array<i32>} : memref<2x200x32xf32, #tpu.memory_space<vmem>>, vector<1x1x16xf32>,
        %get3A_1247 = vector.shape_cast %get3A_1246 : vector<1x1x16xf32> to vector<16xf32>
        %add3A_1248 = arith.constant 5 : i32
        %add3A_1249 = arith.addi %add3A_1150, %add3A_1248 : i32
        %get3A_1250 = arith.constant 0 : i32
        %get3A_1251 = arith.index_cast %get3A_1250 : i32 to index
        %get3A_1252 = arith.index_cast %add3A_1249 : i32 to index
        %get3A_1253 = arith.constant 16 : index
        %get3A_1254 = tpu.vector_load %arg10[%get3A_1251, %get3A_1252, %get3A_1253] {strides = array<i32>} : memref<2x200x32xf32, #tpu.memory_space<vmem>>, vector<1x1x16xf32>,
        %get3A_1255 = vector.shape_cast %get3A_1254 : vector<1x1x16xf32> to vector<16xf32>
        %add3A_1256 = arith.addf %add3A_1220, %get3A_1247 : vector<16xf32>
        %add3A_1257 = arith.addf %add3A_1221, %get3A_1255 : vector<16xf32>
        %add3A_1258 = arith.constant 6 : i32
        %add3A_1259 = arith.addi %add3A_1150, %add3A_1258 : i32
        %get3A_1260 = arith.constant 0 : i32
        %get3A_1261 = arith.index_cast %get3A_1260 : i32 to index
        %get3A_1262 = arith.index_cast %add3A_1259 : i32 to index
        %get3A_1263 = arith.constant 0 : index
        %get3A_1264 = tpu.vector_load %arg10[%get3A_1261, %get3A_1262, %get3A_1263] {strides = array<i32>} : memref<2x200x32xf32, #tpu.memory_space<vmem>>, vector<1x1x16xf32>,
        %get3A_1265 = vector.shape_cast %get3A_1264 : vector<1x1x16xf32> to vector<16xf32>
        %add3A_1266 = arith.constant 6 : i32
        %add3A_1267 = arith.addi %add3A_1150, %add3A_1266 : i32
        %get3A_1268 = arith.constant 0 : i32
        %get3A_1269 = arith.index_cast %get3A_1268 : i32 to index
        %get3A_1270 = arith.index_cast %add3A_1267 : i32 to index
        %get3A_1271 = arith.constant 16 : index
        %get3A_1272 = tpu.vector_load %arg10[%get3A_1269, %get3A_1270, %get3A_1271] {strides = array<i32>} : memref<2x200x32xf32, #tpu.memory_space<vmem>>, vector<1x1x16xf32>,
        %get3A_1273 = vector.shape_cast %get3A_1272 : vector<1x1x16xf32> to vector<16xf32>
        %add3A_1274 = arith.addf %add3A_1238, %get3A_1265 : vector<16xf32>
        %add3A_1275 = arith.addf %add3A_1239, %get3A_1273 : vector<16xf32>
        %add3A_1276 = arith.constant 7 : i32
        %add3A_1277 = arith.addi %add3A_1150, %add3A_1276 : i32
        %get3A_1278 = arith.constant 0 : i32
        %get3A_1279 = arith.index_cast %get3A_1278 : i32 to index
        %get3A_1280 = arith.index_cast %add3A_1277 : i32 to index
        %get3A_1281 = arith.constant 0 : index
        %get3A_1282 = tpu.vector_load %arg10[%get3A_1279, %get3A_1280, %get3A_1281] {strides = array<i32>} : memref<2x200x32xf32, #tpu.memory_space<vmem>>, vector<1x1x16xf32>,
        %get3A_1283 = vector.shape_cast %get3A_1282 : vector<1x1x16xf32> to vector<16xf32>
        %add3A_1284 = arith.constant 7 : i32
        %add3A_1285 = arith.addi %add3A_1150, %add3A_1284 : i32
        %get3A_1286 = arith.constant 0 : i32
        %get3A_1287 = arith.index_cast %get3A_1286 : i32 to index
        %get3A_1288 = arith.index_cast %add3A_1285 : i32 to index
        %get3A_1289 = arith.constant 16 : index
        %get3A_1290 = tpu.vector_load %arg10[%get3A_1287, %get3A_1288, %get3A_1289] {strides = array<i32>} : memref<2x200x32xf32, #tpu.memory_space<vmem>>, vector<1x1x16xf32>,
        %get3A_1291 = vector.shape_cast %get3A_1290 : vector<1x1x16xf32> to vector<16xf32>
        %add3A_1292 = arith.addf %add3A_1256, %get3A_1283 : vector<16xf32>
        %add3A_1293 = arith.addf %add3A_1257, %get3A_1291 : vector<16xf32>
        %add3A_1294 = arith.constant 8 : i32
        %add3A_1295 = arith.addi %add3A_1150, %add3A_1294 : i32
        %get3A_1296 = arith.constant 0 : i32
        %get3A_1297 = arith.index_cast %get3A_1296 : i32 to index
        %get3A_1298 = arith.index_cast %add3A_1295 : i32 to index
        %get3A_1299 = arith.constant 0 : index
        %get3A_1300 = tpu.vector_load %arg10[%get3A_1297, %get3A_1298, %get3A_1299] {strides = array<i32>} : memref<2x200x32xf32, #tpu.memory_space<vmem>>, vector<1x1x16xf32>,
        %get3A_1301 = vector.shape_cast %get3A_1300 : vector<1x1x16xf32> to vector<16xf32>
        %add3A_1302 = arith.constant 8 : i32
        %add3A_1303 = arith.addi %add3A_1150, %add3A_1302 : i32
        %get3A_1304 = arith.constant 0 : i32
        %get3A_1305 = arith.index_cast %get3A_1304 : i32 to index
        %get3A_1306 = arith.index_cast %add3A_1303 : i32 to index
        %get3A_1307 = arith.constant 16 : index
        %get3A_1308 = tpu.vector_load %arg10[%get3A_1305, %get3A_1306, %get3A_1307] {strides = array<i32>} : memref<2x200x32xf32, #tpu.memory_space<vmem>>, vector<1x1x16xf32>,
        %get3A_1309 = vector.shape_cast %get3A_1308 : vector<1x1x16xf32> to vector<16xf32>
        %add3A_1310 = arith.addf %add3A_1274, %get3A_1301 : vector<16xf32>
        %add3A_1311 = arith.addf %add3A_1275, %get3A_1309 : vector<16xf32>
        %add3A_1312 = arith.constant 9 : i32
        %add3A_1313 = arith.addi %add3A_1150, %add3A_1312 : i32
        %get3A_1314 = arith.constant 0 : i32
        %get3A_1315 = arith.index_cast %get3A_1314 : i32 to index
        %get3A_1316 = arith.index_cast %add3A_1313 : i32 to index
        %get3A_1317 = arith.constant 0 : index
        %get3A_1318 = tpu.vector_load %arg10[%get3A_1315, %get3A_1316, %get3A_1317] {strides = array<i32>} : memref<2x200x32xf32, #tpu.memory_space<vmem>>, vector<1x1x16xf32>,
        %get3A_1319 = vector.shape_cast %get3A_1318 : vector<1x1x16xf32> to vector<16xf32>
        %add3A_1320 = arith.constant 9 : i32
        %add3A_1321 = arith.addi %add3A_1150, %add3A_1320 : i32
        %get3A_1322 = arith.constant 0 : i32
        %get3A_1323 = arith.index_cast %get3A_1322 : i32 to index
        %get3A_1324 = arith.index_cast %add3A_1321 : i32 to index
        %get3A_1325 = arith.constant 16 : index
        %get3A_1326 = tpu.vector_load %arg10[%get3A_1323, %get3A_1324, %get3A_1325] {strides = array<i32>} : memref<2x200x32xf32, #tpu.memory_space<vmem>>, vector<1x1x16xf32>,
        %get3A_1327 = vector.shape_cast %get3A_1326 : vector<1x1x16xf32> to vector<16xf32>
        %add3A_1328 = arith.addf %add3A_1292, %get3A_1319 : vector<16xf32>
        %add3A_1329 = arith.addf %add3A_1293, %get3A_1327 : vector<16xf32>
        scf.yield %add3A_1310, %add3A_1311, %add3A_1328, %add3A_1329 : vector<16xf32>, vector<16xf32>, vector<16xf32>, vector<16xf32>
      }
      %scan3A_682 = arith.constant 5 : i32
      %add3A_683 = arith.addf %scan3A_681#0, %scan3A_681#2 : vector<16xf32>
      %add3A_684 = arith.addf %scan3A_681#1, %scan3A_681#3 : vector<16xf32>
      %mul3A_685 = arith.constant 5.000000e-03 : f32
      %mul3A_686 = vector.broadcast %mul3A_685 : f32 to vector<16xf32>
      %mul3A_687 = arith.mulf %add3A_673, %mul3A_686 : vector<16xf32>
      %swap3A = arith.index_cast %add3A_665 : i32 to index
      %swap3A_688 = arith.constant 0 : index
      %swap3A_689 = tpu.vector_load %arg11[%swap3A, %swap3A_688] {strides = array<i32>} : memref<512x64xf32, #tpu.memory_space<vmem>>, vector<1x16xf32>,
      %swap3A_690 = vector.shape_cast %swap3A_689 : vector<1x16xf32> to vector<16xf32>
      %swap3A_691 = vector.shape_cast %mul3A_687 : vector<16xf32> to vector<1x16xf32>
      tpu.vector_store %arg11[%swap3A, %swap3A_688], %swap3A_691 {strides = array<i32>} : memref<512x64xf32, #tpu.memory_space<vmem>>, vector<1x16xf32>,
      %mul3A_692 = arith.constant 5.000000e-03 : f32
      %mul3A_693 = vector.broadcast %mul3A_692 : f32 to vector<16xf32>
      %mul3A_694 = arith.mulf %add3A_674, %mul3A_693 : vector<16xf32>
      %swap3A_695 = arith.index_cast %add3A_665 : i32 to index
      %swap3A_696 = arith.constant 16 : index
      %swap3A_697 = tpu.vector_load %arg11[%swap3A_695, %swap3A_696] {strides = array<i32>} : memref<512x64xf32, #tpu.memory_space<vmem>>, vector<1x16xf32>,
      %swap3A_698 = vector.shape_cast %swap3A_697 : vector<1x16xf32> to vector<16xf32>
      %swap3A_699 = vector.shape_cast %mul3A_694 : vector<16xf32> to vector<1x16xf32>
      tpu.vector_store %arg11[%swap3A_695, %swap3A_696], %swap3A_699 {strides = array<i32>} : memref<512x64xf32, #tpu.memory_space<vmem>>, vector<1x16xf32>,
      %mul3A_700 = arith.constant 2.000000e-02 : f32
      %mul3A_701 = vector.broadcast %mul3A_700 : f32 to vector<16xf32>
      %mul3A_702 = arith.mulf %add3A_683, %mul3A_701 : vector<16xf32>
      %swap3A_703 = arith.index_cast %add3A_665 : i32 to index
      %swap3A_704 = arith.constant 32 : index
      %swap3A_705 = tpu.vector_load %arg11[%swap3A_703, %swap3A_704] {strides = array<i32>} : memref<512x64xf32, #tpu.memory_space<vmem>>, vector<1x16xf32>,
      %swap3A_706 = vector.shape_cast %swap3A_705 : vector<1x16xf32> to vector<16xf32>
      %swap3A_707 = vector.shape_cast %mul3A_702 : vector<16xf32> to vector<1x16xf32>
      tpu.vector_store %arg11[%swap3A_703, %swap3A_704], %swap3A_707 {strides = array<i32>} : memref<512x64xf32, #tpu.memory_space<vmem>>, vector<1x16xf32>,
      %mul3A_708 = arith.constant 2.000000e-02 : f32
      %mul3A_709 = vector.broadcast %mul3A_708 : f32 to vector<16xf32>
      %mul3A_710 = arith.mulf %add3A_684, %mul3A_709 : vector<16xf32>
      %swap3A_711 = arith.index_cast %add3A_665 : i32 to index
      %swap3A_712 = arith.constant 48 : index
      %swap3A_713 = tpu.vector_load %arg11[%swap3A_711, %swap3A_712] {strides = array<i32>} : memref<512x64xf32, #tpu.memory_space<vmem>>, vector<1x16xf32>,
      %swap3A_714 = vector.shape_cast %swap3A_713 : vector<1x16xf32> to vector<16xf32>
      %swap3A_715 = vector.shape_cast %mul3A_710 : vector<16xf32> to vector<1x16xf32>
      tpu.vector_store %arg11[%swap3A_711, %swap3A_712], %swap3A_715 {strides = array<i32>} : memref<512x64xf32, #tpu.memory_space<vmem>>, vector<1x16xf32>,
      %mul3A_716 = arith.constant 4 : i32
      %mul3A_717 = arith.muli %mul3A_318, %mul3A_716 : i32
      %add3A_718 = arith.constant 1 : i32
      %add3A_719 = arith.addi %mul3A_717, %add3A_718 : i32
      %broadcast_in_dim3A_720 = arith.constant 0.000000e+00 : f32
      %broadcast_in_dim3A_721 = vector.broadcast %broadcast_in_dim3A_720 : f32 to vector<16xf32>
      %scan3A_722 = arith.constant 0 : i32
      %scan3A_723 = arith.constant 25 : i32
      %scan3A_724 = arith.addi %scan3A_722, %scan3A_723 : i32
      %scan3A_725 = arith.constant 1 : i32
      %scan3A_726:4 = scf.for %scan3A_1142 = %scan3A_722 to %scan3A_724 step %scan3A_725 iter_args(%scan3A_1143 = %broadcast_in_dim3A_721, %scan3A_1144 = %broadcast_in_dim3A_721, %scan3A_1145 = %broadcast_in_dim3A_721, %scan3A_1146 = %broadcast_in_dim3A_721) -> (vector<16xf32>, vector<16xf32>, vector<16xf32>, vector<16xf32>)  : i32 {
        %mul3A_1147 = arith.constant 8 : i32
        %mul3A_1148 = arith.muli %scan3A_1142, %mul3A_1147 : i32
        %add3A_1149 = arith.constant 200 : i32
        %add3A_1150 = arith.addi %add3A_1149, %mul3A_1148 : i32
        %add3A_1151 = arith.constant 0 : i32
        %add3A_1152 = arith.addi %add3A_1150, %add3A_1151 : i32
        %get3A = arith.constant 0 : i32
        %get3A_1153 = arith.index_cast %get3A : i32 to index
        %get3A_1154 = arith.index_cast %add3A_1152 : i32 to index
        %get3A_1155 = arith.constant 0 : index
        %get3A_1156 = tpu.vector_load %arg9[%get3A_1153, %get3A_1154, %get3A_1155] {strides = array<i32>} : memref<2x800x32xf32, #tpu.memory_space<vmem>>, vector<1x1x16xf32>,
        %get3A_1157 = vector.shape_cast %get3A_1156 : vector<1x1x16xf32> to vector<16xf32>
        %add3A_1158 = arith.constant 0 : i32
        %add3A_1159 = arith.addi %add3A_1150, %add3A_1158 : i32
        %get3A_1160 = arith.constant 0 : i32
        %get3A_1161 = arith.index_cast %get3A_1160 : i32 to index
        %get3A_1162 = arith.index_cast %add3A_1159 : i32 to index
        %get3A_1163 = arith.constant 16 : index
        %get3A_1164 = tpu.vector_load %arg9[%get3A_1161, %get3A_1162, %get3A_1163] {strides = array<i32>} : memref<2x800x32xf32, #tpu.memory_space<vmem>>, vector<1x1x16xf32>,
        %get3A_1165 = vector.shape_cast %get3A_1164 : vector<1x1x16xf32> to vector<16xf32>
        %add3A_1166 = arith.addf %scan3A_1143, %get3A_1157 : vector<16xf32>
        %add3A_1167 = arith.addf %scan3A_1144, %get3A_1165 : vector<16xf32>
        %add3A_1168 = arith.constant 1 : i32
        %add3A_1169 = arith.addi %add3A_1150, %add3A_1168 : i32
        %get3A_1170 = arith.constant 0 : i32
        %get3A_1171 = arith.index_cast %get3A_1170 : i32 to index
        %get3A_1172 = arith.index_cast %add3A_1169 : i32 to index
        %get3A_1173 = arith.constant 0 : index
        %get3A_1174 = tpu.vector_load %arg9[%get3A_1171, %get3A_1172, %get3A_1173] {strides = array<i32>} : memref<2x800x32xf32, #tpu.memory_space<vmem>>, vector<1x1x16xf32>,
        %get3A_1175 = vector.shape_cast %get3A_1174 : vector<1x1x16xf32> to vector<16xf32>
        %add3A_1176 = arith.constant 1 : i32
        %add3A_1177 = arith.addi %add3A_1150, %add3A_1176 : i32
        %get3A_1178 = arith.constant 0 : i32
        %get3A_1179 = arith.index_cast %get3A_1178 : i32 to index
        %get3A_1180 = arith.index_cast %add3A_1177 : i32 to index
        %get3A_1181 = arith.constant 16 : index
        %get3A_1182 = tpu.vector_load %arg9[%get3A_1179, %get3A_1180, %get3A_1181] {strides = array<i32>} : memref<2x800x32xf32, #tpu.memory_space<vmem>>, vector<1x1x16xf32>,
        %get3A_1183 = vector.shape_cast %get3A_1182 : vector<1x1x16xf32> to vector<16xf32>
        %add3A_1184 = arith.addf %scan3A_1145, %get3A_1175 : vector<16xf32>
        %add3A_1185 = arith.addf %scan3A_1146, %get3A_1183 : vector<16xf32>
        %add3A_1186 = arith.constant 2 : i32
        %add3A_1187 = arith.addi %add3A_1150, %add3A_1186 : i32
        %get3A_1188 = arith.constant 0 : i32
        %get3A_1189 = arith.index_cast %get3A_1188 : i32 to index
        %get3A_1190 = arith.index_cast %add3A_1187 : i32 to index
        %get3A_1191 = arith.constant 0 : index
        %get3A_1192 = tpu.vector_load %arg9[%get3A_1189, %get3A_1190, %get3A_1191] {strides = array<i32>} : memref<2x800x32xf32, #tpu.memory_space<vmem>>, vector<1x1x16xf32>,
        %get3A_1193 = vector.shape_cast %get3A_1192 : vector<1x1x16xf32> to vector<16xf32>
        %add3A_1194 = arith.constant 2 : i32
        %add3A_1195 = arith.addi %add3A_1150, %add3A_1194 : i32
        %get3A_1196 = arith.constant 0 : i32
        %get3A_1197 = arith.index_cast %get3A_1196 : i32 to index
        %get3A_1198 = arith.index_cast %add3A_1195 : i32 to index
        %get3A_1199 = arith.constant 16 : index
        %get3A_1200 = tpu.vector_load %arg9[%get3A_1197, %get3A_1198, %get3A_1199] {strides = array<i32>} : memref<2x800x32xf32, #tpu.memory_space<vmem>>, vector<1x1x16xf32>,
        %get3A_1201 = vector.shape_cast %get3A_1200 : vector<1x1x16xf32> to vector<16xf32>
        %add3A_1202 = arith.addf %add3A_1166, %get3A_1193 : vector<16xf32>
        %add3A_1203 = arith.addf %add3A_1167, %get3A_1201 : vector<16xf32>
        %add3A_1204 = arith.constant 3 : i32
        %add3A_1205 = arith.addi %add3A_1150, %add3A_1204 : i32
        %get3A_1206 = arith.constant 0 : i32
        %get3A_1207 = arith.index_cast %get3A_1206 : i32 to index
        %get3A_1208 = arith.index_cast %add3A_1205 : i32 to index
        %get3A_1209 = arith.constant 0 : index
        %get3A_1210 = tpu.vector_load %arg9[%get3A_1207, %get3A_1208, %get3A_1209] {strides = array<i32>} : memref<2x800x32xf32, #tpu.memory_space<vmem>>, vector<1x1x16xf32>,
        %get3A_1211 = vector.shape_cast %get3A_1210 : vector<1x1x16xf32> to vector<16xf32>
        %add3A_1212 = arith.constant 3 : i32
        %add3A_1213 = arith.addi %add3A_1150, %add3A_1212 : i32
        %get3A_1214 = arith.constant 0 : i32
        %get3A_1215 = arith.index_cast %get3A_1214 : i32 to index
        %get3A_1216 = arith.index_cast %add3A_1213 : i32 to index
        %get3A_1217 = arith.constant 16 : index
        %get3A_1218 = tpu.vector_load %arg9[%get3A_1215, %get3A_1216, %get3A_1217] {strides = array<i32>} : memref<2x800x32xf32, #tpu.memory_space<vmem>>, vector<1x1x16xf32>,
        %get3A_1219 = vector.shape_cast %get3A_1218 : vector<1x1x16xf32> to vector<16xf32>
        %add3A_1220 = arith.addf %add3A_1184, %get3A_1211 : vector<16xf32>
        %add3A_1221 = arith.addf %add3A_1185, %get3A_1219 : vector<16xf32>
        %add3A_1222 = arith.constant 4 : i32
        %add3A_1223 = arith.addi %add3A_1150, %add3A_1222 : i32
        %get3A_1224 = arith.constant 0 : i32
        %get3A_1225 = arith.index_cast %get3A_1224 : i32 to index
        %get3A_1226 = arith.index_cast %add3A_1223 : i32 to index
        %get3A_1227 = arith.constant 0 : index
        %get3A_1228 = tpu.vector_load %arg9[%get3A_1225, %get3A_1226, %get3A_1227] {strides = array<i32>} : memref<2x800x32xf32, #tpu.memory_space<vmem>>, vector<1x1x16xf32>,
        %get3A_1229 = vector.shape_cast %get3A_1228 : vector<1x1x16xf32> to vector<16xf32>
        %add3A_1230 = arith.constant 4 : i32
        %add3A_1231 = arith.addi %add3A_1150, %add3A_1230 : i32
        %get3A_1232 = arith.constant 0 : i32
        %get3A_1233 = arith.index_cast %get3A_1232 : i32 to index
        %get3A_1234 = arith.index_cast %add3A_1231 : i32 to index
        %get3A_1235 = arith.constant 16 : index
        %get3A_1236 = tpu.vector_load %arg9[%get3A_1233, %get3A_1234, %get3A_1235] {strides = array<i32>} : memref<2x800x32xf32, #tpu.memory_space<vmem>>, vector<1x1x16xf32>,
        %get3A_1237 = vector.shape_cast %get3A_1236 : vector<1x1x16xf32> to vector<16xf32>
        %add3A_1238 = arith.addf %add3A_1202, %get3A_1229 : vector<16xf32>
        %add3A_1239 = arith.addf %add3A_1203, %get3A_1237 : vector<16xf32>
        %add3A_1240 = arith.constant 5 : i32
        %add3A_1241 = arith.addi %add3A_1150, %add3A_1240 : i32
        %get3A_1242 = arith.constant 0 : i32
        %get3A_1243 = arith.index_cast %get3A_1242 : i32 to index
        %get3A_1244 = arith.index_cast %add3A_1241 : i32 to index
        %get3A_1245 = arith.constant 0 : index
        %get3A_1246 = tpu.vector_load %arg9[%get3A_1243, %get3A_1244, %get3A_1245] {strides = array<i32>} : memref<2x800x32xf32, #tpu.memory_space<vmem>>, vector<1x1x16xf32>,
        %get3A_1247 = vector.shape_cast %get3A_1246 : vector<1x1x16xf32> to vector<16xf32>
        %add3A_1248 = arith.constant 5 : i32
        %add3A_1249 = arith.addi %add3A_1150, %add3A_1248 : i32
        %get3A_1250 = arith.constant 0 : i32
        %get3A_1251 = arith.index_cast %get3A_1250 : i32 to index
        %get3A_1252 = arith.index_cast %add3A_1249 : i32 to index
        %get3A_1253 = arith.constant 16 : index
        %get3A_1254 = tpu.vector_load %arg9[%get3A_1251, %get3A_1252, %get3A_1253] {strides = array<i32>} : memref<2x800x32xf32, #tpu.memory_space<vmem>>, vector<1x1x16xf32>,
        %get3A_1255 = vector.shape_cast %get3A_1254 : vector<1x1x16xf32> to vector<16xf32>
        %add3A_1256 = arith.addf %add3A_1220, %get3A_1247 : vector<16xf32>
        %add3A_1257 = arith.addf %add3A_1221, %get3A_1255 : vector<16xf32>
        %add3A_1258 = arith.constant 6 : i32
        %add3A_1259 = arith.addi %add3A_1150, %add3A_1258 : i32
        %get3A_1260 = arith.constant 0 : i32
        %get3A_1261 = arith.index_cast %get3A_1260 : i32 to index
        %get3A_1262 = arith.index_cast %add3A_1259 : i32 to index
        %get3A_1263 = arith.constant 0 : index
        %get3A_1264 = tpu.vector_load %arg9[%get3A_1261, %get3A_1262, %get3A_1263] {strides = array<i32>} : memref<2x800x32xf32, #tpu.memory_space<vmem>>, vector<1x1x16xf32>,
        %get3A_1265 = vector.shape_cast %get3A_1264 : vector<1x1x16xf32> to vector<16xf32>
        %add3A_1266 = arith.constant 6 : i32
        %add3A_1267 = arith.addi %add3A_1150, %add3A_1266 : i32
        %get3A_1268 = arith.constant 0 : i32
        %get3A_1269 = arith.index_cast %get3A_1268 : i32 to index
        %get3A_1270 = arith.index_cast %add3A_1267 : i32 to index
        %get3A_1271 = arith.constant 16 : index
        %get3A_1272 = tpu.vector_load %arg9[%get3A_1269, %get3A_1270, %get3A_1271] {strides = array<i32>} : memref<2x800x32xf32, #tpu.memory_space<vmem>>, vector<1x1x16xf32>,
        %get3A_1273 = vector.shape_cast %get3A_1272 : vector<1x1x16xf32> to vector<16xf32>
        %add3A_1274 = arith.addf %add3A_1238, %get3A_1265 : vector<16xf32>
        %add3A_1275 = arith.addf %add3A_1239, %get3A_1273 : vector<16xf32>
        %add3A_1276 = arith.constant 7 : i32
        %add3A_1277 = arith.addi %add3A_1150, %add3A_1276 : i32
        %get3A_1278 = arith.constant 0 : i32
        %get3A_1279 = arith.index_cast %get3A_1278 : i32 to index
        %get3A_1280 = arith.index_cast %add3A_1277 : i32 to index
        %get3A_1281 = arith.constant 0 : index
        %get3A_1282 = tpu.vector_load %arg9[%get3A_1279, %get3A_1280, %get3A_1281] {strides = array<i32>} : memref<2x800x32xf32, #tpu.memory_space<vmem>>, vector<1x1x16xf32>,
        %get3A_1283 = vector.shape_cast %get3A_1282 : vector<1x1x16xf32> to vector<16xf32>
        %add3A_1284 = arith.constant 7 : i32
        %add3A_1285 = arith.addi %add3A_1150, %add3A_1284 : i32
        %get3A_1286 = arith.constant 0 : i32
        %get3A_1287 = arith.index_cast %get3A_1286 : i32 to index
        %get3A_1288 = arith.index_cast %add3A_1285 : i32 to index
        %get3A_1289 = arith.constant 16 : index
        %get3A_1290 = tpu.vector_load %arg9[%get3A_1287, %get3A_1288, %get3A_1289] {strides = array<i32>} : memref<2x800x32xf32, #tpu.memory_space<vmem>>, vector<1x1x16xf32>,
        %get3A_1291 = vector.shape_cast %get3A_1290 : vector<1x1x16xf32> to vector<16xf32>
        %add3A_1292 = arith.addf %add3A_1256, %get3A_1283 : vector<16xf32>
        %add3A_1293 = arith.addf %add3A_1257, %get3A_1291 : vector<16xf32>
        scf.yield %add3A_1274, %add3A_1275, %add3A_1292, %add3A_1293 : vector<16xf32>, vector<16xf32>, vector<16xf32>, vector<16xf32>
      }
      %scan3A_727 = arith.constant 25 : i32
      %add3A_728 = arith.addf %scan3A_726#0, %scan3A_726#2 : vector<16xf32>
      %add3A_729 = arith.addf %scan3A_726#1, %scan3A_726#3 : vector<16xf32>
      %broadcast_in_dim3A_730 = arith.constant 0.000000e+00 : f32
      %broadcast_in_dim3A_731 = vector.broadcast %broadcast_in_dim3A_730 : f32 to vector<16xf32>
      %scan3A_732 = arith.constant 0 : i32
      %scan3A_733 = arith.constant 5 : i32
      %scan3A_734 = arith.addi %scan3A_732, %scan3A_733 : i32
      %scan3A_735 = arith.constant 1 : i32
      %scan3A_736:4 = scf.for %scan3A_1142 = %scan3A_732 to %scan3A_734 step %scan3A_735 iter_args(%scan3A_1143 = %broadcast_in_dim3A_731, %scan3A_1144 = %broadcast_in_dim3A_731, %scan3A_1145 = %broadcast_in_dim3A_731, %scan3A_1146 = %broadcast_in_dim3A_731) -> (vector<16xf32>, vector<16xf32>, vector<16xf32>, vector<16xf32>)  : i32 {
        %mul3A_1147 = arith.constant 10 : i32
        %mul3A_1148 = arith.muli %scan3A_1142, %mul3A_1147 : i32
        %add3A_1149 = arith.constant 50 : i32
        %add3A_1150 = arith.addi %add3A_1149, %mul3A_1148 : i32
        %add3A_1151 = arith.constant 0 : i32
        %add3A_1152 = arith.addi %add3A_1150, %add3A_1151 : i32
        %get3A = arith.constant 0 : i32
        %get3A_1153 = arith.index_cast %get3A : i32 to index
        %get3A_1154 = arith.index_cast %add3A_1152 : i32 to index
        %get3A_1155 = arith.constant 0 : index
        %get3A_1156 = tpu.vector_load %arg10[%get3A_1153, %get3A_1154, %get3A_1155] {strides = array<i32>} : memref<2x200x32xf32, #tpu.memory_space<vmem>>, vector<1x1x16xf32>,
        %get3A_1157 = vector.shape_cast %get3A_1156 : vector<1x1x16xf32> to vector<16xf32>
        %add3A_1158 = arith.constant 0 : i32
        %add3A_1159 = arith.addi %add3A_1150, %add3A_1158 : i32
        %get3A_1160 = arith.constant 0 : i32
        %get3A_1161 = arith.index_cast %get3A_1160 : i32 to index
        %get3A_1162 = arith.index_cast %add3A_1159 : i32 to index
        %get3A_1163 = arith.constant 16 : index
        %get3A_1164 = tpu.vector_load %arg10[%get3A_1161, %get3A_1162, %get3A_1163] {strides = array<i32>} : memref<2x200x32xf32, #tpu.memory_space<vmem>>, vector<1x1x16xf32>,
        %get3A_1165 = vector.shape_cast %get3A_1164 : vector<1x1x16xf32> to vector<16xf32>
        %add3A_1166 = arith.addf %scan3A_1143, %get3A_1157 : vector<16xf32>
        %add3A_1167 = arith.addf %scan3A_1144, %get3A_1165 : vector<16xf32>
        %add3A_1168 = arith.constant 1 : i32
        %add3A_1169 = arith.addi %add3A_1150, %add3A_1168 : i32
        %get3A_1170 = arith.constant 0 : i32
        %get3A_1171 = arith.index_cast %get3A_1170 : i32 to index
        %get3A_1172 = arith.index_cast %add3A_1169 : i32 to index
        %get3A_1173 = arith.constant 0 : index
        %get3A_1174 = tpu.vector_load %arg10[%get3A_1171, %get3A_1172, %get3A_1173] {strides = array<i32>} : memref<2x200x32xf32, #tpu.memory_space<vmem>>, vector<1x1x16xf32>,
        %get3A_1175 = vector.shape_cast %get3A_1174 : vector<1x1x16xf32> to vector<16xf32>
        %add3A_1176 = arith.constant 1 : i32
        %add3A_1177 = arith.addi %add3A_1150, %add3A_1176 : i32
        %get3A_1178 = arith.constant 0 : i32
        %get3A_1179 = arith.index_cast %get3A_1178 : i32 to index
        %get3A_1180 = arith.index_cast %add3A_1177 : i32 to index
        %get3A_1181 = arith.constant 16 : index
        %get3A_1182 = tpu.vector_load %arg10[%get3A_1179, %get3A_1180, %get3A_1181] {strides = array<i32>} : memref<2x200x32xf32, #tpu.memory_space<vmem>>, vector<1x1x16xf32>,
        %get3A_1183 = vector.shape_cast %get3A_1182 : vector<1x1x16xf32> to vector<16xf32>
        %add3A_1184 = arith.addf %scan3A_1145, %get3A_1175 : vector<16xf32>
        %add3A_1185 = arith.addf %scan3A_1146, %get3A_1183 : vector<16xf32>
        %add3A_1186 = arith.constant 2 : i32
        %add3A_1187 = arith.addi %add3A_1150, %add3A_1186 : i32
        %get3A_1188 = arith.constant 0 : i32
        %get3A_1189 = arith.index_cast %get3A_1188 : i32 to index
        %get3A_1190 = arith.index_cast %add3A_1187 : i32 to index
        %get3A_1191 = arith.constant 0 : index
        %get3A_1192 = tpu.vector_load %arg10[%get3A_1189, %get3A_1190, %get3A_1191] {strides = array<i32>} : memref<2x200x32xf32, #tpu.memory_space<vmem>>, vector<1x1x16xf32>,
        %get3A_1193 = vector.shape_cast %get3A_1192 : vector<1x1x16xf32> to vector<16xf32>
        %add3A_1194 = arith.constant 2 : i32
        %add3A_1195 = arith.addi %add3A_1150, %add3A_1194 : i32
        %get3A_1196 = arith.constant 0 : i32
        %get3A_1197 = arith.index_cast %get3A_1196 : i32 to index
        %get3A_1198 = arith.index_cast %add3A_1195 : i32 to index
        %get3A_1199 = arith.constant 16 : index
        %get3A_1200 = tpu.vector_load %arg10[%get3A_1197, %get3A_1198, %get3A_1199] {strides = array<i32>} : memref<2x200x32xf32, #tpu.memory_space<vmem>>, vector<1x1x16xf32>,
        %get3A_1201 = vector.shape_cast %get3A_1200 : vector<1x1x16xf32> to vector<16xf32>
        %add3A_1202 = arith.addf %add3A_1166, %get3A_1193 : vector<16xf32>
        %add3A_1203 = arith.addf %add3A_1167, %get3A_1201 : vector<16xf32>
        %add3A_1204 = arith.constant 3 : i32
        %add3A_1205 = arith.addi %add3A_1150, %add3A_1204 : i32
        %get3A_1206 = arith.constant 0 : i32
        %get3A_1207 = arith.index_cast %get3A_1206 : i32 to index
        %get3A_1208 = arith.index_cast %add3A_1205 : i32 to index
        %get3A_1209 = arith.constant 0 : index
        %get3A_1210 = tpu.vector_load %arg10[%get3A_1207, %get3A_1208, %get3A_1209] {strides = array<i32>} : memref<2x200x32xf32, #tpu.memory_space<vmem>>, vector<1x1x16xf32>,
        %get3A_1211 = vector.shape_cast %get3A_1210 : vector<1x1x16xf32> to vector<16xf32>
        %add3A_1212 = arith.constant 3 : i32
        %add3A_1213 = arith.addi %add3A_1150, %add3A_1212 : i32
        %get3A_1214 = arith.constant 0 : i32
        %get3A_1215 = arith.index_cast %get3A_1214 : i32 to index
        %get3A_1216 = arith.index_cast %add3A_1213 : i32 to index
        %get3A_1217 = arith.constant 16 : index
        %get3A_1218 = tpu.vector_load %arg10[%get3A_1215, %get3A_1216, %get3A_1217] {strides = array<i32>} : memref<2x200x32xf32, #tpu.memory_space<vmem>>, vector<1x1x16xf32>,
        %get3A_1219 = vector.shape_cast %get3A_1218 : vector<1x1x16xf32> to vector<16xf32>
        %add3A_1220 = arith.addf %add3A_1184, %get3A_1211 : vector<16xf32>
        %add3A_1221 = arith.addf %add3A_1185, %get3A_1219 : vector<16xf32>
        %add3A_1222 = arith.constant 4 : i32
        %add3A_1223 = arith.addi %add3A_1150, %add3A_1222 : i32
        %get3A_1224 = arith.constant 0 : i32
        %get3A_1225 = arith.index_cast %get3A_1224 : i32 to index
        %get3A_1226 = arith.index_cast %add3A_1223 : i32 to index
        %get3A_1227 = arith.constant 0 : index
        %get3A_1228 = tpu.vector_load %arg10[%get3A_1225, %get3A_1226, %get3A_1227] {strides = array<i32>} : memref<2x200x32xf32, #tpu.memory_space<vmem>>, vector<1x1x16xf32>,
        %get3A_1229 = vector.shape_cast %get3A_1228 : vector<1x1x16xf32> to vector<16xf32>
        %add3A_1230 = arith.constant 4 : i32
        %add3A_1231 = arith.addi %add3A_1150, %add3A_1230 : i32
        %get3A_1232 = arith.constant 0 : i32
        %get3A_1233 = arith.index_cast %get3A_1232 : i32 to index
        %get3A_1234 = arith.index_cast %add3A_1231 : i32 to index
        %get3A_1235 = arith.constant 16 : index
        %get3A_1236 = tpu.vector_load %arg10[%get3A_1233, %get3A_1234, %get3A_1235] {strides = array<i32>} : memref<2x200x32xf32, #tpu.memory_space<vmem>>, vector<1x1x16xf32>,
        %get3A_1237 = vector.shape_cast %get3A_1236 : vector<1x1x16xf32> to vector<16xf32>
        %add3A_1238 = arith.addf %add3A_1202, %get3A_1229 : vector<16xf32>
        %add3A_1239 = arith.addf %add3A_1203, %get3A_1237 : vector<16xf32>
        %add3A_1240 = arith.constant 5 : i32
        %add3A_1241 = arith.addi %add3A_1150, %add3A_1240 : i32
        %get3A_1242 = arith.constant 0 : i32
        %get3A_1243 = arith.index_cast %get3A_1242 : i32 to index
        %get3A_1244 = arith.index_cast %add3A_1241 : i32 to index
        %get3A_1245 = arith.constant 0 : index
        %get3A_1246 = tpu.vector_load %arg10[%get3A_1243, %get3A_1244, %get3A_1245] {strides = array<i32>} : memref<2x200x32xf32, #tpu.memory_space<vmem>>, vector<1x1x16xf32>,
        %get3A_1247 = vector.shape_cast %get3A_1246 : vector<1x1x16xf32> to vector<16xf32>
        %add3A_1248 = arith.constant 5 : i32
        %add3A_1249 = arith.addi %add3A_1150, %add3A_1248 : i32
        %get3A_1250 = arith.constant 0 : i32
        %get3A_1251 = arith.index_cast %get3A_1250 : i32 to index
        %get3A_1252 = arith.index_cast %add3A_1249 : i32 to index
        %get3A_1253 = arith.constant 16 : index
        %get3A_1254 = tpu.vector_load %arg10[%get3A_1251, %get3A_1252, %get3A_1253] {strides = array<i32>} : memref<2x200x32xf32, #tpu.memory_space<vmem>>, vector<1x1x16xf32>,
        %get3A_1255 = vector.shape_cast %get3A_1254 : vector<1x1x16xf32> to vector<16xf32>
        %add3A_1256 = arith.addf %add3A_1220, %get3A_1247 : vector<16xf32>
        %add3A_1257 = arith.addf %add3A_1221, %get3A_1255 : vector<16xf32>
        %add3A_1258 = arith.constant 6 : i32
        %add3A_1259 = arith.addi %add3A_1150, %add3A_1258 : i32
        %get3A_1260 = arith.constant 0 : i32
        %get3A_1261 = arith.index_cast %get3A_1260 : i32 to index
        %get3A_1262 = arith.index_cast %add3A_1259 : i32 to index
        %get3A_1263 = arith.constant 0 : index
        %get3A_1264 = tpu.vector_load %arg10[%get3A_1261, %get3A_1262, %get3A_1263] {strides = array<i32>} : memref<2x200x32xf32, #tpu.memory_space<vmem>>, vector<1x1x16xf32>,
        %get3A_1265 = vector.shape_cast %get3A_1264 : vector<1x1x16xf32> to vector<16xf32>
        %add3A_1266 = arith.constant 6 : i32
        %add3A_1267 = arith.addi %add3A_1150, %add3A_1266 : i32
        %get3A_1268 = arith.constant 0 : i32
        %get3A_1269 = arith.index_cast %get3A_1268 : i32 to index
        %get3A_1270 = arith.index_cast %add3A_1267 : i32 to index
        %get3A_1271 = arith.constant 16 : index
        %get3A_1272 = tpu.vector_load %arg10[%get3A_1269, %get3A_1270, %get3A_1271] {strides = array<i32>} : memref<2x200x32xf32, #tpu.memory_space<vmem>>, vector<1x1x16xf32>,
        %get3A_1273 = vector.shape_cast %get3A_1272 : vector<1x1x16xf32> to vector<16xf32>
        %add3A_1274 = arith.addf %add3A_1238, %get3A_1265 : vector<16xf32>
        %add3A_1275 = arith.addf %add3A_1239, %get3A_1273 : vector<16xf32>
        %add3A_1276 = arith.constant 7 : i32
        %add3A_1277 = arith.addi %add3A_1150, %add3A_1276 : i32
        %get3A_1278 = arith.constant 0 : i32
        %get3A_1279 = arith.index_cast %get3A_1278 : i32 to index
        %get3A_1280 = arith.index_cast %add3A_1277 : i32 to index
        %get3A_1281 = arith.constant 0 : index
        %get3A_1282 = tpu.vector_load %arg10[%get3A_1279, %get3A_1280, %get3A_1281] {strides = array<i32>} : memref<2x200x32xf32, #tpu.memory_space<vmem>>, vector<1x1x16xf32>,
        %get3A_1283 = vector.shape_cast %get3A_1282 : vector<1x1x16xf32> to vector<16xf32>
        %add3A_1284 = arith.constant 7 : i32
        %add3A_1285 = arith.addi %add3A_1150, %add3A_1284 : i32
        %get3A_1286 = arith.constant 0 : i32
        %get3A_1287 = arith.index_cast %get3A_1286 : i32 to index
        %get3A_1288 = arith.index_cast %add3A_1285 : i32 to index
        %get3A_1289 = arith.constant 16 : index
        %get3A_1290 = tpu.vector_load %arg10[%get3A_1287, %get3A_1288, %get3A_1289] {strides = array<i32>} : memref<2x200x32xf32, #tpu.memory_space<vmem>>, vector<1x1x16xf32>,
        %get3A_1291 = vector.shape_cast %get3A_1290 : vector<1x1x16xf32> to vector<16xf32>
        %add3A_1292 = arith.addf %add3A_1256, %get3A_1283 : vector<16xf32>
        %add3A_1293 = arith.addf %add3A_1257, %get3A_1291 : vector<16xf32>
        %add3A_1294 = arith.constant 8 : i32
        %add3A_1295 = arith.addi %add3A_1150, %add3A_1294 : i32
        %get3A_1296 = arith.constant 0 : i32
        %get3A_1297 = arith.index_cast %get3A_1296 : i32 to index
        %get3A_1298 = arith.index_cast %add3A_1295 : i32 to index
        %get3A_1299 = arith.constant 0 : index
        %get3A_1300 = tpu.vector_load %arg10[%get3A_1297, %get3A_1298, %get3A_1299] {strides = array<i32>} : memref<2x200x32xf32, #tpu.memory_space<vmem>>, vector<1x1x16xf32>,
        %get3A_1301 = vector.shape_cast %get3A_1300 : vector<1x1x16xf32> to vector<16xf32>
        %add3A_1302 = arith.constant 8 : i32
        %add3A_1303 = arith.addi %add3A_1150, %add3A_1302 : i32
        %get3A_1304 = arith.constant 0 : i32
        %get3A_1305 = arith.index_cast %get3A_1304 : i32 to index
        %get3A_1306 = arith.index_cast %add3A_1303 : i32 to index
        %get3A_1307 = arith.constant 16 : index
        %get3A_1308 = tpu.vector_load %arg10[%get3A_1305, %get3A_1306, %get3A_1307] {strides = array<i32>} : memref<2x200x32xf32, #tpu.memory_space<vmem>>, vector<1x1x16xf32>,
        %get3A_1309 = vector.shape_cast %get3A_1308 : vector<1x1x16xf32> to vector<16xf32>
        %add3A_1310 = arith.addf %add3A_1274, %get3A_1301 : vector<16xf32>
        %add3A_1311 = arith.addf %add3A_1275, %get3A_1309 : vector<16xf32>
        %add3A_1312 = arith.constant 9 : i32
        %add3A_1313 = arith.addi %add3A_1150, %add3A_1312 : i32
        %get3A_1314 = arith.constant 0 : i32
        %get3A_1315 = arith.index_cast %get3A_1314 : i32 to index
        %get3A_1316 = arith.index_cast %add3A_1313 : i32 to index
        %get3A_1317 = arith.constant 0 : index
        %get3A_1318 = tpu.vector_load %arg10[%get3A_1315, %get3A_1316, %get3A_1317] {strides = array<i32>} : memref<2x200x32xf32, #tpu.memory_space<vmem>>, vector<1x1x16xf32>,
        %get3A_1319 = vector.shape_cast %get3A_1318 : vector<1x1x16xf32> to vector<16xf32>
        %add3A_1320 = arith.constant 9 : i32
        %add3A_1321 = arith.addi %add3A_1150, %add3A_1320 : i32
        %get3A_1322 = arith.constant 0 : i32
        %get3A_1323 = arith.index_cast %get3A_1322 : i32 to index
        %get3A_1324 = arith.index_cast %add3A_1321 : i32 to index
        %get3A_1325 = arith.constant 16 : index
        %get3A_1326 = tpu.vector_load %arg10[%get3A_1323, %get3A_1324, %get3A_1325] {strides = array<i32>} : memref<2x200x32xf32, #tpu.memory_space<vmem>>, vector<1x1x16xf32>,
        %get3A_1327 = vector.shape_cast %get3A_1326 : vector<1x1x16xf32> to vector<16xf32>
        %add3A_1328 = arith.addf %add3A_1292, %get3A_1319 : vector<16xf32>
        %add3A_1329 = arith.addf %add3A_1293, %get3A_1327 : vector<16xf32>
        scf.yield %add3A_1310, %add3A_1311, %add3A_1328, %add3A_1329 : vector<16xf32>, vector<16xf32>, vector<16xf32>, vector<16xf32>
      }
      %scan3A_737 = arith.constant 5 : i32
      %add3A_738 = arith.addf %scan3A_736#0, %scan3A_736#2 : vector<16xf32>
      %add3A_739 = arith.addf %scan3A_736#1, %scan3A_736#3 : vector<16xf32>
      %mul3A_740 = arith.constant 5.000000e-03 : f32
      %mul3A_741 = vector.broadcast %mul3A_740 : f32 to vector<16xf32>
      %mul3A_742 = arith.mulf %add3A_728, %mul3A_741 : vector<16xf32>
      %swap3A_743 = arith.index_cast %add3A_719 : i32 to index
      %swap3A_744 = arith.constant 0 : index
      %swap3A_745 = tpu.vector_load %arg11[%swap3A_743, %swap3A_744] {strides = array<i32>} : memref<512x64xf32, #tpu.memory_space<vmem>>, vector<1x16xf32>,
      %swap3A_746 = vector.shape_cast %swap3A_745 : vector<1x16xf32> to vector<16xf32>
      %swap3A_747 = vector.shape_cast %mul3A_742 : vector<16xf32> to vector<1x16xf32>
      tpu.vector_store %arg11[%swap3A_743, %swap3A_744], %swap3A_747 {strides = array<i32>} : memref<512x64xf32, #tpu.memory_space<vmem>>, vector<1x16xf32>,
      %mul3A_748 = arith.constant 5.000000e-03 : f32
      %mul3A_749 = vector.broadcast %mul3A_748 : f32 to vector<16xf32>
      %mul3A_750 = arith.mulf %add3A_729, %mul3A_749 : vector<16xf32>
      %swap3A_751 = arith.index_cast %add3A_719 : i32 to index
      %swap3A_752 = arith.constant 16 : index
      %swap3A_753 = tpu.vector_load %arg11[%swap3A_751, %swap3A_752] {strides = array<i32>} : memref<512x64xf32, #tpu.memory_space<vmem>>, vector<1x16xf32>,
      %swap3A_754 = vector.shape_cast %swap3A_753 : vector<1x16xf32> to vector<16xf32>
      %swap3A_755 = vector.shape_cast %mul3A_750 : vector<16xf32> to vector<1x16xf32>
      tpu.vector_store %arg11[%swap3A_751, %swap3A_752], %swap3A_755 {strides = array<i32>} : memref<512x64xf32, #tpu.memory_space<vmem>>, vector<1x16xf32>,
      %mul3A_756 = arith.constant 2.000000e-02 : f32
      %mul3A_757 = vector.broadcast %mul3A_756 : f32 to vector<16xf32>
      %mul3A_758 = arith.mulf %add3A_738, %mul3A_757 : vector<16xf32>
      %swap3A_759 = arith.index_cast %add3A_719 : i32 to index
      %swap3A_760 = arith.constant 32 : index
      %swap3A_761 = tpu.vector_load %arg11[%swap3A_759, %swap3A_760] {strides = array<i32>} : memref<512x64xf32, #tpu.memory_space<vmem>>, vector<1x16xf32>,
      %swap3A_762 = vector.shape_cast %swap3A_761 : vector<1x16xf32> to vector<16xf32>
      %swap3A_763 = vector.shape_cast %mul3A_758 : vector<16xf32> to vector<1x16xf32>
      tpu.vector_store %arg11[%swap3A_759, %swap3A_760], %swap3A_763 {strides = array<i32>} : memref<512x64xf32, #tpu.memory_space<vmem>>, vector<1x16xf32>,
      %mul3A_764 = arith.constant 2.000000e-02 : f32
      %mul3A_765 = vector.broadcast %mul3A_764 : f32 to vector<16xf32>
      %mul3A_766 = arith.mulf %add3A_739, %mul3A_765 : vector<16xf32>
      %swap3A_767 = arith.index_cast %add3A_719 : i32 to index
      %swap3A_768 = arith.constant 48 : index
      %swap3A_769 = tpu.vector_load %arg11[%swap3A_767, %swap3A_768] {strides = array<i32>} : memref<512x64xf32, #tpu.memory_space<vmem>>, vector<1x16xf32>,
      %swap3A_770 = vector.shape_cast %swap3A_769 : vector<1x16xf32> to vector<16xf32>
      %swap3A_771 = vector.shape_cast %mul3A_766 : vector<16xf32> to vector<1x16xf32>
      tpu.vector_store %arg11[%swap3A_767, %swap3A_768], %swap3A_771 {strides = array<i32>} : memref<512x64xf32, #tpu.memory_space<vmem>>, vector<1x16xf32>,
      %mul3A_772 = arith.constant 4 : i32
      %mul3A_773 = arith.muli %mul3A_318, %mul3A_772 : i32
      %add3A_774 = arith.constant 2 : i32
      %add3A_775 = arith.addi %mul3A_773, %add3A_774 : i32
      %broadcast_in_dim3A_776 = arith.constant 0.000000e+00 : f32
      %broadcast_in_dim3A_777 = vector.broadcast %broadcast_in_dim3A_776 : f32 to vector<16xf32>
      %scan3A_778 = arith.constant 0 : i32
      %scan3A_779 = arith.constant 25 : i32
      %scan3A_780 = arith.addi %scan3A_778, %scan3A_779 : i32
      %scan3A_781 = arith.constant 1 : i32
      %scan3A_782:4 = scf.for %scan3A_1142 = %scan3A_778 to %scan3A_780 step %scan3A_781 iter_args(%scan3A_1143 = %broadcast_in_dim3A_777, %scan3A_1144 = %broadcast_in_dim3A_777, %scan3A_1145 = %broadcast_in_dim3A_777, %scan3A_1146 = %broadcast_in_dim3A_777) -> (vector<16xf32>, vector<16xf32>, vector<16xf32>, vector<16xf32>)  : i32 {
        %mul3A_1147 = arith.constant 8 : i32
        %mul3A_1148 = arith.muli %scan3A_1142, %mul3A_1147 : i32
        %add3A_1149 = arith.constant 400 : i32
        %add3A_1150 = arith.addi %add3A_1149, %mul3A_1148 : i32
        %add3A_1151 = arith.constant 0 : i32
        %add3A_1152 = arith.addi %add3A_1150, %add3A_1151 : i32
        %get3A = arith.constant 0 : i32
        %get3A_1153 = arith.index_cast %get3A : i32 to index
        %get3A_1154 = arith.index_cast %add3A_1152 : i32 to index
        %get3A_1155 = arith.constant 0 : index
        %get3A_1156 = tpu.vector_load %arg9[%get3A_1153, %get3A_1154, %get3A_1155] {strides = array<i32>} : memref<2x800x32xf32, #tpu.memory_space<vmem>>, vector<1x1x16xf32>,
        %get3A_1157 = vector.shape_cast %get3A_1156 : vector<1x1x16xf32> to vector<16xf32>
        %add3A_1158 = arith.constant 0 : i32
        %add3A_1159 = arith.addi %add3A_1150, %add3A_1158 : i32
        %get3A_1160 = arith.constant 0 : i32
        %get3A_1161 = arith.index_cast %get3A_1160 : i32 to index
        %get3A_1162 = arith.index_cast %add3A_1159 : i32 to index
        %get3A_1163 = arith.constant 16 : index
        %get3A_1164 = tpu.vector_load %arg9[%get3A_1161, %get3A_1162, %get3A_1163] {strides = array<i32>} : memref<2x800x32xf32, #tpu.memory_space<vmem>>, vector<1x1x16xf32>,
        %get3A_1165 = vector.shape_cast %get3A_1164 : vector<1x1x16xf32> to vector<16xf32>
        %add3A_1166 = arith.addf %scan3A_1143, %get3A_1157 : vector<16xf32>
        %add3A_1167 = arith.addf %scan3A_1144, %get3A_1165 : vector<16xf32>
        %add3A_1168 = arith.constant 1 : i32
        %add3A_1169 = arith.addi %add3A_1150, %add3A_1168 : i32
        %get3A_1170 = arith.constant 0 : i32
        %get3A_1171 = arith.index_cast %get3A_1170 : i32 to index
        %get3A_1172 = arith.index_cast %add3A_1169 : i32 to index
        %get3A_1173 = arith.constant 0 : index
        %get3A_1174 = tpu.vector_load %arg9[%get3A_1171, %get3A_1172, %get3A_1173] {strides = array<i32>} : memref<2x800x32xf32, #tpu.memory_space<vmem>>, vector<1x1x16xf32>,
        %get3A_1175 = vector.shape_cast %get3A_1174 : vector<1x1x16xf32> to vector<16xf32>
        %add3A_1176 = arith.constant 1 : i32
        %add3A_1177 = arith.addi %add3A_1150, %add3A_1176 : i32
        %get3A_1178 = arith.constant 0 : i32
        %get3A_1179 = arith.index_cast %get3A_1178 : i32 to index
        %get3A_1180 = arith.index_cast %add3A_1177 : i32 to index
        %get3A_1181 = arith.constant 16 : index
        %get3A_1182 = tpu.vector_load %arg9[%get3A_1179, %get3A_1180, %get3A_1181] {strides = array<i32>} : memref<2x800x32xf32, #tpu.memory_space<vmem>>, vector<1x1x16xf32>,
        %get3A_1183 = vector.shape_cast %get3A_1182 : vector<1x1x16xf32> to vector<16xf32>
        %add3A_1184 = arith.addf %scan3A_1145, %get3A_1175 : vector<16xf32>
        %add3A_1185 = arith.addf %scan3A_1146, %get3A_1183 : vector<16xf32>
        %add3A_1186 = arith.constant 2 : i32
        %add3A_1187 = arith.addi %add3A_1150, %add3A_1186 : i32
        %get3A_1188 = arith.constant 0 : i32
        %get3A_1189 = arith.index_cast %get3A_1188 : i32 to index
        %get3A_1190 = arith.index_cast %add3A_1187 : i32 to index
        %get3A_1191 = arith.constant 0 : index
        %get3A_1192 = tpu.vector_load %arg9[%get3A_1189, %get3A_1190, %get3A_1191] {strides = array<i32>} : memref<2x800x32xf32, #tpu.memory_space<vmem>>, vector<1x1x16xf32>,
        %get3A_1193 = vector.shape_cast %get3A_1192 : vector<1x1x16xf32> to vector<16xf32>
        %add3A_1194 = arith.constant 2 : i32
        %add3A_1195 = arith.addi %add3A_1150, %add3A_1194 : i32
        %get3A_1196 = arith.constant 0 : i32
        %get3A_1197 = arith.index_cast %get3A_1196 : i32 to index
        %get3A_1198 = arith.index_cast %add3A_1195 : i32 to index
        %get3A_1199 = arith.constant 16 : index
        %get3A_1200 = tpu.vector_load %arg9[%get3A_1197, %get3A_1198, %get3A_1199] {strides = array<i32>} : memref<2x800x32xf32, #tpu.memory_space<vmem>>, vector<1x1x16xf32>,
        %get3A_1201 = vector.shape_cast %get3A_1200 : vector<1x1x16xf32> to vector<16xf32>
        %add3A_1202 = arith.addf %add3A_1166, %get3A_1193 : vector<16xf32>
        %add3A_1203 = arith.addf %add3A_1167, %get3A_1201 : vector<16xf32>
        %add3A_1204 = arith.constant 3 : i32
        %add3A_1205 = arith.addi %add3A_1150, %add3A_1204 : i32
        %get3A_1206 = arith.constant 0 : i32
        %get3A_1207 = arith.index_cast %get3A_1206 : i32 to index
        %get3A_1208 = arith.index_cast %add3A_1205 : i32 to index
        %get3A_1209 = arith.constant 0 : index
        %get3A_1210 = tpu.vector_load %arg9[%get3A_1207, %get3A_1208, %get3A_1209] {strides = array<i32>} : memref<2x800x32xf32, #tpu.memory_space<vmem>>, vector<1x1x16xf32>,
        %get3A_1211 = vector.shape_cast %get3A_1210 : vector<1x1x16xf32> to vector<16xf32>
        %add3A_1212 = arith.constant 3 : i32
        %add3A_1213 = arith.addi %add3A_1150, %add3A_1212 : i32
        %get3A_1214 = arith.constant 0 : i32
        %get3A_1215 = arith.index_cast %get3A_1214 : i32 to index
        %get3A_1216 = arith.index_cast %add3A_1213 : i32 to index
        %get3A_1217 = arith.constant 16 : index
        %get3A_1218 = tpu.vector_load %arg9[%get3A_1215, %get3A_1216, %get3A_1217] {strides = array<i32>} : memref<2x800x32xf32, #tpu.memory_space<vmem>>, vector<1x1x16xf32>,
        %get3A_1219 = vector.shape_cast %get3A_1218 : vector<1x1x16xf32> to vector<16xf32>
        %add3A_1220 = arith.addf %add3A_1184, %get3A_1211 : vector<16xf32>
        %add3A_1221 = arith.addf %add3A_1185, %get3A_1219 : vector<16xf32>
        %add3A_1222 = arith.constant 4 : i32
        %add3A_1223 = arith.addi %add3A_1150, %add3A_1222 : i32
        %get3A_1224 = arith.constant 0 : i32
        %get3A_1225 = arith.index_cast %get3A_1224 : i32 to index
        %get3A_1226 = arith.index_cast %add3A_1223 : i32 to index
        %get3A_1227 = arith.constant 0 : index
        %get3A_1228 = tpu.vector_load %arg9[%get3A_1225, %get3A_1226, %get3A_1227] {strides = array<i32>} : memref<2x800x32xf32, #tpu.memory_space<vmem>>, vector<1x1x16xf32>,
        %get3A_1229 = vector.shape_cast %get3A_1228 : vector<1x1x16xf32> to vector<16xf32>
        %add3A_1230 = arith.constant 4 : i32
        %add3A_1231 = arith.addi %add3A_1150, %add3A_1230 : i32
        %get3A_1232 = arith.constant 0 : i32
        %get3A_1233 = arith.index_cast %get3A_1232 : i32 to index
        %get3A_1234 = arith.index_cast %add3A_1231 : i32 to index
        %get3A_1235 = arith.constant 16 : index
        %get3A_1236 = tpu.vector_load %arg9[%get3A_1233, %get3A_1234, %get3A_1235] {strides = array<i32>} : memref<2x800x32xf32, #tpu.memory_space<vmem>>, vector<1x1x16xf32>,
        %get3A_1237 = vector.shape_cast %get3A_1236 : vector<1x1x16xf32> to vector<16xf32>
        %add3A_1238 = arith.addf %add3A_1202, %get3A_1229 : vector<16xf32>
        %add3A_1239 = arith.addf %add3A_1203, %get3A_1237 : vector<16xf32>
        %add3A_1240 = arith.constant 5 : i32
        %add3A_1241 = arith.addi %add3A_1150, %add3A_1240 : i32
        %get3A_1242 = arith.constant 0 : i32
        %get3A_1243 = arith.index_cast %get3A_1242 : i32 to index
        %get3A_1244 = arith.index_cast %add3A_1241 : i32 to index
        %get3A_1245 = arith.constant 0 : index
        %get3A_1246 = tpu.vector_load %arg9[%get3A_1243, %get3A_1244, %get3A_1245] {strides = array<i32>} : memref<2x800x32xf32, #tpu.memory_space<vmem>>, vector<1x1x16xf32>,
        %get3A_1247 = vector.shape_cast %get3A_1246 : vector<1x1x16xf32> to vector<16xf32>
        %add3A_1248 = arith.constant 5 : i32
        %add3A_1249 = arith.addi %add3A_1150, %add3A_1248 : i32
        %get3A_1250 = arith.constant 0 : i32
        %get3A_1251 = arith.index_cast %get3A_1250 : i32 to index
        %get3A_1252 = arith.index_cast %add3A_1249 : i32 to index
        %get3A_1253 = arith.constant 16 : index
        %get3A_1254 = tpu.vector_load %arg9[%get3A_1251, %get3A_1252, %get3A_1253] {strides = array<i32>} : memref<2x800x32xf32, #tpu.memory_space<vmem>>, vector<1x1x16xf32>,
        %get3A_1255 = vector.shape_cast %get3A_1254 : vector<1x1x16xf32> to vector<16xf32>
        %add3A_1256 = arith.addf %add3A_1220, %get3A_1247 : vector<16xf32>
        %add3A_1257 = arith.addf %add3A_1221, %get3A_1255 : vector<16xf32>
        %add3A_1258 = arith.constant 6 : i32
        %add3A_1259 = arith.addi %add3A_1150, %add3A_1258 : i32
        %get3A_1260 = arith.constant 0 : i32
        %get3A_1261 = arith.index_cast %get3A_1260 : i32 to index
        %get3A_1262 = arith.index_cast %add3A_1259 : i32 to index
        %get3A_1263 = arith.constant 0 : index
        %get3A_1264 = tpu.vector_load %arg9[%get3A_1261, %get3A_1262, %get3A_1263] {strides = array<i32>} : memref<2x800x32xf32, #tpu.memory_space<vmem>>, vector<1x1x16xf32>,
        %get3A_1265 = vector.shape_cast %get3A_1264 : vector<1x1x16xf32> to vector<16xf32>
        %add3A_1266 = arith.constant 6 : i32
        %add3A_1267 = arith.addi %add3A_1150, %add3A_1266 : i32
        %get3A_1268 = arith.constant 0 : i32
        %get3A_1269 = arith.index_cast %get3A_1268 : i32 to index
        %get3A_1270 = arith.index_cast %add3A_1267 : i32 to index
        %get3A_1271 = arith.constant 16 : index
        %get3A_1272 = tpu.vector_load %arg9[%get3A_1269, %get3A_1270, %get3A_1271] {strides = array<i32>} : memref<2x800x32xf32, #tpu.memory_space<vmem>>, vector<1x1x16xf32>,
        %get3A_1273 = vector.shape_cast %get3A_1272 : vector<1x1x16xf32> to vector<16xf32>
        %add3A_1274 = arith.addf %add3A_1238, %get3A_1265 : vector<16xf32>
        %add3A_1275 = arith.addf %add3A_1239, %get3A_1273 : vector<16xf32>
        %add3A_1276 = arith.constant 7 : i32
        %add3A_1277 = arith.addi %add3A_1150, %add3A_1276 : i32
        %get3A_1278 = arith.constant 0 : i32
        %get3A_1279 = arith.index_cast %get3A_1278 : i32 to index
        %get3A_1280 = arith.index_cast %add3A_1277 : i32 to index
        %get3A_1281 = arith.constant 0 : index
        %get3A_1282 = tpu.vector_load %arg9[%get3A_1279, %get3A_1280, %get3A_1281] {strides = array<i32>} : memref<2x800x32xf32, #tpu.memory_space<vmem>>, vector<1x1x16xf32>,
        %get3A_1283 = vector.shape_cast %get3A_1282 : vector<1x1x16xf32> to vector<16xf32>
        %add3A_1284 = arith.constant 7 : i32
        %add3A_1285 = arith.addi %add3A_1150, %add3A_1284 : i32
        %get3A_1286 = arith.constant 0 : i32
        %get3A_1287 = arith.index_cast %get3A_1286 : i32 to index
        %get3A_1288 = arith.index_cast %add3A_1285 : i32 to index
        %get3A_1289 = arith.constant 16 : index
        %get3A_1290 = tpu.vector_load %arg9[%get3A_1287, %get3A_1288, %get3A_1289] {strides = array<i32>} : memref<2x800x32xf32, #tpu.memory_space<vmem>>, vector<1x1x16xf32>,
        %get3A_1291 = vector.shape_cast %get3A_1290 : vector<1x1x16xf32> to vector<16xf32>
        %add3A_1292 = arith.addf %add3A_1256, %get3A_1283 : vector<16xf32>
        %add3A_1293 = arith.addf %add3A_1257, %get3A_1291 : vector<16xf32>
        scf.yield %add3A_1274, %add3A_1275, %add3A_1292, %add3A_1293 : vector<16xf32>, vector<16xf32>, vector<16xf32>, vector<16xf32>
      }
      %scan3A_783 = arith.constant 25 : i32
      %add3A_784 = arith.addf %scan3A_782#0, %scan3A_782#2 : vector<16xf32>
      %add3A_785 = arith.addf %scan3A_782#1, %scan3A_782#3 : vector<16xf32>
      %broadcast_in_dim3A_786 = arith.constant 0.000000e+00 : f32
      %broadcast_in_dim3A_787 = vector.broadcast %broadcast_in_dim3A_786 : f32 to vector<16xf32>
      %scan3A_788 = arith.constant 0 : i32
      %scan3A_789 = arith.constant 5 : i32
      %scan3A_790 = arith.addi %scan3A_788, %scan3A_789 : i32
      %scan3A_791 = arith.constant 1 : i32
      %scan3A_792:4 = scf.for %scan3A_1142 = %scan3A_788 to %scan3A_790 step %scan3A_791 iter_args(%scan3A_1143 = %broadcast_in_dim3A_787, %scan3A_1144 = %broadcast_in_dim3A_787, %scan3A_1145 = %broadcast_in_dim3A_787, %scan3A_1146 = %broadcast_in_dim3A_787) -> (vector<16xf32>, vector<16xf32>, vector<16xf32>, vector<16xf32>)  : i32 {
        %mul3A_1147 = arith.constant 10 : i32
        %mul3A_1148 = arith.muli %scan3A_1142, %mul3A_1147 : i32
        %add3A_1149 = arith.constant 100 : i32
        %add3A_1150 = arith.addi %add3A_1149, %mul3A_1148 : i32
        %add3A_1151 = arith.constant 0 : i32
        %add3A_1152 = arith.addi %add3A_1150, %add3A_1151 : i32
        %get3A = arith.constant 0 : i32
        %get3A_1153 = arith.index_cast %get3A : i32 to index
        %get3A_1154 = arith.index_cast %add3A_1152 : i32 to index
        %get3A_1155 = arith.constant 0 : index
        %get3A_1156 = tpu.vector_load %arg10[%get3A_1153, %get3A_1154, %get3A_1155] {strides = array<i32>} : memref<2x200x32xf32, #tpu.memory_space<vmem>>, vector<1x1x16xf32>,
        %get3A_1157 = vector.shape_cast %get3A_1156 : vector<1x1x16xf32> to vector<16xf32>
        %add3A_1158 = arith.constant 0 : i32
        %add3A_1159 = arith.addi %add3A_1150, %add3A_1158 : i32
        %get3A_1160 = arith.constant 0 : i32
        %get3A_1161 = arith.index_cast %get3A_1160 : i32 to index
        %get3A_1162 = arith.index_cast %add3A_1159 : i32 to index
        %get3A_1163 = arith.constant 16 : index
        %get3A_1164 = tpu.vector_load %arg10[%get3A_1161, %get3A_1162, %get3A_1163] {strides = array<i32>} : memref<2x200x32xf32, #tpu.memory_space<vmem>>, vector<1x1x16xf32>,
        %get3A_1165 = vector.shape_cast %get3A_1164 : vector<1x1x16xf32> to vector<16xf32>
        %add3A_1166 = arith.addf %scan3A_1143, %get3A_1157 : vector<16xf32>
        %add3A_1167 = arith.addf %scan3A_1144, %get3A_1165 : vector<16xf32>
        %add3A_1168 = arith.constant 1 : i32
        %add3A_1169 = arith.addi %add3A_1150, %add3A_1168 : i32
        %get3A_1170 = arith.constant 0 : i32
        %get3A_1171 = arith.index_cast %get3A_1170 : i32 to index
        %get3A_1172 = arith.index_cast %add3A_1169 : i32 to index
        %get3A_1173 = arith.constant 0 : index
        %get3A_1174 = tpu.vector_load %arg10[%get3A_1171, %get3A_1172, %get3A_1173] {strides = array<i32>} : memref<2x200x32xf32, #tpu.memory_space<vmem>>, vector<1x1x16xf32>,
        %get3A_1175 = vector.shape_cast %get3A_1174 : vector<1x1x16xf32> to vector<16xf32>
        %add3A_1176 = arith.constant 1 : i32
        %add3A_1177 = arith.addi %add3A_1150, %add3A_1176 : i32
        %get3A_1178 = arith.constant 0 : i32
        %get3A_1179 = arith.index_cast %get3A_1178 : i32 to index
        %get3A_1180 = arith.index_cast %add3A_1177 : i32 to index
        %get3A_1181 = arith.constant 16 : index
        %get3A_1182 = tpu.vector_load %arg10[%get3A_1179, %get3A_1180, %get3A_1181] {strides = array<i32>} : memref<2x200x32xf32, #tpu.memory_space<vmem>>, vector<1x1x16xf32>,
        %get3A_1183 = vector.shape_cast %get3A_1182 : vector<1x1x16xf32> to vector<16xf32>
        %add3A_1184 = arith.addf %scan3A_1145, %get3A_1175 : vector<16xf32>
        %add3A_1185 = arith.addf %scan3A_1146, %get3A_1183 : vector<16xf32>
        %add3A_1186 = arith.constant 2 : i32
        %add3A_1187 = arith.addi %add3A_1150, %add3A_1186 : i32
        %get3A_1188 = arith.constant 0 : i32
        %get3A_1189 = arith.index_cast %get3A_1188 : i32 to index
        %get3A_1190 = arith.index_cast %add3A_1187 : i32 to index
        %get3A_1191 = arith.constant 0 : index
        %get3A_1192 = tpu.vector_load %arg10[%get3A_1189, %get3A_1190, %get3A_1191] {strides = array<i32>} : memref<2x200x32xf32, #tpu.memory_space<vmem>>, vector<1x1x16xf32>,
        %get3A_1193 = vector.shape_cast %get3A_1192 : vector<1x1x16xf32> to vector<16xf32>
        %add3A_1194 = arith.constant 2 : i32
        %add3A_1195 = arith.addi %add3A_1150, %add3A_1194 : i32
        %get3A_1196 = arith.constant 0 : i32
        %get3A_1197 = arith.index_cast %get3A_1196 : i32 to index
        %get3A_1198 = arith.index_cast %add3A_1195 : i32 to index
        %get3A_1199 = arith.constant 16 : index
        %get3A_1200 = tpu.vector_load %arg10[%get3A_1197, %get3A_1198, %get3A_1199] {strides = array<i32>} : memref<2x200x32xf32, #tpu.memory_space<vmem>>, vector<1x1x16xf32>,
        %get3A_1201 = vector.shape_cast %get3A_1200 : vector<1x1x16xf32> to vector<16xf32>
        %add3A_1202 = arith.addf %add3A_1166, %get3A_1193 : vector<16xf32>
        %add3A_1203 = arith.addf %add3A_1167, %get3A_1201 : vector<16xf32>
        %add3A_1204 = arith.constant 3 : i32
        %add3A_1205 = arith.addi %add3A_1150, %add3A_1204 : i32
        %get3A_1206 = arith.constant 0 : i32
        %get3A_1207 = arith.index_cast %get3A_1206 : i32 to index
        %get3A_1208 = arith.index_cast %add3A_1205 : i32 to index
        %get3A_1209 = arith.constant 0 : index
        %get3A_1210 = tpu.vector_load %arg10[%get3A_1207, %get3A_1208, %get3A_1209] {strides = array<i32>} : memref<2x200x32xf32, #tpu.memory_space<vmem>>, vector<1x1x16xf32>,
        %get3A_1211 = vector.shape_cast %get3A_1210 : vector<1x1x16xf32> to vector<16xf32>
        %add3A_1212 = arith.constant 3 : i32
        %add3A_1213 = arith.addi %add3A_1150, %add3A_1212 : i32
        %get3A_1214 = arith.constant 0 : i32
        %get3A_1215 = arith.index_cast %get3A_1214 : i32 to index
        %get3A_1216 = arith.index_cast %add3A_1213 : i32 to index
        %get3A_1217 = arith.constant 16 : index
        %get3A_1218 = tpu.vector_load %arg10[%get3A_1215, %get3A_1216, %get3A_1217] {strides = array<i32>} : memref<2x200x32xf32, #tpu.memory_space<vmem>>, vector<1x1x16xf32>,
        %get3A_1219 = vector.shape_cast %get3A_1218 : vector<1x1x16xf32> to vector<16xf32>
        %add3A_1220 = arith.addf %add3A_1184, %get3A_1211 : vector<16xf32>
        %add3A_1221 = arith.addf %add3A_1185, %get3A_1219 : vector<16xf32>
        %add3A_1222 = arith.constant 4 : i32
        %add3A_1223 = arith.addi %add3A_1150, %add3A_1222 : i32
        %get3A_1224 = arith.constant 0 : i32
        %get3A_1225 = arith.index_cast %get3A_1224 : i32 to index
        %get3A_1226 = arith.index_cast %add3A_1223 : i32 to index
        %get3A_1227 = arith.constant 0 : index
        %get3A_1228 = tpu.vector_load %arg10[%get3A_1225, %get3A_1226, %get3A_1227] {strides = array<i32>} : memref<2x200x32xf32, #tpu.memory_space<vmem>>, vector<1x1x16xf32>,
        %get3A_1229 = vector.shape_cast %get3A_1228 : vector<1x1x16xf32> to vector<16xf32>
        %add3A_1230 = arith.constant 4 : i32
        %add3A_1231 = arith.addi %add3A_1150, %add3A_1230 : i32
        %get3A_1232 = arith.constant 0 : i32
        %get3A_1233 = arith.index_cast %get3A_1232 : i32 to index
        %get3A_1234 = arith.index_cast %add3A_1231 : i32 to index
        %get3A_1235 = arith.constant 16 : index
        %get3A_1236 = tpu.vector_load %arg10[%get3A_1233, %get3A_1234, %get3A_1235] {strides = array<i32>} : memref<2x200x32xf32, #tpu.memory_space<vmem>>, vector<1x1x16xf32>,
        %get3A_1237 = vector.shape_cast %get3A_1236 : vector<1x1x16xf32> to vector<16xf32>
        %add3A_1238 = arith.addf %add3A_1202, %get3A_1229 : vector<16xf32>
        %add3A_1239 = arith.addf %add3A_1203, %get3A_1237 : vector<16xf32>
        %add3A_1240 = arith.constant 5 : i32
        %add3A_1241 = arith.addi %add3A_1150, %add3A_1240 : i32
        %get3A_1242 = arith.constant 0 : i32
        %get3A_1243 = arith.index_cast %get3A_1242 : i32 to index
        %get3A_1244 = arith.index_cast %add3A_1241 : i32 to index
        %get3A_1245 = arith.constant 0 : index
        %get3A_1246 = tpu.vector_load %arg10[%get3A_1243, %get3A_1244, %get3A_1245] {strides = array<i32>} : memref<2x200x32xf32, #tpu.memory_space<vmem>>, vector<1x1x16xf32>,
        %get3A_1247 = vector.shape_cast %get3A_1246 : vector<1x1x16xf32> to vector<16xf32>
        %add3A_1248 = arith.constant 5 : i32
        %add3A_1249 = arith.addi %add3A_1150, %add3A_1248 : i32
        %get3A_1250 = arith.constant 0 : i32
        %get3A_1251 = arith.index_cast %get3A_1250 : i32 to index
        %get3A_1252 = arith.index_cast %add3A_1249 : i32 to index
        %get3A_1253 = arith.constant 16 : index
        %get3A_1254 = tpu.vector_load %arg10[%get3A_1251, %get3A_1252, %get3A_1253] {strides = array<i32>} : memref<2x200x32xf32, #tpu.memory_space<vmem>>, vector<1x1x16xf32>,
        %get3A_1255 = vector.shape_cast %get3A_1254 : vector<1x1x16xf32> to vector<16xf32>
        %add3A_1256 = arith.addf %add3A_1220, %get3A_1247 : vector<16xf32>
        %add3A_1257 = arith.addf %add3A_1221, %get3A_1255 : vector<16xf32>
        %add3A_1258 = arith.constant 6 : i32
        %add3A_1259 = arith.addi %add3A_1150, %add3A_1258 : i32
        %get3A_1260 = arith.constant 0 : i32
        %get3A_1261 = arith.index_cast %get3A_1260 : i32 to index
        %get3A_1262 = arith.index_cast %add3A_1259 : i32 to index
        %get3A_1263 = arith.constant 0 : index
        %get3A_1264 = tpu.vector_load %arg10[%get3A_1261, %get3A_1262, %get3A_1263] {strides = array<i32>} : memref<2x200x32xf32, #tpu.memory_space<vmem>>, vector<1x1x16xf32>,
        %get3A_1265 = vector.shape_cast %get3A_1264 : vector<1x1x16xf32> to vector<16xf32>
        %add3A_1266 = arith.constant 6 : i32
        %add3A_1267 = arith.addi %add3A_1150, %add3A_1266 : i32
        %get3A_1268 = arith.constant 0 : i32
        %get3A_1269 = arith.index_cast %get3A_1268 : i32 to index
        %get3A_1270 = arith.index_cast %add3A_1267 : i32 to index
        %get3A_1271 = arith.constant 16 : index
        %get3A_1272 = tpu.vector_load %arg10[%get3A_1269, %get3A_1270, %get3A_1271] {strides = array<i32>} : memref<2x200x32xf32, #tpu.memory_space<vmem>>, vector<1x1x16xf32>,
        %get3A_1273 = vector.shape_cast %get3A_1272 : vector<1x1x16xf32> to vector<16xf32>
        %add3A_1274 = arith.addf %add3A_1238, %get3A_1265 : vector<16xf32>
        %add3A_1275 = arith.addf %add3A_1239, %get3A_1273 : vector<16xf32>
        %add3A_1276 = arith.constant 7 : i32
        %add3A_1277 = arith.addi %add3A_1150, %add3A_1276 : i32
        %get3A_1278 = arith.constant 0 : i32
        %get3A_1279 = arith.index_cast %get3A_1278 : i32 to index
        %get3A_1280 = arith.index_cast %add3A_1277 : i32 to index
        %get3A_1281 = arith.constant 0 : index
        %get3A_1282 = tpu.vector_load %arg10[%get3A_1279, %get3A_1280, %get3A_1281] {strides = array<i32>} : memref<2x200x32xf32, #tpu.memory_space<vmem>>, vector<1x1x16xf32>,
        %get3A_1283 = vector.shape_cast %get3A_1282 : vector<1x1x16xf32> to vector<16xf32>
        %add3A_1284 = arith.constant 7 : i32
        %add3A_1285 = arith.addi %add3A_1150, %add3A_1284 : i32
        %get3A_1286 = arith.constant 0 : i32
        %get3A_1287 = arith.index_cast %get3A_1286 : i32 to index
        %get3A_1288 = arith.index_cast %add3A_1285 : i32 to index
        %get3A_1289 = arith.constant 16 : index
        %get3A_1290 = tpu.vector_load %arg10[%get3A_1287, %get3A_1288, %get3A_1289] {strides = array<i32>} : memref<2x200x32xf32, #tpu.memory_space<vmem>>, vector<1x1x16xf32>,
        %get3A_1291 = vector.shape_cast %get3A_1290 : vector<1x1x16xf32> to vector<16xf32>
        %add3A_1292 = arith.addf %add3A_1256, %get3A_1283 : vector<16xf32>
        %add3A_1293 = arith.addf %add3A_1257, %get3A_1291 : vector<16xf32>
        %add3A_1294 = arith.constant 8 : i32
        %add3A_1295 = arith.addi %add3A_1150, %add3A_1294 : i32
        %get3A_1296 = arith.constant 0 : i32
        %get3A_1297 = arith.index_cast %get3A_1296 : i32 to index
        %get3A_1298 = arith.index_cast %add3A_1295 : i32 to index
        %get3A_1299 = arith.constant 0 : index
        %get3A_1300 = tpu.vector_load %arg10[%get3A_1297, %get3A_1298, %get3A_1299] {strides = array<i32>} : memref<2x200x32xf32, #tpu.memory_space<vmem>>, vector<1x1x16xf32>,
        %get3A_1301 = vector.shape_cast %get3A_1300 : vector<1x1x16xf32> to vector<16xf32>
        %add3A_1302 = arith.constant 8 : i32
        %add3A_1303 = arith.addi %add3A_1150, %add3A_1302 : i32
        %get3A_1304 = arith.constant 0 : i32
        %get3A_1305 = arith.index_cast %get3A_1304 : i32 to index
        %get3A_1306 = arith.index_cast %add3A_1303 : i32 to index
        %get3A_1307 = arith.constant 16 : index
        %get3A_1308 = tpu.vector_load %arg10[%get3A_1305, %get3A_1306, %get3A_1307] {strides = array<i32>} : memref<2x200x32xf32, #tpu.memory_space<vmem>>, vector<1x1x16xf32>,
        %get3A_1309 = vector.shape_cast %get3A_1308 : vector<1x1x16xf32> to vector<16xf32>
        %add3A_1310 = arith.addf %add3A_1274, %get3A_1301 : vector<16xf32>
        %add3A_1311 = arith.addf %add3A_1275, %get3A_1309 : vector<16xf32>
        %add3A_1312 = arith.constant 9 : i32
        %add3A_1313 = arith.addi %add3A_1150, %add3A_1312 : i32
        %get3A_1314 = arith.constant 0 : i32
        %get3A_1315 = arith.index_cast %get3A_1314 : i32 to index
        %get3A_1316 = arith.index_cast %add3A_1313 : i32 to index
        %get3A_1317 = arith.constant 0 : index
        %get3A_1318 = tpu.vector_load %arg10[%get3A_1315, %get3A_1316, %get3A_1317] {strides = array<i32>} : memref<2x200x32xf32, #tpu.memory_space<vmem>>, vector<1x1x16xf32>,
        %get3A_1319 = vector.shape_cast %get3A_1318 : vector<1x1x16xf32> to vector<16xf32>
        %add3A_1320 = arith.constant 9 : i32
        %add3A_1321 = arith.addi %add3A_1150, %add3A_1320 : i32
        %get3A_1322 = arith.constant 0 : i32
        %get3A_1323 = arith.index_cast %get3A_1322 : i32 to index
        %get3A_1324 = arith.index_cast %add3A_1321 : i32 to index
        %get3A_1325 = arith.constant 16 : index
        %get3A_1326 = tpu.vector_load %arg10[%get3A_1323, %get3A_1324, %get3A_1325] {strides = array<i32>} : memref<2x200x32xf32, #tpu.memory_space<vmem>>, vector<1x1x16xf32>,
        %get3A_1327 = vector.shape_cast %get3A_1326 : vector<1x1x16xf32> to vector<16xf32>
        %add3A_1328 = arith.addf %add3A_1292, %get3A_1319 : vector<16xf32>
        %add3A_1329 = arith.addf %add3A_1293, %get3A_1327 : vector<16xf32>
        scf.yield %add3A_1310, %add3A_1311, %add3A_1328, %add3A_1329 : vector<16xf32>, vector<16xf32>, vector<16xf32>, vector<16xf32>
      }
      %scan3A_793 = arith.constant 5 : i32
      %add3A_794 = arith.addf %scan3A_792#0, %scan3A_792#2 : vector<16xf32>
      %add3A_795 = arith.addf %scan3A_792#1, %scan3A_792#3 : vector<16xf32>
      %mul3A_796 = arith.constant 5.000000e-03 : f32
      %mul3A_797 = vector.broadcast %mul3A_796 : f32 to vector<16xf32>
      %mul3A_798 = arith.mulf %add3A_784, %mul3A_797 : vector<16xf32>
      %swap3A_799 = arith.index_cast %add3A_775 : i32 to index
      %swap3A_800 = arith.constant 0 : index
      %swap3A_801 = tpu.vector_load %arg11[%swap3A_799, %swap3A_800] {strides = array<i32>} : memref<512x64xf32, #tpu.memory_space<vmem>>, vector<1x16xf32>,
      %swap3A_802 = vector.shape_cast %swap3A_801 : vector<1x16xf32> to vector<16xf32>
      %swap3A_803 = vector.shape_cast %mul3A_798 : vector<16xf32> to vector<1x16xf32>
      tpu.vector_store %arg11[%swap3A_799, %swap3A_800], %swap3A_803 {strides = array<i32>} : memref<512x64xf32, #tpu.memory_space<vmem>>, vector<1x16xf32>,
      %mul3A_804 = arith.constant 5.000000e-03 : f32
      %mul3A_805 = vector.broadcast %mul3A_804 : f32 to vector<16xf32>
      %mul3A_806 = arith.mulf %add3A_785, %mul3A_805 : vector<16xf32>
      %swap3A_807 = arith.index_cast %add3A_775 : i32 to index
      %swap3A_808 = arith.constant 16 : index
      %swap3A_809 = tpu.vector_load %arg11[%swap3A_807, %swap3A_808] {strides = array<i32>} : memref<512x64xf32, #tpu.memory_space<vmem>>, vector<1x16xf32>,
      %swap3A_810 = vector.shape_cast %swap3A_809 : vector<1x16xf32> to vector<16xf32>
      %swap3A_811 = vector.shape_cast %mul3A_806 : vector<16xf32> to vector<1x16xf32>
      tpu.vector_store %arg11[%swap3A_807, %swap3A_808], %swap3A_811 {strides = array<i32>} : memref<512x64xf32, #tpu.memory_space<vmem>>, vector<1x16xf32>,
      %mul3A_812 = arith.constant 2.000000e-02 : f32
      %mul3A_813 = vector.broadcast %mul3A_812 : f32 to vector<16xf32>
      %mul3A_814 = arith.mulf %add3A_794, %mul3A_813 : vector<16xf32>
      %swap3A_815 = arith.index_cast %add3A_775 : i32 to index
      %swap3A_816 = arith.constant 32 : index
      %swap3A_817 = tpu.vector_load %arg11[%swap3A_815, %swap3A_816] {strides = array<i32>} : memref<512x64xf32, #tpu.memory_space<vmem>>, vector<1x16xf32>,
      %swap3A_818 = vector.shape_cast %swap3A_817 : vector<1x16xf32> to vector<16xf32>
      %swap3A_819 = vector.shape_cast %mul3A_814 : vector<16xf32> to vector<1x16xf32>
      tpu.vector_store %arg11[%swap3A_815, %swap3A_816], %swap3A_819 {strides = array<i32>} : memref<512x64xf32, #tpu.memory_space<vmem>>, vector<1x16xf32>,
      %mul3A_820 = arith.constant 2.000000e-02 : f32
      %mul3A_821 = vector.broadcast %mul3A_820 : f32 to vector<16xf32>
      %mul3A_822 = arith.mulf %add3A_795, %mul3A_821 : vector<16xf32>
      %swap3A_823 = arith.index_cast %add3A_775 : i32 to index
      %swap3A_824 = arith.constant 48 : index
      %swap3A_825 = tpu.vector_load %arg11[%swap3A_823, %swap3A_824] {strides = array<i32>} : memref<512x64xf32, #tpu.memory_space<vmem>>, vector<1x16xf32>,
      %swap3A_826 = vector.shape_cast %swap3A_825 : vector<1x16xf32> to vector<16xf32>
      %swap3A_827 = vector.shape_cast %mul3A_822 : vector<16xf32> to vector<1x16xf32>
      tpu.vector_store %arg11[%swap3A_823, %swap3A_824], %swap3A_827 {strides = array<i32>} : memref<512x64xf32, #tpu.memory_space<vmem>>, vector<1x16xf32>,
      %mul3A_828 = arith.constant 4 : i32
      %mul3A_829 = arith.muli %mul3A_318, %mul3A_828 : i32
      %add3A_830 = arith.constant 3 : i32
      %add3A_831 = arith.addi %mul3A_829, %add3A_830 : i32
      %broadcast_in_dim3A_832 = arith.constant 0.000000e+00 : f32
      %broadcast_in_dim3A_833 = vector.broadcast %broadcast_in_dim3A_832 : f32 to vector<16xf32>
      %scan3A_834 = arith.constant 0 : i32
      %scan3A_835 = arith.constant 25 : i32
      %scan3A_836 = arith.addi %scan3A_834, %scan3A_835 : i32
      %scan3A_837 = arith.constant 1 : i32
      %scan3A_838:4 = scf.for %scan3A_1142 = %scan3A_834 to %scan3A_836 step %scan3A_837 iter_args(%scan3A_1143 = %broadcast_in_dim3A_833, %scan3A_1144 = %broadcast_in_dim3A_833, %scan3A_1145 = %broadcast_in_dim3A_833, %scan3A_1146 = %broadcast_in_dim3A_833) -> (vector<16xf32>, vector<16xf32>, vector<16xf32>, vector<16xf32>)  : i32 {
        %mul3A_1147 = arith.constant 8 : i32
        %mul3A_1148 = arith.muli %scan3A_1142, %mul3A_1147 : i32
        %add3A_1149 = arith.constant 600 : i32
        %add3A_1150 = arith.addi %add3A_1149, %mul3A_1148 : i32
        %add3A_1151 = arith.constant 0 : i32
        %add3A_1152 = arith.addi %add3A_1150, %add3A_1151 : i32
        %get3A = arith.constant 0 : i32
        %get3A_1153 = arith.index_cast %get3A : i32 to index
        %get3A_1154 = arith.index_cast %add3A_1152 : i32 to index
        %get3A_1155 = arith.constant 0 : index
        %get3A_1156 = tpu.vector_load %arg9[%get3A_1153, %get3A_1154, %get3A_1155] {strides = array<i32>} : memref<2x800x32xf32, #tpu.memory_space<vmem>>, vector<1x1x16xf32>,
        %get3A_1157 = vector.shape_cast %get3A_1156 : vector<1x1x16xf32> to vector<16xf32>
        %add3A_1158 = arith.constant 0 : i32
        %add3A_1159 = arith.addi %add3A_1150, %add3A_1158 : i32
        %get3A_1160 = arith.constant 0 : i32
        %get3A_1161 = arith.index_cast %get3A_1160 : i32 to index
        %get3A_1162 = arith.index_cast %add3A_1159 : i32 to index
        %get3A_1163 = arith.constant 16 : index
        %get3A_1164 = tpu.vector_load %arg9[%get3A_1161, %get3A_1162, %get3A_1163] {strides = array<i32>} : memref<2x800x32xf32, #tpu.memory_space<vmem>>, vector<1x1x16xf32>,
        %get3A_1165 = vector.shape_cast %get3A_1164 : vector<1x1x16xf32> to vector<16xf32>
        %add3A_1166 = arith.addf %scan3A_1143, %get3A_1157 : vector<16xf32>
        %add3A_1167 = arith.addf %scan3A_1144, %get3A_1165 : vector<16xf32>
        %add3A_1168 = arith.constant 1 : i32
        %add3A_1169 = arith.addi %add3A_1150, %add3A_1168 : i32
        %get3A_1170 = arith.constant 0 : i32
        %get3A_1171 = arith.index_cast %get3A_1170 : i32 to index
        %get3A_1172 = arith.index_cast %add3A_1169 : i32 to index
        %get3A_1173 = arith.constant 0 : index
        %get3A_1174 = tpu.vector_load %arg9[%get3A_1171, %get3A_1172, %get3A_1173] {strides = array<i32>} : memref<2x800x32xf32, #tpu.memory_space<vmem>>, vector<1x1x16xf32>,
        %get3A_1175 = vector.shape_cast %get3A_1174 : vector<1x1x16xf32> to vector<16xf32>
        %add3A_1176 = arith.constant 1 : i32
        %add3A_1177 = arith.addi %add3A_1150, %add3A_1176 : i32
        %get3A_1178 = arith.constant 0 : i32
        %get3A_1179 = arith.index_cast %get3A_1178 : i32 to index
        %get3A_1180 = arith.index_cast %add3A_1177 : i32 to index
        %get3A_1181 = arith.constant 16 : index
        %get3A_1182 = tpu.vector_load %arg9[%get3A_1179, %get3A_1180, %get3A_1181] {strides = array<i32>} : memref<2x800x32xf32, #tpu.memory_space<vmem>>, vector<1x1x16xf32>,
        %get3A_1183 = vector.shape_cast %get3A_1182 : vector<1x1x16xf32> to vector<16xf32>
        %add3A_1184 = arith.addf %scan3A_1145, %get3A_1175 : vector<16xf32>
        %add3A_1185 = arith.addf %scan3A_1146, %get3A_1183 : vector<16xf32>
        %add3A_1186 = arith.constant 2 : i32
        %add3A_1187 = arith.addi %add3A_1150, %add3A_1186 : i32
        %get3A_1188 = arith.constant 0 : i32
        %get3A_1189 = arith.index_cast %get3A_1188 : i32 to index
        %get3A_1190 = arith.index_cast %add3A_1187 : i32 to index
        %get3A_1191 = arith.constant 0 : index
        %get3A_1192 = tpu.vector_load %arg9[%get3A_1189, %get3A_1190, %get3A_1191] {strides = array<i32>} : memref<2x800x32xf32, #tpu.memory_space<vmem>>, vector<1x1x16xf32>,
        %get3A_1193 = vector.shape_cast %get3A_1192 : vector<1x1x16xf32> to vector<16xf32>
        %add3A_1194 = arith.constant 2 : i32
        %add3A_1195 = arith.addi %add3A_1150, %add3A_1194 : i32
        %get3A_1196 = arith.constant 0 : i32
        %get3A_1197 = arith.index_cast %get3A_1196 : i32 to index
        %get3A_1198 = arith.index_cast %add3A_1195 : i32 to index
        %get3A_1199 = arith.constant 16 : index
        %get3A_1200 = tpu.vector_load %arg9[%get3A_1197, %get3A_1198, %get3A_1199] {strides = array<i32>} : memref<2x800x32xf32, #tpu.memory_space<vmem>>, vector<1x1x16xf32>,
        %get3A_1201 = vector.shape_cast %get3A_1200 : vector<1x1x16xf32> to vector<16xf32>
        %add3A_1202 = arith.addf %add3A_1166, %get3A_1193 : vector<16xf32>
        %add3A_1203 = arith.addf %add3A_1167, %get3A_1201 : vector<16xf32>
        %add3A_1204 = arith.constant 3 : i32
        %add3A_1205 = arith.addi %add3A_1150, %add3A_1204 : i32
        %get3A_1206 = arith.constant 0 : i32
        %get3A_1207 = arith.index_cast %get3A_1206 : i32 to index
        %get3A_1208 = arith.index_cast %add3A_1205 : i32 to index
        %get3A_1209 = arith.constant 0 : index
        %get3A_1210 = tpu.vector_load %arg9[%get3A_1207, %get3A_1208, %get3A_1209] {strides = array<i32>} : memref<2x800x32xf32, #tpu.memory_space<vmem>>, vector<1x1x16xf32>,
        %get3A_1211 = vector.shape_cast %get3A_1210 : vector<1x1x16xf32> to vector<16xf32>
        %add3A_1212 = arith.constant 3 : i32
        %add3A_1213 = arith.addi %add3A_1150, %add3A_1212 : i32
        %get3A_1214 = arith.constant 0 : i32
        %get3A_1215 = arith.index_cast %get3A_1214 : i32 to index
        %get3A_1216 = arith.index_cast %add3A_1213 : i32 to index
        %get3A_1217 = arith.constant 16 : index
        %get3A_1218 = tpu.vector_load %arg9[%get3A_1215, %get3A_1216, %get3A_1217] {strides = array<i32>} : memref<2x800x32xf32, #tpu.memory_space<vmem>>, vector<1x1x16xf32>,
        %get3A_1219 = vector.shape_cast %get3A_1218 : vector<1x1x16xf32> to vector<16xf32>
        %add3A_1220 = arith.addf %add3A_1184, %get3A_1211 : vector<16xf32>
        %add3A_1221 = arith.addf %add3A_1185, %get3A_1219 : vector<16xf32>
        %add3A_1222 = arith.constant 4 : i32
        %add3A_1223 = arith.addi %add3A_1150, %add3A_1222 : i32
        %get3A_1224 = arith.constant 0 : i32
        %get3A_1225 = arith.index_cast %get3A_1224 : i32 to index
        %get3A_1226 = arith.index_cast %add3A_1223 : i32 to index
        %get3A_1227 = arith.constant 0 : index
        %get3A_1228 = tpu.vector_load %arg9[%get3A_1225, %get3A_1226, %get3A_1227] {strides = array<i32>} : memref<2x800x32xf32, #tpu.memory_space<vmem>>, vector<1x1x16xf32>,
        %get3A_1229 = vector.shape_cast %get3A_1228 : vector<1x1x16xf32> to vector<16xf32>
        %add3A_1230 = arith.constant 4 : i32
        %add3A_1231 = arith.addi %add3A_1150, %add3A_1230 : i32
        %get3A_1232 = arith.constant 0 : i32
        %get3A_1233 = arith.index_cast %get3A_1232 : i32 to index
        %get3A_1234 = arith.index_cast %add3A_1231 : i32 to index
        %get3A_1235 = arith.constant 16 : index
        %get3A_1236 = tpu.vector_load %arg9[%get3A_1233, %get3A_1234, %get3A_1235] {strides = array<i32>} : memref<2x800x32xf32, #tpu.memory_space<vmem>>, vector<1x1x16xf32>,
        %get3A_1237 = vector.shape_cast %get3A_1236 : vector<1x1x16xf32> to vector<16xf32>
        %add3A_1238 = arith.addf %add3A_1202, %get3A_1229 : vector<16xf32>
        %add3A_1239 = arith.addf %add3A_1203, %get3A_1237 : vector<16xf32>
        %add3A_1240 = arith.constant 5 : i32
        %add3A_1241 = arith.addi %add3A_1150, %add3A_1240 : i32
        %get3A_1242 = arith.constant 0 : i32
        %get3A_1243 = arith.index_cast %get3A_1242 : i32 to index
        %get3A_1244 = arith.index_cast %add3A_1241 : i32 to index
        %get3A_1245 = arith.constant 0 : index
        %get3A_1246 = tpu.vector_load %arg9[%get3A_1243, %get3A_1244, %get3A_1245] {strides = array<i32>} : memref<2x800x32xf32, #tpu.memory_space<vmem>>, vector<1x1x16xf32>,
        %get3A_1247 = vector.shape_cast %get3A_1246 : vector<1x1x16xf32> to vector<16xf32>
        %add3A_1248 = arith.constant 5 : i32
        %add3A_1249 = arith.addi %add3A_1150, %add3A_1248 : i32
        %get3A_1250 = arith.constant 0 : i32
        %get3A_1251 = arith.index_cast %get3A_1250 : i32 to index
        %get3A_1252 = arith.index_cast %add3A_1249 : i32 to index
        %get3A_1253 = arith.constant 16 : index
        %get3A_1254 = tpu.vector_load %arg9[%get3A_1251, %get3A_1252, %get3A_1253] {strides = array<i32>} : memref<2x800x32xf32, #tpu.memory_space<vmem>>, vector<1x1x16xf32>,
        %get3A_1255 = vector.shape_cast %get3A_1254 : vector<1x1x16xf32> to vector<16xf32>
        %add3A_1256 = arith.addf %add3A_1220, %get3A_1247 : vector<16xf32>
        %add3A_1257 = arith.addf %add3A_1221, %get3A_1255 : vector<16xf32>
        %add3A_1258 = arith.constant 6 : i32
        %add3A_1259 = arith.addi %add3A_1150, %add3A_1258 : i32
        %get3A_1260 = arith.constant 0 : i32
        %get3A_1261 = arith.index_cast %get3A_1260 : i32 to index
        %get3A_1262 = arith.index_cast %add3A_1259 : i32 to index
        %get3A_1263 = arith.constant 0 : index
        %get3A_1264 = tpu.vector_load %arg9[%get3A_1261, %get3A_1262, %get3A_1263] {strides = array<i32>} : memref<2x800x32xf32, #tpu.memory_space<vmem>>, vector<1x1x16xf32>,
        %get3A_1265 = vector.shape_cast %get3A_1264 : vector<1x1x16xf32> to vector<16xf32>
        %add3A_1266 = arith.constant 6 : i32
        %add3A_1267 = arith.addi %add3A_1150, %add3A_1266 : i32
        %get3A_1268 = arith.constant 0 : i32
        %get3A_1269 = arith.index_cast %get3A_1268 : i32 to index
        %get3A_1270 = arith.index_cast %add3A_1267 : i32 to index
        %get3A_1271 = arith.constant 16 : index
        %get3A_1272 = tpu.vector_load %arg9[%get3A_1269, %get3A_1270, %get3A_1271] {strides = array<i32>} : memref<2x800x32xf32, #tpu.memory_space<vmem>>, vector<1x1x16xf32>,
        %get3A_1273 = vector.shape_cast %get3A_1272 : vector<1x1x16xf32> to vector<16xf32>
        %add3A_1274 = arith.addf %add3A_1238, %get3A_1265 : vector<16xf32>
        %add3A_1275 = arith.addf %add3A_1239, %get3A_1273 : vector<16xf32>
        %add3A_1276 = arith.constant 7 : i32
        %add3A_1277 = arith.addi %add3A_1150, %add3A_1276 : i32
        %get3A_1278 = arith.constant 0 : i32
        %get3A_1279 = arith.index_cast %get3A_1278 : i32 to index
        %get3A_1280 = arith.index_cast %add3A_1277 : i32 to index
        %get3A_1281 = arith.constant 0 : index
        %get3A_1282 = tpu.vector_load %arg9[%get3A_1279, %get3A_1280, %get3A_1281] {strides = array<i32>} : memref<2x800x32xf32, #tpu.memory_space<vmem>>, vector<1x1x16xf32>,
        %get3A_1283 = vector.shape_cast %get3A_1282 : vector<1x1x16xf32> to vector<16xf32>
        %add3A_1284 = arith.constant 7 : i32
        %add3A_1285 = arith.addi %add3A_1150, %add3A_1284 : i32
        %get3A_1286 = arith.constant 0 : i32
        %get3A_1287 = arith.index_cast %get3A_1286 : i32 to index
        %get3A_1288 = arith.index_cast %add3A_1285 : i32 to index
        %get3A_1289 = arith.constant 16 : index
        %get3A_1290 = tpu.vector_load %arg9[%get3A_1287, %get3A_1288, %get3A_1289] {strides = array<i32>} : memref<2x800x32xf32, #tpu.memory_space<vmem>>, vector<1x1x16xf32>,
        %get3A_1291 = vector.shape_cast %get3A_1290 : vector<1x1x16xf32> to vector<16xf32>
        %add3A_1292 = arith.addf %add3A_1256, %get3A_1283 : vector<16xf32>
        %add3A_1293 = arith.addf %add3A_1257, %get3A_1291 : vector<16xf32>
        scf.yield %add3A_1274, %add3A_1275, %add3A_1292, %add3A_1293 : vector<16xf32>, vector<16xf32>, vector<16xf32>, vector<16xf32>
      }
      %scan3A_839 = arith.constant 25 : i32
      %add3A_840 = arith.addf %scan3A_838#0, %scan3A_838#2 : vector<16xf32>
      %add3A_841 = arith.addf %scan3A_838#1, %scan3A_838#3 : vector<16xf32>
      %broadcast_in_dim3A_842 = arith.constant 0.000000e+00 : f32
      %broadcast_in_dim3A_843 = vector.broadcast %broadcast_in_dim3A_842 : f32 to vector<16xf32>
      %scan3A_844 = arith.constant 0 : i32
      %scan3A_845 = arith.constant 5 : i32
      %scan3A_846 = arith.addi %scan3A_844, %scan3A_845 : i32
      %scan3A_847 = arith.constant 1 : i32
      %scan3A_848:4 = scf.for %scan3A_1142 = %scan3A_844 to %scan3A_846 step %scan3A_847 iter_args(%scan3A_1143 = %broadcast_in_dim3A_843, %scan3A_1144 = %broadcast_in_dim3A_843, %scan3A_1145 = %broadcast_in_dim3A_843, %scan3A_1146 = %broadcast_in_dim3A_843) -> (vector<16xf32>, vector<16xf32>, vector<16xf32>, vector<16xf32>)  : i32 {
        %mul3A_1147 = arith.constant 10 : i32
        %mul3A_1148 = arith.muli %scan3A_1142, %mul3A_1147 : i32
        %add3A_1149 = arith.constant 150 : i32
        %add3A_1150 = arith.addi %add3A_1149, %mul3A_1148 : i32
        %add3A_1151 = arith.constant 0 : i32
        %add3A_1152 = arith.addi %add3A_1150, %add3A_1151 : i32
        %get3A = arith.constant 0 : i32
        %get3A_1153 = arith.index_cast %get3A : i32 to index
        %get3A_1154 = arith.index_cast %add3A_1152 : i32 to index
        %get3A_1155 = arith.constant 0 : index
        %get3A_1156 = tpu.vector_load %arg10[%get3A_1153, %get3A_1154, %get3A_1155] {strides = array<i32>} : memref<2x200x32xf32, #tpu.memory_space<vmem>>, vector<1x1x16xf32>,
        %get3A_1157 = vector.shape_cast %get3A_1156 : vector<1x1x16xf32> to vector<16xf32>
        %add3A_1158 = arith.constant 0 : i32
        %add3A_1159 = arith.addi %add3A_1150, %add3A_1158 : i32
        %get3A_1160 = arith.constant 0 : i32
        %get3A_1161 = arith.index_cast %get3A_1160 : i32 to index
        %get3A_1162 = arith.index_cast %add3A_1159 : i32 to index
        %get3A_1163 = arith.constant 16 : index
        %get3A_1164 = tpu.vector_load %arg10[%get3A_1161, %get3A_1162, %get3A_1163] {strides = array<i32>} : memref<2x200x32xf32, #tpu.memory_space<vmem>>, vector<1x1x16xf32>,
        %get3A_1165 = vector.shape_cast %get3A_1164 : vector<1x1x16xf32> to vector<16xf32>
        %add3A_1166 = arith.addf %scan3A_1143, %get3A_1157 : vector<16xf32>
        %add3A_1167 = arith.addf %scan3A_1144, %get3A_1165 : vector<16xf32>
        %add3A_1168 = arith.constant 1 : i32
        %add3A_1169 = arith.addi %add3A_1150, %add3A_1168 : i32
        %get3A_1170 = arith.constant 0 : i32
        %get3A_1171 = arith.index_cast %get3A_1170 : i32 to index
        %get3A_1172 = arith.index_cast %add3A_1169 : i32 to index
        %get3A_1173 = arith.constant 0 : index
        %get3A_1174 = tpu.vector_load %arg10[%get3A_1171, %get3A_1172, %get3A_1173] {strides = array<i32>} : memref<2x200x32xf32, #tpu.memory_space<vmem>>, vector<1x1x16xf32>,
        %get3A_1175 = vector.shape_cast %get3A_1174 : vector<1x1x16xf32> to vector<16xf32>
        %add3A_1176 = arith.constant 1 : i32
        %add3A_1177 = arith.addi %add3A_1150, %add3A_1176 : i32
        %get3A_1178 = arith.constant 0 : i32
        %get3A_1179 = arith.index_cast %get3A_1178 : i32 to index
        %get3A_1180 = arith.index_cast %add3A_1177 : i32 to index
        %get3A_1181 = arith.constant 16 : index
        %get3A_1182 = tpu.vector_load %arg10[%get3A_1179, %get3A_1180, %get3A_1181] {strides = array<i32>} : memref<2x200x32xf32, #tpu.memory_space<vmem>>, vector<1x1x16xf32>,
        %get3A_1183 = vector.shape_cast %get3A_1182 : vector<1x1x16xf32> to vector<16xf32>
        %add3A_1184 = arith.addf %scan3A_1145, %get3A_1175 : vector<16xf32>
        %add3A_1185 = arith.addf %scan3A_1146, %get3A_1183 : vector<16xf32>
        %add3A_1186 = arith.constant 2 : i32
        %add3A_1187 = arith.addi %add3A_1150, %add3A_1186 : i32
        %get3A_1188 = arith.constant 0 : i32
        %get3A_1189 = arith.index_cast %get3A_1188 : i32 to index
        %get3A_1190 = arith.index_cast %add3A_1187 : i32 to index
        %get3A_1191 = arith.constant 0 : index
        %get3A_1192 = tpu.vector_load %arg10[%get3A_1189, %get3A_1190, %get3A_1191] {strides = array<i32>} : memref<2x200x32xf32, #tpu.memory_space<vmem>>, vector<1x1x16xf32>,
        %get3A_1193 = vector.shape_cast %get3A_1192 : vector<1x1x16xf32> to vector<16xf32>
        %add3A_1194 = arith.constant 2 : i32
        %add3A_1195 = arith.addi %add3A_1150, %add3A_1194 : i32
        %get3A_1196 = arith.constant 0 : i32
        %get3A_1197 = arith.index_cast %get3A_1196 : i32 to index
        %get3A_1198 = arith.index_cast %add3A_1195 : i32 to index
        %get3A_1199 = arith.constant 16 : index
        %get3A_1200 = tpu.vector_load %arg10[%get3A_1197, %get3A_1198, %get3A_1199] {strides = array<i32>} : memref<2x200x32xf32, #tpu.memory_space<vmem>>, vector<1x1x16xf32>,
        %get3A_1201 = vector.shape_cast %get3A_1200 : vector<1x1x16xf32> to vector<16xf32>
        %add3A_1202 = arith.addf %add3A_1166, %get3A_1193 : vector<16xf32>
        %add3A_1203 = arith.addf %add3A_1167, %get3A_1201 : vector<16xf32>
        %add3A_1204 = arith.constant 3 : i32
        %add3A_1205 = arith.addi %add3A_1150, %add3A_1204 : i32
        %get3A_1206 = arith.constant 0 : i32
        %get3A_1207 = arith.index_cast %get3A_1206 : i32 to index
        %get3A_1208 = arith.index_cast %add3A_1205 : i32 to index
        %get3A_1209 = arith.constant 0 : index
        %get3A_1210 = tpu.vector_load %arg10[%get3A_1207, %get3A_1208, %get3A_1209] {strides = array<i32>} : memref<2x200x32xf32, #tpu.memory_space<vmem>>, vector<1x1x16xf32>,
        %get3A_1211 = vector.shape_cast %get3A_1210 : vector<1x1x16xf32> to vector<16xf32>
        %add3A_1212 = arith.constant 3 : i32
        %add3A_1213 = arith.addi %add3A_1150, %add3A_1212 : i32
        %get3A_1214 = arith.constant 0 : i32
        %get3A_1215 = arith.index_cast %get3A_1214 : i32 to index
        %get3A_1216 = arith.index_cast %add3A_1213 : i32 to index
        %get3A_1217 = arith.constant 16 : index
        %get3A_1218 = tpu.vector_load %arg10[%get3A_1215, %get3A_1216, %get3A_1217] {strides = array<i32>} : memref<2x200x32xf32, #tpu.memory_space<vmem>>, vector<1x1x16xf32>,
        %get3A_1219 = vector.shape_cast %get3A_1218 : vector<1x1x16xf32> to vector<16xf32>
        %add3A_1220 = arith.addf %add3A_1184, %get3A_1211 : vector<16xf32>
        %add3A_1221 = arith.addf %add3A_1185, %get3A_1219 : vector<16xf32>
        %add3A_1222 = arith.constant 4 : i32
        %add3A_1223 = arith.addi %add3A_1150, %add3A_1222 : i32
        %get3A_1224 = arith.constant 0 : i32
        %get3A_1225 = arith.index_cast %get3A_1224 : i32 to index
        %get3A_1226 = arith.index_cast %add3A_1223 : i32 to index
        %get3A_1227 = arith.constant 0 : index
        %get3A_1228 = tpu.vector_load %arg10[%get3A_1225, %get3A_1226, %get3A_1227] {strides = array<i32>} : memref<2x200x32xf32, #tpu.memory_space<vmem>>, vector<1x1x16xf32>,
        %get3A_1229 = vector.shape_cast %get3A_1228 : vector<1x1x16xf32> to vector<16xf32>
        %add3A_1230 = arith.constant 4 : i32
        %add3A_1231 = arith.addi %add3A_1150, %add3A_1230 : i32
        %get3A_1232 = arith.constant 0 : i32
        %get3A_1233 = arith.index_cast %get3A_1232 : i32 to index
        %get3A_1234 = arith.index_cast %add3A_1231 : i32 to index
        %get3A_1235 = arith.constant 16 : index
        %get3A_1236 = tpu.vector_load %arg10[%get3A_1233, %get3A_1234, %get3A_1235] {strides = array<i32>} : memref<2x200x32xf32, #tpu.memory_space<vmem>>, vector<1x1x16xf32>,
        %get3A_1237 = vector.shape_cast %get3A_1236 : vector<1x1x16xf32> to vector<16xf32>
        %add3A_1238 = arith.addf %add3A_1202, %get3A_1229 : vector<16xf32>
        %add3A_1239 = arith.addf %add3A_1203, %get3A_1237 : vector<16xf32>
        %add3A_1240 = arith.constant 5 : i32
        %add3A_1241 = arith.addi %add3A_1150, %add3A_1240 : i32
        %get3A_1242 = arith.constant 0 : i32
        %get3A_1243 = arith.index_cast %get3A_1242 : i32 to index
        %get3A_1244 = arith.index_cast %add3A_1241 : i32 to index
        %get3A_1245 = arith.constant 0 : index
        %get3A_1246 = tpu.vector_load %arg10[%get3A_1243, %get3A_1244, %get3A_1245] {strides = array<i32>} : memref<2x200x32xf32, #tpu.memory_space<vmem>>, vector<1x1x16xf32>,
        %get3A_1247 = vector.shape_cast %get3A_1246 : vector<1x1x16xf32> to vector<16xf32>
        %add3A_1248 = arith.constant 5 : i32
        %add3A_1249 = arith.addi %add3A_1150, %add3A_1248 : i32
        %get3A_1250 = arith.constant 0 : i32
        %get3A_1251 = arith.index_cast %get3A_1250 : i32 to index
        %get3A_1252 = arith.index_cast %add3A_1249 : i32 to index
        %get3A_1253 = arith.constant 16 : index
        %get3A_1254 = tpu.vector_load %arg10[%get3A_1251, %get3A_1252, %get3A_1253] {strides = array<i32>} : memref<2x200x32xf32, #tpu.memory_space<vmem>>, vector<1x1x16xf32>,
        %get3A_1255 = vector.shape_cast %get3A_1254 : vector<1x1x16xf32> to vector<16xf32>
        %add3A_1256 = arith.addf %add3A_1220, %get3A_1247 : vector<16xf32>
        %add3A_1257 = arith.addf %add3A_1221, %get3A_1255 : vector<16xf32>
        %add3A_1258 = arith.constant 6 : i32
        %add3A_1259 = arith.addi %add3A_1150, %add3A_1258 : i32
        %get3A_1260 = arith.constant 0 : i32
        %get3A_1261 = arith.index_cast %get3A_1260 : i32 to index
        %get3A_1262 = arith.index_cast %add3A_1259 : i32 to index
        %get3A_1263 = arith.constant 0 : index
        %get3A_1264 = tpu.vector_load %arg10[%get3A_1261, %get3A_1262, %get3A_1263] {strides = array<i32>} : memref<2x200x32xf32, #tpu.memory_space<vmem>>, vector<1x1x16xf32>,
        %get3A_1265 = vector.shape_cast %get3A_1264 : vector<1x1x16xf32> to vector<16xf32>
        %add3A_1266 = arith.constant 6 : i32
        %add3A_1267 = arith.addi %add3A_1150, %add3A_1266 : i32
        %get3A_1268 = arith.constant 0 : i32
        %get3A_1269 = arith.index_cast %get3A_1268 : i32 to index
        %get3A_1270 = arith.index_cast %add3A_1267 : i32 to index
        %get3A_1271 = arith.constant 16 : index
        %get3A_1272 = tpu.vector_load %arg10[%get3A_1269, %get3A_1270, %get3A_1271] {strides = array<i32>} : memref<2x200x32xf32, #tpu.memory_space<vmem>>, vector<1x1x16xf32>,
        %get3A_1273 = vector.shape_cast %get3A_1272 : vector<1x1x16xf32> to vector<16xf32>
        %add3A_1274 = arith.addf %add3A_1238, %get3A_1265 : vector<16xf32>
        %add3A_1275 = arith.addf %add3A_1239, %get3A_1273 : vector<16xf32>
        %add3A_1276 = arith.constant 7 : i32
        %add3A_1277 = arith.addi %add3A_1150, %add3A_1276 : i32
        %get3A_1278 = arith.constant 0 : i32
        %get3A_1279 = arith.index_cast %get3A_1278 : i32 to index
        %get3A_1280 = arith.index_cast %add3A_1277 : i32 to index
        %get3A_1281 = arith.constant 0 : index
        %get3A_1282 = tpu.vector_load %arg10[%get3A_1279, %get3A_1280, %get3A_1281] {strides = array<i32>} : memref<2x200x32xf32, #tpu.memory_space<vmem>>, vector<1x1x16xf32>,
        %get3A_1283 = vector.shape_cast %get3A_1282 : vector<1x1x16xf32> to vector<16xf32>
        %add3A_1284 = arith.constant 7 : i32
        %add3A_1285 = arith.addi %add3A_1150, %add3A_1284 : i32
        %get3A_1286 = arith.constant 0 : i32
        %get3A_1287 = arith.index_cast %get3A_1286 : i32 to index
        %get3A_1288 = arith.index_cast %add3A_1285 : i32 to index
        %get3A_1289 = arith.constant 16 : index
        %get3A_1290 = tpu.vector_load %arg10[%get3A_1287, %get3A_1288, %get3A_1289] {strides = array<i32>} : memref<2x200x32xf32, #tpu.memory_space<vmem>>, vector<1x1x16xf32>,
        %get3A_1291 = vector.shape_cast %get3A_1290 : vector<1x1x16xf32> to vector<16xf32>
        %add3A_1292 = arith.addf %add3A_1256, %get3A_1283 : vector<16xf32>
        %add3A_1293 = arith.addf %add3A_1257, %get3A_1291 : vector<16xf32>
        %add3A_1294 = arith.constant 8 : i32
        %add3A_1295 = arith.addi %add3A_1150, %add3A_1294 : i32
        %get3A_1296 = arith.constant 0 : i32
        %get3A_1297 = arith.index_cast %get3A_1296 : i32 to index
        %get3A_1298 = arith.index_cast %add3A_1295 : i32 to index
        %get3A_1299 = arith.constant 0 : index
        %get3A_1300 = tpu.vector_load %arg10[%get3A_1297, %get3A_1298, %get3A_1299] {strides = array<i32>} : memref<2x200x32xf32, #tpu.memory_space<vmem>>, vector<1x1x16xf32>,
        %get3A_1301 = vector.shape_cast %get3A_1300 : vector<1x1x16xf32> to vector<16xf32>
        %add3A_1302 = arith.constant 8 : i32
        %add3A_1303 = arith.addi %add3A_1150, %add3A_1302 : i32
        %get3A_1304 = arith.constant 0 : i32
        %get3A_1305 = arith.index_cast %get3A_1304 : i32 to index
        %get3A_1306 = arith.index_cast %add3A_1303 : i32 to index
        %get3A_1307 = arith.constant 16 : index
        %get3A_1308 = tpu.vector_load %arg10[%get3A_1305, %get3A_1306, %get3A_1307] {strides = array<i32>} : memref<2x200x32xf32, #tpu.memory_space<vmem>>, vector<1x1x16xf32>,
        %get3A_1309 = vector.shape_cast %get3A_1308 : vector<1x1x16xf32> to vector<16xf32>
        %add3A_1310 = arith.addf %add3A_1274, %get3A_1301 : vector<16xf32>
        %add3A_1311 = arith.addf %add3A_1275, %get3A_1309 : vector<16xf32>
        %add3A_1312 = arith.constant 9 : i32
        %add3A_1313 = arith.addi %add3A_1150, %add3A_1312 : i32
        %get3A_1314 = arith.constant 0 : i32
        %get3A_1315 = arith.index_cast %get3A_1314 : i32 to index
        %get3A_1316 = arith.index_cast %add3A_1313 : i32 to index
        %get3A_1317 = arith.constant 0 : index
        %get3A_1318 = tpu.vector_load %arg10[%get3A_1315, %get3A_1316, %get3A_1317] {strides = array<i32>} : memref<2x200x32xf32, #tpu.memory_space<vmem>>, vector<1x1x16xf32>,
        %get3A_1319 = vector.shape_cast %get3A_1318 : vector<1x1x16xf32> to vector<16xf32>
        %add3A_1320 = arith.constant 9 : i32
        %add3A_1321 = arith.addi %add3A_1150, %add3A_1320 : i32
        %get3A_1322 = arith.constant 0 : i32
        %get3A_1323 = arith.index_cast %get3A_1322 : i32 to index
        %get3A_1324 = arith.index_cast %add3A_1321 : i32 to index
        %get3A_1325 = arith.constant 16 : index
        %get3A_1326 = tpu.vector_load %arg10[%get3A_1323, %get3A_1324, %get3A_1325] {strides = array<i32>} : memref<2x200x32xf32, #tpu.memory_space<vmem>>, vector<1x1x16xf32>,
        %get3A_1327 = vector.shape_cast %get3A_1326 : vector<1x1x16xf32> to vector<16xf32>
        %add3A_1328 = arith.addf %add3A_1292, %get3A_1319 : vector<16xf32>
        %add3A_1329 = arith.addf %add3A_1293, %get3A_1327 : vector<16xf32>
        scf.yield %add3A_1310, %add3A_1311, %add3A_1328, %add3A_1329 : vector<16xf32>, vector<16xf32>, vector<16xf32>, vector<16xf32>
      }
      %scan3A_849 = arith.constant 5 : i32
      %add3A_850 = arith.addf %scan3A_848#0, %scan3A_848#2 : vector<16xf32>
      %add3A_851 = arith.addf %scan3A_848#1, %scan3A_848#3 : vector<16xf32>
      %mul3A_852 = arith.constant 5.000000e-03 : f32
      %mul3A_853 = vector.broadcast %mul3A_852 : f32 to vector<16xf32>
      %mul3A_854 = arith.mulf %add3A_840, %mul3A_853 : vector<16xf32>
      %swap3A_855 = arith.index_cast %add3A_831 : i32 to index
      %swap3A_856 = arith.constant 0 : index
      %swap3A_857 = tpu.vector_load %arg11[%swap3A_855, %swap3A_856] {strides = array<i32>} : memref<512x64xf32, #tpu.memory_space<vmem>>, vector<1x16xf32>,
      %swap3A_858 = vector.shape_cast %swap3A_857 : vector<1x16xf32> to vector<16xf32>
      %swap3A_859 = vector.shape_cast %mul3A_854 : vector<16xf32> to vector<1x16xf32>
      tpu.vector_store %arg11[%swap3A_855, %swap3A_856], %swap3A_859 {strides = array<i32>} : memref<512x64xf32, #tpu.memory_space<vmem>>, vector<1x16xf32>,
      %mul3A_860 = arith.constant 5.000000e-03 : f32
      %mul3A_861 = vector.broadcast %mul3A_860 : f32 to vector<16xf32>
      %mul3A_862 = arith.mulf %add3A_841, %mul3A_861 : vector<16xf32>
      %swap3A_863 = arith.index_cast %add3A_831 : i32 to index
      %swap3A_864 = arith.constant 16 : index
      %swap3A_865 = tpu.vector_load %arg11[%swap3A_863, %swap3A_864] {strides = array<i32>} : memref<512x64xf32, #tpu.memory_space<vmem>>, vector<1x16xf32>,
      %swap3A_866 = vector.shape_cast %swap3A_865 : vector<1x16xf32> to vector<16xf32>
      %swap3A_867 = vector.shape_cast %mul3A_862 : vector<16xf32> to vector<1x16xf32>
      tpu.vector_store %arg11[%swap3A_863, %swap3A_864], %swap3A_867 {strides = array<i32>} : memref<512x64xf32, #tpu.memory_space<vmem>>, vector<1x16xf32>,
      %mul3A_868 = arith.constant 2.000000e-02 : f32
      %mul3A_869 = vector.broadcast %mul3A_868 : f32 to vector<16xf32>
      %mul3A_870 = arith.mulf %add3A_850, %mul3A_869 : vector<16xf32>
      %swap3A_871 = arith.index_cast %add3A_831 : i32 to index
      %swap3A_872 = arith.constant 32 : index
      %swap3A_873 = tpu.vector_load %arg11[%swap3A_871, %swap3A_872] {strides = array<i32>} : memref<512x64xf32, #tpu.memory_space<vmem>>, vector<1x16xf32>,
      %swap3A_874 = vector.shape_cast %swap3A_873 : vector<1x16xf32> to vector<16xf32>
      %swap3A_875 = vector.shape_cast %mul3A_870 : vector<16xf32> to vector<1x16xf32>
      tpu.vector_store %arg11[%swap3A_871, %swap3A_872], %swap3A_875 {strides = array<i32>} : memref<512x64xf32, #tpu.memory_space<vmem>>, vector<1x16xf32>,
      %mul3A_876 = arith.constant 2.000000e-02 : f32
      %mul3A_877 = vector.broadcast %mul3A_876 : f32 to vector<16xf32>
      %mul3A_878 = arith.mulf %add3A_851, %mul3A_877 : vector<16xf32>
      %swap3A_879 = arith.index_cast %add3A_831 : i32 to index
      %swap3A_880 = arith.constant 48 : index
      %swap3A_881 = tpu.vector_load %arg11[%swap3A_879, %swap3A_880] {strides = array<i32>} : memref<512x64xf32, #tpu.memory_space<vmem>>, vector<1x16xf32>,
      %swap3A_882 = vector.shape_cast %swap3A_881 : vector<1x16xf32> to vector<16xf32>
      %swap3A_883 = vector.shape_cast %mul3A_878 : vector<16xf32> to vector<1x16xf32>
      tpu.vector_store %arg11[%swap3A_879, %swap3A_880], %swap3A_883 {strides = array<i32>} : memref<512x64xf32, #tpu.memory_space<vmem>>, vector<1x16xf32>,
      %lt3A = arith.constant 63 : i32
      %lt3A_884 = arith.cmpi slt, %scan3A_316, %lt3A : i32
      %convert_element_type3A = arith.extui %lt3A_884 : i1 to i32
      %cond3A = arith.constant 0 : i32
      %cond3A_885 = arith.cmpi ne, %convert_element_type3A, %cond3A : i32
      scf.if %cond3A_885 {
        %add3A_1142 = arith.constant 2 : i32
        %add3A_1143 = arith.addi %mul3A_318, %add3A_1142 : i32
        %mul3A_1144 = arith.constant 1280 : i32
        %mul3A_1145 = arith.muli %add3A, %mul3A_1144 : i32
        %mul3A_1146 = arith.constant 10 : i32
        %mul3A_1147 = arith.muli %add3A_1143, %mul3A_1146 : i32
        %add3A_1148 = arith.addi %mul3A_1145, %mul3A_1147 : i32
        %run_scoped3A_1149 = arith.constant 0 : i32
        "tpu.region"() ({
          %run_scoped3A_1456 = tpu.sem_alloc : memref<!tpu.dma_semaphore, #tpu.memory_space<semaphore_mem>>
          %dma_start3A_1457 = arith.constant 0 : i32
          %dma_start3A_1458 = arith.constant 0 : i32
          %dma_start3A_1459 = tpu.memref_slice %arg7[%run_scoped3A_1149, %dma_start3A_1457, %dma_start3A_1458] : memref<2x10x80xi32, #tpu.memory_space<vmem>> -> memref<1x10x80xi32, #tpu.memory_space<vmem>>
          %dma_start3A_1460 = tpu.memref_squeeze %dma_start3A_1459 : memref<1x10x80xi32, #tpu.memory_space<vmem>> -> memref<10x80xi32, #tpu.memory_space<vmem>>
          %dma_start3A_1461 = arith.constant 0 : i32
          %dma_start3A_1462 = tpu.memref_slice %arg2[%add3A_1148, %dma_start3A_1461] : memref<40960x80xi32, #tpu.memory_space<hbm>> -> memref<10x80xi32, #tpu.memory_space<hbm>>
          %dma_start3A_1463 = arith.constant 0 : i32
          %dma_start3A_1464 = arith.constant 0 : i32
          %dma_start3A_1465 = tpu.memref_slice %arg7[%run_scoped3A_1149, %dma_start3A_1463, %dma_start3A_1464] : memref<2x10x80xi32, #tpu.memory_space<vmem>> -> memref<1x10x80xi32, #tpu.memory_space<vmem>>
          %dma_start3A_1466 = tpu.memref_squeeze %dma_start3A_1465 : memref<1x10x80xi32, #tpu.memory_space<vmem>> -> memref<10x80xi32, #tpu.memory_space<vmem>>
          %dma_start3A_1467 = arith.constant 0 : i32
          %dma_start3A_1468 = tpu.memref_slice %arg2[%add3A_1148, %dma_start3A_1467] : memref<40960x80xi32, #tpu.memory_space<hbm>> -> memref<10x80xi32, #tpu.memory_space<hbm>>
          tpu.enqueue_dma source(%dma_start3A_1468 : memref<10x80xi32, #tpu.memory_space<hbm>>) target(%dma_start3A_1466 : memref<10x80xi32, #tpu.memory_space<vmem>>) target_semaphore(%run_scoped3A_1456 : memref<!tpu.dma_semaphore, #tpu.memory_space<semaphore_mem>>)
          %dma_wait3A_1469 = arith.constant 0 : i32
          %dma_wait3A_1470 = arith.constant 0 : i32
          %dma_wait3A_1471 = tpu.memref_slice %arg7[%run_scoped3A_1149, %dma_wait3A_1469, %dma_wait3A_1470] : memref<2x10x80xi32, #tpu.memory_space<vmem>> -> memref<1x10x80xi32, #tpu.memory_space<vmem>>
          %dma_wait3A_1472 = tpu.memref_squeeze %dma_wait3A_1471 : memref<1x10x80xi32, #tpu.memory_space<vmem>> -> memref<10x80xi32, #tpu.memory_space<vmem>>
          %dma_wait3A_1473 = arith.constant 0 : i32
          %dma_wait3A_1474 = tpu.memref_slice %arg2[%add3A_1148, %dma_wait3A_1473] : memref<40960x80xi32, #tpu.memory_space<hbm>> -> memref<10x80xi32, #tpu.memory_space<hbm>>
          %dma_wait3A_1475 = arith.constant 0 : i32
          %dma_wait3A_1476 = arith.constant 0 : i32
          %dma_wait3A_1477 = tpu.memref_slice %arg7[%run_scoped3A_1149, %dma_wait3A_1475, %dma_wait3A_1476] : memref<2x10x80xi32, #tpu.memory_space<vmem>> -> memref<1x10x80xi32, #tpu.memory_space<vmem>>
          %dma_wait3A_1478 = tpu.memref_squeeze %dma_wait3A_1477 : memref<1x10x80xi32, #tpu.memory_space<vmem>> -> memref<10x80xi32, #tpu.memory_space<vmem>>
          %dma_wait3A_1479 = arith.constant 0 : i32
          %dma_wait3A_1480 = tpu.memref_slice %arg2[%add3A_1148, %dma_wait3A_1479] : memref<40960x80xi32, #tpu.memory_space<hbm>> -> memref<10x80xi32, #tpu.memory_space<hbm>>
          tpu.wait_dma2 semaphore(%run_scoped3A_1456 : memref<!tpu.dma_semaphore, #tpu.memory_space<semaphore_mem>>) src(%dma_wait3A_1480 : memref<10x80xi32, #tpu.memory_space<hbm>>) dst(%dma_wait3A_1478 : memref<10x80xi32, #tpu.memory_space<vmem>>)
          tpu.yield
        }) : () -> ()
        %mul3A_1150 = arith.constant 640 : i32
        %mul3A_1151 = arith.muli %add3A, %mul3A_1150 : i32
        %mul3A_1152 = arith.constant 5 : i32
        %mul3A_1153 = arith.muli %add3A_1143, %mul3A_1152 : i32
        %add3A_1154 = arith.addi %mul3A_1151, %mul3A_1153 : i32
        %run_scoped3A_1155 = arith.constant 0 : i32
        "tpu.region"() ({
          %run_scoped3A_1456 = tpu.sem_alloc : memref<!tpu.dma_semaphore, #tpu.memory_space<semaphore_mem>>
          %dma_start3A_1457 = arith.constant 0 : i32
          %dma_start3A_1458 = arith.constant 0 : i32
          %dma_start3A_1459 = tpu.memref_slice %arg8[%run_scoped3A_1155, %dma_start3A_1457, %dma_start3A_1458] : memref<2x5x40xi32, #tpu.memory_space<vmem>> -> memref<1x5x40xi32, #tpu.memory_space<vmem>>
          %dma_start3A_1460 = tpu.memref_squeeze %dma_start3A_1459 : memref<1x5x40xi32, #tpu.memory_space<vmem>> -> memref<5x40xi32, #tpu.memory_space<vmem>>
          %dma_start3A_1461 = arith.constant 0 : i32
          %dma_start3A_1462 = tpu.memref_slice %arg3[%add3A_1154, %dma_start3A_1461] : memref<20480x40xi32, #tpu.memory_space<hbm>> -> memref<5x40xi32, #tpu.memory_space<hbm>>
          %dma_start3A_1463 = arith.constant 0 : i32
          %dma_start3A_1464 = arith.constant 0 : i32
          %dma_start3A_1465 = tpu.memref_slice %arg8[%run_scoped3A_1155, %dma_start3A_1463, %dma_start3A_1464] : memref<2x5x40xi32, #tpu.memory_space<vmem>> -> memref<1x5x40xi32, #tpu.memory_space<vmem>>
          %dma_start3A_1466 = tpu.memref_squeeze %dma_start3A_1465 : memref<1x5x40xi32, #tpu.memory_space<vmem>> -> memref<5x40xi32, #tpu.memory_space<vmem>>
          %dma_start3A_1467 = arith.constant 0 : i32
          %dma_start3A_1468 = tpu.memref_slice %arg3[%add3A_1154, %dma_start3A_1467] : memref<20480x40xi32, #tpu.memory_space<hbm>> -> memref<5x40xi32, #tpu.memory_space<hbm>>
          tpu.enqueue_dma source(%dma_start3A_1468 : memref<5x40xi32, #tpu.memory_space<hbm>>) target(%dma_start3A_1466 : memref<5x40xi32, #tpu.memory_space<vmem>>) target_semaphore(%run_scoped3A_1456 : memref<!tpu.dma_semaphore, #tpu.memory_space<semaphore_mem>>)
          %dma_wait3A_1469 = arith.constant 0 : i32
          %dma_wait3A_1470 = arith.constant 0 : i32
          %dma_wait3A_1471 = tpu.memref_slice %arg8[%run_scoped3A_1155, %dma_wait3A_1469, %dma_wait3A_1470] : memref<2x5x40xi32, #tpu.memory_space<vmem>> -> memref<1x5x40xi32, #tpu.memory_space<vmem>>
          %dma_wait3A_1472 = tpu.memref_squeeze %dma_wait3A_1471 : memref<1x5x40xi32, #tpu.memory_space<vmem>> -> memref<5x40xi32, #tpu.memory_space<vmem>>
          %dma_wait3A_1473 = arith.constant 0 : i32
          %dma_wait3A_1474 = tpu.memref_slice %arg3[%add3A_1154, %dma_wait3A_1473] : memref<20480x40xi32, #tpu.memory_space<hbm>> -> memref<5x40xi32, #tpu.memory_space<hbm>>
          %dma_wait3A_1475 = arith.constant 0 : i32
          %dma_wait3A_1476 = arith.constant 0 : i32
          %dma_wait3A_1477 = tpu.memref_slice %arg8[%run_scoped3A_1155, %dma_wait3A_1475, %dma_wait3A_1476] : memref<2x5x40xi32, #tpu.memory_space<vmem>> -> memref<1x5x40xi32, #tpu.memory_space<vmem>>
          %dma_wait3A_1478 = tpu.memref_squeeze %dma_wait3A_1477 : memref<1x5x40xi32, #tpu.memory_space<vmem>> -> memref<5x40xi32, #tpu.memory_space<vmem>>
          %dma_wait3A_1479 = arith.constant 0 : i32
          %dma_wait3A_1480 = tpu.memref_slice %arg3[%add3A_1154, %dma_wait3A_1479] : memref<20480x40xi32, #tpu.memory_space<hbm>> -> memref<5x40xi32, #tpu.memory_space<hbm>>
          tpu.wait_dma2 semaphore(%run_scoped3A_1456 : memref<!tpu.dma_semaphore, #tpu.memory_space<semaphore_mem>>) src(%dma_wait3A_1480 : memref<5x40xi32, #tpu.memory_space<hbm>>) dst(%dma_wait3A_1478 : memref<5x40xi32, #tpu.memory_space<vmem>>)
          tpu.yield
        }) : () -> ()
        %dma_start3A_1156 = arith.constant 0 : i32
        %dma_start3A_1157 = arith.constant 0 : i32
        %dma_start3A_1158 = arith.constant 0 : i32
        %dma_start3A_1159 = arith.constant 0 : i32
        %dma_start3A_1160 = arith.constant 0 : i32
        %dma_start3A_1161 = tpu.memref_slice %arg9[%dma_start3A_1158, %dma_start3A_1159, %dma_start3A_1160] : memref<2x800x32xf32, #tpu.memory_space<vmem>> -> memref<1x800x32xf32, #tpu.memory_space<vmem>>
        %dma_start3A_1162 = tpu.memref_squeeze %dma_start3A_1161 : memref<1x800x32xf32, #tpu.memory_space<vmem>> -> memref<800x32xf32, #tpu.memory_space<vmem>>
        %dma_start3A_1163 = arith.constant 0 : i32
        %dma_start3A_1164 = arith.constant 0 : i32
        %dma_start3A_1165 = tpu.memref_slice %dma_start3A_1162[%dma_start3A_1163, %dma_start3A_1164] : memref<800x32xf32, #tpu.memory_space<vmem>> -> memref<80x32xf32, #tpu.memory_space<vmem>>
        %dma_start3A_1166 = arith.constant 0 : i32
        %dma_start3A_1167 = arith.constant 0 : i32
        %dma_start3A_1168 = tpu.memref_slice %arg7[%dma_start3A_1156, %dma_start3A_1166, %dma_start3A_1167] : memref<2x10x80xi32, #tpu.memory_space<vmem>> -> memref<1x10x80xi32, #tpu.memory_space<vmem>>
        %dma_start3A_1169 = tpu.memref_squeeze %dma_start3A_1168 : memref<1x10x80xi32, #tpu.memory_space<vmem>> -> memref<10x80xi32, #tpu.memory_space<vmem>>
        %dma_start3A_1170 = arith.constant 0 : i32
        %dma_start3A_1171 = tpu.memref_slice %dma_start3A_1169[%dma_start3A_1157, %dma_start3A_1170] : memref<10x80xi32, #tpu.memory_space<vmem>> -> memref<1x80xi32, #tpu.memory_space<vmem>>
        %dma_start3A_1172 = tpu.memref_squeeze %dma_start3A_1171 : memref<1x80xi32, #tpu.memory_space<vmem>> -> memref<80xi32, #tpu.memory_space<vmem>>
        %dma_start3A_1173 = arith.constant 0 : i32
        %dma_start3A_1174 = arith.constant 0 : i32
        %dma_start3A_1175 = tpu.memref_slice %arg4[%dma_start3A_1173, %dma_start3A_1174] : memref<1000000x32xf32, #tpu.memory_space<hbm>> -> memref<1000000x32xf32, #tpu.memory_space<hbm>>
        tpu.enqueue_indirect_dma source(%dma_start3A_1175 : memref<1000000x32xf32, #tpu.memory_space<hbm>>) target(%dma_start3A_1165 : memref<80x32xf32, #tpu.memory_space<vmem>>) offsets(%dma_start3A_1172 : memref<80xi32, #tpu.memory_space<vmem>>) semaphore(%arg12 : memref<!tpu.dma_semaphore, #tpu.memory_space<semaphore_mem>>)
        %dma_start3A_1176 = arith.constant 0 : i32
        %dma_start3A_1177 = arith.constant 1 : i32
        %dma_start3A_1178 = arith.constant 0 : i32
        %dma_start3A_1179 = arith.constant 0 : i32
        %dma_start3A_1180 = arith.constant 0 : i32
        %dma_start3A_1181 = tpu.memref_slice %arg9[%dma_start3A_1178, %dma_start3A_1179, %dma_start3A_1180] : memref<2x800x32xf32, #tpu.memory_space<vmem>> -> memref<1x800x32xf32, #tpu.memory_space<vmem>>
        %dma_start3A_1182 = tpu.memref_squeeze %dma_start3A_1181 : memref<1x800x32xf32, #tpu.memory_space<vmem>> -> memref<800x32xf32, #tpu.memory_space<vmem>>
        %dma_start3A_1183 = arith.constant 80 : i32
        %dma_start3A_1184 = arith.constant 0 : i32
        %dma_start3A_1185 = tpu.memref_slice %dma_start3A_1182[%dma_start3A_1183, %dma_start3A_1184] : memref<800x32xf32, #tpu.memory_space<vmem>> -> memref<80x32xf32, #tpu.memory_space<vmem>>
        %dma_start3A_1186 = arith.constant 0 : i32
        %dma_start3A_1187 = arith.constant 0 : i32
        %dma_start3A_1188 = tpu.memref_slice %arg7[%dma_start3A_1176, %dma_start3A_1186, %dma_start3A_1187] : memref<2x10x80xi32, #tpu.memory_space<vmem>> -> memref<1x10x80xi32, #tpu.memory_space<vmem>>
        %dma_start3A_1189 = tpu.memref_squeeze %dma_start3A_1188 : memref<1x10x80xi32, #tpu.memory_space<vmem>> -> memref<10x80xi32, #tpu.memory_space<vmem>>
        %dma_start3A_1190 = arith.constant 0 : i32
        %dma_start3A_1191 = tpu.memref_slice %dma_start3A_1189[%dma_start3A_1177, %dma_start3A_1190] : memref<10x80xi32, #tpu.memory_space<vmem>> -> memref<1x80xi32, #tpu.memory_space<vmem>>
        %dma_start3A_1192 = tpu.memref_squeeze %dma_start3A_1191 : memref<1x80xi32, #tpu.memory_space<vmem>> -> memref<80xi32, #tpu.memory_space<vmem>>
        %dma_start3A_1193 = arith.constant 0 : i32
        %dma_start3A_1194 = arith.constant 0 : i32
        %dma_start3A_1195 = tpu.memref_slice %arg4[%dma_start3A_1193, %dma_start3A_1194] : memref<1000000x32xf32, #tpu.memory_space<hbm>> -> memref<1000000x32xf32, #tpu.memory_space<hbm>>
        tpu.enqueue_indirect_dma source(%dma_start3A_1195 : memref<1000000x32xf32, #tpu.memory_space<hbm>>) target(%dma_start3A_1185 : memref<80x32xf32, #tpu.memory_space<vmem>>) offsets(%dma_start3A_1192 : memref<80xi32, #tpu.memory_space<vmem>>) semaphore(%arg12 : memref<!tpu.dma_semaphore, #tpu.memory_space<semaphore_mem>>)
        %dma_start3A_1196 = arith.constant 0 : i32
        %dma_start3A_1197 = arith.constant 2 : i32
        %dma_start3A_1198 = arith.constant 0 : i32
        %dma_start3A_1199 = arith.constant 0 : i32
        %dma_start3A_1200 = arith.constant 0 : i32
        %dma_start3A_1201 = tpu.memref_slice %arg9[%dma_start3A_1198, %dma_start3A_1199, %dma_start3A_1200] : memref<2x800x32xf32, #tpu.memory_space<vmem>> -> memref<1x800x32xf32, #tpu.memory_space<vmem>>
        %dma_start3A_1202 = tpu.memref_squeeze %dma_start3A_1201 : memref<1x800x32xf32, #tpu.memory_space<vmem>> -> memref<800x32xf32, #tpu.memory_space<vmem>>
        %dma_start3A_1203 = arith.constant 160 : i32
        %dma_start3A_1204 = arith.constant 0 : i32
        %dma_start3A_1205 = tpu.memref_slice %dma_start3A_1202[%dma_start3A_1203, %dma_start3A_1204] : memref<800x32xf32, #tpu.memory_space<vmem>> -> memref<80x32xf32, #tpu.memory_space<vmem>>
        %dma_start3A_1206 = arith.constant 0 : i32
        %dma_start3A_1207 = arith.constant 0 : i32
        %dma_start3A_1208 = tpu.memref_slice %arg7[%dma_start3A_1196, %dma_start3A_1206, %dma_start3A_1207] : memref<2x10x80xi32, #tpu.memory_space<vmem>> -> memref<1x10x80xi32, #tpu.memory_space<vmem>>
        %dma_start3A_1209 = tpu.memref_squeeze %dma_start3A_1208 : memref<1x10x80xi32, #tpu.memory_space<vmem>> -> memref<10x80xi32, #tpu.memory_space<vmem>>
        %dma_start3A_1210 = arith.constant 0 : i32
        %dma_start3A_1211 = tpu.memref_slice %dma_start3A_1209[%dma_start3A_1197, %dma_start3A_1210] : memref<10x80xi32, #tpu.memory_space<vmem>> -> memref<1x80xi32, #tpu.memory_space<vmem>>
        %dma_start3A_1212 = tpu.memref_squeeze %dma_start3A_1211 : memref<1x80xi32, #tpu.memory_space<vmem>> -> memref<80xi32, #tpu.memory_space<vmem>>
        %dma_start3A_1213 = arith.constant 0 : i32
        %dma_start3A_1214 = arith.constant 0 : i32
        %dma_start3A_1215 = tpu.memref_slice %arg4[%dma_start3A_1213, %dma_start3A_1214] : memref<1000000x32xf32, #tpu.memory_space<hbm>> -> memref<1000000x32xf32, #tpu.memory_space<hbm>>
        tpu.enqueue_indirect_dma source(%dma_start3A_1215 : memref<1000000x32xf32, #tpu.memory_space<hbm>>) target(%dma_start3A_1205 : memref<80x32xf32, #tpu.memory_space<vmem>>) offsets(%dma_start3A_1212 : memref<80xi32, #tpu.memory_space<vmem>>) semaphore(%arg12 : memref<!tpu.dma_semaphore, #tpu.memory_space<semaphore_mem>>)
        %dma_start3A_1216 = arith.constant 0 : i32
        %dma_start3A_1217 = arith.constant 3 : i32
        %dma_start3A_1218 = arith.constant 0 : i32
        %dma_start3A_1219 = arith.constant 0 : i32
        %dma_start3A_1220 = arith.constant 0 : i32
        %dma_start3A_1221 = tpu.memref_slice %arg9[%dma_start3A_1218, %dma_start3A_1219, %dma_start3A_1220] : memref<2x800x32xf32, #tpu.memory_space<vmem>> -> memref<1x800x32xf32, #tpu.memory_space<vmem>>
        %dma_start3A_1222 = tpu.memref_squeeze %dma_start3A_1221 : memref<1x800x32xf32, #tpu.memory_space<vmem>> -> memref<800x32xf32, #tpu.memory_space<vmem>>
        %dma_start3A_1223 = arith.constant 240 : i32
        %dma_start3A_1224 = arith.constant 0 : i32
        %dma_start3A_1225 = tpu.memref_slice %dma_start3A_1222[%dma_start3A_1223, %dma_start3A_1224] : memref<800x32xf32, #tpu.memory_space<vmem>> -> memref<80x32xf32, #tpu.memory_space<vmem>>
        %dma_start3A_1226 = arith.constant 0 : i32
        %dma_start3A_1227 = arith.constant 0 : i32
        %dma_start3A_1228 = tpu.memref_slice %arg7[%dma_start3A_1216, %dma_start3A_1226, %dma_start3A_1227] : memref<2x10x80xi32, #tpu.memory_space<vmem>> -> memref<1x10x80xi32, #tpu.memory_space<vmem>>
        %dma_start3A_1229 = tpu.memref_squeeze %dma_start3A_1228 : memref<1x10x80xi32, #tpu.memory_space<vmem>> -> memref<10x80xi32, #tpu.memory_space<vmem>>
        %dma_start3A_1230 = arith.constant 0 : i32
        %dma_start3A_1231 = tpu.memref_slice %dma_start3A_1229[%dma_start3A_1217, %dma_start3A_1230] : memref<10x80xi32, #tpu.memory_space<vmem>> -> memref<1x80xi32, #tpu.memory_space<vmem>>
        %dma_start3A_1232 = tpu.memref_squeeze %dma_start3A_1231 : memref<1x80xi32, #tpu.memory_space<vmem>> -> memref<80xi32, #tpu.memory_space<vmem>>
        %dma_start3A_1233 = arith.constant 0 : i32
        %dma_start3A_1234 = arith.constant 0 : i32
        %dma_start3A_1235 = tpu.memref_slice %arg4[%dma_start3A_1233, %dma_start3A_1234] : memref<1000000x32xf32, #tpu.memory_space<hbm>> -> memref<1000000x32xf32, #tpu.memory_space<hbm>>
        tpu.enqueue_indirect_dma source(%dma_start3A_1235 : memref<1000000x32xf32, #tpu.memory_space<hbm>>) target(%dma_start3A_1225 : memref<80x32xf32, #tpu.memory_space<vmem>>) offsets(%dma_start3A_1232 : memref<80xi32, #tpu.memory_space<vmem>>) semaphore(%arg12 : memref<!tpu.dma_semaphore, #tpu.memory_space<semaphore_mem>>)
        %dma_start3A_1236 = arith.constant 0 : i32
        %dma_start3A_1237 = arith.constant 4 : i32
        %dma_start3A_1238 = arith.constant 0 : i32
        %dma_start3A_1239 = arith.constant 0 : i32
        %dma_start3A_1240 = arith.constant 0 : i32
        %dma_start3A_1241 = tpu.memref_slice %arg9[%dma_start3A_1238, %dma_start3A_1239, %dma_start3A_1240] : memref<2x800x32xf32, #tpu.memory_space<vmem>> -> memref<1x800x32xf32, #tpu.memory_space<vmem>>
        %dma_start3A_1242 = tpu.memref_squeeze %dma_start3A_1241 : memref<1x800x32xf32, #tpu.memory_space<vmem>> -> memref<800x32xf32, #tpu.memory_space<vmem>>
        %dma_start3A_1243 = arith.constant 320 : i32
        %dma_start3A_1244 = arith.constant 0 : i32
        %dma_start3A_1245 = tpu.memref_slice %dma_start3A_1242[%dma_start3A_1243, %dma_start3A_1244] : memref<800x32xf32, #tpu.memory_space<vmem>> -> memref<80x32xf32, #tpu.memory_space<vmem>>
        %dma_start3A_1246 = arith.constant 0 : i32
        %dma_start3A_1247 = arith.constant 0 : i32
        %dma_start3A_1248 = tpu.memref_slice %arg7[%dma_start3A_1236, %dma_start3A_1246, %dma_start3A_1247] : memref<2x10x80xi32, #tpu.memory_space<vmem>> -> memref<1x10x80xi32, #tpu.memory_space<vmem>>
        %dma_start3A_1249 = tpu.memref_squeeze %dma_start3A_1248 : memref<1x10x80xi32, #tpu.memory_space<vmem>> -> memref<10x80xi32, #tpu.memory_space<vmem>>
        %dma_start3A_1250 = arith.constant 0 : i32
        %dma_start3A_1251 = tpu.memref_slice %dma_start3A_1249[%dma_start3A_1237, %dma_start3A_1250] : memref<10x80xi32, #tpu.memory_space<vmem>> -> memref<1x80xi32, #tpu.memory_space<vmem>>
        %dma_start3A_1252 = tpu.memref_squeeze %dma_start3A_1251 : memref<1x80xi32, #tpu.memory_space<vmem>> -> memref<80xi32, #tpu.memory_space<vmem>>
        %dma_start3A_1253 = arith.constant 0 : i32
        %dma_start3A_1254 = arith.constant 0 : i32
        %dma_start3A_1255 = tpu.memref_slice %arg4[%dma_start3A_1253, %dma_start3A_1254] : memref<1000000x32xf32, #tpu.memory_space<hbm>> -> memref<1000000x32xf32, #tpu.memory_space<hbm>>
        tpu.enqueue_indirect_dma source(%dma_start3A_1255 : memref<1000000x32xf32, #tpu.memory_space<hbm>>) target(%dma_start3A_1245 : memref<80x32xf32, #tpu.memory_space<vmem>>) offsets(%dma_start3A_1252 : memref<80xi32, #tpu.memory_space<vmem>>) semaphore(%arg12 : memref<!tpu.dma_semaphore, #tpu.memory_space<semaphore_mem>>)
        %dma_start3A_1256 = arith.constant 0 : i32
        %dma_start3A_1257 = arith.constant 5 : i32
        %dma_start3A_1258 = arith.constant 0 : i32
        %dma_start3A_1259 = arith.constant 0 : i32
        %dma_start3A_1260 = arith.constant 0 : i32
        %dma_start3A_1261 = tpu.memref_slice %arg9[%dma_start3A_1258, %dma_start3A_1259, %dma_start3A_1260] : memref<2x800x32xf32, #tpu.memory_space<vmem>> -> memref<1x800x32xf32, #tpu.memory_space<vmem>>
        %dma_start3A_1262 = tpu.memref_squeeze %dma_start3A_1261 : memref<1x800x32xf32, #tpu.memory_space<vmem>> -> memref<800x32xf32, #tpu.memory_space<vmem>>
        %dma_start3A_1263 = arith.constant 400 : i32
        %dma_start3A_1264 = arith.constant 0 : i32
        %dma_start3A_1265 = tpu.memref_slice %dma_start3A_1262[%dma_start3A_1263, %dma_start3A_1264] : memref<800x32xf32, #tpu.memory_space<vmem>> -> memref<80x32xf32, #tpu.memory_space<vmem>>
        %dma_start3A_1266 = arith.constant 0 : i32
        %dma_start3A_1267 = arith.constant 0 : i32
        %dma_start3A_1268 = tpu.memref_slice %arg7[%dma_start3A_1256, %dma_start3A_1266, %dma_start3A_1267] : memref<2x10x80xi32, #tpu.memory_space<vmem>> -> memref<1x10x80xi32, #tpu.memory_space<vmem>>
        %dma_start3A_1269 = tpu.memref_squeeze %dma_start3A_1268 : memref<1x10x80xi32, #tpu.memory_space<vmem>> -> memref<10x80xi32, #tpu.memory_space<vmem>>
        %dma_start3A_1270 = arith.constant 0 : i32
        %dma_start3A_1271 = tpu.memref_slice %dma_start3A_1269[%dma_start3A_1257, %dma_start3A_1270] : memref<10x80xi32, #tpu.memory_space<vmem>> -> memref<1x80xi32, #tpu.memory_space<vmem>>
        %dma_start3A_1272 = tpu.memref_squeeze %dma_start3A_1271 : memref<1x80xi32, #tpu.memory_space<vmem>> -> memref<80xi32, #tpu.memory_space<vmem>>
        %dma_start3A_1273 = arith.constant 0 : i32
        %dma_start3A_1274 = arith.constant 0 : i32
        %dma_start3A_1275 = tpu.memref_slice %arg4[%dma_start3A_1273, %dma_start3A_1274] : memref<1000000x32xf32, #tpu.memory_space<hbm>> -> memref<1000000x32xf32, #tpu.memory_space<hbm>>
        tpu.enqueue_indirect_dma source(%dma_start3A_1275 : memref<1000000x32xf32, #tpu.memory_space<hbm>>) target(%dma_start3A_1265 : memref<80x32xf32, #tpu.memory_space<vmem>>) offsets(%dma_start3A_1272 : memref<80xi32, #tpu.memory_space<vmem>>) semaphore(%arg12 : memref<!tpu.dma_semaphore, #tpu.memory_space<semaphore_mem>>)
        %dma_start3A_1276 = arith.constant 0 : i32
        %dma_start3A_1277 = arith.constant 6 : i32
        %dma_start3A_1278 = arith.constant 0 : i32
        %dma_start3A_1279 = arith.constant 0 : i32
        %dma_start3A_1280 = arith.constant 0 : i32
        %dma_start3A_1281 = tpu.memref_slice %arg9[%dma_start3A_1278, %dma_start3A_1279, %dma_start3A_1280] : memref<2x800x32xf32, #tpu.memory_space<vmem>> -> memref<1x800x32xf32, #tpu.memory_space<vmem>>
        %dma_start3A_1282 = tpu.memref_squeeze %dma_start3A_1281 : memref<1x800x32xf32, #tpu.memory_space<vmem>> -> memref<800x32xf32, #tpu.memory_space<vmem>>
        %dma_start3A_1283 = arith.constant 480 : i32
        %dma_start3A_1284 = arith.constant 0 : i32
        %dma_start3A_1285 = tpu.memref_slice %dma_start3A_1282[%dma_start3A_1283, %dma_start3A_1284] : memref<800x32xf32, #tpu.memory_space<vmem>> -> memref<80x32xf32, #tpu.memory_space<vmem>>
        %dma_start3A_1286 = arith.constant 0 : i32
        %dma_start3A_1287 = arith.constant 0 : i32
        %dma_start3A_1288 = tpu.memref_slice %arg7[%dma_start3A_1276, %dma_start3A_1286, %dma_start3A_1287] : memref<2x10x80xi32, #tpu.memory_space<vmem>> -> memref<1x10x80xi32, #tpu.memory_space<vmem>>
        %dma_start3A_1289 = tpu.memref_squeeze %dma_start3A_1288 : memref<1x10x80xi32, #tpu.memory_space<vmem>> -> memref<10x80xi32, #tpu.memory_space<vmem>>
        %dma_start3A_1290 = arith.constant 0 : i32
        %dma_start3A_1291 = tpu.memref_slice %dma_start3A_1289[%dma_start3A_1277, %dma_start3A_1290] : memref<10x80xi32, #tpu.memory_space<vmem>> -> memref<1x80xi32, #tpu.memory_space<vmem>>
        %dma_start3A_1292 = tpu.memref_squeeze %dma_start3A_1291 : memref<1x80xi32, #tpu.memory_space<vmem>> -> memref<80xi32, #tpu.memory_space<vmem>>
        %dma_start3A_1293 = arith.constant 0 : i32
        %dma_start3A_1294 = arith.constant 0 : i32
        %dma_start3A_1295 = tpu.memref_slice %arg4[%dma_start3A_1293, %dma_start3A_1294] : memref<1000000x32xf32, #tpu.memory_space<hbm>> -> memref<1000000x32xf32, #tpu.memory_space<hbm>>
        tpu.enqueue_indirect_dma source(%dma_start3A_1295 : memref<1000000x32xf32, #tpu.memory_space<hbm>>) target(%dma_start3A_1285 : memref<80x32xf32, #tpu.memory_space<vmem>>) offsets(%dma_start3A_1292 : memref<80xi32, #tpu.memory_space<vmem>>) semaphore(%arg12 : memref<!tpu.dma_semaphore, #tpu.memory_space<semaphore_mem>>)
        %dma_start3A_1296 = arith.constant 0 : i32
        %dma_start3A_1297 = arith.constant 7 : i32
        %dma_start3A_1298 = arith.constant 0 : i32
        %dma_start3A_1299 = arith.constant 0 : i32
        %dma_start3A_1300 = arith.constant 0 : i32
        %dma_start3A_1301 = tpu.memref_slice %arg9[%dma_start3A_1298, %dma_start3A_1299, %dma_start3A_1300] : memref<2x800x32xf32, #tpu.memory_space<vmem>> -> memref<1x800x32xf32, #tpu.memory_space<vmem>>
        %dma_start3A_1302 = tpu.memref_squeeze %dma_start3A_1301 : memref<1x800x32xf32, #tpu.memory_space<vmem>> -> memref<800x32xf32, #tpu.memory_space<vmem>>
        %dma_start3A_1303 = arith.constant 560 : i32
        %dma_start3A_1304 = arith.constant 0 : i32
        %dma_start3A_1305 = tpu.memref_slice %dma_start3A_1302[%dma_start3A_1303, %dma_start3A_1304] : memref<800x32xf32, #tpu.memory_space<vmem>> -> memref<80x32xf32, #tpu.memory_space<vmem>>
        %dma_start3A_1306 = arith.constant 0 : i32
        %dma_start3A_1307 = arith.constant 0 : i32
        %dma_start3A_1308 = tpu.memref_slice %arg7[%dma_start3A_1296, %dma_start3A_1306, %dma_start3A_1307] : memref<2x10x80xi32, #tpu.memory_space<vmem>> -> memref<1x10x80xi32, #tpu.memory_space<vmem>>
        %dma_start3A_1309 = tpu.memref_squeeze %dma_start3A_1308 : memref<1x10x80xi32, #tpu.memory_space<vmem>> -> memref<10x80xi32, #tpu.memory_space<vmem>>
        %dma_start3A_1310 = arith.constant 0 : i32
        %dma_start3A_1311 = tpu.memref_slice %dma_start3A_1309[%dma_start3A_1297, %dma_start3A_1310] : memref<10x80xi32, #tpu.memory_space<vmem>> -> memref<1x80xi32, #tpu.memory_space<vmem>>
        %dma_start3A_1312 = tpu.memref_squeeze %dma_start3A_1311 : memref<1x80xi32, #tpu.memory_space<vmem>> -> memref<80xi32, #tpu.memory_space<vmem>>
        %dma_start3A_1313 = arith.constant 0 : i32
        %dma_start3A_1314 = arith.constant 0 : i32
        %dma_start3A_1315 = tpu.memref_slice %arg4[%dma_start3A_1313, %dma_start3A_1314] : memref<1000000x32xf32, #tpu.memory_space<hbm>> -> memref<1000000x32xf32, #tpu.memory_space<hbm>>
        tpu.enqueue_indirect_dma source(%dma_start3A_1315 : memref<1000000x32xf32, #tpu.memory_space<hbm>>) target(%dma_start3A_1305 : memref<80x32xf32, #tpu.memory_space<vmem>>) offsets(%dma_start3A_1312 : memref<80xi32, #tpu.memory_space<vmem>>) semaphore(%arg12 : memref<!tpu.dma_semaphore, #tpu.memory_space<semaphore_mem>>)
        %dma_start3A_1316 = arith.constant 0 : i32
        %dma_start3A_1317 = arith.constant 8 : i32
        %dma_start3A_1318 = arith.constant 0 : i32
        %dma_start3A_1319 = arith.constant 0 : i32
        %dma_start3A_1320 = arith.constant 0 : i32
        %dma_start3A_1321 = tpu.memref_slice %arg9[%dma_start3A_1318, %dma_start3A_1319, %dma_start3A_1320] : memref<2x800x32xf32, #tpu.memory_space<vmem>> -> memref<1x800x32xf32, #tpu.memory_space<vmem>>
        %dma_start3A_1322 = tpu.memref_squeeze %dma_start3A_1321 : memref<1x800x32xf32, #tpu.memory_space<vmem>> -> memref<800x32xf32, #tpu.memory_space<vmem>>
        %dma_start3A_1323 = arith.constant 640 : i32
        %dma_start3A_1324 = arith.constant 0 : i32
        %dma_start3A_1325 = tpu.memref_slice %dma_start3A_1322[%dma_start3A_1323, %dma_start3A_1324] : memref<800x32xf32, #tpu.memory_space<vmem>> -> memref<80x32xf32, #tpu.memory_space<vmem>>
        %dma_start3A_1326 = arith.constant 0 : i32
        %dma_start3A_1327 = arith.constant 0 : i32
        %dma_start3A_1328 = tpu.memref_slice %arg7[%dma_start3A_1316, %dma_start3A_1326, %dma_start3A_1327] : memref<2x10x80xi32, #tpu.memory_space<vmem>> -> memref<1x10x80xi32, #tpu.memory_space<vmem>>
        %dma_start3A_1329 = tpu.memref_squeeze %dma_start3A_1328 : memref<1x10x80xi32, #tpu.memory_space<vmem>> -> memref<10x80xi32, #tpu.memory_space<vmem>>
        %dma_start3A_1330 = arith.constant 0 : i32
        %dma_start3A_1331 = tpu.memref_slice %dma_start3A_1329[%dma_start3A_1317, %dma_start3A_1330] : memref<10x80xi32, #tpu.memory_space<vmem>> -> memref<1x80xi32, #tpu.memory_space<vmem>>
        %dma_start3A_1332 = tpu.memref_squeeze %dma_start3A_1331 : memref<1x80xi32, #tpu.memory_space<vmem>> -> memref<80xi32, #tpu.memory_space<vmem>>
        %dma_start3A_1333 = arith.constant 0 : i32
        %dma_start3A_1334 = arith.constant 0 : i32
        %dma_start3A_1335 = tpu.memref_slice %arg4[%dma_start3A_1333, %dma_start3A_1334] : memref<1000000x32xf32, #tpu.memory_space<hbm>> -> memref<1000000x32xf32, #tpu.memory_space<hbm>>
        tpu.enqueue_indirect_dma source(%dma_start3A_1335 : memref<1000000x32xf32, #tpu.memory_space<hbm>>) target(%dma_start3A_1325 : memref<80x32xf32, #tpu.memory_space<vmem>>) offsets(%dma_start3A_1332 : memref<80xi32, #tpu.memory_space<vmem>>) semaphore(%arg12 : memref<!tpu.dma_semaphore, #tpu.memory_space<semaphore_mem>>)
        %dma_start3A_1336 = arith.constant 0 : i32
        %dma_start3A_1337 = arith.constant 9 : i32
        %dma_start3A_1338 = arith.constant 0 : i32
        %dma_start3A_1339 = arith.constant 0 : i32
        %dma_start3A_1340 = arith.constant 0 : i32
        %dma_start3A_1341 = tpu.memref_slice %arg9[%dma_start3A_1338, %dma_start3A_1339, %dma_start3A_1340] : memref<2x800x32xf32, #tpu.memory_space<vmem>> -> memref<1x800x32xf32, #tpu.memory_space<vmem>>
        %dma_start3A_1342 = tpu.memref_squeeze %dma_start3A_1341 : memref<1x800x32xf32, #tpu.memory_space<vmem>> -> memref<800x32xf32, #tpu.memory_space<vmem>>
        %dma_start3A_1343 = arith.constant 720 : i32
        %dma_start3A_1344 = arith.constant 0 : i32
        %dma_start3A_1345 = tpu.memref_slice %dma_start3A_1342[%dma_start3A_1343, %dma_start3A_1344] : memref<800x32xf32, #tpu.memory_space<vmem>> -> memref<80x32xf32, #tpu.memory_space<vmem>>
        %dma_start3A_1346 = arith.constant 0 : i32
        %dma_start3A_1347 = arith.constant 0 : i32
        %dma_start3A_1348 = tpu.memref_slice %arg7[%dma_start3A_1336, %dma_start3A_1346, %dma_start3A_1347] : memref<2x10x80xi32, #tpu.memory_space<vmem>> -> memref<1x10x80xi32, #tpu.memory_space<vmem>>
        %dma_start3A_1349 = tpu.memref_squeeze %dma_start3A_1348 : memref<1x10x80xi32, #tpu.memory_space<vmem>> -> memref<10x80xi32, #tpu.memory_space<vmem>>
        %dma_start3A_1350 = arith.constant 0 : i32
        %dma_start3A_1351 = tpu.memref_slice %dma_start3A_1349[%dma_start3A_1337, %dma_start3A_1350] : memref<10x80xi32, #tpu.memory_space<vmem>> -> memref<1x80xi32, #tpu.memory_space<vmem>>
        %dma_start3A_1352 = tpu.memref_squeeze %dma_start3A_1351 : memref<1x80xi32, #tpu.memory_space<vmem>> -> memref<80xi32, #tpu.memory_space<vmem>>
        %dma_start3A_1353 = arith.constant 0 : i32
        %dma_start3A_1354 = arith.constant 0 : i32
        %dma_start3A_1355 = tpu.memref_slice %arg4[%dma_start3A_1353, %dma_start3A_1354] : memref<1000000x32xf32, #tpu.memory_space<hbm>> -> memref<1000000x32xf32, #tpu.memory_space<hbm>>
        tpu.enqueue_indirect_dma source(%dma_start3A_1355 : memref<1000000x32xf32, #tpu.memory_space<hbm>>) target(%dma_start3A_1345 : memref<80x32xf32, #tpu.memory_space<vmem>>) offsets(%dma_start3A_1352 : memref<80xi32, #tpu.memory_space<vmem>>) semaphore(%arg12 : memref<!tpu.dma_semaphore, #tpu.memory_space<semaphore_mem>>)
        %dma_start3A_1356 = arith.constant 0 : i32
        %dma_start3A_1357 = arith.constant 0 : i32
        %dma_start3A_1358 = arith.constant 0 : i32
        %dma_start3A_1359 = arith.constant 0 : i32
        %dma_start3A_1360 = arith.constant 0 : i32
        %dma_start3A_1361 = tpu.memref_slice %arg10[%dma_start3A_1358, %dma_start3A_1359, %dma_start3A_1360] : memref<2x200x32xf32, #tpu.memory_space<vmem>> -> memref<1x200x32xf32, #tpu.memory_space<vmem>>
        %dma_start3A_1362 = tpu.memref_squeeze %dma_start3A_1361 : memref<1x200x32xf32, #tpu.memory_space<vmem>> -> memref<200x32xf32, #tpu.memory_space<vmem>>
        %dma_start3A_1363 = arith.constant 0 : i32
        %dma_start3A_1364 = arith.constant 0 : i32
        %dma_start3A_1365 = tpu.memref_slice %dma_start3A_1362[%dma_start3A_1363, %dma_start3A_1364] : memref<200x32xf32, #tpu.memory_space<vmem>> -> memref<40x32xf32, #tpu.memory_space<vmem>>
        %dma_start3A_1366 = arith.constant 0 : i32
        %dma_start3A_1367 = arith.constant 0 : i32
        %dma_start3A_1368 = tpu.memref_slice %arg8[%dma_start3A_1356, %dma_start3A_1366, %dma_start3A_1367] : memref<2x5x40xi32, #tpu.memory_space<vmem>> -> memref<1x5x40xi32, #tpu.memory_space<vmem>>
        %dma_start3A_1369 = tpu.memref_squeeze %dma_start3A_1368 : memref<1x5x40xi32, #tpu.memory_space<vmem>> -> memref<5x40xi32, #tpu.memory_space<vmem>>
        %dma_start3A_1370 = arith.constant 0 : i32
        %dma_start3A_1371 = tpu.memref_slice %dma_start3A_1369[%dma_start3A_1357, %dma_start3A_1370] : memref<5x40xi32, #tpu.memory_space<vmem>> -> memref<1x40xi32, #tpu.memory_space<vmem>>
        %dma_start3A_1372 = tpu.memref_squeeze %dma_start3A_1371 : memref<1x40xi32, #tpu.memory_space<vmem>> -> memref<40xi32, #tpu.memory_space<vmem>>
        %dma_start3A_1373 = arith.constant 0 : i32
        %dma_start3A_1374 = arith.constant 0 : i32
        %dma_start3A_1375 = tpu.memref_slice %arg5[%dma_start3A_1373, %dma_start3A_1374] : memref<100000x32xf32, #tpu.memory_space<hbm>> -> memref<100000x32xf32, #tpu.memory_space<hbm>>
        tpu.enqueue_indirect_dma source(%dma_start3A_1375 : memref<100000x32xf32, #tpu.memory_space<hbm>>) target(%dma_start3A_1365 : memref<40x32xf32, #tpu.memory_space<vmem>>) offsets(%dma_start3A_1372 : memref<40xi32, #tpu.memory_space<vmem>>) semaphore(%arg14 : memref<!tpu.dma_semaphore, #tpu.memory_space<semaphore_mem>>)
        %dma_start3A_1376 = arith.constant 0 : i32
        %dma_start3A_1377 = arith.constant 1 : i32
        %dma_start3A_1378 = arith.constant 0 : i32
        %dma_start3A_1379 = arith.constant 0 : i32
        %dma_start3A_1380 = arith.constant 0 : i32
        %dma_start3A_1381 = tpu.memref_slice %arg10[%dma_start3A_1378, %dma_start3A_1379, %dma_start3A_1380] : memref<2x200x32xf32, #tpu.memory_space<vmem>> -> memref<1x200x32xf32, #tpu.memory_space<vmem>>
        %dma_start3A_1382 = tpu.memref_squeeze %dma_start3A_1381 : memref<1x200x32xf32, #tpu.memory_space<vmem>> -> memref<200x32xf32, #tpu.memory_space<vmem>>
        %dma_start3A_1383 = arith.constant 40 : i32
        %dma_start3A_1384 = arith.constant 0 : i32
        %dma_start3A_1385 = tpu.memref_slice %dma_start3A_1382[%dma_start3A_1383, %dma_start3A_1384] : memref<200x32xf32, #tpu.memory_space<vmem>> -> memref<40x32xf32, #tpu.memory_space<vmem>>
        %dma_start3A_1386 = arith.constant 0 : i32
        %dma_start3A_1387 = arith.constant 0 : i32
        %dma_start3A_1388 = tpu.memref_slice %arg8[%dma_start3A_1376, %dma_start3A_1386, %dma_start3A_1387] : memref<2x5x40xi32, #tpu.memory_space<vmem>> -> memref<1x5x40xi32, #tpu.memory_space<vmem>>
        %dma_start3A_1389 = tpu.memref_squeeze %dma_start3A_1388 : memref<1x5x40xi32, #tpu.memory_space<vmem>> -> memref<5x40xi32, #tpu.memory_space<vmem>>
        %dma_start3A_1390 = arith.constant 0 : i32
        %dma_start3A_1391 = tpu.memref_slice %dma_start3A_1389[%dma_start3A_1377, %dma_start3A_1390] : memref<5x40xi32, #tpu.memory_space<vmem>> -> memref<1x40xi32, #tpu.memory_space<vmem>>
        %dma_start3A_1392 = tpu.memref_squeeze %dma_start3A_1391 : memref<1x40xi32, #tpu.memory_space<vmem>> -> memref<40xi32, #tpu.memory_space<vmem>>
        %dma_start3A_1393 = arith.constant 0 : i32
        %dma_start3A_1394 = arith.constant 0 : i32
        %dma_start3A_1395 = tpu.memref_slice %arg5[%dma_start3A_1393, %dma_start3A_1394] : memref<100000x32xf32, #tpu.memory_space<hbm>> -> memref<100000x32xf32, #tpu.memory_space<hbm>>
        tpu.enqueue_indirect_dma source(%dma_start3A_1395 : memref<100000x32xf32, #tpu.memory_space<hbm>>) target(%dma_start3A_1385 : memref<40x32xf32, #tpu.memory_space<vmem>>) offsets(%dma_start3A_1392 : memref<40xi32, #tpu.memory_space<vmem>>) semaphore(%arg14 : memref<!tpu.dma_semaphore, #tpu.memory_space<semaphore_mem>>)
        %dma_start3A_1396 = arith.constant 0 : i32
        %dma_start3A_1397 = arith.constant 2 : i32
        %dma_start3A_1398 = arith.constant 0 : i32
        %dma_start3A_1399 = arith.constant 0 : i32
        %dma_start3A_1400 = arith.constant 0 : i32
        %dma_start3A_1401 = tpu.memref_slice %arg10[%dma_start3A_1398, %dma_start3A_1399, %dma_start3A_1400] : memref<2x200x32xf32, #tpu.memory_space<vmem>> -> memref<1x200x32xf32, #tpu.memory_space<vmem>>
        %dma_start3A_1402 = tpu.memref_squeeze %dma_start3A_1401 : memref<1x200x32xf32, #tpu.memory_space<vmem>> -> memref<200x32xf32, #tpu.memory_space<vmem>>
        %dma_start3A_1403 = arith.constant 80 : i32
        %dma_start3A_1404 = arith.constant 0 : i32
        %dma_start3A_1405 = tpu.memref_slice %dma_start3A_1402[%dma_start3A_1403, %dma_start3A_1404] : memref<200x32xf32, #tpu.memory_space<vmem>> -> memref<40x32xf32, #tpu.memory_space<vmem>>
        %dma_start3A_1406 = arith.constant 0 : i32
        %dma_start3A_1407 = arith.constant 0 : i32
        %dma_start3A_1408 = tpu.memref_slice %arg8[%dma_start3A_1396, %dma_start3A_1406, %dma_start3A_1407] : memref<2x5x40xi32, #tpu.memory_space<vmem>> -> memref<1x5x40xi32, #tpu.memory_space<vmem>>
        %dma_start3A_1409 = tpu.memref_squeeze %dma_start3A_1408 : memref<1x5x40xi32, #tpu.memory_space<vmem>> -> memref<5x40xi32, #tpu.memory_space<vmem>>
        %dma_start3A_1410 = arith.constant 0 : i32
        %dma_start3A_1411 = tpu.memref_slice %dma_start3A_1409[%dma_start3A_1397, %dma_start3A_1410] : memref<5x40xi32, #tpu.memory_space<vmem>> -> memref<1x40xi32, #tpu.memory_space<vmem>>
        %dma_start3A_1412 = tpu.memref_squeeze %dma_start3A_1411 : memref<1x40xi32, #tpu.memory_space<vmem>> -> memref<40xi32, #tpu.memory_space<vmem>>
        %dma_start3A_1413 = arith.constant 0 : i32
        %dma_start3A_1414 = arith.constant 0 : i32
        %dma_start3A_1415 = tpu.memref_slice %arg5[%dma_start3A_1413, %dma_start3A_1414] : memref<100000x32xf32, #tpu.memory_space<hbm>> -> memref<100000x32xf32, #tpu.memory_space<hbm>>
        tpu.enqueue_indirect_dma source(%dma_start3A_1415 : memref<100000x32xf32, #tpu.memory_space<hbm>>) target(%dma_start3A_1405 : memref<40x32xf32, #tpu.memory_space<vmem>>) offsets(%dma_start3A_1412 : memref<40xi32, #tpu.memory_space<vmem>>) semaphore(%arg14 : memref<!tpu.dma_semaphore, #tpu.memory_space<semaphore_mem>>)
        %dma_start3A_1416 = arith.constant 0 : i32
        %dma_start3A_1417 = arith.constant 3 : i32
        %dma_start3A_1418 = arith.constant 0 : i32
        %dma_start3A_1419 = arith.constant 0 : i32
        %dma_start3A_1420 = arith.constant 0 : i32
        %dma_start3A_1421 = tpu.memref_slice %arg10[%dma_start3A_1418, %dma_start3A_1419, %dma_start3A_1420] : memref<2x200x32xf32, #tpu.memory_space<vmem>> -> memref<1x200x32xf32, #tpu.memory_space<vmem>>
        %dma_start3A_1422 = tpu.memref_squeeze %dma_start3A_1421 : memref<1x200x32xf32, #tpu.memory_space<vmem>> -> memref<200x32xf32, #tpu.memory_space<vmem>>
        %dma_start3A_1423 = arith.constant 120 : i32
        %dma_start3A_1424 = arith.constant 0 : i32
        %dma_start3A_1425 = tpu.memref_slice %dma_start3A_1422[%dma_start3A_1423, %dma_start3A_1424] : memref<200x32xf32, #tpu.memory_space<vmem>> -> memref<40x32xf32, #tpu.memory_space<vmem>>
        %dma_start3A_1426 = arith.constant 0 : i32
        %dma_start3A_1427 = arith.constant 0 : i32
        %dma_start3A_1428 = tpu.memref_slice %arg8[%dma_start3A_1416, %dma_start3A_1426, %dma_start3A_1427] : memref<2x5x40xi32, #tpu.memory_space<vmem>> -> memref<1x5x40xi32, #tpu.memory_space<vmem>>
        %dma_start3A_1429 = tpu.memref_squeeze %dma_start3A_1428 : memref<1x5x40xi32, #tpu.memory_space<vmem>> -> memref<5x40xi32, #tpu.memory_space<vmem>>
        %dma_start3A_1430 = arith.constant 0 : i32
        %dma_start3A_1431 = tpu.memref_slice %dma_start3A_1429[%dma_start3A_1417, %dma_start3A_1430] : memref<5x40xi32, #tpu.memory_space<vmem>> -> memref<1x40xi32, #tpu.memory_space<vmem>>
        %dma_start3A_1432 = tpu.memref_squeeze %dma_start3A_1431 : memref<1x40xi32, #tpu.memory_space<vmem>> -> memref<40xi32, #tpu.memory_space<vmem>>
        %dma_start3A_1433 = arith.constant 0 : i32
        %dma_start3A_1434 = arith.constant 0 : i32
        %dma_start3A_1435 = tpu.memref_slice %arg5[%dma_start3A_1433, %dma_start3A_1434] : memref<100000x32xf32, #tpu.memory_space<hbm>> -> memref<100000x32xf32, #tpu.memory_space<hbm>>
        tpu.enqueue_indirect_dma source(%dma_start3A_1435 : memref<100000x32xf32, #tpu.memory_space<hbm>>) target(%dma_start3A_1425 : memref<40x32xf32, #tpu.memory_space<vmem>>) offsets(%dma_start3A_1432 : memref<40xi32, #tpu.memory_space<vmem>>) semaphore(%arg14 : memref<!tpu.dma_semaphore, #tpu.memory_space<semaphore_mem>>)
        %dma_start3A_1436 = arith.constant 0 : i32
        %dma_start3A_1437 = arith.constant 4 : i32
        %dma_start3A_1438 = arith.constant 0 : i32
        %dma_start3A_1439 = arith.constant 0 : i32
        %dma_start3A_1440 = arith.constant 0 : i32
        %dma_start3A_1441 = tpu.memref_slice %arg10[%dma_start3A_1438, %dma_start3A_1439, %dma_start3A_1440] : memref<2x200x32xf32, #tpu.memory_space<vmem>> -> memref<1x200x32xf32, #tpu.memory_space<vmem>>
        %dma_start3A_1442 = tpu.memref_squeeze %dma_start3A_1441 : memref<1x200x32xf32, #tpu.memory_space<vmem>> -> memref<200x32xf32, #tpu.memory_space<vmem>>
        %dma_start3A_1443 = arith.constant 160 : i32
        %dma_start3A_1444 = arith.constant 0 : i32
        %dma_start3A_1445 = tpu.memref_slice %dma_start3A_1442[%dma_start3A_1443, %dma_start3A_1444] : memref<200x32xf32, #tpu.memory_space<vmem>> -> memref<40x32xf32, #tpu.memory_space<vmem>>
        %dma_start3A_1446 = arith.constant 0 : i32
        %dma_start3A_1447 = arith.constant 0 : i32
        %dma_start3A_1448 = tpu.memref_slice %arg8[%dma_start3A_1436, %dma_start3A_1446, %dma_start3A_1447] : memref<2x5x40xi32, #tpu.memory_space<vmem>> -> memref<1x5x40xi32, #tpu.memory_space<vmem>>
        %dma_start3A_1449 = tpu.memref_squeeze %dma_start3A_1448 : memref<1x5x40xi32, #tpu.memory_space<vmem>> -> memref<5x40xi32, #tpu.memory_space<vmem>>
        %dma_start3A_1450 = arith.constant 0 : i32
        %dma_start3A_1451 = tpu.memref_slice %dma_start3A_1449[%dma_start3A_1437, %dma_start3A_1450] : memref<5x40xi32, #tpu.memory_space<vmem>> -> memref<1x40xi32, #tpu.memory_space<vmem>>
        %dma_start3A_1452 = tpu.memref_squeeze %dma_start3A_1451 : memref<1x40xi32, #tpu.memory_space<vmem>> -> memref<40xi32, #tpu.memory_space<vmem>>
        %dma_start3A_1453 = arith.constant 0 : i32
        %dma_start3A_1454 = arith.constant 0 : i32
        %dma_start3A_1455 = tpu.memref_slice %arg5[%dma_start3A_1453, %dma_start3A_1454] : memref<100000x32xf32, #tpu.memory_space<hbm>> -> memref<100000x32xf32, #tpu.memory_space<hbm>>
        tpu.enqueue_indirect_dma source(%dma_start3A_1455 : memref<100000x32xf32, #tpu.memory_space<hbm>>) target(%dma_start3A_1445 : memref<40x32xf32, #tpu.memory_space<vmem>>) offsets(%dma_start3A_1452 : memref<40xi32, #tpu.memory_space<vmem>>) semaphore(%arg14 : memref<!tpu.dma_semaphore, #tpu.memory_space<semaphore_mem>>)
      } else {
      }
      %dma_wait3A_886 = arith.constant 1 : i32
      %dma_wait3A_887 = arith.constant 0 : i32
      %dma_wait3A_888 = arith.constant 0 : i32
      %dma_wait3A_889 = tpu.memref_slice %arg9[%dma_wait3A_886, %dma_wait3A_887, %dma_wait3A_888] : memref<2x800x32xf32, #tpu.memory_space<vmem>> -> memref<1x800x32xf32, #tpu.memory_space<vmem>>
      %dma_wait3A_890 = tpu.memref_squeeze %dma_wait3A_889 : memref<1x800x32xf32, #tpu.memory_space<vmem>> -> memref<800x32xf32, #tpu.memory_space<vmem>>
      %dma_wait3A_891 = arith.constant 0 : i32
      %dma_wait3A_892 = arith.constant 0 : i32
      %dma_wait3A_893 = tpu.memref_slice %arg4[%dma_wait3A_891, %dma_wait3A_892] : memref<1000000x32xf32, #tpu.memory_space<hbm>> -> memref<800x32xf32, #tpu.memory_space<hbm>>
      %dma_wait3A_894 = arith.constant 0 : i32
      %dma_wait3A_895 = arith.constant 0 : i32
      %dma_wait3A_896 = tpu.memref_slice %arg9[%dma_wait3A_886, %dma_wait3A_894, %dma_wait3A_895] : memref<2x800x32xf32, #tpu.memory_space<vmem>> -> memref<1x800x32xf32, #tpu.memory_space<vmem>>
      %dma_wait3A_897 = tpu.memref_squeeze %dma_wait3A_896 : memref<1x800x32xf32, #tpu.memory_space<vmem>> -> memref<800x32xf32, #tpu.memory_space<vmem>>
      %dma_wait3A_898 = arith.constant 0 : i32
      %dma_wait3A_899 = arith.constant 0 : i32
      %dma_wait3A_900 = tpu.memref_slice %arg4[%dma_wait3A_898, %dma_wait3A_899] : memref<1000000x32xf32, #tpu.memory_space<hbm>> -> memref<800x32xf32, #tpu.memory_space<hbm>>
      tpu.wait_dma2 semaphore(%arg13 : memref<!tpu.dma_semaphore, #tpu.memory_space<semaphore_mem>>) src(%dma_wait3A_900 : memref<800x32xf32, #tpu.memory_space<hbm>>) dst(%dma_wait3A_897 : memref<800x32xf32, #tpu.memory_space<vmem>>)
      %dma_wait3A_901 = arith.constant 1 : i32
      %dma_wait3A_902 = arith.constant 0 : i32
      %dma_wait3A_903 = arith.constant 0 : i32
      %dma_wait3A_904 = tpu.memref_slice %arg10[%dma_wait3A_901, %dma_wait3A_902, %dma_wait3A_903] : memref<2x200x32xf32, #tpu.memory_space<vmem>> -> memref<1x200x32xf32, #tpu.memory_space<vmem>>
      %dma_wait3A_905 = tpu.memref_squeeze %dma_wait3A_904 : memref<1x200x32xf32, #tpu.memory_space<vmem>> -> memref<200x32xf32, #tpu.memory_space<vmem>>
      %dma_wait3A_906 = arith.constant 0 : i32
      %dma_wait3A_907 = arith.constant 0 : i32
      %dma_wait3A_908 = tpu.memref_slice %arg5[%dma_wait3A_906, %dma_wait3A_907] : memref<100000x32xf32, #tpu.memory_space<hbm>> -> memref<200x32xf32, #tpu.memory_space<hbm>>
      %dma_wait3A_909 = arith.constant 0 : i32
      %dma_wait3A_910 = arith.constant 0 : i32
      %dma_wait3A_911 = tpu.memref_slice %arg10[%dma_wait3A_901, %dma_wait3A_909, %dma_wait3A_910] : memref<2x200x32xf32, #tpu.memory_space<vmem>> -> memref<1x200x32xf32, #tpu.memory_space<vmem>>
      %dma_wait3A_912 = tpu.memref_squeeze %dma_wait3A_911 : memref<1x200x32xf32, #tpu.memory_space<vmem>> -> memref<200x32xf32, #tpu.memory_space<vmem>>
      %dma_wait3A_913 = arith.constant 0 : i32
      %dma_wait3A_914 = arith.constant 0 : i32
      %dma_wait3A_915 = tpu.memref_slice %arg5[%dma_wait3A_913, %dma_wait3A_914] : memref<100000x32xf32, #tpu.memory_space<hbm>> -> memref<200x32xf32, #tpu.memory_space<hbm>>
      tpu.wait_dma2 semaphore(%arg15 : memref<!tpu.dma_semaphore, #tpu.memory_space<semaphore_mem>>) src(%dma_wait3A_915 : memref<200x32xf32, #tpu.memory_space<hbm>>) dst(%dma_wait3A_912 : memref<200x32xf32, #tpu.memory_space<vmem>>)
      %add3A_916 = arith.constant 1 : i32
      %add3A_917 = arith.addi %mul3A_318, %add3A_916 : i32
      %mul3A_918 = arith.constant 4 : i32
      %mul3A_919 = arith.muli %add3A_917, %mul3A_918 : i32
      %add3A_920 = arith.constant 0 : i32
      %add3A_921 = arith.addi %mul3A_919, %add3A_920 : i32
      %broadcast_in_dim3A_922 = arith.constant 0.000000e+00 : f32
      %broadcast_in_dim3A_923 = vector.broadcast %broadcast_in_dim3A_922 : f32 to vector<16xf32>
      %scan3A_924 = arith.constant 0 : i32
      %scan3A_925 = arith.constant 25 : i32
      %scan3A_926 = arith.addi %scan3A_924, %scan3A_925 : i32
      %scan3A_927 = arith.constant 1 : i32
      %scan3A_928:4 = scf.for %scan3A_1142 = %scan3A_924 to %scan3A_926 step %scan3A_927 iter_args(%scan3A_1143 = %broadcast_in_dim3A_923, %scan3A_1144 = %broadcast_in_dim3A_923, %scan3A_1145 = %broadcast_in_dim3A_923, %scan3A_1146 = %broadcast_in_dim3A_923) -> (vector<16xf32>, vector<16xf32>, vector<16xf32>, vector<16xf32>)  : i32 {
        %mul3A_1147 = arith.constant 8 : i32
        %mul3A_1148 = arith.muli %scan3A_1142, %mul3A_1147 : i32
        %add3A_1149 = arith.constant 0 : i32
        %add3A_1150 = arith.addi %add3A_1149, %mul3A_1148 : i32
        %add3A_1151 = arith.constant 0 : i32
        %add3A_1152 = arith.addi %add3A_1150, %add3A_1151 : i32
        %get3A = arith.constant 1 : i32
        %get3A_1153 = arith.index_cast %get3A : i32 to index
        %get3A_1154 = arith.index_cast %add3A_1152 : i32 to index
        %get3A_1155 = arith.constant 0 : index
        %get3A_1156 = tpu.vector_load %arg9[%get3A_1153, %get3A_1154, %get3A_1155] {strides = array<i32>} : memref<2x800x32xf32, #tpu.memory_space<vmem>>, vector<1x1x16xf32>,
        %get3A_1157 = vector.shape_cast %get3A_1156 : vector<1x1x16xf32> to vector<16xf32>
        %add3A_1158 = arith.constant 0 : i32
        %add3A_1159 = arith.addi %add3A_1150, %add3A_1158 : i32
        %get3A_1160 = arith.constant 1 : i32
        %get3A_1161 = arith.index_cast %get3A_1160 : i32 to index
        %get3A_1162 = arith.index_cast %add3A_1159 : i32 to index
        %get3A_1163 = arith.constant 16 : index
        %get3A_1164 = tpu.vector_load %arg9[%get3A_1161, %get3A_1162, %get3A_1163] {strides = array<i32>} : memref<2x800x32xf32, #tpu.memory_space<vmem>>, vector<1x1x16xf32>,
        %get3A_1165 = vector.shape_cast %get3A_1164 : vector<1x1x16xf32> to vector<16xf32>
        %add3A_1166 = arith.addf %scan3A_1143, %get3A_1157 : vector<16xf32>
        %add3A_1167 = arith.addf %scan3A_1144, %get3A_1165 : vector<16xf32>
        %add3A_1168 = arith.constant 1 : i32
        %add3A_1169 = arith.addi %add3A_1150, %add3A_1168 : i32
        %get3A_1170 = arith.constant 1 : i32
        %get3A_1171 = arith.index_cast %get3A_1170 : i32 to index
        %get3A_1172 = arith.index_cast %add3A_1169 : i32 to index
        %get3A_1173 = arith.constant 0 : index
        %get3A_1174 = tpu.vector_load %arg9[%get3A_1171, %get3A_1172, %get3A_1173] {strides = array<i32>} : memref<2x800x32xf32, #tpu.memory_space<vmem>>, vector<1x1x16xf32>,
        %get3A_1175 = vector.shape_cast %get3A_1174 : vector<1x1x16xf32> to vector<16xf32>
        %add3A_1176 = arith.constant 1 : i32
        %add3A_1177 = arith.addi %add3A_1150, %add3A_1176 : i32
        %get3A_1178 = arith.constant 1 : i32
        %get3A_1179 = arith.index_cast %get3A_1178 : i32 to index
        %get3A_1180 = arith.index_cast %add3A_1177 : i32 to index
        %get3A_1181 = arith.constant 16 : index
        %get3A_1182 = tpu.vector_load %arg9[%get3A_1179, %get3A_1180, %get3A_1181] {strides = array<i32>} : memref<2x800x32xf32, #tpu.memory_space<vmem>>, vector<1x1x16xf32>,
        %get3A_1183 = vector.shape_cast %get3A_1182 : vector<1x1x16xf32> to vector<16xf32>
        %add3A_1184 = arith.addf %scan3A_1145, %get3A_1175 : vector<16xf32>
        %add3A_1185 = arith.addf %scan3A_1146, %get3A_1183 : vector<16xf32>
        %add3A_1186 = arith.constant 2 : i32
        %add3A_1187 = arith.addi %add3A_1150, %add3A_1186 : i32
        %get3A_1188 = arith.constant 1 : i32
        %get3A_1189 = arith.index_cast %get3A_1188 : i32 to index
        %get3A_1190 = arith.index_cast %add3A_1187 : i32 to index
        %get3A_1191 = arith.constant 0 : index
        %get3A_1192 = tpu.vector_load %arg9[%get3A_1189, %get3A_1190, %get3A_1191] {strides = array<i32>} : memref<2x800x32xf32, #tpu.memory_space<vmem>>, vector<1x1x16xf32>,
        %get3A_1193 = vector.shape_cast %get3A_1192 : vector<1x1x16xf32> to vector<16xf32>
        %add3A_1194 = arith.constant 2 : i32
        %add3A_1195 = arith.addi %add3A_1150, %add3A_1194 : i32
        %get3A_1196 = arith.constant 1 : i32
        %get3A_1197 = arith.index_cast %get3A_1196 : i32 to index
        %get3A_1198 = arith.index_cast %add3A_1195 : i32 to index
        %get3A_1199 = arith.constant 16 : index
        %get3A_1200 = tpu.vector_load %arg9[%get3A_1197, %get3A_1198, %get3A_1199] {strides = array<i32>} : memref<2x800x32xf32, #tpu.memory_space<vmem>>, vector<1x1x16xf32>,
        %get3A_1201 = vector.shape_cast %get3A_1200 : vector<1x1x16xf32> to vector<16xf32>
        %add3A_1202 = arith.addf %add3A_1166, %get3A_1193 : vector<16xf32>
        %add3A_1203 = arith.addf %add3A_1167, %get3A_1201 : vector<16xf32>
        %add3A_1204 = arith.constant 3 : i32
        %add3A_1205 = arith.addi %add3A_1150, %add3A_1204 : i32
        %get3A_1206 = arith.constant 1 : i32
        %get3A_1207 = arith.index_cast %get3A_1206 : i32 to index
        %get3A_1208 = arith.index_cast %add3A_1205 : i32 to index
        %get3A_1209 = arith.constant 0 : index
        %get3A_1210 = tpu.vector_load %arg9[%get3A_1207, %get3A_1208, %get3A_1209] {strides = array<i32>} : memref<2x800x32xf32, #tpu.memory_space<vmem>>, vector<1x1x16xf32>,
        %get3A_1211 = vector.shape_cast %get3A_1210 : vector<1x1x16xf32> to vector<16xf32>
        %add3A_1212 = arith.constant 3 : i32
        %add3A_1213 = arith.addi %add3A_1150, %add3A_1212 : i32
        %get3A_1214 = arith.constant 1 : i32
        %get3A_1215 = arith.index_cast %get3A_1214 : i32 to index
        %get3A_1216 = arith.index_cast %add3A_1213 : i32 to index
        %get3A_1217 = arith.constant 16 : index
        %get3A_1218 = tpu.vector_load %arg9[%get3A_1215, %get3A_1216, %get3A_1217] {strides = array<i32>} : memref<2x800x32xf32, #tpu.memory_space<vmem>>, vector<1x1x16xf32>,
        %get3A_1219 = vector.shape_cast %get3A_1218 : vector<1x1x16xf32> to vector<16xf32>
        %add3A_1220 = arith.addf %add3A_1184, %get3A_1211 : vector<16xf32>
        %add3A_1221 = arith.addf %add3A_1185, %get3A_1219 : vector<16xf32>
        %add3A_1222 = arith.constant 4 : i32
        %add3A_1223 = arith.addi %add3A_1150, %add3A_1222 : i32
        %get3A_1224 = arith.constant 1 : i32
        %get3A_1225 = arith.index_cast %get3A_1224 : i32 to index
        %get3A_1226 = arith.index_cast %add3A_1223 : i32 to index
        %get3A_1227 = arith.constant 0 : index
        %get3A_1228 = tpu.vector_load %arg9[%get3A_1225, %get3A_1226, %get3A_1227] {strides = array<i32>} : memref<2x800x32xf32, #tpu.memory_space<vmem>>, vector<1x1x16xf32>,
        %get3A_1229 = vector.shape_cast %get3A_1228 : vector<1x1x16xf32> to vector<16xf32>
        %add3A_1230 = arith.constant 4 : i32
        %add3A_1231 = arith.addi %add3A_1150, %add3A_1230 : i32
        %get3A_1232 = arith.constant 1 : i32
        %get3A_1233 = arith.index_cast %get3A_1232 : i32 to index
        %get3A_1234 = arith.index_cast %add3A_1231 : i32 to index
        %get3A_1235 = arith.constant 16 : index
        %get3A_1236 = tpu.vector_load %arg9[%get3A_1233, %get3A_1234, %get3A_1235] {strides = array<i32>} : memref<2x800x32xf32, #tpu.memory_space<vmem>>, vector<1x1x16xf32>,
        %get3A_1237 = vector.shape_cast %get3A_1236 : vector<1x1x16xf32> to vector<16xf32>
        %add3A_1238 = arith.addf %add3A_1202, %get3A_1229 : vector<16xf32>
        %add3A_1239 = arith.addf %add3A_1203, %get3A_1237 : vector<16xf32>
        %add3A_1240 = arith.constant 5 : i32
        %add3A_1241 = arith.addi %add3A_1150, %add3A_1240 : i32
        %get3A_1242 = arith.constant 1 : i32
        %get3A_1243 = arith.index_cast %get3A_1242 : i32 to index
        %get3A_1244 = arith.index_cast %add3A_1241 : i32 to index
        %get3A_1245 = arith.constant 0 : index
        %get3A_1246 = tpu.vector_load %arg9[%get3A_1243, %get3A_1244, %get3A_1245] {strides = array<i32>} : memref<2x800x32xf32, #tpu.memory_space<vmem>>, vector<1x1x16xf32>,
        %get3A_1247 = vector.shape_cast %get3A_1246 : vector<1x1x16xf32> to vector<16xf32>
        %add3A_1248 = arith.constant 5 : i32
        %add3A_1249 = arith.addi %add3A_1150, %add3A_1248 : i32
        %get3A_1250 = arith.constant 1 : i32
        %get3A_1251 = arith.index_cast %get3A_1250 : i32 to index
        %get3A_1252 = arith.index_cast %add3A_1249 : i32 to index
        %get3A_1253 = arith.constant 16 : index
        %get3A_1254 = tpu.vector_load %arg9[%get3A_1251, %get3A_1252, %get3A_1253] {strides = array<i32>} : memref<2x800x32xf32, #tpu.memory_space<vmem>>, vector<1x1x16xf32>,
        %get3A_1255 = vector.shape_cast %get3A_1254 : vector<1x1x16xf32> to vector<16xf32>
        %add3A_1256 = arith.addf %add3A_1220, %get3A_1247 : vector<16xf32>
        %add3A_1257 = arith.addf %add3A_1221, %get3A_1255 : vector<16xf32>
        %add3A_1258 = arith.constant 6 : i32
        %add3A_1259 = arith.addi %add3A_1150, %add3A_1258 : i32
        %get3A_1260 = arith.constant 1 : i32
        %get3A_1261 = arith.index_cast %get3A_1260 : i32 to index
        %get3A_1262 = arith.index_cast %add3A_1259 : i32 to index
        %get3A_1263 = arith.constant 0 : index
        %get3A_1264 = tpu.vector_load %arg9[%get3A_1261, %get3A_1262, %get3A_1263] {strides = array<i32>} : memref<2x800x32xf32, #tpu.memory_space<vmem>>, vector<1x1x16xf32>,
        %get3A_1265 = vector.shape_cast %get3A_1264 : vector<1x1x16xf32> to vector<16xf32>
        %add3A_1266 = arith.constant 6 : i32
        %add3A_1267 = arith.addi %add3A_1150, %add3A_1266 : i32
        %get3A_1268 = arith.constant 1 : i32
        %get3A_1269 = arith.index_cast %get3A_1268 : i32 to index
        %get3A_1270 = arith.index_cast %add3A_1267 : i32 to index
        %get3A_1271 = arith.constant 16 : index
        %get3A_1272 = tpu.vector_load %arg9[%get3A_1269, %get3A_1270, %get3A_1271] {strides = array<i32>} : memref<2x800x32xf32, #tpu.memory_space<vmem>>, vector<1x1x16xf32>,
        %get3A_1273 = vector.shape_cast %get3A_1272 : vector<1x1x16xf32> to vector<16xf32>
        %add3A_1274 = arith.addf %add3A_1238, %get3A_1265 : vector<16xf32>
        %add3A_1275 = arith.addf %add3A_1239, %get3A_1273 : vector<16xf32>
        %add3A_1276 = arith.constant 7 : i32
        %add3A_1277 = arith.addi %add3A_1150, %add3A_1276 : i32
        %get3A_1278 = arith.constant 1 : i32
        %get3A_1279 = arith.index_cast %get3A_1278 : i32 to index
        %get3A_1280 = arith.index_cast %add3A_1277 : i32 to index
        %get3A_1281 = arith.constant 0 : index
        %get3A_1282 = tpu.vector_load %arg9[%get3A_1279, %get3A_1280, %get3A_1281] {strides = array<i32>} : memref<2x800x32xf32, #tpu.memory_space<vmem>>, vector<1x1x16xf32>,
        %get3A_1283 = vector.shape_cast %get3A_1282 : vector<1x1x16xf32> to vector<16xf32>
        %add3A_1284 = arith.constant 7 : i32
        %add3A_1285 = arith.addi %add3A_1150, %add3A_1284 : i32
        %get3A_1286 = arith.constant 1 : i32
        %get3A_1287 = arith.index_cast %get3A_1286 : i32 to index
        %get3A_1288 = arith.index_cast %add3A_1285 : i32 to index
        %get3A_1289 = arith.constant 16 : index
        %get3A_1290 = tpu.vector_load %arg9[%get3A_1287, %get3A_1288, %get3A_1289] {strides = array<i32>} : memref<2x800x32xf32, #tpu.memory_space<vmem>>, vector<1x1x16xf32>,
        %get3A_1291 = vector.shape_cast %get3A_1290 : vector<1x1x16xf32> to vector<16xf32>
        %add3A_1292 = arith.addf %add3A_1256, %get3A_1283 : vector<16xf32>
        %add3A_1293 = arith.addf %add3A_1257, %get3A_1291 : vector<16xf32>
        scf.yield %add3A_1274, %add3A_1275, %add3A_1292, %add3A_1293 : vector<16xf32>, vector<16xf32>, vector<16xf32>, vector<16xf32>
      }
      %scan3A_929 = arith.constant 25 : i32
      %add3A_930 = arith.addf %scan3A_928#0, %scan3A_928#2 : vector<16xf32>
      %add3A_931 = arith.addf %scan3A_928#1, %scan3A_928#3 : vector<16xf32>
      %broadcast_in_dim3A_932 = arith.constant 0.000000e+00 : f32
      %broadcast_in_dim3A_933 = vector.broadcast %broadcast_in_dim3A_932 : f32 to vector<16xf32>
      %scan3A_934 = arith.constant 0 : i32
      %scan3A_935 = arith.constant 5 : i32
      %scan3A_936 = arith.addi %scan3A_934, %scan3A_935 : i32
      %scan3A_937 = arith.constant 1 : i32
      %scan3A_938:4 = scf.for %scan3A_1142 = %scan3A_934 to %scan3A_936 step %scan3A_937 iter_args(%scan3A_1143 = %broadcast_in_dim3A_933, %scan3A_1144 = %broadcast_in_dim3A_933, %scan3A_1145 = %broadcast_in_dim3A_933, %scan3A_1146 = %broadcast_in_dim3A_933) -> (vector<16xf32>, vector<16xf32>, vector<16xf32>, vector<16xf32>)  : i32 {
        %mul3A_1147 = arith.constant 10 : i32
        %mul3A_1148 = arith.muli %scan3A_1142, %mul3A_1147 : i32
        %add3A_1149 = arith.constant 0 : i32
        %add3A_1150 = arith.addi %add3A_1149, %mul3A_1148 : i32
        %add3A_1151 = arith.constant 0 : i32
        %add3A_1152 = arith.addi %add3A_1150, %add3A_1151 : i32
        %get3A = arith.constant 1 : i32
        %get3A_1153 = arith.index_cast %get3A : i32 to index
        %get3A_1154 = arith.index_cast %add3A_1152 : i32 to index
        %get3A_1155 = arith.constant 0 : index
        %get3A_1156 = tpu.vector_load %arg10[%get3A_1153, %get3A_1154, %get3A_1155] {strides = array<i32>} : memref<2x200x32xf32, #tpu.memory_space<vmem>>, vector<1x1x16xf32>,
        %get3A_1157 = vector.shape_cast %get3A_1156 : vector<1x1x16xf32> to vector<16xf32>
        %add3A_1158 = arith.constant 0 : i32
        %add3A_1159 = arith.addi %add3A_1150, %add3A_1158 : i32
        %get3A_1160 = arith.constant 1 : i32
        %get3A_1161 = arith.index_cast %get3A_1160 : i32 to index
        %get3A_1162 = arith.index_cast %add3A_1159 : i32 to index
        %get3A_1163 = arith.constant 16 : index
        %get3A_1164 = tpu.vector_load %arg10[%get3A_1161, %get3A_1162, %get3A_1163] {strides = array<i32>} : memref<2x200x32xf32, #tpu.memory_space<vmem>>, vector<1x1x16xf32>,
        %get3A_1165 = vector.shape_cast %get3A_1164 : vector<1x1x16xf32> to vector<16xf32>
        %add3A_1166 = arith.addf %scan3A_1143, %get3A_1157 : vector<16xf32>
        %add3A_1167 = arith.addf %scan3A_1144, %get3A_1165 : vector<16xf32>
        %add3A_1168 = arith.constant 1 : i32
        %add3A_1169 = arith.addi %add3A_1150, %add3A_1168 : i32
        %get3A_1170 = arith.constant 1 : i32
        %get3A_1171 = arith.index_cast %get3A_1170 : i32 to index
        %get3A_1172 = arith.index_cast %add3A_1169 : i32 to index
        %get3A_1173 = arith.constant 0 : index
        %get3A_1174 = tpu.vector_load %arg10[%get3A_1171, %get3A_1172, %get3A_1173] {strides = array<i32>} : memref<2x200x32xf32, #tpu.memory_space<vmem>>, vector<1x1x16xf32>,
        %get3A_1175 = vector.shape_cast %get3A_1174 : vector<1x1x16xf32> to vector<16xf32>
        %add3A_1176 = arith.constant 1 : i32
        %add3A_1177 = arith.addi %add3A_1150, %add3A_1176 : i32
        %get3A_1178 = arith.constant 1 : i32
        %get3A_1179 = arith.index_cast %get3A_1178 : i32 to index
        %get3A_1180 = arith.index_cast %add3A_1177 : i32 to index
        %get3A_1181 = arith.constant 16 : index
        %get3A_1182 = tpu.vector_load %arg10[%get3A_1179, %get3A_1180, %get3A_1181] {strides = array<i32>} : memref<2x200x32xf32, #tpu.memory_space<vmem>>, vector<1x1x16xf32>,
        %get3A_1183 = vector.shape_cast %get3A_1182 : vector<1x1x16xf32> to vector<16xf32>
        %add3A_1184 = arith.addf %scan3A_1145, %get3A_1175 : vector<16xf32>
        %add3A_1185 = arith.addf %scan3A_1146, %get3A_1183 : vector<16xf32>
        %add3A_1186 = arith.constant 2 : i32
        %add3A_1187 = arith.addi %add3A_1150, %add3A_1186 : i32
        %get3A_1188 = arith.constant 1 : i32
        %get3A_1189 = arith.index_cast %get3A_1188 : i32 to index
        %get3A_1190 = arith.index_cast %add3A_1187 : i32 to index
        %get3A_1191 = arith.constant 0 : index
        %get3A_1192 = tpu.vector_load %arg10[%get3A_1189, %get3A_1190, %get3A_1191] {strides = array<i32>} : memref<2x200x32xf32, #tpu.memory_space<vmem>>, vector<1x1x16xf32>,
        %get3A_1193 = vector.shape_cast %get3A_1192 : vector<1x1x16xf32> to vector<16xf32>
        %add3A_1194 = arith.constant 2 : i32
        %add3A_1195 = arith.addi %add3A_1150, %add3A_1194 : i32
        %get3A_1196 = arith.constant 1 : i32
        %get3A_1197 = arith.index_cast %get3A_1196 : i32 to index
        %get3A_1198 = arith.index_cast %add3A_1195 : i32 to index
        %get3A_1199 = arith.constant 16 : index
        %get3A_1200 = tpu.vector_load %arg10[%get3A_1197, %get3A_1198, %get3A_1199] {strides = array<i32>} : memref<2x200x32xf32, #tpu.memory_space<vmem>>, vector<1x1x16xf32>,
        %get3A_1201 = vector.shape_cast %get3A_1200 : vector<1x1x16xf32> to vector<16xf32>
        %add3A_1202 = arith.addf %add3A_1166, %get3A_1193 : vector<16xf32>
        %add3A_1203 = arith.addf %add3A_1167, %get3A_1201 : vector<16xf32>
        %add3A_1204 = arith.constant 3 : i32
        %add3A_1205 = arith.addi %add3A_1150, %add3A_1204 : i32
        %get3A_1206 = arith.constant 1 : i32
        %get3A_1207 = arith.index_cast %get3A_1206 : i32 to index
        %get3A_1208 = arith.index_cast %add3A_1205 : i32 to index
        %get3A_1209 = arith.constant 0 : index
        %get3A_1210 = tpu.vector_load %arg10[%get3A_1207, %get3A_1208, %get3A_1209] {strides = array<i32>} : memref<2x200x32xf32, #tpu.memory_space<vmem>>, vector<1x1x16xf32>,
        %get3A_1211 = vector.shape_cast %get3A_1210 : vector<1x1x16xf32> to vector<16xf32>
        %add3A_1212 = arith.constant 3 : i32
        %add3A_1213 = arith.addi %add3A_1150, %add3A_1212 : i32
        %get3A_1214 = arith.constant 1 : i32
        %get3A_1215 = arith.index_cast %get3A_1214 : i32 to index
        %get3A_1216 = arith.index_cast %add3A_1213 : i32 to index
        %get3A_1217 = arith.constant 16 : index
        %get3A_1218 = tpu.vector_load %arg10[%get3A_1215, %get3A_1216, %get3A_1217] {strides = array<i32>} : memref<2x200x32xf32, #tpu.memory_space<vmem>>, vector<1x1x16xf32>,
        %get3A_1219 = vector.shape_cast %get3A_1218 : vector<1x1x16xf32> to vector<16xf32>
        %add3A_1220 = arith.addf %add3A_1184, %get3A_1211 : vector<16xf32>
        %add3A_1221 = arith.addf %add3A_1185, %get3A_1219 : vector<16xf32>
        %add3A_1222 = arith.constant 4 : i32
        %add3A_1223 = arith.addi %add3A_1150, %add3A_1222 : i32
        %get3A_1224 = arith.constant 1 : i32
        %get3A_1225 = arith.index_cast %get3A_1224 : i32 to index
        %get3A_1226 = arith.index_cast %add3A_1223 : i32 to index
        %get3A_1227 = arith.constant 0 : index
        %get3A_1228 = tpu.vector_load %arg10[%get3A_1225, %get3A_1226, %get3A_1227] {strides = array<i32>} : memref<2x200x32xf32, #tpu.memory_space<vmem>>, vector<1x1x16xf32>,
        %get3A_1229 = vector.shape_cast %get3A_1228 : vector<1x1x16xf32> to vector<16xf32>
        %add3A_1230 = arith.constant 4 : i32
        %add3A_1231 = arith.addi %add3A_1150, %add3A_1230 : i32
        %get3A_1232 = arith.constant 1 : i32
        %get3A_1233 = arith.index_cast %get3A_1232 : i32 to index
        %get3A_1234 = arith.index_cast %add3A_1231 : i32 to index
        %get3A_1235 = arith.constant 16 : index
        %get3A_1236 = tpu.vector_load %arg10[%get3A_1233, %get3A_1234, %get3A_1235] {strides = array<i32>} : memref<2x200x32xf32, #tpu.memory_space<vmem>>, vector<1x1x16xf32>,
        %get3A_1237 = vector.shape_cast %get3A_1236 : vector<1x1x16xf32> to vector<16xf32>
        %add3A_1238 = arith.addf %add3A_1202, %get3A_1229 : vector<16xf32>
        %add3A_1239 = arith.addf %add3A_1203, %get3A_1237 : vector<16xf32>
        %add3A_1240 = arith.constant 5 : i32
        %add3A_1241 = arith.addi %add3A_1150, %add3A_1240 : i32
        %get3A_1242 = arith.constant 1 : i32
        %get3A_1243 = arith.index_cast %get3A_1242 : i32 to index
        %get3A_1244 = arith.index_cast %add3A_1241 : i32 to index
        %get3A_1245 = arith.constant 0 : index
        %get3A_1246 = tpu.vector_load %arg10[%get3A_1243, %get3A_1244, %get3A_1245] {strides = array<i32>} : memref<2x200x32xf32, #tpu.memory_space<vmem>>, vector<1x1x16xf32>,
        %get3A_1247 = vector.shape_cast %get3A_1246 : vector<1x1x16xf32> to vector<16xf32>
        %add3A_1248 = arith.constant 5 : i32
        %add3A_1249 = arith.addi %add3A_1150, %add3A_1248 : i32
        %get3A_1250 = arith.constant 1 : i32
        %get3A_1251 = arith.index_cast %get3A_1250 : i32 to index
        %get3A_1252 = arith.index_cast %add3A_1249 : i32 to index
        %get3A_1253 = arith.constant 16 : index
        %get3A_1254 = tpu.vector_load %arg10[%get3A_1251, %get3A_1252, %get3A_1253] {strides = array<i32>} : memref<2x200x32xf32, #tpu.memory_space<vmem>>, vector<1x1x16xf32>,
        %get3A_1255 = vector.shape_cast %get3A_1254 : vector<1x1x16xf32> to vector<16xf32>
        %add3A_1256 = arith.addf %add3A_1220, %get3A_1247 : vector<16xf32>
        %add3A_1257 = arith.addf %add3A_1221, %get3A_1255 : vector<16xf32>
        %add3A_1258 = arith.constant 6 : i32
        %add3A_1259 = arith.addi %add3A_1150, %add3A_1258 : i32
        %get3A_1260 = arith.constant 1 : i32
        %get3A_1261 = arith.index_cast %get3A_1260 : i32 to index
        %get3A_1262 = arith.index_cast %add3A_1259 : i32 to index
        %get3A_1263 = arith.constant 0 : index
        %get3A_1264 = tpu.vector_load %arg10[%get3A_1261, %get3A_1262, %get3A_1263] {strides = array<i32>} : memref<2x200x32xf32, #tpu.memory_space<vmem>>, vector<1x1x16xf32>,
        %get3A_1265 = vector.shape_cast %get3A_1264 : vector<1x1x16xf32> to vector<16xf32>
        %add3A_1266 = arith.constant 6 : i32
        %add3A_1267 = arith.addi %add3A_1150, %add3A_1266 : i32
        %get3A_1268 = arith.constant 1 : i32
        %get3A_1269 = arith.index_cast %get3A_1268 : i32 to index
        %get3A_1270 = arith.index_cast %add3A_1267 : i32 to index
        %get3A_1271 = arith.constant 16 : index
        %get3A_1272 = tpu.vector_load %arg10[%get3A_1269, %get3A_1270, %get3A_1271] {strides = array<i32>} : memref<2x200x32xf32, #tpu.memory_space<vmem>>, vector<1x1x16xf32>,
        %get3A_1273 = vector.shape_cast %get3A_1272 : vector<1x1x16xf32> to vector<16xf32>
        %add3A_1274 = arith.addf %add3A_1238, %get3A_1265 : vector<16xf32>
        %add3A_1275 = arith.addf %add3A_1239, %get3A_1273 : vector<16xf32>
        %add3A_1276 = arith.constant 7 : i32
        %add3A_1277 = arith.addi %add3A_1150, %add3A_1276 : i32
        %get3A_1278 = arith.constant 1 : i32
        %get3A_1279 = arith.index_cast %get3A_1278 : i32 to index
        %get3A_1280 = arith.index_cast %add3A_1277 : i32 to index
        %get3A_1281 = arith.constant 0 : index
        %get3A_1282 = tpu.vector_load %arg10[%get3A_1279, %get3A_1280, %get3A_1281] {strides = array<i32>} : memref<2x200x32xf32, #tpu.memory_space<vmem>>, vector<1x1x16xf32>,
        %get3A_1283 = vector.shape_cast %get3A_1282 : vector<1x1x16xf32> to vector<16xf32>
        %add3A_1284 = arith.constant 7 : i32
        %add3A_1285 = arith.addi %add3A_1150, %add3A_1284 : i32
        %get3A_1286 = arith.constant 1 : i32
        %get3A_1287 = arith.index_cast %get3A_1286 : i32 to index
        %get3A_1288 = arith.index_cast %add3A_1285 : i32 to index
        %get3A_1289 = arith.constant 16 : index
        %get3A_1290 = tpu.vector_load %arg10[%get3A_1287, %get3A_1288, %get3A_1289] {strides = array<i32>} : memref<2x200x32xf32, #tpu.memory_space<vmem>>, vector<1x1x16xf32>,
        %get3A_1291 = vector.shape_cast %get3A_1290 : vector<1x1x16xf32> to vector<16xf32>
        %add3A_1292 = arith.addf %add3A_1256, %get3A_1283 : vector<16xf32>
        %add3A_1293 = arith.addf %add3A_1257, %get3A_1291 : vector<16xf32>
        %add3A_1294 = arith.constant 8 : i32
        %add3A_1295 = arith.addi %add3A_1150, %add3A_1294 : i32
        %get3A_1296 = arith.constant 1 : i32
        %get3A_1297 = arith.index_cast %get3A_1296 : i32 to index
        %get3A_1298 = arith.index_cast %add3A_1295 : i32 to index
        %get3A_1299 = arith.constant 0 : index
        %get3A_1300 = tpu.vector_load %arg10[%get3A_1297, %get3A_1298, %get3A_1299] {strides = array<i32>} : memref<2x200x32xf32, #tpu.memory_space<vmem>>, vector<1x1x16xf32>,
        %get3A_1301 = vector.shape_cast %get3A_1300 : vector<1x1x16xf32> to vector<16xf32>
        %add3A_1302 = arith.constant 8 : i32
        %add3A_1303 = arith.addi %add3A_1150, %add3A_1302 : i32
        %get3A_1304 = arith.constant 1 : i32
        %get3A_1305 = arith.index_cast %get3A_1304 : i32 to index
        %get3A_1306 = arith.index_cast %add3A_1303 : i32 to index
        %get3A_1307 = arith.constant 16 : index
        %get3A_1308 = tpu.vector_load %arg10[%get3A_1305, %get3A_1306, %get3A_1307] {strides = array<i32>} : memref<2x200x32xf32, #tpu.memory_space<vmem>>, vector<1x1x16xf32>,
        %get3A_1309 = vector.shape_cast %get3A_1308 : vector<1x1x16xf32> to vector<16xf32>
        %add3A_1310 = arith.addf %add3A_1274, %get3A_1301 : vector<16xf32>
        %add3A_1311 = arith.addf %add3A_1275, %get3A_1309 : vector<16xf32>
        %add3A_1312 = arith.constant 9 : i32
        %add3A_1313 = arith.addi %add3A_1150, %add3A_1312 : i32
        %get3A_1314 = arith.constant 1 : i32
        %get3A_1315 = arith.index_cast %get3A_1314 : i32 to index
        %get3A_1316 = arith.index_cast %add3A_1313 : i32 to index
        %get3A_1317 = arith.constant 0 : index
        %get3A_1318 = tpu.vector_load %arg10[%get3A_1315, %get3A_1316, %get3A_1317] {strides = array<i32>} : memref<2x200x32xf32, #tpu.memory_space<vmem>>, vector<1x1x16xf32>,
        %get3A_1319 = vector.shape_cast %get3A_1318 : vector<1x1x16xf32> to vector<16xf32>
        %add3A_1320 = arith.constant 9 : i32
        %add3A_1321 = arith.addi %add3A_1150, %add3A_1320 : i32
        %get3A_1322 = arith.constant 1 : i32
        %get3A_1323 = arith.index_cast %get3A_1322 : i32 to index
        %get3A_1324 = arith.index_cast %add3A_1321 : i32 to index
        %get3A_1325 = arith.constant 16 : index
        %get3A_1326 = tpu.vector_load %arg10[%get3A_1323, %get3A_1324, %get3A_1325] {strides = array<i32>} : memref<2x200x32xf32, #tpu.memory_space<vmem>>, vector<1x1x16xf32>,
        %get3A_1327 = vector.shape_cast %get3A_1326 : vector<1x1x16xf32> to vector<16xf32>
        %add3A_1328 = arith.addf %add3A_1292, %get3A_1319 : vector<16xf32>
        %add3A_1329 = arith.addf %add3A_1293, %get3A_1327 : vector<16xf32>
        scf.yield %add3A_1310, %add3A_1311, %add3A_1328, %add3A_1329 : vector<16xf32>, vector<16xf32>, vector<16xf32>, vector<16xf32>
      }
      %scan3A_939 = arith.constant 5 : i32
      %add3A_940 = arith.addf %scan3A_938#0, %scan3A_938#2 : vector<16xf32>
      %add3A_941 = arith.addf %scan3A_938#1, %scan3A_938#3 : vector<16xf32>
      %mul3A_942 = arith.constant 5.000000e-03 : f32
      %mul3A_943 = vector.broadcast %mul3A_942 : f32 to vector<16xf32>
      %mul3A_944 = arith.mulf %add3A_930, %mul3A_943 : vector<16xf32>
      %swap3A_945 = arith.index_cast %add3A_921 : i32 to index
      %swap3A_946 = arith.constant 0 : index
      %swap3A_947 = tpu.vector_load %arg11[%swap3A_945, %swap3A_946] {strides = array<i32>} : memref<512x64xf32, #tpu.memory_space<vmem>>, vector<1x16xf32>,
      %swap3A_948 = vector.shape_cast %swap3A_947 : vector<1x16xf32> to vector<16xf32>
      %swap3A_949 = vector.shape_cast %mul3A_944 : vector<16xf32> to vector<1x16xf32>
      tpu.vector_store %arg11[%swap3A_945, %swap3A_946], %swap3A_949 {strides = array<i32>} : memref<512x64xf32, #tpu.memory_space<vmem>>, vector<1x16xf32>,
      %mul3A_950 = arith.constant 5.000000e-03 : f32
      %mul3A_951 = vector.broadcast %mul3A_950 : f32 to vector<16xf32>
      %mul3A_952 = arith.mulf %add3A_931, %mul3A_951 : vector<16xf32>
      %swap3A_953 = arith.index_cast %add3A_921 : i32 to index
      %swap3A_954 = arith.constant 16 : index
      %swap3A_955 = tpu.vector_load %arg11[%swap3A_953, %swap3A_954] {strides = array<i32>} : memref<512x64xf32, #tpu.memory_space<vmem>>, vector<1x16xf32>,
      %swap3A_956 = vector.shape_cast %swap3A_955 : vector<1x16xf32> to vector<16xf32>
      %swap3A_957 = vector.shape_cast %mul3A_952 : vector<16xf32> to vector<1x16xf32>
      tpu.vector_store %arg11[%swap3A_953, %swap3A_954], %swap3A_957 {strides = array<i32>} : memref<512x64xf32, #tpu.memory_space<vmem>>, vector<1x16xf32>,
      %mul3A_958 = arith.constant 2.000000e-02 : f32
      %mul3A_959 = vector.broadcast %mul3A_958 : f32 to vector<16xf32>
      %mul3A_960 = arith.mulf %add3A_940, %mul3A_959 : vector<16xf32>
      %swap3A_961 = arith.index_cast %add3A_921 : i32 to index
      %swap3A_962 = arith.constant 32 : index
      %swap3A_963 = tpu.vector_load %arg11[%swap3A_961, %swap3A_962] {strides = array<i32>} : memref<512x64xf32, #tpu.memory_space<vmem>>, vector<1x16xf32>,
      %swap3A_964 = vector.shape_cast %swap3A_963 : vector<1x16xf32> to vector<16xf32>
      %swap3A_965 = vector.shape_cast %mul3A_960 : vector<16xf32> to vector<1x16xf32>
      tpu.vector_store %arg11[%swap3A_961, %swap3A_962], %swap3A_965 {strides = array<i32>} : memref<512x64xf32, #tpu.memory_space<vmem>>, vector<1x16xf32>,
      %mul3A_966 = arith.constant 2.000000e-02 : f32
      %mul3A_967 = vector.broadcast %mul3A_966 : f32 to vector<16xf32>
      %mul3A_968 = arith.mulf %add3A_941, %mul3A_967 : vector<16xf32>
      %swap3A_969 = arith.index_cast %add3A_921 : i32 to index
      %swap3A_970 = arith.constant 48 : index
      %swap3A_971 = tpu.vector_load %arg11[%swap3A_969, %swap3A_970] {strides = array<i32>} : memref<512x64xf32, #tpu.memory_space<vmem>>, vector<1x16xf32>,
      %swap3A_972 = vector.shape_cast %swap3A_971 : vector<1x16xf32> to vector<16xf32>
      %swap3A_973 = vector.shape_cast %mul3A_968 : vector<16xf32> to vector<1x16xf32>
      tpu.vector_store %arg11[%swap3A_969, %swap3A_970], %swap3A_973 {strides = array<i32>} : memref<512x64xf32, #tpu.memory_space<vmem>>, vector<1x16xf32>,
      %mul3A_974 = arith.constant 4 : i32
      %mul3A_975 = arith.muli %add3A_917, %mul3A_974 : i32
      %add3A_976 = arith.constant 1 : i32
      %add3A_977 = arith.addi %mul3A_975, %add3A_976 : i32
      %broadcast_in_dim3A_978 = arith.constant 0.000000e+00 : f32
      %broadcast_in_dim3A_979 = vector.broadcast %broadcast_in_dim3A_978 : f32 to vector<16xf32>
      %scan3A_980 = arith.constant 0 : i32
      %scan3A_981 = arith.constant 25 : i32
      %scan3A_982 = arith.addi %scan3A_980, %scan3A_981 : i32
      %scan3A_983 = arith.constant 1 : i32
      %scan3A_984:4 = scf.for %scan3A_1142 = %scan3A_980 to %scan3A_982 step %scan3A_983 iter_args(%scan3A_1143 = %broadcast_in_dim3A_979, %scan3A_1144 = %broadcast_in_dim3A_979, %scan3A_1145 = %broadcast_in_dim3A_979, %scan3A_1146 = %broadcast_in_dim3A_979) -> (vector<16xf32>, vector<16xf32>, vector<16xf32>, vector<16xf32>)  : i32 {
        %mul3A_1147 = arith.constant 8 : i32
        %mul3A_1148 = arith.muli %scan3A_1142, %mul3A_1147 : i32
        %add3A_1149 = arith.constant 200 : i32
        %add3A_1150 = arith.addi %add3A_1149, %mul3A_1148 : i32
        %add3A_1151 = arith.constant 0 : i32
        %add3A_1152 = arith.addi %add3A_1150, %add3A_1151 : i32
        %get3A = arith.constant 1 : i32
        %get3A_1153 = arith.index_cast %get3A : i32 to index
        %get3A_1154 = arith.index_cast %add3A_1152 : i32 to index
        %get3A_1155 = arith.constant 0 : index
        %get3A_1156 = tpu.vector_load %arg9[%get3A_1153, %get3A_1154, %get3A_1155] {strides = array<i32>} : memref<2x800x32xf32, #tpu.memory_space<vmem>>, vector<1x1x16xf32>,
        %get3A_1157 = vector.shape_cast %get3A_1156 : vector<1x1x16xf32> to vector<16xf32>
        %add3A_1158 = arith.constant 0 : i32
        %add3A_1159 = arith.addi %add3A_1150, %add3A_1158 : i32
        %get3A_1160 = arith.constant 1 : i32
        %get3A_1161 = arith.index_cast %get3A_1160 : i32 to index
        %get3A_1162 = arith.index_cast %add3A_1159 : i32 to index
        %get3A_1163 = arith.constant 16 : index
        %get3A_1164 = tpu.vector_load %arg9[%get3A_1161, %get3A_1162, %get3A_1163] {strides = array<i32>} : memref<2x800x32xf32, #tpu.memory_space<vmem>>, vector<1x1x16xf32>,
        %get3A_1165 = vector.shape_cast %get3A_1164 : vector<1x1x16xf32> to vector<16xf32>
        %add3A_1166 = arith.addf %scan3A_1143, %get3A_1157 : vector<16xf32>
        %add3A_1167 = arith.addf %scan3A_1144, %get3A_1165 : vector<16xf32>
        %add3A_1168 = arith.constant 1 : i32
        %add3A_1169 = arith.addi %add3A_1150, %add3A_1168 : i32
        %get3A_1170 = arith.constant 1 : i32
        %get3A_1171 = arith.index_cast %get3A_1170 : i32 to index
        %get3A_1172 = arith.index_cast %add3A_1169 : i32 to index
        %get3A_1173 = arith.constant 0 : index
        %get3A_1174 = tpu.vector_load %arg9[%get3A_1171, %get3A_1172, %get3A_1173] {strides = array<i32>} : memref<2x800x32xf32, #tpu.memory_space<vmem>>, vector<1x1x16xf32>,
        %get3A_1175 = vector.shape_cast %get3A_1174 : vector<1x1x16xf32> to vector<16xf32>
        %add3A_1176 = arith.constant 1 : i32
        %add3A_1177 = arith.addi %add3A_1150, %add3A_1176 : i32
        %get3A_1178 = arith.constant 1 : i32
        %get3A_1179 = arith.index_cast %get3A_1178 : i32 to index
        %get3A_1180 = arith.index_cast %add3A_1177 : i32 to index
        %get3A_1181 = arith.constant 16 : index
        %get3A_1182 = tpu.vector_load %arg9[%get3A_1179, %get3A_1180, %get3A_1181] {strides = array<i32>} : memref<2x800x32xf32, #tpu.memory_space<vmem>>, vector<1x1x16xf32>,
        %get3A_1183 = vector.shape_cast %get3A_1182 : vector<1x1x16xf32> to vector<16xf32>
        %add3A_1184 = arith.addf %scan3A_1145, %get3A_1175 : vector<16xf32>
        %add3A_1185 = arith.addf %scan3A_1146, %get3A_1183 : vector<16xf32>
        %add3A_1186 = arith.constant 2 : i32
        %add3A_1187 = arith.addi %add3A_1150, %add3A_1186 : i32
        %get3A_1188 = arith.constant 1 : i32
        %get3A_1189 = arith.index_cast %get3A_1188 : i32 to index
        %get3A_1190 = arith.index_cast %add3A_1187 : i32 to index
        %get3A_1191 = arith.constant 0 : index
        %get3A_1192 = tpu.vector_load %arg9[%get3A_1189, %get3A_1190, %get3A_1191] {strides = array<i32>} : memref<2x800x32xf32, #tpu.memory_space<vmem>>, vector<1x1x16xf32>,
        %get3A_1193 = vector.shape_cast %get3A_1192 : vector<1x1x16xf32> to vector<16xf32>
        %add3A_1194 = arith.constant 2 : i32
        %add3A_1195 = arith.addi %add3A_1150, %add3A_1194 : i32
        %get3A_1196 = arith.constant 1 : i32
        %get3A_1197 = arith.index_cast %get3A_1196 : i32 to index
        %get3A_1198 = arith.index_cast %add3A_1195 : i32 to index
        %get3A_1199 = arith.constant 16 : index
        %get3A_1200 = tpu.vector_load %arg9[%get3A_1197, %get3A_1198, %get3A_1199] {strides = array<i32>} : memref<2x800x32xf32, #tpu.memory_space<vmem>>, vector<1x1x16xf32>,
        %get3A_1201 = vector.shape_cast %get3A_1200 : vector<1x1x16xf32> to vector<16xf32>
        %add3A_1202 = arith.addf %add3A_1166, %get3A_1193 : vector<16xf32>
        %add3A_1203 = arith.addf %add3A_1167, %get3A_1201 : vector<16xf32>
        %add3A_1204 = arith.constant 3 : i32
        %add3A_1205 = arith.addi %add3A_1150, %add3A_1204 : i32
        %get3A_1206 = arith.constant 1 : i32
        %get3A_1207 = arith.index_cast %get3A_1206 : i32 to index
        %get3A_1208 = arith.index_cast %add3A_1205 : i32 to index
        %get3A_1209 = arith.constant 0 : index
        %get3A_1210 = tpu.vector_load %arg9[%get3A_1207, %get3A_1208, %get3A_1209] {strides = array<i32>} : memref<2x800x32xf32, #tpu.memory_space<vmem>>, vector<1x1x16xf32>,
        %get3A_1211 = vector.shape_cast %get3A_1210 : vector<1x1x16xf32> to vector<16xf32>
        %add3A_1212 = arith.constant 3 : i32
        %add3A_1213 = arith.addi %add3A_1150, %add3A_1212 : i32
        %get3A_1214 = arith.constant 1 : i32
        %get3A_1215 = arith.index_cast %get3A_1214 : i32 to index
        %get3A_1216 = arith.index_cast %add3A_1213 : i32 to index
        %get3A_1217 = arith.constant 16 : index
        %get3A_1218 = tpu.vector_load %arg9[%get3A_1215, %get3A_1216, %get3A_1217] {strides = array<i32>} : memref<2x800x32xf32, #tpu.memory_space<vmem>>, vector<1x1x16xf32>,
        %get3A_1219 = vector.shape_cast %get3A_1218 : vector<1x1x16xf32> to vector<16xf32>
        %add3A_1220 = arith.addf %add3A_1184, %get3A_1211 : vector<16xf32>
        %add3A_1221 = arith.addf %add3A_1185, %get3A_1219 : vector<16xf32>
        %add3A_1222 = arith.constant 4 : i32
        %add3A_1223 = arith.addi %add3A_1150, %add3A_1222 : i32
        %get3A_1224 = arith.constant 1 : i32
        %get3A_1225 = arith.index_cast %get3A_1224 : i32 to index
        %get3A_1226 = arith.index_cast %add3A_1223 : i32 to index
        %get3A_1227 = arith.constant 0 : index
        %get3A_1228 = tpu.vector_load %arg9[%get3A_1225, %get3A_1226, %get3A_1227] {strides = array<i32>} : memref<2x800x32xf32, #tpu.memory_space<vmem>>, vector<1x1x16xf32>,
        %get3A_1229 = vector.shape_cast %get3A_1228 : vector<1x1x16xf32> to vector<16xf32>
        %add3A_1230 = arith.constant 4 : i32
        %add3A_1231 = arith.addi %add3A_1150, %add3A_1230 : i32
        %get3A_1232 = arith.constant 1 : i32
        %get3A_1233 = arith.index_cast %get3A_1232 : i32 to index
        %get3A_1234 = arith.index_cast %add3A_1231 : i32 to index
        %get3A_1235 = arith.constant 16 : index
        %get3A_1236 = tpu.vector_load %arg9[%get3A_1233, %get3A_1234, %get3A_1235] {strides = array<i32>} : memref<2x800x32xf32, #tpu.memory_space<vmem>>, vector<1x1x16xf32>,
        %get3A_1237 = vector.shape_cast %get3A_1236 : vector<1x1x16xf32> to vector<16xf32>
        %add3A_1238 = arith.addf %add3A_1202, %get3A_1229 : vector<16xf32>
        %add3A_1239 = arith.addf %add3A_1203, %get3A_1237 : vector<16xf32>
        %add3A_1240 = arith.constant 5 : i32
        %add3A_1241 = arith.addi %add3A_1150, %add3A_1240 : i32
        %get3A_1242 = arith.constant 1 : i32
        %get3A_1243 = arith.index_cast %get3A_1242 : i32 to index
        %get3A_1244 = arith.index_cast %add3A_1241 : i32 to index
        %get3A_1245 = arith.constant 0 : index
        %get3A_1246 = tpu.vector_load %arg9[%get3A_1243, %get3A_1244, %get3A_1245] {strides = array<i32>} : memref<2x800x32xf32, #tpu.memory_space<vmem>>, vector<1x1x16xf32>,
        %get3A_1247 = vector.shape_cast %get3A_1246 : vector<1x1x16xf32> to vector<16xf32>
        %add3A_1248 = arith.constant 5 : i32
        %add3A_1249 = arith.addi %add3A_1150, %add3A_1248 : i32
        %get3A_1250 = arith.constant 1 : i32
        %get3A_1251 = arith.index_cast %get3A_1250 : i32 to index
        %get3A_1252 = arith.index_cast %add3A_1249 : i32 to index
        %get3A_1253 = arith.constant 16 : index
        %get3A_1254 = tpu.vector_load %arg9[%get3A_1251, %get3A_1252, %get3A_1253] {strides = array<i32>} : memref<2x800x32xf32, #tpu.memory_space<vmem>>, vector<1x1x16xf32>,
        %get3A_1255 = vector.shape_cast %get3A_1254 : vector<1x1x16xf32> to vector<16xf32>
        %add3A_1256 = arith.addf %add3A_1220, %get3A_1247 : vector<16xf32>
        %add3A_1257 = arith.addf %add3A_1221, %get3A_1255 : vector<16xf32>
        %add3A_1258 = arith.constant 6 : i32
        %add3A_1259 = arith.addi %add3A_1150, %add3A_1258 : i32
        %get3A_1260 = arith.constant 1 : i32
        %get3A_1261 = arith.index_cast %get3A_1260 : i32 to index
        %get3A_1262 = arith.index_cast %add3A_1259 : i32 to index
        %get3A_1263 = arith.constant 0 : index
        %get3A_1264 = tpu.vector_load %arg9[%get3A_1261, %get3A_1262, %get3A_1263] {strides = array<i32>} : memref<2x800x32xf32, #tpu.memory_space<vmem>>, vector<1x1x16xf32>,
        %get3A_1265 = vector.shape_cast %get3A_1264 : vector<1x1x16xf32> to vector<16xf32>
        %add3A_1266 = arith.constant 6 : i32
        %add3A_1267 = arith.addi %add3A_1150, %add3A_1266 : i32
        %get3A_1268 = arith.constant 1 : i32
        %get3A_1269 = arith.index_cast %get3A_1268 : i32 to index
        %get3A_1270 = arith.index_cast %add3A_1267 : i32 to index
        %get3A_1271 = arith.constant 16 : index
        %get3A_1272 = tpu.vector_load %arg9[%get3A_1269, %get3A_1270, %get3A_1271] {strides = array<i32>} : memref<2x800x32xf32, #tpu.memory_space<vmem>>, vector<1x1x16xf32>,
        %get3A_1273 = vector.shape_cast %get3A_1272 : vector<1x1x16xf32> to vector<16xf32>
        %add3A_1274 = arith.addf %add3A_1238, %get3A_1265 : vector<16xf32>
        %add3A_1275 = arith.addf %add3A_1239, %get3A_1273 : vector<16xf32>
        %add3A_1276 = arith.constant 7 : i32
        %add3A_1277 = arith.addi %add3A_1150, %add3A_1276 : i32
        %get3A_1278 = arith.constant 1 : i32
        %get3A_1279 = arith.index_cast %get3A_1278 : i32 to index
        %get3A_1280 = arith.index_cast %add3A_1277 : i32 to index
        %get3A_1281 = arith.constant 0 : index
        %get3A_1282 = tpu.vector_load %arg9[%get3A_1279, %get3A_1280, %get3A_1281] {strides = array<i32>} : memref<2x800x32xf32, #tpu.memory_space<vmem>>, vector<1x1x16xf32>,
        %get3A_1283 = vector.shape_cast %get3A_1282 : vector<1x1x16xf32> to vector<16xf32>
        %add3A_1284 = arith.constant 7 : i32
        %add3A_1285 = arith.addi %add3A_1150, %add3A_1284 : i32
        %get3A_1286 = arith.constant 1 : i32
        %get3A_1287 = arith.index_cast %get3A_1286 : i32 to index
        %get3A_1288 = arith.index_cast %add3A_1285 : i32 to index
        %get3A_1289 = arith.constant 16 : index
        %get3A_1290 = tpu.vector_load %arg9[%get3A_1287, %get3A_1288, %get3A_1289] {strides = array<i32>} : memref<2x800x32xf32, #tpu.memory_space<vmem>>, vector<1x1x16xf32>,
        %get3A_1291 = vector.shape_cast %get3A_1290 : vector<1x1x16xf32> to vector<16xf32>
        %add3A_1292 = arith.addf %add3A_1256, %get3A_1283 : vector<16xf32>
        %add3A_1293 = arith.addf %add3A_1257, %get3A_1291 : vector<16xf32>
        scf.yield %add3A_1274, %add3A_1275, %add3A_1292, %add3A_1293 : vector<16xf32>, vector<16xf32>, vector<16xf32>, vector<16xf32>
      }
      %scan3A_985 = arith.constant 25 : i32
      %add3A_986 = arith.addf %scan3A_984#0, %scan3A_984#2 : vector<16xf32>
      %add3A_987 = arith.addf %scan3A_984#1, %scan3A_984#3 : vector<16xf32>
      %broadcast_in_dim3A_988 = arith.constant 0.000000e+00 : f32
      %broadcast_in_dim3A_989 = vector.broadcast %broadcast_in_dim3A_988 : f32 to vector<16xf32>
      %scan3A_990 = arith.constant 0 : i32
      %scan3A_991 = arith.constant 5 : i32
      %scan3A_992 = arith.addi %scan3A_990, %scan3A_991 : i32
      %scan3A_993 = arith.constant 1 : i32
      %scan3A_994:4 = scf.for %scan3A_1142 = %scan3A_990 to %scan3A_992 step %scan3A_993 iter_args(%scan3A_1143 = %broadcast_in_dim3A_989, %scan3A_1144 = %broadcast_in_dim3A_989, %scan3A_1145 = %broadcast_in_dim3A_989, %scan3A_1146 = %broadcast_in_dim3A_989) -> (vector<16xf32>, vector<16xf32>, vector<16xf32>, vector<16xf32>)  : i32 {
        %mul3A_1147 = arith.constant 10 : i32
        %mul3A_1148 = arith.muli %scan3A_1142, %mul3A_1147 : i32
        %add3A_1149 = arith.constant 50 : i32
        %add3A_1150 = arith.addi %add3A_1149, %mul3A_1148 : i32
        %add3A_1151 = arith.constant 0 : i32
        %add3A_1152 = arith.addi %add3A_1150, %add3A_1151 : i32
        %get3A = arith.constant 1 : i32
        %get3A_1153 = arith.index_cast %get3A : i32 to index
        %get3A_1154 = arith.index_cast %add3A_1152 : i32 to index
        %get3A_1155 = arith.constant 0 : index
        %get3A_1156 = tpu.vector_load %arg10[%get3A_1153, %get3A_1154, %get3A_1155] {strides = array<i32>} : memref<2x200x32xf32, #tpu.memory_space<vmem>>, vector<1x1x16xf32>,
        %get3A_1157 = vector.shape_cast %get3A_1156 : vector<1x1x16xf32> to vector<16xf32>
        %add3A_1158 = arith.constant 0 : i32
        %add3A_1159 = arith.addi %add3A_1150, %add3A_1158 : i32
        %get3A_1160 = arith.constant 1 : i32
        %get3A_1161 = arith.index_cast %get3A_1160 : i32 to index
        %get3A_1162 = arith.index_cast %add3A_1159 : i32 to index
        %get3A_1163 = arith.constant 16 : index
        %get3A_1164 = tpu.vector_load %arg10[%get3A_1161, %get3A_1162, %get3A_1163] {strides = array<i32>} : memref<2x200x32xf32, #tpu.memory_space<vmem>>, vector<1x1x16xf32>,
        %get3A_1165 = vector.shape_cast %get3A_1164 : vector<1x1x16xf32> to vector<16xf32>
        %add3A_1166 = arith.addf %scan3A_1143, %get3A_1157 : vector<16xf32>
        %add3A_1167 = arith.addf %scan3A_1144, %get3A_1165 : vector<16xf32>
        %add3A_1168 = arith.constant 1 : i32
        %add3A_1169 = arith.addi %add3A_1150, %add3A_1168 : i32
        %get3A_1170 = arith.constant 1 : i32
        %get3A_1171 = arith.index_cast %get3A_1170 : i32 to index
        %get3A_1172 = arith.index_cast %add3A_1169 : i32 to index
        %get3A_1173 = arith.constant 0 : index
        %get3A_1174 = tpu.vector_load %arg10[%get3A_1171, %get3A_1172, %get3A_1173] {strides = array<i32>} : memref<2x200x32xf32, #tpu.memory_space<vmem>>, vector<1x1x16xf32>,
        %get3A_1175 = vector.shape_cast %get3A_1174 : vector<1x1x16xf32> to vector<16xf32>
        %add3A_1176 = arith.constant 1 : i32
        %add3A_1177 = arith.addi %add3A_1150, %add3A_1176 : i32
        %get3A_1178 = arith.constant 1 : i32
        %get3A_1179 = arith.index_cast %get3A_1178 : i32 to index
        %get3A_1180 = arith.index_cast %add3A_1177 : i32 to index
        %get3A_1181 = arith.constant 16 : index
        %get3A_1182 = tpu.vector_load %arg10[%get3A_1179, %get3A_1180, %get3A_1181] {strides = array<i32>} : memref<2x200x32xf32, #tpu.memory_space<vmem>>, vector<1x1x16xf32>,
        %get3A_1183 = vector.shape_cast %get3A_1182 : vector<1x1x16xf32> to vector<16xf32>
        %add3A_1184 = arith.addf %scan3A_1145, %get3A_1175 : vector<16xf32>
        %add3A_1185 = arith.addf %scan3A_1146, %get3A_1183 : vector<16xf32>
        %add3A_1186 = arith.constant 2 : i32
        %add3A_1187 = arith.addi %add3A_1150, %add3A_1186 : i32
        %get3A_1188 = arith.constant 1 : i32
        %get3A_1189 = arith.index_cast %get3A_1188 : i32 to index
        %get3A_1190 = arith.index_cast %add3A_1187 : i32 to index
        %get3A_1191 = arith.constant 0 : index
        %get3A_1192 = tpu.vector_load %arg10[%get3A_1189, %get3A_1190, %get3A_1191] {strides = array<i32>} : memref<2x200x32xf32, #tpu.memory_space<vmem>>, vector<1x1x16xf32>,
        %get3A_1193 = vector.shape_cast %get3A_1192 : vector<1x1x16xf32> to vector<16xf32>
        %add3A_1194 = arith.constant 2 : i32
        %add3A_1195 = arith.addi %add3A_1150, %add3A_1194 : i32
        %get3A_1196 = arith.constant 1 : i32
        %get3A_1197 = arith.index_cast %get3A_1196 : i32 to index
        %get3A_1198 = arith.index_cast %add3A_1195 : i32 to index
        %get3A_1199 = arith.constant 16 : index
        %get3A_1200 = tpu.vector_load %arg10[%get3A_1197, %get3A_1198, %get3A_1199] {strides = array<i32>} : memref<2x200x32xf32, #tpu.memory_space<vmem>>, vector<1x1x16xf32>,
        %get3A_1201 = vector.shape_cast %get3A_1200 : vector<1x1x16xf32> to vector<16xf32>
        %add3A_1202 = arith.addf %add3A_1166, %get3A_1193 : vector<16xf32>
        %add3A_1203 = arith.addf %add3A_1167, %get3A_1201 : vector<16xf32>
        %add3A_1204 = arith.constant 3 : i32
        %add3A_1205 = arith.addi %add3A_1150, %add3A_1204 : i32
        %get3A_1206 = arith.constant 1 : i32
        %get3A_1207 = arith.index_cast %get3A_1206 : i32 to index
        %get3A_1208 = arith.index_cast %add3A_1205 : i32 to index
        %get3A_1209 = arith.constant 0 : index
        %get3A_1210 = tpu.vector_load %arg10[%get3A_1207, %get3A_1208, %get3A_1209] {strides = array<i32>} : memref<2x200x32xf32, #tpu.memory_space<vmem>>, vector<1x1x16xf32>,
        %get3A_1211 = vector.shape_cast %get3A_1210 : vector<1x1x16xf32> to vector<16xf32>
        %add3A_1212 = arith.constant 3 : i32
        %add3A_1213 = arith.addi %add3A_1150, %add3A_1212 : i32
        %get3A_1214 = arith.constant 1 : i32
        %get3A_1215 = arith.index_cast %get3A_1214 : i32 to index
        %get3A_1216 = arith.index_cast %add3A_1213 : i32 to index
        %get3A_1217 = arith.constant 16 : index
        %get3A_1218 = tpu.vector_load %arg10[%get3A_1215, %get3A_1216, %get3A_1217] {strides = array<i32>} : memref<2x200x32xf32, #tpu.memory_space<vmem>>, vector<1x1x16xf32>,
        %get3A_1219 = vector.shape_cast %get3A_1218 : vector<1x1x16xf32> to vector<16xf32>
        %add3A_1220 = arith.addf %add3A_1184, %get3A_1211 : vector<16xf32>
        %add3A_1221 = arith.addf %add3A_1185, %get3A_1219 : vector<16xf32>
        %add3A_1222 = arith.constant 4 : i32
        %add3A_1223 = arith.addi %add3A_1150, %add3A_1222 : i32
        %get3A_1224 = arith.constant 1 : i32
        %get3A_1225 = arith.index_cast %get3A_1224 : i32 to index
        %get3A_1226 = arith.index_cast %add3A_1223 : i32 to index
        %get3A_1227 = arith.constant 0 : index
        %get3A_1228 = tpu.vector_load %arg10[%get3A_1225, %get3A_1226, %get3A_1227] {strides = array<i32>} : memref<2x200x32xf32, #tpu.memory_space<vmem>>, vector<1x1x16xf32>,
        %get3A_1229 = vector.shape_cast %get3A_1228 : vector<1x1x16xf32> to vector<16xf32>
        %add3A_1230 = arith.constant 4 : i32
        %add3A_1231 = arith.addi %add3A_1150, %add3A_1230 : i32
        %get3A_1232 = arith.constant 1 : i32
        %get3A_1233 = arith.index_cast %get3A_1232 : i32 to index
        %get3A_1234 = arith.index_cast %add3A_1231 : i32 to index
        %get3A_1235 = arith.constant 16 : index
        %get3A_1236 = tpu.vector_load %arg10[%get3A_1233, %get3A_1234, %get3A_1235] {strides = array<i32>} : memref<2x200x32xf32, #tpu.memory_space<vmem>>, vector<1x1x16xf32>,
        %get3A_1237 = vector.shape_cast %get3A_1236 : vector<1x1x16xf32> to vector<16xf32>
        %add3A_1238 = arith.addf %add3A_1202, %get3A_1229 : vector<16xf32>
        %add3A_1239 = arith.addf %add3A_1203, %get3A_1237 : vector<16xf32>
        %add3A_1240 = arith.constant 5 : i32
        %add3A_1241 = arith.addi %add3A_1150, %add3A_1240 : i32
        %get3A_1242 = arith.constant 1 : i32
        %get3A_1243 = arith.index_cast %get3A_1242 : i32 to index
        %get3A_1244 = arith.index_cast %add3A_1241 : i32 to index
        %get3A_1245 = arith.constant 0 : index
        %get3A_1246 = tpu.vector_load %arg10[%get3A_1243, %get3A_1244, %get3A_1245] {strides = array<i32>} : memref<2x200x32xf32, #tpu.memory_space<vmem>>, vector<1x1x16xf32>,
        %get3A_1247 = vector.shape_cast %get3A_1246 : vector<1x1x16xf32> to vector<16xf32>
        %add3A_1248 = arith.constant 5 : i32
        %add3A_1249 = arith.addi %add3A_1150, %add3A_1248 : i32
        %get3A_1250 = arith.constant 1 : i32
        %get3A_1251 = arith.index_cast %get3A_1250 : i32 to index
        %get3A_1252 = arith.index_cast %add3A_1249 : i32 to index
        %get3A_1253 = arith.constant 16 : index
        %get3A_1254 = tpu.vector_load %arg10[%get3A_1251, %get3A_1252, %get3A_1253] {strides = array<i32>} : memref<2x200x32xf32, #tpu.memory_space<vmem>>, vector<1x1x16xf32>,
        %get3A_1255 = vector.shape_cast %get3A_1254 : vector<1x1x16xf32> to vector<16xf32>
        %add3A_1256 = arith.addf %add3A_1220, %get3A_1247 : vector<16xf32>
        %add3A_1257 = arith.addf %add3A_1221, %get3A_1255 : vector<16xf32>
        %add3A_1258 = arith.constant 6 : i32
        %add3A_1259 = arith.addi %add3A_1150, %add3A_1258 : i32
        %get3A_1260 = arith.constant 1 : i32
        %get3A_1261 = arith.index_cast %get3A_1260 : i32 to index
        %get3A_1262 = arith.index_cast %add3A_1259 : i32 to index
        %get3A_1263 = arith.constant 0 : index
        %get3A_1264 = tpu.vector_load %arg10[%get3A_1261, %get3A_1262, %get3A_1263] {strides = array<i32>} : memref<2x200x32xf32, #tpu.memory_space<vmem>>, vector<1x1x16xf32>,
        %get3A_1265 = vector.shape_cast %get3A_1264 : vector<1x1x16xf32> to vector<16xf32>
        %add3A_1266 = arith.constant 6 : i32
        %add3A_1267 = arith.addi %add3A_1150, %add3A_1266 : i32
        %get3A_1268 = arith.constant 1 : i32
        %get3A_1269 = arith.index_cast %get3A_1268 : i32 to index
        %get3A_1270 = arith.index_cast %add3A_1267 : i32 to index
        %get3A_1271 = arith.constant 16 : index
        %get3A_1272 = tpu.vector_load %arg10[%get3A_1269, %get3A_1270, %get3A_1271] {strides = array<i32>} : memref<2x200x32xf32, #tpu.memory_space<vmem>>, vector<1x1x16xf32>,
        %get3A_1273 = vector.shape_cast %get3A_1272 : vector<1x1x16xf32> to vector<16xf32>
        %add3A_1274 = arith.addf %add3A_1238, %get3A_1265 : vector<16xf32>
        %add3A_1275 = arith.addf %add3A_1239, %get3A_1273 : vector<16xf32>
        %add3A_1276 = arith.constant 7 : i32
        %add3A_1277 = arith.addi %add3A_1150, %add3A_1276 : i32
        %get3A_1278 = arith.constant 1 : i32
        %get3A_1279 = arith.index_cast %get3A_1278 : i32 to index
        %get3A_1280 = arith.index_cast %add3A_1277 : i32 to index
        %get3A_1281 = arith.constant 0 : index
        %get3A_1282 = tpu.vector_load %arg10[%get3A_1279, %get3A_1280, %get3A_1281] {strides = array<i32>} : memref<2x200x32xf32, #tpu.memory_space<vmem>>, vector<1x1x16xf32>,
        %get3A_1283 = vector.shape_cast %get3A_1282 : vector<1x1x16xf32> to vector<16xf32>
        %add3A_1284 = arith.constant 7 : i32
        %add3A_1285 = arith.addi %add3A_1150, %add3A_1284 : i32
        %get3A_1286 = arith.constant 1 : i32
        %get3A_1287 = arith.index_cast %get3A_1286 : i32 to index
        %get3A_1288 = arith.index_cast %add3A_1285 : i32 to index
        %get3A_1289 = arith.constant 16 : index
        %get3A_1290 = tpu.vector_load %arg10[%get3A_1287, %get3A_1288, %get3A_1289] {strides = array<i32>} : memref<2x200x32xf32, #tpu.memory_space<vmem>>, vector<1x1x16xf32>,
        %get3A_1291 = vector.shape_cast %get3A_1290 : vector<1x1x16xf32> to vector<16xf32>
        %add3A_1292 = arith.addf %add3A_1256, %get3A_1283 : vector<16xf32>
        %add3A_1293 = arith.addf %add3A_1257, %get3A_1291 : vector<16xf32>
        %add3A_1294 = arith.constant 8 : i32
        %add3A_1295 = arith.addi %add3A_1150, %add3A_1294 : i32
        %get3A_1296 = arith.constant 1 : i32
        %get3A_1297 = arith.index_cast %get3A_1296 : i32 to index
        %get3A_1298 = arith.index_cast %add3A_1295 : i32 to index
        %get3A_1299 = arith.constant 0 : index
        %get3A_1300 = tpu.vector_load %arg10[%get3A_1297, %get3A_1298, %get3A_1299] {strides = array<i32>} : memref<2x200x32xf32, #tpu.memory_space<vmem>>, vector<1x1x16xf32>,
        %get3A_1301 = vector.shape_cast %get3A_1300 : vector<1x1x16xf32> to vector<16xf32>
        %add3A_1302 = arith.constant 8 : i32
        %add3A_1303 = arith.addi %add3A_1150, %add3A_1302 : i32
        %get3A_1304 = arith.constant 1 : i32
        %get3A_1305 = arith.index_cast %get3A_1304 : i32 to index
        %get3A_1306 = arith.index_cast %add3A_1303 : i32 to index
        %get3A_1307 = arith.constant 16 : index
        %get3A_1308 = tpu.vector_load %arg10[%get3A_1305, %get3A_1306, %get3A_1307] {strides = array<i32>} : memref<2x200x32xf32, #tpu.memory_space<vmem>>, vector<1x1x16xf32>,
        %get3A_1309 = vector.shape_cast %get3A_1308 : vector<1x1x16xf32> to vector<16xf32>
        %add3A_1310 = arith.addf %add3A_1274, %get3A_1301 : vector<16xf32>
        %add3A_1311 = arith.addf %add3A_1275, %get3A_1309 : vector<16xf32>
        %add3A_1312 = arith.constant 9 : i32
        %add3A_1313 = arith.addi %add3A_1150, %add3A_1312 : i32
        %get3A_1314 = arith.constant 1 : i32
        %get3A_1315 = arith.index_cast %get3A_1314 : i32 to index
        %get3A_1316 = arith.index_cast %add3A_1313 : i32 to index
        %get3A_1317 = arith.constant 0 : index
        %get3A_1318 = tpu.vector_load %arg10[%get3A_1315, %get3A_1316, %get3A_1317] {strides = array<i32>} : memref<2x200x32xf32, #tpu.memory_space<vmem>>, vector<1x1x16xf32>,
        %get3A_1319 = vector.shape_cast %get3A_1318 : vector<1x1x16xf32> to vector<16xf32>
        %add3A_1320 = arith.constant 9 : i32
        %add3A_1321 = arith.addi %add3A_1150, %add3A_1320 : i32
        %get3A_1322 = arith.constant 1 : i32
        %get3A_1323 = arith.index_cast %get3A_1322 : i32 to index
        %get3A_1324 = arith.index_cast %add3A_1321 : i32 to index
        %get3A_1325 = arith.constant 16 : index
        %get3A_1326 = tpu.vector_load %arg10[%get3A_1323, %get3A_1324, %get3A_1325] {strides = array<i32>} : memref<2x200x32xf32, #tpu.memory_space<vmem>>, vector<1x1x16xf32>,
        %get3A_1327 = vector.shape_cast %get3A_1326 : vector<1x1x16xf32> to vector<16xf32>
        %add3A_1328 = arith.addf %add3A_1292, %get3A_1319 : vector<16xf32>
        %add3A_1329 = arith.addf %add3A_1293, %get3A_1327 : vector<16xf32>
        scf.yield %add3A_1310, %add3A_1311, %add3A_1328, %add3A_1329 : vector<16xf32>, vector<16xf32>, vector<16xf32>, vector<16xf32>
      }
      %scan3A_995 = arith.constant 5 : i32
      %add3A_996 = arith.addf %scan3A_994#0, %scan3A_994#2 : vector<16xf32>
      %add3A_997 = arith.addf %scan3A_994#1, %scan3A_994#3 : vector<16xf32>
      %mul3A_998 = arith.constant 5.000000e-03 : f32
      %mul3A_999 = vector.broadcast %mul3A_998 : f32 to vector<16xf32>
      %mul3A_1000 = arith.mulf %add3A_986, %mul3A_999 : vector<16xf32>
      %swap3A_1001 = arith.index_cast %add3A_977 : i32 to index
      %swap3A_1002 = arith.constant 0 : index
      %swap3A_1003 = tpu.vector_load %arg11[%swap3A_1001, %swap3A_1002] {strides = array<i32>} : memref<512x64xf32, #tpu.memory_space<vmem>>, vector<1x16xf32>,
      %swap3A_1004 = vector.shape_cast %swap3A_1003 : vector<1x16xf32> to vector<16xf32>
      %swap3A_1005 = vector.shape_cast %mul3A_1000 : vector<16xf32> to vector<1x16xf32>
      tpu.vector_store %arg11[%swap3A_1001, %swap3A_1002], %swap3A_1005 {strides = array<i32>} : memref<512x64xf32, #tpu.memory_space<vmem>>, vector<1x16xf32>,
      %mul3A_1006 = arith.constant 5.000000e-03 : f32
      %mul3A_1007 = vector.broadcast %mul3A_1006 : f32 to vector<16xf32>
      %mul3A_1008 = arith.mulf %add3A_987, %mul3A_1007 : vector<16xf32>
      %swap3A_1009 = arith.index_cast %add3A_977 : i32 to index
      %swap3A_1010 = arith.constant 16 : index
      %swap3A_1011 = tpu.vector_load %arg11[%swap3A_1009, %swap3A_1010] {strides = array<i32>} : memref<512x64xf32, #tpu.memory_space<vmem>>, vector<1x16xf32>,
      %swap3A_1012 = vector.shape_cast %swap3A_1011 : vector<1x16xf32> to vector<16xf32>
      %swap3A_1013 = vector.shape_cast %mul3A_1008 : vector<16xf32> to vector<1x16xf32>
      tpu.vector_store %arg11[%swap3A_1009, %swap3A_1010], %swap3A_1013 {strides = array<i32>} : memref<512x64xf32, #tpu.memory_space<vmem>>, vector<1x16xf32>,
      %mul3A_1014 = arith.constant 2.000000e-02 : f32
      %mul3A_1015 = vector.broadcast %mul3A_1014 : f32 to vector<16xf32>
      %mul3A_1016 = arith.mulf %add3A_996, %mul3A_1015 : vector<16xf32>
      %swap3A_1017 = arith.index_cast %add3A_977 : i32 to index
      %swap3A_1018 = arith.constant 32 : index
      %swap3A_1019 = tpu.vector_load %arg11[%swap3A_1017, %swap3A_1018] {strides = array<i32>} : memref<512x64xf32, #tpu.memory_space<vmem>>, vector<1x16xf32>,
      %swap3A_1020 = vector.shape_cast %swap3A_1019 : vector<1x16xf32> to vector<16xf32>
      %swap3A_1021 = vector.shape_cast %mul3A_1016 : vector<16xf32> to vector<1x16xf32>
      tpu.vector_store %arg11[%swap3A_1017, %swap3A_1018], %swap3A_1021 {strides = array<i32>} : memref<512x64xf32, #tpu.memory_space<vmem>>, vector<1x16xf32>,
      %mul3A_1022 = arith.constant 2.000000e-02 : f32
      %mul3A_1023 = vector.broadcast %mul3A_1022 : f32 to vector<16xf32>
      %mul3A_1024 = arith.mulf %add3A_997, %mul3A_1023 : vector<16xf32>
      %swap3A_1025 = arith.index_cast %add3A_977 : i32 to index
      %swap3A_1026 = arith.constant 48 : index
      %swap3A_1027 = tpu.vector_load %arg11[%swap3A_1025, %swap3A_1026] {strides = array<i32>} : memref<512x64xf32, #tpu.memory_space<vmem>>, vector<1x16xf32>,
      %swap3A_1028 = vector.shape_cast %swap3A_1027 : vector<1x16xf32> to vector<16xf32>
      %swap3A_1029 = vector.shape_cast %mul3A_1024 : vector<16xf32> to vector<1x16xf32>
      tpu.vector_store %arg11[%swap3A_1025, %swap3A_1026], %swap3A_1029 {strides = array<i32>} : memref<512x64xf32, #tpu.memory_space<vmem>>, vector<1x16xf32>,
      %mul3A_1030 = arith.constant 4 : i32
      %mul3A_1031 = arith.muli %add3A_917, %mul3A_1030 : i32
      %add3A_1032 = arith.constant 2 : i32
      %add3A_1033 = arith.addi %mul3A_1031, %add3A_1032 : i32
      %broadcast_in_dim3A_1034 = arith.constant 0.000000e+00 : f32
      %broadcast_in_dim3A_1035 = vector.broadcast %broadcast_in_dim3A_1034 : f32 to vector<16xf32>
      %scan3A_1036 = arith.constant 0 : i32
      %scan3A_1037 = arith.constant 25 : i32
      %scan3A_1038 = arith.addi %scan3A_1036, %scan3A_1037 : i32
      %scan3A_1039 = arith.constant 1 : i32
      %scan3A_1040:4 = scf.for %scan3A_1142 = %scan3A_1036 to %scan3A_1038 step %scan3A_1039 iter_args(%scan3A_1143 = %broadcast_in_dim3A_1035, %scan3A_1144 = %broadcast_in_dim3A_1035, %scan3A_1145 = %broadcast_in_dim3A_1035, %scan3A_1146 = %broadcast_in_dim3A_1035) -> (vector<16xf32>, vector<16xf32>, vector<16xf32>, vector<16xf32>)  : i32 {
        %mul3A_1147 = arith.constant 8 : i32
        %mul3A_1148 = arith.muli %scan3A_1142, %mul3A_1147 : i32
        %add3A_1149 = arith.constant 400 : i32
        %add3A_1150 = arith.addi %add3A_1149, %mul3A_1148 : i32
        %add3A_1151 = arith.constant 0 : i32
        %add3A_1152 = arith.addi %add3A_1150, %add3A_1151 : i32
        %get3A = arith.constant 1 : i32
        %get3A_1153 = arith.index_cast %get3A : i32 to index
        %get3A_1154 = arith.index_cast %add3A_1152 : i32 to index
        %get3A_1155 = arith.constant 0 : index
        %get3A_1156 = tpu.vector_load %arg9[%get3A_1153, %get3A_1154, %get3A_1155] {strides = array<i32>} : memref<2x800x32xf32, #tpu.memory_space<vmem>>, vector<1x1x16xf32>,
        %get3A_1157 = vector.shape_cast %get3A_1156 : vector<1x1x16xf32> to vector<16xf32>
        %add3A_1158 = arith.constant 0 : i32
        %add3A_1159 = arith.addi %add3A_1150, %add3A_1158 : i32
        %get3A_1160 = arith.constant 1 : i32
        %get3A_1161 = arith.index_cast %get3A_1160 : i32 to index
        %get3A_1162 = arith.index_cast %add3A_1159 : i32 to index
        %get3A_1163 = arith.constant 16 : index
        %get3A_1164 = tpu.vector_load %arg9[%get3A_1161, %get3A_1162, %get3A_1163] {strides = array<i32>} : memref<2x800x32xf32, #tpu.memory_space<vmem>>, vector<1x1x16xf32>,
        %get3A_1165 = vector.shape_cast %get3A_1164 : vector<1x1x16xf32> to vector<16xf32>
        %add3A_1166 = arith.addf %scan3A_1143, %get3A_1157 : vector<16xf32>
        %add3A_1167 = arith.addf %scan3A_1144, %get3A_1165 : vector<16xf32>
        %add3A_1168 = arith.constant 1 : i32
        %add3A_1169 = arith.addi %add3A_1150, %add3A_1168 : i32
        %get3A_1170 = arith.constant 1 : i32
        %get3A_1171 = arith.index_cast %get3A_1170 : i32 to index
        %get3A_1172 = arith.index_cast %add3A_1169 : i32 to index
        %get3A_1173 = arith.constant 0 : index
        %get3A_1174 = tpu.vector_load %arg9[%get3A_1171, %get3A_1172, %get3A_1173] {strides = array<i32>} : memref<2x800x32xf32, #tpu.memory_space<vmem>>, vector<1x1x16xf32>,
        %get3A_1175 = vector.shape_cast %get3A_1174 : vector<1x1x16xf32> to vector<16xf32>
        %add3A_1176 = arith.constant 1 : i32
        %add3A_1177 = arith.addi %add3A_1150, %add3A_1176 : i32
        %get3A_1178 = arith.constant 1 : i32
        %get3A_1179 = arith.index_cast %get3A_1178 : i32 to index
        %get3A_1180 = arith.index_cast %add3A_1177 : i32 to index
        %get3A_1181 = arith.constant 16 : index
        %get3A_1182 = tpu.vector_load %arg9[%get3A_1179, %get3A_1180, %get3A_1181] {strides = array<i32>} : memref<2x800x32xf32, #tpu.memory_space<vmem>>, vector<1x1x16xf32>,
        %get3A_1183 = vector.shape_cast %get3A_1182 : vector<1x1x16xf32> to vector<16xf32>
        %add3A_1184 = arith.addf %scan3A_1145, %get3A_1175 : vector<16xf32>
        %add3A_1185 = arith.addf %scan3A_1146, %get3A_1183 : vector<16xf32>
        %add3A_1186 = arith.constant 2 : i32
        %add3A_1187 = arith.addi %add3A_1150, %add3A_1186 : i32
        %get3A_1188 = arith.constant 1 : i32
        %get3A_1189 = arith.index_cast %get3A_1188 : i32 to index
        %get3A_1190 = arith.index_cast %add3A_1187 : i32 to index
        %get3A_1191 = arith.constant 0 : index
        %get3A_1192 = tpu.vector_load %arg9[%get3A_1189, %get3A_1190, %get3A_1191] {strides = array<i32>} : memref<2x800x32xf32, #tpu.memory_space<vmem>>, vector<1x1x16xf32>,
        %get3A_1193 = vector.shape_cast %get3A_1192 : vector<1x1x16xf32> to vector<16xf32>
        %add3A_1194 = arith.constant 2 : i32
        %add3A_1195 = arith.addi %add3A_1150, %add3A_1194 : i32
        %get3A_1196 = arith.constant 1 : i32
        %get3A_1197 = arith.index_cast %get3A_1196 : i32 to index
        %get3A_1198 = arith.index_cast %add3A_1195 : i32 to index
        %get3A_1199 = arith.constant 16 : index
        %get3A_1200 = tpu.vector_load %arg9[%get3A_1197, %get3A_1198, %get3A_1199] {strides = array<i32>} : memref<2x800x32xf32, #tpu.memory_space<vmem>>, vector<1x1x16xf32>,
        %get3A_1201 = vector.shape_cast %get3A_1200 : vector<1x1x16xf32> to vector<16xf32>
        %add3A_1202 = arith.addf %add3A_1166, %get3A_1193 : vector<16xf32>
        %add3A_1203 = arith.addf %add3A_1167, %get3A_1201 : vector<16xf32>
        %add3A_1204 = arith.constant 3 : i32
        %add3A_1205 = arith.addi %add3A_1150, %add3A_1204 : i32
        %get3A_1206 = arith.constant 1 : i32
        %get3A_1207 = arith.index_cast %get3A_1206 : i32 to index
        %get3A_1208 = arith.index_cast %add3A_1205 : i32 to index
        %get3A_1209 = arith.constant 0 : index
        %get3A_1210 = tpu.vector_load %arg9[%get3A_1207, %get3A_1208, %get3A_1209] {strides = array<i32>} : memref<2x800x32xf32, #tpu.memory_space<vmem>>, vector<1x1x16xf32>,
        %get3A_1211 = vector.shape_cast %get3A_1210 : vector<1x1x16xf32> to vector<16xf32>
        %add3A_1212 = arith.constant 3 : i32
        %add3A_1213 = arith.addi %add3A_1150, %add3A_1212 : i32
        %get3A_1214 = arith.constant 1 : i32
        %get3A_1215 = arith.index_cast %get3A_1214 : i32 to index
        %get3A_1216 = arith.index_cast %add3A_1213 : i32 to index
        %get3A_1217 = arith.constant 16 : index
        %get3A_1218 = tpu.vector_load %arg9[%get3A_1215, %get3A_1216, %get3A_1217] {strides = array<i32>} : memref<2x800x32xf32, #tpu.memory_space<vmem>>, vector<1x1x16xf32>,
        %get3A_1219 = vector.shape_cast %get3A_1218 : vector<1x1x16xf32> to vector<16xf32>
        %add3A_1220 = arith.addf %add3A_1184, %get3A_1211 : vector<16xf32>
        %add3A_1221 = arith.addf %add3A_1185, %get3A_1219 : vector<16xf32>
        %add3A_1222 = arith.constant 4 : i32
        %add3A_1223 = arith.addi %add3A_1150, %add3A_1222 : i32
        %get3A_1224 = arith.constant 1 : i32
        %get3A_1225 = arith.index_cast %get3A_1224 : i32 to index
        %get3A_1226 = arith.index_cast %add3A_1223 : i32 to index
        %get3A_1227 = arith.constant 0 : index
        %get3A_1228 = tpu.vector_load %arg9[%get3A_1225, %get3A_1226, %get3A_1227] {strides = array<i32>} : memref<2x800x32xf32, #tpu.memory_space<vmem>>, vector<1x1x16xf32>,
        %get3A_1229 = vector.shape_cast %get3A_1228 : vector<1x1x16xf32> to vector<16xf32>
        %add3A_1230 = arith.constant 4 : i32
        %add3A_1231 = arith.addi %add3A_1150, %add3A_1230 : i32
        %get3A_1232 = arith.constant 1 : i32
        %get3A_1233 = arith.index_cast %get3A_1232 : i32 to index
        %get3A_1234 = arith.index_cast %add3A_1231 : i32 to index
        %get3A_1235 = arith.constant 16 : index
        %get3A_1236 = tpu.vector_load %arg9[%get3A_1233, %get3A_1234, %get3A_1235] {strides = array<i32>} : memref<2x800x32xf32, #tpu.memory_space<vmem>>, vector<1x1x16xf32>,
        %get3A_1237 = vector.shape_cast %get3A_1236 : vector<1x1x16xf32> to vector<16xf32>
        %add3A_1238 = arith.addf %add3A_1202, %get3A_1229 : vector<16xf32>
        %add3A_1239 = arith.addf %add3A_1203, %get3A_1237 : vector<16xf32>
        %add3A_1240 = arith.constant 5 : i32
        %add3A_1241 = arith.addi %add3A_1150, %add3A_1240 : i32
        %get3A_1242 = arith.constant 1 : i32
        %get3A_1243 = arith.index_cast %get3A_1242 : i32 to index
        %get3A_1244 = arith.index_cast %add3A_1241 : i32 to index
        %get3A_1245 = arith.constant 0 : index
        %get3A_1246 = tpu.vector_load %arg9[%get3A_1243, %get3A_1244, %get3A_1245] {strides = array<i32>} : memref<2x800x32xf32, #tpu.memory_space<vmem>>, vector<1x1x16xf32>,
        %get3A_1247 = vector.shape_cast %get3A_1246 : vector<1x1x16xf32> to vector<16xf32>
        %add3A_1248 = arith.constant 5 : i32
        %add3A_1249 = arith.addi %add3A_1150, %add3A_1248 : i32
        %get3A_1250 = arith.constant 1 : i32
        %get3A_1251 = arith.index_cast %get3A_1250 : i32 to index
        %get3A_1252 = arith.index_cast %add3A_1249 : i32 to index
        %get3A_1253 = arith.constant 16 : index
        %get3A_1254 = tpu.vector_load %arg9[%get3A_1251, %get3A_1252, %get3A_1253] {strides = array<i32>} : memref<2x800x32xf32, #tpu.memory_space<vmem>>, vector<1x1x16xf32>,
        %get3A_1255 = vector.shape_cast %get3A_1254 : vector<1x1x16xf32> to vector<16xf32>
        %add3A_1256 = arith.addf %add3A_1220, %get3A_1247 : vector<16xf32>
        %add3A_1257 = arith.addf %add3A_1221, %get3A_1255 : vector<16xf32>
        %add3A_1258 = arith.constant 6 : i32
        %add3A_1259 = arith.addi %add3A_1150, %add3A_1258 : i32
        %get3A_1260 = arith.constant 1 : i32
        %get3A_1261 = arith.index_cast %get3A_1260 : i32 to index
        %get3A_1262 = arith.index_cast %add3A_1259 : i32 to index
        %get3A_1263 = arith.constant 0 : index
        %get3A_1264 = tpu.vector_load %arg9[%get3A_1261, %get3A_1262, %get3A_1263] {strides = array<i32>} : memref<2x800x32xf32, #tpu.memory_space<vmem>>, vector<1x1x16xf32>,
        %get3A_1265 = vector.shape_cast %get3A_1264 : vector<1x1x16xf32> to vector<16xf32>
        %add3A_1266 = arith.constant 6 : i32
        %add3A_1267 = arith.addi %add3A_1150, %add3A_1266 : i32
        %get3A_1268 = arith.constant 1 : i32
        %get3A_1269 = arith.index_cast %get3A_1268 : i32 to index
        %get3A_1270 = arith.index_cast %add3A_1267 : i32 to index
        %get3A_1271 = arith.constant 16 : index
        %get3A_1272 = tpu.vector_load %arg9[%get3A_1269, %get3A_1270, %get3A_1271] {strides = array<i32>} : memref<2x800x32xf32, #tpu.memory_space<vmem>>, vector<1x1x16xf32>,
        %get3A_1273 = vector.shape_cast %get3A_1272 : vector<1x1x16xf32> to vector<16xf32>
        %add3A_1274 = arith.addf %add3A_1238, %get3A_1265 : vector<16xf32>
        %add3A_1275 = arith.addf %add3A_1239, %get3A_1273 : vector<16xf32>
        %add3A_1276 = arith.constant 7 : i32
        %add3A_1277 = arith.addi %add3A_1150, %add3A_1276 : i32
        %get3A_1278 = arith.constant 1 : i32
        %get3A_1279 = arith.index_cast %get3A_1278 : i32 to index
        %get3A_1280 = arith.index_cast %add3A_1277 : i32 to index
        %get3A_1281 = arith.constant 0 : index
        %get3A_1282 = tpu.vector_load %arg9[%get3A_1279, %get3A_1280, %get3A_1281] {strides = array<i32>} : memref<2x800x32xf32, #tpu.memory_space<vmem>>, vector<1x1x16xf32>,
        %get3A_1283 = vector.shape_cast %get3A_1282 : vector<1x1x16xf32> to vector<16xf32>
        %add3A_1284 = arith.constant 7 : i32
        %add3A_1285 = arith.addi %add3A_1150, %add3A_1284 : i32
        %get3A_1286 = arith.constant 1 : i32
        %get3A_1287 = arith.index_cast %get3A_1286 : i32 to index
        %get3A_1288 = arith.index_cast %add3A_1285 : i32 to index
        %get3A_1289 = arith.constant 16 : index
        %get3A_1290 = tpu.vector_load %arg9[%get3A_1287, %get3A_1288, %get3A_1289] {strides = array<i32>} : memref<2x800x32xf32, #tpu.memory_space<vmem>>, vector<1x1x16xf32>,
        %get3A_1291 = vector.shape_cast %get3A_1290 : vector<1x1x16xf32> to vector<16xf32>
        %add3A_1292 = arith.addf %add3A_1256, %get3A_1283 : vector<16xf32>
        %add3A_1293 = arith.addf %add3A_1257, %get3A_1291 : vector<16xf32>
        scf.yield %add3A_1274, %add3A_1275, %add3A_1292, %add3A_1293 : vector<16xf32>, vector<16xf32>, vector<16xf32>, vector<16xf32>
      }
      %scan3A_1041 = arith.constant 25 : i32
      %add3A_1042 = arith.addf %scan3A_1040#0, %scan3A_1040#2 : vector<16xf32>
      %add3A_1043 = arith.addf %scan3A_1040#1, %scan3A_1040#3 : vector<16xf32>
      %broadcast_in_dim3A_1044 = arith.constant 0.000000e+00 : f32
      %broadcast_in_dim3A_1045 = vector.broadcast %broadcast_in_dim3A_1044 : f32 to vector<16xf32>
      %scan3A_1046 = arith.constant 0 : i32
      %scan3A_1047 = arith.constant 5 : i32
      %scan3A_1048 = arith.addi %scan3A_1046, %scan3A_1047 : i32
      %scan3A_1049 = arith.constant 1 : i32
      %scan3A_1050:4 = scf.for %scan3A_1142 = %scan3A_1046 to %scan3A_1048 step %scan3A_1049 iter_args(%scan3A_1143 = %broadcast_in_dim3A_1045, %scan3A_1144 = %broadcast_in_dim3A_1045, %scan3A_1145 = %broadcast_in_dim3A_1045, %scan3A_1146 = %broadcast_in_dim3A_1045) -> (vector<16xf32>, vector<16xf32>, vector<16xf32>, vector<16xf32>)  : i32 {
        %mul3A_1147 = arith.constant 10 : i32
        %mul3A_1148 = arith.muli %scan3A_1142, %mul3A_1147 : i32
        %add3A_1149 = arith.constant 100 : i32
        %add3A_1150 = arith.addi %add3A_1149, %mul3A_1148 : i32
        %add3A_1151 = arith.constant 0 : i32
        %add3A_1152 = arith.addi %add3A_1150, %add3A_1151 : i32
        %get3A = arith.constant 1 : i32
        %get3A_1153 = arith.index_cast %get3A : i32 to index
        %get3A_1154 = arith.index_cast %add3A_1152 : i32 to index
        %get3A_1155 = arith.constant 0 : index
        %get3A_1156 = tpu.vector_load %arg10[%get3A_1153, %get3A_1154, %get3A_1155] {strides = array<i32>} : memref<2x200x32xf32, #tpu.memory_space<vmem>>, vector<1x1x16xf32>,
        %get3A_1157 = vector.shape_cast %get3A_1156 : vector<1x1x16xf32> to vector<16xf32>
        %add3A_1158 = arith.constant 0 : i32
        %add3A_1159 = arith.addi %add3A_1150, %add3A_1158 : i32
        %get3A_1160 = arith.constant 1 : i32
        %get3A_1161 = arith.index_cast %get3A_1160 : i32 to index
        %get3A_1162 = arith.index_cast %add3A_1159 : i32 to index
        %get3A_1163 = arith.constant 16 : index
        %get3A_1164 = tpu.vector_load %arg10[%get3A_1161, %get3A_1162, %get3A_1163] {strides = array<i32>} : memref<2x200x32xf32, #tpu.memory_space<vmem>>, vector<1x1x16xf32>,
        %get3A_1165 = vector.shape_cast %get3A_1164 : vector<1x1x16xf32> to vector<16xf32>
        %add3A_1166 = arith.addf %scan3A_1143, %get3A_1157 : vector<16xf32>
        %add3A_1167 = arith.addf %scan3A_1144, %get3A_1165 : vector<16xf32>
        %add3A_1168 = arith.constant 1 : i32
        %add3A_1169 = arith.addi %add3A_1150, %add3A_1168 : i32
        %get3A_1170 = arith.constant 1 : i32
        %get3A_1171 = arith.index_cast %get3A_1170 : i32 to index
        %get3A_1172 = arith.index_cast %add3A_1169 : i32 to index
        %get3A_1173 = arith.constant 0 : index
        %get3A_1174 = tpu.vector_load %arg10[%get3A_1171, %get3A_1172, %get3A_1173] {strides = array<i32>} : memref<2x200x32xf32, #tpu.memory_space<vmem>>, vector<1x1x16xf32>,
        %get3A_1175 = vector.shape_cast %get3A_1174 : vector<1x1x16xf32> to vector<16xf32>
        %add3A_1176 = arith.constant 1 : i32
        %add3A_1177 = arith.addi %add3A_1150, %add3A_1176 : i32
        %get3A_1178 = arith.constant 1 : i32
        %get3A_1179 = arith.index_cast %get3A_1178 : i32 to index
        %get3A_1180 = arith.index_cast %add3A_1177 : i32 to index
        %get3A_1181 = arith.constant 16 : index
        %get3A_1182 = tpu.vector_load %arg10[%get3A_1179, %get3A_1180, %get3A_1181] {strides = array<i32>} : memref<2x200x32xf32, #tpu.memory_space<vmem>>, vector<1x1x16xf32>,
        %get3A_1183 = vector.shape_cast %get3A_1182 : vector<1x1x16xf32> to vector<16xf32>
        %add3A_1184 = arith.addf %scan3A_1145, %get3A_1175 : vector<16xf32>
        %add3A_1185 = arith.addf %scan3A_1146, %get3A_1183 : vector<16xf32>
        %add3A_1186 = arith.constant 2 : i32
        %add3A_1187 = arith.addi %add3A_1150, %add3A_1186 : i32
        %get3A_1188 = arith.constant 1 : i32
        %get3A_1189 = arith.index_cast %get3A_1188 : i32 to index
        %get3A_1190 = arith.index_cast %add3A_1187 : i32 to index
        %get3A_1191 = arith.constant 0 : index
        %get3A_1192 = tpu.vector_load %arg10[%get3A_1189, %get3A_1190, %get3A_1191] {strides = array<i32>} : memref<2x200x32xf32, #tpu.memory_space<vmem>>, vector<1x1x16xf32>,
        %get3A_1193 = vector.shape_cast %get3A_1192 : vector<1x1x16xf32> to vector<16xf32>
        %add3A_1194 = arith.constant 2 : i32
        %add3A_1195 = arith.addi %add3A_1150, %add3A_1194 : i32
        %get3A_1196 = arith.constant 1 : i32
        %get3A_1197 = arith.index_cast %get3A_1196 : i32 to index
        %get3A_1198 = arith.index_cast %add3A_1195 : i32 to index
        %get3A_1199 = arith.constant 16 : index
        %get3A_1200 = tpu.vector_load %arg10[%get3A_1197, %get3A_1198, %get3A_1199] {strides = array<i32>} : memref<2x200x32xf32, #tpu.memory_space<vmem>>, vector<1x1x16xf32>,
        %get3A_1201 = vector.shape_cast %get3A_1200 : vector<1x1x16xf32> to vector<16xf32>
        %add3A_1202 = arith.addf %add3A_1166, %get3A_1193 : vector<16xf32>
        %add3A_1203 = arith.addf %add3A_1167, %get3A_1201 : vector<16xf32>
        %add3A_1204 = arith.constant 3 : i32
        %add3A_1205 = arith.addi %add3A_1150, %add3A_1204 : i32
        %get3A_1206 = arith.constant 1 : i32
        %get3A_1207 = arith.index_cast %get3A_1206 : i32 to index
        %get3A_1208 = arith.index_cast %add3A_1205 : i32 to index
        %get3A_1209 = arith.constant 0 : index
        %get3A_1210 = tpu.vector_load %arg10[%get3A_1207, %get3A_1208, %get3A_1209] {strides = array<i32>} : memref<2x200x32xf32, #tpu.memory_space<vmem>>, vector<1x1x16xf32>,
        %get3A_1211 = vector.shape_cast %get3A_1210 : vector<1x1x16xf32> to vector<16xf32>
        %add3A_1212 = arith.constant 3 : i32
        %add3A_1213 = arith.addi %add3A_1150, %add3A_1212 : i32
        %get3A_1214 = arith.constant 1 : i32
        %get3A_1215 = arith.index_cast %get3A_1214 : i32 to index
        %get3A_1216 = arith.index_cast %add3A_1213 : i32 to index
        %get3A_1217 = arith.constant 16 : index
        %get3A_1218 = tpu.vector_load %arg10[%get3A_1215, %get3A_1216, %get3A_1217] {strides = array<i32>} : memref<2x200x32xf32, #tpu.memory_space<vmem>>, vector<1x1x16xf32>,
        %get3A_1219 = vector.shape_cast %get3A_1218 : vector<1x1x16xf32> to vector<16xf32>
        %add3A_1220 = arith.addf %add3A_1184, %get3A_1211 : vector<16xf32>
        %add3A_1221 = arith.addf %add3A_1185, %get3A_1219 : vector<16xf32>
        %add3A_1222 = arith.constant 4 : i32
        %add3A_1223 = arith.addi %add3A_1150, %add3A_1222 : i32
        %get3A_1224 = arith.constant 1 : i32
        %get3A_1225 = arith.index_cast %get3A_1224 : i32 to index
        %get3A_1226 = arith.index_cast %add3A_1223 : i32 to index
        %get3A_1227 = arith.constant 0 : index
        %get3A_1228 = tpu.vector_load %arg10[%get3A_1225, %get3A_1226, %get3A_1227] {strides = array<i32>} : memref<2x200x32xf32, #tpu.memory_space<vmem>>, vector<1x1x16xf32>,
        %get3A_1229 = vector.shape_cast %get3A_1228 : vector<1x1x16xf32> to vector<16xf32>
        %add3A_1230 = arith.constant 4 : i32
        %add3A_1231 = arith.addi %add3A_1150, %add3A_1230 : i32
        %get3A_1232 = arith.constant 1 : i32
        %get3A_1233 = arith.index_cast %get3A_1232 : i32 to index
        %get3A_1234 = arith.index_cast %add3A_1231 : i32 to index
        %get3A_1235 = arith.constant 16 : index
        %get3A_1236 = tpu.vector_load %arg10[%get3A_1233, %get3A_1234, %get3A_1235] {strides = array<i32>} : memref<2x200x32xf32, #tpu.memory_space<vmem>>, vector<1x1x16xf32>,
        %get3A_1237 = vector.shape_cast %get3A_1236 : vector<1x1x16xf32> to vector<16xf32>
        %add3A_1238 = arith.addf %add3A_1202, %get3A_1229 : vector<16xf32>
        %add3A_1239 = arith.addf %add3A_1203, %get3A_1237 : vector<16xf32>
        %add3A_1240 = arith.constant 5 : i32
        %add3A_1241 = arith.addi %add3A_1150, %add3A_1240 : i32
        %get3A_1242 = arith.constant 1 : i32
        %get3A_1243 = arith.index_cast %get3A_1242 : i32 to index
        %get3A_1244 = arith.index_cast %add3A_1241 : i32 to index
        %get3A_1245 = arith.constant 0 : index
        %get3A_1246 = tpu.vector_load %arg10[%get3A_1243, %get3A_1244, %get3A_1245] {strides = array<i32>} : memref<2x200x32xf32, #tpu.memory_space<vmem>>, vector<1x1x16xf32>,
        %get3A_1247 = vector.shape_cast %get3A_1246 : vector<1x1x16xf32> to vector<16xf32>
        %add3A_1248 = arith.constant 5 : i32
        %add3A_1249 = arith.addi %add3A_1150, %add3A_1248 : i32
        %get3A_1250 = arith.constant 1 : i32
        %get3A_1251 = arith.index_cast %get3A_1250 : i32 to index
        %get3A_1252 = arith.index_cast %add3A_1249 : i32 to index
        %get3A_1253 = arith.constant 16 : index
        %get3A_1254 = tpu.vector_load %arg10[%get3A_1251, %get3A_1252, %get3A_1253] {strides = array<i32>} : memref<2x200x32xf32, #tpu.memory_space<vmem>>, vector<1x1x16xf32>,
        %get3A_1255 = vector.shape_cast %get3A_1254 : vector<1x1x16xf32> to vector<16xf32>
        %add3A_1256 = arith.addf %add3A_1220, %get3A_1247 : vector<16xf32>
        %add3A_1257 = arith.addf %add3A_1221, %get3A_1255 : vector<16xf32>
        %add3A_1258 = arith.constant 6 : i32
        %add3A_1259 = arith.addi %add3A_1150, %add3A_1258 : i32
        %get3A_1260 = arith.constant 1 : i32
        %get3A_1261 = arith.index_cast %get3A_1260 : i32 to index
        %get3A_1262 = arith.index_cast %add3A_1259 : i32 to index
        %get3A_1263 = arith.constant 0 : index
        %get3A_1264 = tpu.vector_load %arg10[%get3A_1261, %get3A_1262, %get3A_1263] {strides = array<i32>} : memref<2x200x32xf32, #tpu.memory_space<vmem>>, vector<1x1x16xf32>,
        %get3A_1265 = vector.shape_cast %get3A_1264 : vector<1x1x16xf32> to vector<16xf32>
        %add3A_1266 = arith.constant 6 : i32
        %add3A_1267 = arith.addi %add3A_1150, %add3A_1266 : i32
        %get3A_1268 = arith.constant 1 : i32
        %get3A_1269 = arith.index_cast %get3A_1268 : i32 to index
        %get3A_1270 = arith.index_cast %add3A_1267 : i32 to index
        %get3A_1271 = arith.constant 16 : index
        %get3A_1272 = tpu.vector_load %arg10[%get3A_1269, %get3A_1270, %get3A_1271] {strides = array<i32>} : memref<2x200x32xf32, #tpu.memory_space<vmem>>, vector<1x1x16xf32>,
        %get3A_1273 = vector.shape_cast %get3A_1272 : vector<1x1x16xf32> to vector<16xf32>
        %add3A_1274 = arith.addf %add3A_1238, %get3A_1265 : vector<16xf32>
        %add3A_1275 = arith.addf %add3A_1239, %get3A_1273 : vector<16xf32>
        %add3A_1276 = arith.constant 7 : i32
        %add3A_1277 = arith.addi %add3A_1150, %add3A_1276 : i32
        %get3A_1278 = arith.constant 1 : i32
        %get3A_1279 = arith.index_cast %get3A_1278 : i32 to index
        %get3A_1280 = arith.index_cast %add3A_1277 : i32 to index
        %get3A_1281 = arith.constant 0 : index
        %get3A_1282 = tpu.vector_load %arg10[%get3A_1279, %get3A_1280, %get3A_1281] {strides = array<i32>} : memref<2x200x32xf32, #tpu.memory_space<vmem>>, vector<1x1x16xf32>,
        %get3A_1283 = vector.shape_cast %get3A_1282 : vector<1x1x16xf32> to vector<16xf32>
        %add3A_1284 = arith.constant 7 : i32
        %add3A_1285 = arith.addi %add3A_1150, %add3A_1284 : i32
        %get3A_1286 = arith.constant 1 : i32
        %get3A_1287 = arith.index_cast %get3A_1286 : i32 to index
        %get3A_1288 = arith.index_cast %add3A_1285 : i32 to index
        %get3A_1289 = arith.constant 16 : index
        %get3A_1290 = tpu.vector_load %arg10[%get3A_1287, %get3A_1288, %get3A_1289] {strides = array<i32>} : memref<2x200x32xf32, #tpu.memory_space<vmem>>, vector<1x1x16xf32>,
        %get3A_1291 = vector.shape_cast %get3A_1290 : vector<1x1x16xf32> to vector<16xf32>
        %add3A_1292 = arith.addf %add3A_1256, %get3A_1283 : vector<16xf32>
        %add3A_1293 = arith.addf %add3A_1257, %get3A_1291 : vector<16xf32>
        %add3A_1294 = arith.constant 8 : i32
        %add3A_1295 = arith.addi %add3A_1150, %add3A_1294 : i32
        %get3A_1296 = arith.constant 1 : i32
        %get3A_1297 = arith.index_cast %get3A_1296 : i32 to index
        %get3A_1298 = arith.index_cast %add3A_1295 : i32 to index
        %get3A_1299 = arith.constant 0 : index
        %get3A_1300 = tpu.vector_load %arg10[%get3A_1297, %get3A_1298, %get3A_1299] {strides = array<i32>} : memref<2x200x32xf32, #tpu.memory_space<vmem>>, vector<1x1x16xf32>,
        %get3A_1301 = vector.shape_cast %get3A_1300 : vector<1x1x16xf32> to vector<16xf32>
        %add3A_1302 = arith.constant 8 : i32
        %add3A_1303 = arith.addi %add3A_1150, %add3A_1302 : i32
        %get3A_1304 = arith.constant 1 : i32
        %get3A_1305 = arith.index_cast %get3A_1304 : i32 to index
        %get3A_1306 = arith.index_cast %add3A_1303 : i32 to index
        %get3A_1307 = arith.constant 16 : index
        %get3A_1308 = tpu.vector_load %arg10[%get3A_1305, %get3A_1306, %get3A_1307] {strides = array<i32>} : memref<2x200x32xf32, #tpu.memory_space<vmem>>, vector<1x1x16xf32>,
        %get3A_1309 = vector.shape_cast %get3A_1308 : vector<1x1x16xf32> to vector<16xf32>
        %add3A_1310 = arith.addf %add3A_1274, %get3A_1301 : vector<16xf32>
        %add3A_1311 = arith.addf %add3A_1275, %get3A_1309 : vector<16xf32>
        %add3A_1312 = arith.constant 9 : i32
        %add3A_1313 = arith.addi %add3A_1150, %add3A_1312 : i32
        %get3A_1314 = arith.constant 1 : i32
        %get3A_1315 = arith.index_cast %get3A_1314 : i32 to index
        %get3A_1316 = arith.index_cast %add3A_1313 : i32 to index
        %get3A_1317 = arith.constant 0 : index
        %get3A_1318 = tpu.vector_load %arg10[%get3A_1315, %get3A_1316, %get3A_1317] {strides = array<i32>} : memref<2x200x32xf32, #tpu.memory_space<vmem>>, vector<1x1x16xf32>,
        %get3A_1319 = vector.shape_cast %get3A_1318 : vector<1x1x16xf32> to vector<16xf32>
        %add3A_1320 = arith.constant 9 : i32
        %add3A_1321 = arith.addi %add3A_1150, %add3A_1320 : i32
        %get3A_1322 = arith.constant 1 : i32
        %get3A_1323 = arith.index_cast %get3A_1322 : i32 to index
        %get3A_1324 = arith.index_cast %add3A_1321 : i32 to index
        %get3A_1325 = arith.constant 16 : index
        %get3A_1326 = tpu.vector_load %arg10[%get3A_1323, %get3A_1324, %get3A_1325] {strides = array<i32>} : memref<2x200x32xf32, #tpu.memory_space<vmem>>, vector<1x1x16xf32>,
        %get3A_1327 = vector.shape_cast %get3A_1326 : vector<1x1x16xf32> to vector<16xf32>
        %add3A_1328 = arith.addf %add3A_1292, %get3A_1319 : vector<16xf32>
        %add3A_1329 = arith.addf %add3A_1293, %get3A_1327 : vector<16xf32>
        scf.yield %add3A_1310, %add3A_1311, %add3A_1328, %add3A_1329 : vector<16xf32>, vector<16xf32>, vector<16xf32>, vector<16xf32>
      }
      %scan3A_1051 = arith.constant 5 : i32
      %add3A_1052 = arith.addf %scan3A_1050#0, %scan3A_1050#2 : vector<16xf32>
      %add3A_1053 = arith.addf %scan3A_1050#1, %scan3A_1050#3 : vector<16xf32>
      %mul3A_1054 = arith.constant 5.000000e-03 : f32
      %mul3A_1055 = vector.broadcast %mul3A_1054 : f32 to vector<16xf32>
      %mul3A_1056 = arith.mulf %add3A_1042, %mul3A_1055 : vector<16xf32>
      %swap3A_1057 = arith.index_cast %add3A_1033 : i32 to index
      %swap3A_1058 = arith.constant 0 : index
      %swap3A_1059 = tpu.vector_load %arg11[%swap3A_1057, %swap3A_1058] {strides = array<i32>} : memref<512x64xf32, #tpu.memory_space<vmem>>, vector<1x16xf32>,
      %swap3A_1060 = vector.shape_cast %swap3A_1059 : vector<1x16xf32> to vector<16xf32>
      %swap3A_1061 = vector.shape_cast %mul3A_1056 : vector<16xf32> to vector<1x16xf32>
      tpu.vector_store %arg11[%swap3A_1057, %swap3A_1058], %swap3A_1061 {strides = array<i32>} : memref<512x64xf32, #tpu.memory_space<vmem>>, vector<1x16xf32>,
      %mul3A_1062 = arith.constant 5.000000e-03 : f32
      %mul3A_1063 = vector.broadcast %mul3A_1062 : f32 to vector<16xf32>
      %mul3A_1064 = arith.mulf %add3A_1043, %mul3A_1063 : vector<16xf32>
      %swap3A_1065 = arith.index_cast %add3A_1033 : i32 to index
      %swap3A_1066 = arith.constant 16 : index
      %swap3A_1067 = tpu.vector_load %arg11[%swap3A_1065, %swap3A_1066] {strides = array<i32>} : memref<512x64xf32, #tpu.memory_space<vmem>>, vector<1x16xf32>,
      %swap3A_1068 = vector.shape_cast %swap3A_1067 : vector<1x16xf32> to vector<16xf32>
      %swap3A_1069 = vector.shape_cast %mul3A_1064 : vector<16xf32> to vector<1x16xf32>
      tpu.vector_store %arg11[%swap3A_1065, %swap3A_1066], %swap3A_1069 {strides = array<i32>} : memref<512x64xf32, #tpu.memory_space<vmem>>, vector<1x16xf32>,
      %mul3A_1070 = arith.constant 2.000000e-02 : f32
      %mul3A_1071 = vector.broadcast %mul3A_1070 : f32 to vector<16xf32>
      %mul3A_1072 = arith.mulf %add3A_1052, %mul3A_1071 : vector<16xf32>
      %swap3A_1073 = arith.index_cast %add3A_1033 : i32 to index
      %swap3A_1074 = arith.constant 32 : index
      %swap3A_1075 = tpu.vector_load %arg11[%swap3A_1073, %swap3A_1074] {strides = array<i32>} : memref<512x64xf32, #tpu.memory_space<vmem>>, vector<1x16xf32>,
      %swap3A_1076 = vector.shape_cast %swap3A_1075 : vector<1x16xf32> to vector<16xf32>
      %swap3A_1077 = vector.shape_cast %mul3A_1072 : vector<16xf32> to vector<1x16xf32>
      tpu.vector_store %arg11[%swap3A_1073, %swap3A_1074], %swap3A_1077 {strides = array<i32>} : memref<512x64xf32, #tpu.memory_space<vmem>>, vector<1x16xf32>,
      %mul3A_1078 = arith.constant 2.000000e-02 : f32
      %mul3A_1079 = vector.broadcast %mul3A_1078 : f32 to vector<16xf32>
      %mul3A_1080 = arith.mulf %add3A_1053, %mul3A_1079 : vector<16xf32>
      %swap3A_1081 = arith.index_cast %add3A_1033 : i32 to index
      %swap3A_1082 = arith.constant 48 : index
      %swap3A_1083 = tpu.vector_load %arg11[%swap3A_1081, %swap3A_1082] {strides = array<i32>} : memref<512x64xf32, #tpu.memory_space<vmem>>, vector<1x16xf32>,
      %swap3A_1084 = vector.shape_cast %swap3A_1083 : vector<1x16xf32> to vector<16xf32>
      %swap3A_1085 = vector.shape_cast %mul3A_1080 : vector<16xf32> to vector<1x16xf32>
      tpu.vector_store %arg11[%swap3A_1081, %swap3A_1082], %swap3A_1085 {strides = array<i32>} : memref<512x64xf32, #tpu.memory_space<vmem>>, vector<1x16xf32>,
      %mul3A_1086 = arith.constant 4 : i32
      %mul3A_1087 = arith.muli %add3A_917, %mul3A_1086 : i32
      %add3A_1088 = arith.constant 3 : i32
      %add3A_1089 = arith.addi %mul3A_1087, %add3A_1088 : i32
      %broadcast_in_dim3A_1090 = arith.constant 0.000000e+00 : f32
      %broadcast_in_dim3A_1091 = vector.broadcast %broadcast_in_dim3A_1090 : f32 to vector<16xf32>
      %scan3A_1092 = arith.constant 0 : i32
      %scan3A_1093 = arith.constant 25 : i32
      %scan3A_1094 = arith.addi %scan3A_1092, %scan3A_1093 : i32
      %scan3A_1095 = arith.constant 1 : i32
      %scan3A_1096:4 = scf.for %scan3A_1142 = %scan3A_1092 to %scan3A_1094 step %scan3A_1095 iter_args(%scan3A_1143 = %broadcast_in_dim3A_1091, %scan3A_1144 = %broadcast_in_dim3A_1091, %scan3A_1145 = %broadcast_in_dim3A_1091, %scan3A_1146 = %broadcast_in_dim3A_1091) -> (vector<16xf32>, vector<16xf32>, vector<16xf32>, vector<16xf32>)  : i32 {
        %mul3A_1147 = arith.constant 8 : i32
        %mul3A_1148 = arith.muli %scan3A_1142, %mul3A_1147 : i32
        %add3A_1149 = arith.constant 600 : i32
        %add3A_1150 = arith.addi %add3A_1149, %mul3A_1148 : i32
        %add3A_1151 = arith.constant 0 : i32
        %add3A_1152 = arith.addi %add3A_1150, %add3A_1151 : i32
        %get3A = arith.constant 1 : i32
        %get3A_1153 = arith.index_cast %get3A : i32 to index
        %get3A_1154 = arith.index_cast %add3A_1152 : i32 to index
        %get3A_1155 = arith.constant 0 : index
        %get3A_1156 = tpu.vector_load %arg9[%get3A_1153, %get3A_1154, %get3A_1155] {strides = array<i32>} : memref<2x800x32xf32, #tpu.memory_space<vmem>>, vector<1x1x16xf32>,
        %get3A_1157 = vector.shape_cast %get3A_1156 : vector<1x1x16xf32> to vector<16xf32>
        %add3A_1158 = arith.constant 0 : i32
        %add3A_1159 = arith.addi %add3A_1150, %add3A_1158 : i32
        %get3A_1160 = arith.constant 1 : i32
        %get3A_1161 = arith.index_cast %get3A_1160 : i32 to index
        %get3A_1162 = arith.index_cast %add3A_1159 : i32 to index
        %get3A_1163 = arith.constant 16 : index
        %get3A_1164 = tpu.vector_load %arg9[%get3A_1161, %get3A_1162, %get3A_1163] {strides = array<i32>} : memref<2x800x32xf32, #tpu.memory_space<vmem>>, vector<1x1x16xf32>,
        %get3A_1165 = vector.shape_cast %get3A_1164 : vector<1x1x16xf32> to vector<16xf32>
        %add3A_1166 = arith.addf %scan3A_1143, %get3A_1157 : vector<16xf32>
        %add3A_1167 = arith.addf %scan3A_1144, %get3A_1165 : vector<16xf32>
        %add3A_1168 = arith.constant 1 : i32
        %add3A_1169 = arith.addi %add3A_1150, %add3A_1168 : i32
        %get3A_1170 = arith.constant 1 : i32
        %get3A_1171 = arith.index_cast %get3A_1170 : i32 to index
        %get3A_1172 = arith.index_cast %add3A_1169 : i32 to index
        %get3A_1173 = arith.constant 0 : index
        %get3A_1174 = tpu.vector_load %arg9[%get3A_1171, %get3A_1172, %get3A_1173] {strides = array<i32>} : memref<2x800x32xf32, #tpu.memory_space<vmem>>, vector<1x1x16xf32>,
        %get3A_1175 = vector.shape_cast %get3A_1174 : vector<1x1x16xf32> to vector<16xf32>
        %add3A_1176 = arith.constant 1 : i32
        %add3A_1177 = arith.addi %add3A_1150, %add3A_1176 : i32
        %get3A_1178 = arith.constant 1 : i32
        %get3A_1179 = arith.index_cast %get3A_1178 : i32 to index
        %get3A_1180 = arith.index_cast %add3A_1177 : i32 to index
        %get3A_1181 = arith.constant 16 : index
        %get3A_1182 = tpu.vector_load %arg9[%get3A_1179, %get3A_1180, %get3A_1181] {strides = array<i32>} : memref<2x800x32xf32, #tpu.memory_space<vmem>>, vector<1x1x16xf32>,
        %get3A_1183 = vector.shape_cast %get3A_1182 : vector<1x1x16xf32> to vector<16xf32>
        %add3A_1184 = arith.addf %scan3A_1145, %get3A_1175 : vector<16xf32>
        %add3A_1185 = arith.addf %scan3A_1146, %get3A_1183 : vector<16xf32>
        %add3A_1186 = arith.constant 2 : i32
        %add3A_1187 = arith.addi %add3A_1150, %add3A_1186 : i32
        %get3A_1188 = arith.constant 1 : i32
        %get3A_1189 = arith.index_cast %get3A_1188 : i32 to index
        %get3A_1190 = arith.index_cast %add3A_1187 : i32 to index
        %get3A_1191 = arith.constant 0 : index
        %get3A_1192 = tpu.vector_load %arg9[%get3A_1189, %get3A_1190, %get3A_1191] {strides = array<i32>} : memref<2x800x32xf32, #tpu.memory_space<vmem>>, vector<1x1x16xf32>,
        %get3A_1193 = vector.shape_cast %get3A_1192 : vector<1x1x16xf32> to vector<16xf32>
        %add3A_1194 = arith.constant 2 : i32
        %add3A_1195 = arith.addi %add3A_1150, %add3A_1194 : i32
        %get3A_1196 = arith.constant 1 : i32
        %get3A_1197 = arith.index_cast %get3A_1196 : i32 to index
        %get3A_1198 = arith.index_cast %add3A_1195 : i32 to index
        %get3A_1199 = arith.constant 16 : index
        %get3A_1200 = tpu.vector_load %arg9[%get3A_1197, %get3A_1198, %get3A_1199] {strides = array<i32>} : memref<2x800x32xf32, #tpu.memory_space<vmem>>, vector<1x1x16xf32>,
        %get3A_1201 = vector.shape_cast %get3A_1200 : vector<1x1x16xf32> to vector<16xf32>
        %add3A_1202 = arith.addf %add3A_1166, %get3A_1193 : vector<16xf32>
        %add3A_1203 = arith.addf %add3A_1167, %get3A_1201 : vector<16xf32>
        %add3A_1204 = arith.constant 3 : i32
        %add3A_1205 = arith.addi %add3A_1150, %add3A_1204 : i32
        %get3A_1206 = arith.constant 1 : i32
        %get3A_1207 = arith.index_cast %get3A_1206 : i32 to index
        %get3A_1208 = arith.index_cast %add3A_1205 : i32 to index
        %get3A_1209 = arith.constant 0 : index
        %get3A_1210 = tpu.vector_load %arg9[%get3A_1207, %get3A_1208, %get3A_1209] {strides = array<i32>} : memref<2x800x32xf32, #tpu.memory_space<vmem>>, vector<1x1x16xf32>,
        %get3A_1211 = vector.shape_cast %get3A_1210 : vector<1x1x16xf32> to vector<16xf32>
        %add3A_1212 = arith.constant 3 : i32
        %add3A_1213 = arith.addi %add3A_1150, %add3A_1212 : i32
        %get3A_1214 = arith.constant 1 : i32
        %get3A_1215 = arith.index_cast %get3A_1214 : i32 to index
        %get3A_1216 = arith.index_cast %add3A_1213 : i32 to index
        %get3A_1217 = arith.constant 16 : index
        %get3A_1218 = tpu.vector_load %arg9[%get3A_1215, %get3A_1216, %get3A_1217] {strides = array<i32>} : memref<2x800x32xf32, #tpu.memory_space<vmem>>, vector<1x1x16xf32>,
        %get3A_1219 = vector.shape_cast %get3A_1218 : vector<1x1x16xf32> to vector<16xf32>
        %add3A_1220 = arith.addf %add3A_1184, %get3A_1211 : vector<16xf32>
        %add3A_1221 = arith.addf %add3A_1185, %get3A_1219 : vector<16xf32>
        %add3A_1222 = arith.constant 4 : i32
        %add3A_1223 = arith.addi %add3A_1150, %add3A_1222 : i32
        %get3A_1224 = arith.constant 1 : i32
        %get3A_1225 = arith.index_cast %get3A_1224 : i32 to index
        %get3A_1226 = arith.index_cast %add3A_1223 : i32 to index
        %get3A_1227 = arith.constant 0 : index
        %get3A_1228 = tpu.vector_load %arg9[%get3A_1225, %get3A_1226, %get3A_1227] {strides = array<i32>} : memref<2x800x32xf32, #tpu.memory_space<vmem>>, vector<1x1x16xf32>,
        %get3A_1229 = vector.shape_cast %get3A_1228 : vector<1x1x16xf32> to vector<16xf32>
        %add3A_1230 = arith.constant 4 : i32
        %add3A_1231 = arith.addi %add3A_1150, %add3A_1230 : i32
        %get3A_1232 = arith.constant 1 : i32
        %get3A_1233 = arith.index_cast %get3A_1232 : i32 to index
        %get3A_1234 = arith.index_cast %add3A_1231 : i32 to index
        %get3A_1235 = arith.constant 16 : index
        %get3A_1236 = tpu.vector_load %arg9[%get3A_1233, %get3A_1234, %get3A_1235] {strides = array<i32>} : memref<2x800x32xf32, #tpu.memory_space<vmem>>, vector<1x1x16xf32>,
        %get3A_1237 = vector.shape_cast %get3A_1236 : vector<1x1x16xf32> to vector<16xf32>
        %add3A_1238 = arith.addf %add3A_1202, %get3A_1229 : vector<16xf32>
        %add3A_1239 = arith.addf %add3A_1203, %get3A_1237 : vector<16xf32>
        %add3A_1240 = arith.constant 5 : i32
        %add3A_1241 = arith.addi %add3A_1150, %add3A_1240 : i32
        %get3A_1242 = arith.constant 1 : i32
        %get3A_1243 = arith.index_cast %get3A_1242 : i32 to index
        %get3A_1244 = arith.index_cast %add3A_1241 : i32 to index
        %get3A_1245 = arith.constant 0 : index
        %get3A_1246 = tpu.vector_load %arg9[%get3A_1243, %get3A_1244, %get3A_1245] {strides = array<i32>} : memref<2x800x32xf32, #tpu.memory_space<vmem>>, vector<1x1x16xf32>,
        %get3A_1247 = vector.shape_cast %get3A_1246 : vector<1x1x16xf32> to vector<16xf32>
        %add3A_1248 = arith.constant 5 : i32
        %add3A_1249 = arith.addi %add3A_1150, %add3A_1248 : i32
        %get3A_1250 = arith.constant 1 : i32
        %get3A_1251 = arith.index_cast %get3A_1250 : i32 to index
        %get3A_1252 = arith.index_cast %add3A_1249 : i32 to index
        %get3A_1253 = arith.constant 16 : index
        %get3A_1254 = tpu.vector_load %arg9[%get3A_1251, %get3A_1252, %get3A_1253] {strides = array<i32>} : memref<2x800x32xf32, #tpu.memory_space<vmem>>, vector<1x1x16xf32>,
        %get3A_1255 = vector.shape_cast %get3A_1254 : vector<1x1x16xf32> to vector<16xf32>
        %add3A_1256 = arith.addf %add3A_1220, %get3A_1247 : vector<16xf32>
        %add3A_1257 = arith.addf %add3A_1221, %get3A_1255 : vector<16xf32>
        %add3A_1258 = arith.constant 6 : i32
        %add3A_1259 = arith.addi %add3A_1150, %add3A_1258 : i32
        %get3A_1260 = arith.constant 1 : i32
        %get3A_1261 = arith.index_cast %get3A_1260 : i32 to index
        %get3A_1262 = arith.index_cast %add3A_1259 : i32 to index
        %get3A_1263 = arith.constant 0 : index
        %get3A_1264 = tpu.vector_load %arg9[%get3A_1261, %get3A_1262, %get3A_1263] {strides = array<i32>} : memref<2x800x32xf32, #tpu.memory_space<vmem>>, vector<1x1x16xf32>,
        %get3A_1265 = vector.shape_cast %get3A_1264 : vector<1x1x16xf32> to vector<16xf32>
        %add3A_1266 = arith.constant 6 : i32
        %add3A_1267 = arith.addi %add3A_1150, %add3A_1266 : i32
        %get3A_1268 = arith.constant 1 : i32
        %get3A_1269 = arith.index_cast %get3A_1268 : i32 to index
        %get3A_1270 = arith.index_cast %add3A_1267 : i32 to index
        %get3A_1271 = arith.constant 16 : index
        %get3A_1272 = tpu.vector_load %arg9[%get3A_1269, %get3A_1270, %get3A_1271] {strides = array<i32>} : memref<2x800x32xf32, #tpu.memory_space<vmem>>, vector<1x1x16xf32>,
        %get3A_1273 = vector.shape_cast %get3A_1272 : vector<1x1x16xf32> to vector<16xf32>
        %add3A_1274 = arith.addf %add3A_1238, %get3A_1265 : vector<16xf32>
        %add3A_1275 = arith.addf %add3A_1239, %get3A_1273 : vector<16xf32>
        %add3A_1276 = arith.constant 7 : i32
        %add3A_1277 = arith.addi %add3A_1150, %add3A_1276 : i32
        %get3A_1278 = arith.constant 1 : i32
        %get3A_1279 = arith.index_cast %get3A_1278 : i32 to index
        %get3A_1280 = arith.index_cast %add3A_1277 : i32 to index
        %get3A_1281 = arith.constant 0 : index
        %get3A_1282 = tpu.vector_load %arg9[%get3A_1279, %get3A_1280, %get3A_1281] {strides = array<i32>} : memref<2x800x32xf32, #tpu.memory_space<vmem>>, vector<1x1x16xf32>,
        %get3A_1283 = vector.shape_cast %get3A_1282 : vector<1x1x16xf32> to vector<16xf32>
        %add3A_1284 = arith.constant 7 : i32
        %add3A_1285 = arith.addi %add3A_1150, %add3A_1284 : i32
        %get3A_1286 = arith.constant 1 : i32
        %get3A_1287 = arith.index_cast %get3A_1286 : i32 to index
        %get3A_1288 = arith.index_cast %add3A_1285 : i32 to index
        %get3A_1289 = arith.constant 16 : index
        %get3A_1290 = tpu.vector_load %arg9[%get3A_1287, %get3A_1288, %get3A_1289] {strides = array<i32>} : memref<2x800x32xf32, #tpu.memory_space<vmem>>, vector<1x1x16xf32>,
        %get3A_1291 = vector.shape_cast %get3A_1290 : vector<1x1x16xf32> to vector<16xf32>
        %add3A_1292 = arith.addf %add3A_1256, %get3A_1283 : vector<16xf32>
        %add3A_1293 = arith.addf %add3A_1257, %get3A_1291 : vector<16xf32>
        scf.yield %add3A_1274, %add3A_1275, %add3A_1292, %add3A_1293 : vector<16xf32>, vector<16xf32>, vector<16xf32>, vector<16xf32>
      }
      %scan3A_1097 = arith.constant 25 : i32
      %add3A_1098 = arith.addf %scan3A_1096#0, %scan3A_1096#2 : vector<16xf32>
      %add3A_1099 = arith.addf %scan3A_1096#1, %scan3A_1096#3 : vector<16xf32>
      %broadcast_in_dim3A_1100 = arith.constant 0.000000e+00 : f32
      %broadcast_in_dim3A_1101 = vector.broadcast %broadcast_in_dim3A_1100 : f32 to vector<16xf32>
      %scan3A_1102 = arith.constant 0 : i32
      %scan3A_1103 = arith.constant 5 : i32
      %scan3A_1104 = arith.addi %scan3A_1102, %scan3A_1103 : i32
      %scan3A_1105 = arith.constant 1 : i32
      %scan3A_1106:4 = scf.for %scan3A_1142 = %scan3A_1102 to %scan3A_1104 step %scan3A_1105 iter_args(%scan3A_1143 = %broadcast_in_dim3A_1101, %scan3A_1144 = %broadcast_in_dim3A_1101, %scan3A_1145 = %broadcast_in_dim3A_1101, %scan3A_1146 = %broadcast_in_dim3A_1101) -> (vector<16xf32>, vector<16xf32>, vector<16xf32>, vector<16xf32>)  : i32 {
        %mul3A_1147 = arith.constant 10 : i32
        %mul3A_1148 = arith.muli %scan3A_1142, %mul3A_1147 : i32
        %add3A_1149 = arith.constant 150 : i32
        %add3A_1150 = arith.addi %add3A_1149, %mul3A_1148 : i32
        %add3A_1151 = arith.constant 0 : i32
        %add3A_1152 = arith.addi %add3A_1150, %add3A_1151 : i32
        %get3A = arith.constant 1 : i32
        %get3A_1153 = arith.index_cast %get3A : i32 to index
        %get3A_1154 = arith.index_cast %add3A_1152 : i32 to index
        %get3A_1155 = arith.constant 0 : index
        %get3A_1156 = tpu.vector_load %arg10[%get3A_1153, %get3A_1154, %get3A_1155] {strides = array<i32>} : memref<2x200x32xf32, #tpu.memory_space<vmem>>, vector<1x1x16xf32>,
        %get3A_1157 = vector.shape_cast %get3A_1156 : vector<1x1x16xf32> to vector<16xf32>
        %add3A_1158 = arith.constant 0 : i32
        %add3A_1159 = arith.addi %add3A_1150, %add3A_1158 : i32
        %get3A_1160 = arith.constant 1 : i32
        %get3A_1161 = arith.index_cast %get3A_1160 : i32 to index
        %get3A_1162 = arith.index_cast %add3A_1159 : i32 to index
        %get3A_1163 = arith.constant 16 : index
        %get3A_1164 = tpu.vector_load %arg10[%get3A_1161, %get3A_1162, %get3A_1163] {strides = array<i32>} : memref<2x200x32xf32, #tpu.memory_space<vmem>>, vector<1x1x16xf32>,
        %get3A_1165 = vector.shape_cast %get3A_1164 : vector<1x1x16xf32> to vector<16xf32>
        %add3A_1166 = arith.addf %scan3A_1143, %get3A_1157 : vector<16xf32>
        %add3A_1167 = arith.addf %scan3A_1144, %get3A_1165 : vector<16xf32>
        %add3A_1168 = arith.constant 1 : i32
        %add3A_1169 = arith.addi %add3A_1150, %add3A_1168 : i32
        %get3A_1170 = arith.constant 1 : i32
        %get3A_1171 = arith.index_cast %get3A_1170 : i32 to index
        %get3A_1172 = arith.index_cast %add3A_1169 : i32 to index
        %get3A_1173 = arith.constant 0 : index
        %get3A_1174 = tpu.vector_load %arg10[%get3A_1171, %get3A_1172, %get3A_1173] {strides = array<i32>} : memref<2x200x32xf32, #tpu.memory_space<vmem>>, vector<1x1x16xf32>,
        %get3A_1175 = vector.shape_cast %get3A_1174 : vector<1x1x16xf32> to vector<16xf32>
        %add3A_1176 = arith.constant 1 : i32
        %add3A_1177 = arith.addi %add3A_1150, %add3A_1176 : i32
        %get3A_1178 = arith.constant 1 : i32
        %get3A_1179 = arith.index_cast %get3A_1178 : i32 to index
        %get3A_1180 = arith.index_cast %add3A_1177 : i32 to index
        %get3A_1181 = arith.constant 16 : index
        %get3A_1182 = tpu.vector_load %arg10[%get3A_1179, %get3A_1180, %get3A_1181] {strides = array<i32>} : memref<2x200x32xf32, #tpu.memory_space<vmem>>, vector<1x1x16xf32>,
        %get3A_1183 = vector.shape_cast %get3A_1182 : vector<1x1x16xf32> to vector<16xf32>
        %add3A_1184 = arith.addf %scan3A_1145, %get3A_1175 : vector<16xf32>
        %add3A_1185 = arith.addf %scan3A_1146, %get3A_1183 : vector<16xf32>
        %add3A_1186 = arith.constant 2 : i32
        %add3A_1187 = arith.addi %add3A_1150, %add3A_1186 : i32
        %get3A_1188 = arith.constant 1 : i32
        %get3A_1189 = arith.index_cast %get3A_1188 : i32 to index
        %get3A_1190 = arith.index_cast %add3A_1187 : i32 to index
        %get3A_1191 = arith.constant 0 : index
        %get3A_1192 = tpu.vector_load %arg10[%get3A_1189, %get3A_1190, %get3A_1191] {strides = array<i32>} : memref<2x200x32xf32, #tpu.memory_space<vmem>>, vector<1x1x16xf32>,
        %get3A_1193 = vector.shape_cast %get3A_1192 : vector<1x1x16xf32> to vector<16xf32>
        %add3A_1194 = arith.constant 2 : i32
        %add3A_1195 = arith.addi %add3A_1150, %add3A_1194 : i32
        %get3A_1196 = arith.constant 1 : i32
        %get3A_1197 = arith.index_cast %get3A_1196 : i32 to index
        %get3A_1198 = arith.index_cast %add3A_1195 : i32 to index
        %get3A_1199 = arith.constant 16 : index
        %get3A_1200 = tpu.vector_load %arg10[%get3A_1197, %get3A_1198, %get3A_1199] {strides = array<i32>} : memref<2x200x32xf32, #tpu.memory_space<vmem>>, vector<1x1x16xf32>,
        %get3A_1201 = vector.shape_cast %get3A_1200 : vector<1x1x16xf32> to vector<16xf32>
        %add3A_1202 = arith.addf %add3A_1166, %get3A_1193 : vector<16xf32>
        %add3A_1203 = arith.addf %add3A_1167, %get3A_1201 : vector<16xf32>
        %add3A_1204 = arith.constant 3 : i32
        %add3A_1205 = arith.addi %add3A_1150, %add3A_1204 : i32
        %get3A_1206 = arith.constant 1 : i32
        %get3A_1207 = arith.index_cast %get3A_1206 : i32 to index
        %get3A_1208 = arith.index_cast %add3A_1205 : i32 to index
        %get3A_1209 = arith.constant 0 : index
        %get3A_1210 = tpu.vector_load %arg10[%get3A_1207, %get3A_1208, %get3A_1209] {strides = array<i32>} : memref<2x200x32xf32, #tpu.memory_space<vmem>>, vector<1x1x16xf32>,
        %get3A_1211 = vector.shape_cast %get3A_1210 : vector<1x1x16xf32> to vector<16xf32>
        %add3A_1212 = arith.constant 3 : i32
        %add3A_1213 = arith.addi %add3A_1150, %add3A_1212 : i32
        %get3A_1214 = arith.constant 1 : i32
        %get3A_1215 = arith.index_cast %get3A_1214 : i32 to index
        %get3A_1216 = arith.index_cast %add3A_1213 : i32 to index
        %get3A_1217 = arith.constant 16 : index
        %get3A_1218 = tpu.vector_load %arg10[%get3A_1215, %get3A_1216, %get3A_1217] {strides = array<i32>} : memref<2x200x32xf32, #tpu.memory_space<vmem>>, vector<1x1x16xf32>,
        %get3A_1219 = vector.shape_cast %get3A_1218 : vector<1x1x16xf32> to vector<16xf32>
        %add3A_1220 = arith.addf %add3A_1184, %get3A_1211 : vector<16xf32>
        %add3A_1221 = arith.addf %add3A_1185, %get3A_1219 : vector<16xf32>
        %add3A_1222 = arith.constant 4 : i32
        %add3A_1223 = arith.addi %add3A_1150, %add3A_1222 : i32
        %get3A_1224 = arith.constant 1 : i32
        %get3A_1225 = arith.index_cast %get3A_1224 : i32 to index
        %get3A_1226 = arith.index_cast %add3A_1223 : i32 to index
        %get3A_1227 = arith.constant 0 : index
        %get3A_1228 = tpu.vector_load %arg10[%get3A_1225, %get3A_1226, %get3A_1227] {strides = array<i32>} : memref<2x200x32xf32, #tpu.memory_space<vmem>>, vector<1x1x16xf32>,
        %get3A_1229 = vector.shape_cast %get3A_1228 : vector<1x1x16xf32> to vector<16xf32>
        %add3A_1230 = arith.constant 4 : i32
        %add3A_1231 = arith.addi %add3A_1150, %add3A_1230 : i32
        %get3A_1232 = arith.constant 1 : i32
        %get3A_1233 = arith.index_cast %get3A_1232 : i32 to index
        %get3A_1234 = arith.index_cast %add3A_1231 : i32 to index
        %get3A_1235 = arith.constant 16 : index
        %get3A_1236 = tpu.vector_load %arg10[%get3A_1233, %get3A_1234, %get3A_1235] {strides = array<i32>} : memref<2x200x32xf32, #tpu.memory_space<vmem>>, vector<1x1x16xf32>,
        %get3A_1237 = vector.shape_cast %get3A_1236 : vector<1x1x16xf32> to vector<16xf32>
        %add3A_1238 = arith.addf %add3A_1202, %get3A_1229 : vector<16xf32>
        %add3A_1239 = arith.addf %add3A_1203, %get3A_1237 : vector<16xf32>
        %add3A_1240 = arith.constant 5 : i32
        %add3A_1241 = arith.addi %add3A_1150, %add3A_1240 : i32
        %get3A_1242 = arith.constant 1 : i32
        %get3A_1243 = arith.index_cast %get3A_1242 : i32 to index
        %get3A_1244 = arith.index_cast %add3A_1241 : i32 to index
        %get3A_1245 = arith.constant 0 : index
        %get3A_1246 = tpu.vector_load %arg10[%get3A_1243, %get3A_1244, %get3A_1245] {strides = array<i32>} : memref<2x200x32xf32, #tpu.memory_space<vmem>>, vector<1x1x16xf32>,
        %get3A_1247 = vector.shape_cast %get3A_1246 : vector<1x1x16xf32> to vector<16xf32>
        %add3A_1248 = arith.constant 5 : i32
        %add3A_1249 = arith.addi %add3A_1150, %add3A_1248 : i32
        %get3A_1250 = arith.constant 1 : i32
        %get3A_1251 = arith.index_cast %get3A_1250 : i32 to index
        %get3A_1252 = arith.index_cast %add3A_1249 : i32 to index
        %get3A_1253 = arith.constant 16 : index
        %get3A_1254 = tpu.vector_load %arg10[%get3A_1251, %get3A_1252, %get3A_1253] {strides = array<i32>} : memref<2x200x32xf32, #tpu.memory_space<vmem>>, vector<1x1x16xf32>,
        %get3A_1255 = vector.shape_cast %get3A_1254 : vector<1x1x16xf32> to vector<16xf32>
        %add3A_1256 = arith.addf %add3A_1220, %get3A_1247 : vector<16xf32>
        %add3A_1257 = arith.addf %add3A_1221, %get3A_1255 : vector<16xf32>
        %add3A_1258 = arith.constant 6 : i32
        %add3A_1259 = arith.addi %add3A_1150, %add3A_1258 : i32
        %get3A_1260 = arith.constant 1 : i32
        %get3A_1261 = arith.index_cast %get3A_1260 : i32 to index
        %get3A_1262 = arith.index_cast %add3A_1259 : i32 to index
        %get3A_1263 = arith.constant 0 : index
        %get3A_1264 = tpu.vector_load %arg10[%get3A_1261, %get3A_1262, %get3A_1263] {strides = array<i32>} : memref<2x200x32xf32, #tpu.memory_space<vmem>>, vector<1x1x16xf32>,
        %get3A_1265 = vector.shape_cast %get3A_1264 : vector<1x1x16xf32> to vector<16xf32>
        %add3A_1266 = arith.constant 6 : i32
        %add3A_1267 = arith.addi %add3A_1150, %add3A_1266 : i32
        %get3A_1268 = arith.constant 1 : i32
        %get3A_1269 = arith.index_cast %get3A_1268 : i32 to index
        %get3A_1270 = arith.index_cast %add3A_1267 : i32 to index
        %get3A_1271 = arith.constant 16 : index
        %get3A_1272 = tpu.vector_load %arg10[%get3A_1269, %get3A_1270, %get3A_1271] {strides = array<i32>} : memref<2x200x32xf32, #tpu.memory_space<vmem>>, vector<1x1x16xf32>,
        %get3A_1273 = vector.shape_cast %get3A_1272 : vector<1x1x16xf32> to vector<16xf32>
        %add3A_1274 = arith.addf %add3A_1238, %get3A_1265 : vector<16xf32>
        %add3A_1275 = arith.addf %add3A_1239, %get3A_1273 : vector<16xf32>
        %add3A_1276 = arith.constant 7 : i32
        %add3A_1277 = arith.addi %add3A_1150, %add3A_1276 : i32
        %get3A_1278 = arith.constant 1 : i32
        %get3A_1279 = arith.index_cast %get3A_1278 : i32 to index
        %get3A_1280 = arith.index_cast %add3A_1277 : i32 to index
        %get3A_1281 = arith.constant 0 : index
        %get3A_1282 = tpu.vector_load %arg10[%get3A_1279, %get3A_1280, %get3A_1281] {strides = array<i32>} : memref<2x200x32xf32, #tpu.memory_space<vmem>>, vector<1x1x16xf32>,
        %get3A_1283 = vector.shape_cast %get3A_1282 : vector<1x1x16xf32> to vector<16xf32>
        %add3A_1284 = arith.constant 7 : i32
        %add3A_1285 = arith.addi %add3A_1150, %add3A_1284 : i32
        %get3A_1286 = arith.constant 1 : i32
        %get3A_1287 = arith.index_cast %get3A_1286 : i32 to index
        %get3A_1288 = arith.index_cast %add3A_1285 : i32 to index
        %get3A_1289 = arith.constant 16 : index
        %get3A_1290 = tpu.vector_load %arg10[%get3A_1287, %get3A_1288, %get3A_1289] {strides = array<i32>} : memref<2x200x32xf32, #tpu.memory_space<vmem>>, vector<1x1x16xf32>,
        %get3A_1291 = vector.shape_cast %get3A_1290 : vector<1x1x16xf32> to vector<16xf32>
        %add3A_1292 = arith.addf %add3A_1256, %get3A_1283 : vector<16xf32>
        %add3A_1293 = arith.addf %add3A_1257, %get3A_1291 : vector<16xf32>
        %add3A_1294 = arith.constant 8 : i32
        %add3A_1295 = arith.addi %add3A_1150, %add3A_1294 : i32
        %get3A_1296 = arith.constant 1 : i32
        %get3A_1297 = arith.index_cast %get3A_1296 : i32 to index
        %get3A_1298 = arith.index_cast %add3A_1295 : i32 to index
        %get3A_1299 = arith.constant 0 : index
        %get3A_1300 = tpu.vector_load %arg10[%get3A_1297, %get3A_1298, %get3A_1299] {strides = array<i32>} : memref<2x200x32xf32, #tpu.memory_space<vmem>>, vector<1x1x16xf32>,
        %get3A_1301 = vector.shape_cast %get3A_1300 : vector<1x1x16xf32> to vector<16xf32>
        %add3A_1302 = arith.constant 8 : i32
        %add3A_1303 = arith.addi %add3A_1150, %add3A_1302 : i32
        %get3A_1304 = arith.constant 1 : i32
        %get3A_1305 = arith.index_cast %get3A_1304 : i32 to index
        %get3A_1306 = arith.index_cast %add3A_1303 : i32 to index
        %get3A_1307 = arith.constant 16 : index
        %get3A_1308 = tpu.vector_load %arg10[%get3A_1305, %get3A_1306, %get3A_1307] {strides = array<i32>} : memref<2x200x32xf32, #tpu.memory_space<vmem>>, vector<1x1x16xf32>,
        %get3A_1309 = vector.shape_cast %get3A_1308 : vector<1x1x16xf32> to vector<16xf32>
        %add3A_1310 = arith.addf %add3A_1274, %get3A_1301 : vector<16xf32>
        %add3A_1311 = arith.addf %add3A_1275, %get3A_1309 : vector<16xf32>
        %add3A_1312 = arith.constant 9 : i32
        %add3A_1313 = arith.addi %add3A_1150, %add3A_1312 : i32
        %get3A_1314 = arith.constant 1 : i32
        %get3A_1315 = arith.index_cast %get3A_1314 : i32 to index
        %get3A_1316 = arith.index_cast %add3A_1313 : i32 to index
        %get3A_1317 = arith.constant 0 : index
        %get3A_1318 = tpu.vector_load %arg10[%get3A_1315, %get3A_1316, %get3A_1317] {strides = array<i32>} : memref<2x200x32xf32, #tpu.memory_space<vmem>>, vector<1x1x16xf32>,
        %get3A_1319 = vector.shape_cast %get3A_1318 : vector<1x1x16xf32> to vector<16xf32>
        %add3A_1320 = arith.constant 9 : i32
        %add3A_1321 = arith.addi %add3A_1150, %add3A_1320 : i32
        %get3A_1322 = arith.constant 1 : i32
        %get3A_1323 = arith.index_cast %get3A_1322 : i32 to index
        %get3A_1324 = arith.index_cast %add3A_1321 : i32 to index
        %get3A_1325 = arith.constant 16 : index
        %get3A_1326 = tpu.vector_load %arg10[%get3A_1323, %get3A_1324, %get3A_1325] {strides = array<i32>} : memref<2x200x32xf32, #tpu.memory_space<vmem>>, vector<1x1x16xf32>,
        %get3A_1327 = vector.shape_cast %get3A_1326 : vector<1x1x16xf32> to vector<16xf32>
        %add3A_1328 = arith.addf %add3A_1292, %get3A_1319 : vector<16xf32>
        %add3A_1329 = arith.addf %add3A_1293, %get3A_1327 : vector<16xf32>
        scf.yield %add3A_1310, %add3A_1311, %add3A_1328, %add3A_1329 : vector<16xf32>, vector<16xf32>, vector<16xf32>, vector<16xf32>
      }
      %scan3A_1107 = arith.constant 5 : i32
      %add3A_1108 = arith.addf %scan3A_1106#0, %scan3A_1106#2 : vector<16xf32>
      %add3A_1109 = arith.addf %scan3A_1106#1, %scan3A_1106#3 : vector<16xf32>
      %mul3A_1110 = arith.constant 5.000000e-03 : f32
      %mul3A_1111 = vector.broadcast %mul3A_1110 : f32 to vector<16xf32>
      %mul3A_1112 = arith.mulf %add3A_1098, %mul3A_1111 : vector<16xf32>
      %swap3A_1113 = arith.index_cast %add3A_1089 : i32 to index
      %swap3A_1114 = arith.constant 0 : index
      %swap3A_1115 = tpu.vector_load %arg11[%swap3A_1113, %swap3A_1114] {strides = array<i32>} : memref<512x64xf32, #tpu.memory_space<vmem>>, vector<1x16xf32>,
      %swap3A_1116 = vector.shape_cast %swap3A_1115 : vector<1x16xf32> to vector<16xf32>
      %swap3A_1117 = vector.shape_cast %mul3A_1112 : vector<16xf32> to vector<1x16xf32>
      tpu.vector_store %arg11[%swap3A_1113, %swap3A_1114], %swap3A_1117 {strides = array<i32>} : memref<512x64xf32, #tpu.memory_space<vmem>>, vector<1x16xf32>,
      %mul3A_1118 = arith.constant 5.000000e-03 : f32
      %mul3A_1119 = vector.broadcast %mul3A_1118 : f32 to vector<16xf32>
      %mul3A_1120 = arith.mulf %add3A_1099, %mul3A_1119 : vector<16xf32>
      %swap3A_1121 = arith.index_cast %add3A_1089 : i32 to index
      %swap3A_1122 = arith.constant 16 : index
      %swap3A_1123 = tpu.vector_load %arg11[%swap3A_1121, %swap3A_1122] {strides = array<i32>} : memref<512x64xf32, #tpu.memory_space<vmem>>, vector<1x16xf32>,
      %swap3A_1124 = vector.shape_cast %swap3A_1123 : vector<1x16xf32> to vector<16xf32>
      %swap3A_1125 = vector.shape_cast %mul3A_1120 : vector<16xf32> to vector<1x16xf32>
      tpu.vector_store %arg11[%swap3A_1121, %swap3A_1122], %swap3A_1125 {strides = array<i32>} : memref<512x64xf32, #tpu.memory_space<vmem>>, vector<1x16xf32>,
      %mul3A_1126 = arith.constant 2.000000e-02 : f32
      %mul3A_1127 = vector.broadcast %mul3A_1126 : f32 to vector<16xf32>
      %mul3A_1128 = arith.mulf %add3A_1108, %mul3A_1127 : vector<16xf32>
      %swap3A_1129 = arith.index_cast %add3A_1089 : i32 to index
      %swap3A_1130 = arith.constant 32 : index
      %swap3A_1131 = tpu.vector_load %arg11[%swap3A_1129, %swap3A_1130] {strides = array<i32>} : memref<512x64xf32, #tpu.memory_space<vmem>>, vector<1x16xf32>,
      %swap3A_1132 = vector.shape_cast %swap3A_1131 : vector<1x16xf32> to vector<16xf32>
      %swap3A_1133 = vector.shape_cast %mul3A_1128 : vector<16xf32> to vector<1x16xf32>
      tpu.vector_store %arg11[%swap3A_1129, %swap3A_1130], %swap3A_1133 {strides = array<i32>} : memref<512x64xf32, #tpu.memory_space<vmem>>, vector<1x16xf32>,
      %mul3A_1134 = arith.constant 2.000000e-02 : f32
      %mul3A_1135 = vector.broadcast %mul3A_1134 : f32 to vector<16xf32>
      %mul3A_1136 = arith.mulf %add3A_1109, %mul3A_1135 : vector<16xf32>
      %swap3A_1137 = arith.index_cast %add3A_1089 : i32 to index
      %swap3A_1138 = arith.constant 48 : index
      %swap3A_1139 = tpu.vector_load %arg11[%swap3A_1137, %swap3A_1138] {strides = array<i32>} : memref<512x64xf32, #tpu.memory_space<vmem>>, vector<1x16xf32>,
      %swap3A_1140 = vector.shape_cast %swap3A_1139 : vector<1x16xf32> to vector<16xf32>
      %swap3A_1141 = vector.shape_cast %mul3A_1136 : vector<16xf32> to vector<1x16xf32>
      tpu.vector_store %arg11[%swap3A_1137, %swap3A_1138], %swap3A_1141 {strides = array<i32>} : memref<512x64xf32, #tpu.memory_space<vmem>>, vector<1x16xf32>,
    }
    %scan3A_313 = arith.constant 64 : i32
    %mul3A_314 = arith.constant 512 : i32
    %mul3A_315 = arith.muli %add3A, %mul3A_314 : i32
    "tpu.region"() ({
      %run_scoped3A_316 = tpu.sem_alloc : memref<!tpu.dma_semaphore, #tpu.memory_space<semaphore_mem>>
      %dma_start3A_317 = arith.constant 0 : i32
      %dma_start3A_318 = tpu.memref_slice %arg6[%mul3A_315, %dma_start3A_317] : memref<16384x64xf32, #tpu.memory_space<hbm>> -> memref<512x64xf32, #tpu.memory_space<hbm>>
      %dma_start3A_319 = arith.constant 0 : i32
      %dma_start3A_320 = tpu.memref_slice %arg6[%mul3A_315, %dma_start3A_319] : memref<16384x64xf32, #tpu.memory_space<hbm>> -> memref<512x64xf32, #tpu.memory_space<hbm>>
      tpu.enqueue_dma source(%arg11 : memref<512x64xf32, #tpu.memory_space<vmem>>) target(%dma_start3A_320 : memref<512x64xf32, #tpu.memory_space<hbm>>) target_semaphore(%run_scoped3A_316 : memref<!tpu.dma_semaphore, #tpu.memory_space<semaphore_mem>>)
      %dma_wait3A = arith.constant 0 : i32
      %dma_wait3A_321 = tpu.memref_slice %arg6[%mul3A_315, %dma_wait3A] : memref<16384x64xf32, #tpu.memory_space<hbm>> -> memref<512x64xf32, #tpu.memory_space<hbm>>
      %dma_wait3A_322 = arith.constant 0 : i32
      %dma_wait3A_323 = tpu.memref_slice %arg6[%mul3A_315, %dma_wait3A_322] : memref<16384x64xf32, #tpu.memory_space<hbm>> -> memref<512x64xf32, #tpu.memory_space<hbm>>
      tpu.wait_dma2 semaphore(%run_scoped3A_316 : memref<!tpu.dma_semaphore, #tpu.memory_space<semaphore_mem>>) src(%arg11 : memref<512x64xf32, #tpu.memory_space<vmem>>) dst(%dma_wait3A_323 : memref<512x64xf32, #tpu.memory_space<hbm>>)
      tpu.yield
    }) : () -> ()
    return
  }
}

module attributes {stable_mosaic.version = 14 : i64} {
  func.func @_mlp_body(%arg0: i32, %arg1: memref<2048x64xf32, #tpu.memory_space<vmem>>, %arg2: memref<64x32xf32, #tpu.memory_space<vmem>>, %arg3: memref<1x32xf32, #tpu.memory_space<vmem>>, %arg4: memref<32x1xf32, #tpu.memory_space<vmem>>, %arg5: memref<1x1xf32, #tpu.memory_space<vmem>>, %arg6: memref<2048x1xf32, #tpu.memory_space<vmem>>) attributes {dimension_semantics = [#tpu.dimension_semantics<arbitrary>], iteration_bounds = array<i64: 8>, scalar_prefetch = 0 : i64, scratch_operands = 0 : i64, tpu.core_type = #tpu.core_type<tc>, window_params = [{transform_indices = @transform_0, window_bounds = array<i64: 2048, 64>}, {pipeline_mode = #tpu.pipeline_mode<synchronous>, transform_indices = @transform_1, window_bounds = array<i64: 64, 32>}, {pipeline_mode = #tpu.pipeline_mode<synchronous>, transform_indices = @transform_2, window_bounds = array<i64: 1, 32>}, {pipeline_mode = #tpu.pipeline_mode<synchronous>, transform_indices = @transform_3, window_bounds = array<i64: 32, 1>}, {pipeline_mode = #tpu.pipeline_mode<synchronous>, transform_indices = @transform_4, window_bounds = array<i64: 1, 1>}, {transform_indices = @transform_5, window_bounds = array<i64: 2048, 1>}]} {
    %get3A = arith.constant 0 : index
    %get3A_0 = arith.constant 0 : index
    %get3A_1 = vector.load %arg1[%get3A, %get3A_0] : memref<2048x64xf32, #tpu.memory_space<vmem>>, vector<2048x64xf32>
    %get3A_2 = arith.constant 0 : index
    %get3A_3 = arith.constant 0 : index
    %get3A_4 = vector.load %arg2[%get3A_2, %get3A_3] : memref<64x32xf32, #tpu.memory_space<vmem>>, vector<64x32xf32>
    %dot_general3A = arith.constant dense<0.000000e+00> : vector<2048x32xf32>
    %dot_general3A_5 = tpu.matmul %get3A_1, %get3A_4, %dot_general3A {dimension_numbers = #tpu.dot_dimension_numbers<[1], [0], [0], [1], [0, 0, 1, 1], [], []>, transpose_lhs_hint = false} : vector<2048x64xf32>, vector<64x32xf32>, vector<2048x32xf32> -> vector<2048x32xf32>
    %get3A_6 = arith.constant 0 : index
    %get3A_7 = arith.constant 0 : index
    %get3A_8 = vector.load %arg3[%get3A_6, %get3A_7] : memref<1x32xf32, #tpu.memory_space<vmem>>, vector<1x32xf32>
    %add3A = vector.broadcast %get3A_8 : vector<1x32xf32> to vector<2048x32xf32>
    %add3A_9 = arith.addf %dot_general3A_5, %add3A : vector<2048x32xf32>
    %max3A = arith.constant 0.000000e+00 : f32
    %max3A_10 = vector.broadcast %max3A : f32 to vector<2048x32xf32>
    %max3A_11 = arith.maximumf %add3A_9, %max3A_10 : vector<2048x32xf32>
    %get3A_12 = arith.constant 0 : index
    %get3A_13 = arith.constant 0 : index
    %get3A_14 = vector.load %arg4[%get3A_12, %get3A_13] : memref<32x1xf32, #tpu.memory_space<vmem>>, vector<32x1xf32>
    %dot_general3A_15 = arith.constant dense<0.000000e+00> : vector<2048x1xf32>
    %dot_general3A_16 = tpu.matmul %max3A_11, %get3A_14, %dot_general3A_15 {dimension_numbers = #tpu.dot_dimension_numbers<[1], [0], [0], [1], [0, 0, 1, 1], [], []>, transpose_lhs_hint = false} : vector<2048x32xf32>, vector<32x1xf32>, vector<2048x1xf32> -> vector<2048x1xf32>
    %get3A_17 = arith.constant 0 : index
    %get3A_18 = arith.constant 0 : index
    %get3A_19 = vector.load %arg5[%get3A_17, %get3A_18] : memref<1x1xf32, #tpu.memory_space<vmem>>, vector<1x1xf32>
    %add3A_20 = vector.broadcast %get3A_19 : vector<1x1xf32> to vector<2048x1xf32>
    %add3A_21 = arith.addf %dot_general3A_16, %add3A_20 : vector<2048x1xf32>
    %swap3A = arith.constant 0 : index
    %swap3A_22 = arith.constant 0 : index
    %swap3A_23 = vector.load %arg6[%swap3A, %swap3A_22] : memref<2048x1xf32, #tpu.memory_space<vmem>>, vector<2048x1xf32>
    tpu.vector_store %arg6[%swap3A, %swap3A_22], %add3A_21 {strides = array<i32>} : memref<2048x1xf32, #tpu.memory_space<vmem>>, vector<2048x1xf32>,
    return
  }
  func.func @transform_0(%arg0: i32) -> (i32, i32) {
    %c0_i32 = arith.constant 0 : i32
    %c0_i32_0 = arith.constant 0 : i32
    return %arg0, %c0_i32 : i32, i32
  }
  func.func @transform_1(%arg0: i32) -> (i32, i32) {
    %c0_i32 = arith.constant 0 : i32
    %c0_i32_0 = arith.constant 0 : i32
    %c0_i32_1 = arith.constant 0 : i32
    return %c0_i32, %c0_i32_0 : i32, i32
  }
  func.func @transform_2(%arg0: i32) -> (i32, i32) {
    %c0_i32 = arith.constant 0 : i32
    %c0_i32_0 = arith.constant 0 : i32
    %c0_i32_1 = arith.constant 0 : i32
    return %c0_i32, %c0_i32_0 : i32, i32
  }
  func.func @transform_3(%arg0: i32) -> (i32, i32) {
    %c0_i32 = arith.constant 0 : i32
    %c0_i32_0 = arith.constant 0 : i32
    %c0_i32_1 = arith.constant 0 : i32
    return %c0_i32, %c0_i32_0 : i32, i32
  }
  func.func @transform_4(%arg0: i32) -> (i32, i32) {
    %c0_i32 = arith.constant 0 : i32
    %c0_i32_0 = arith.constant 0 : i32
    %c0_i32_1 = arith.constant 0 : i32
    return %c0_i32, %c0_i32_0 : i32, i32
  }
  func.func @transform_5(%arg0: i32) -> (i32, i32) {
    %c0_i32 = arith.constant 0 : i32
    %c0_i32_0 = arith.constant 0 : i32
    return %arg0, %c0_i32 : i32, i32
  }
}

</mosaic_0001>

<sc_bundles>
// kernel: kernel.4.cloned.1.call-start
scs
__scs_entry_jumppad:
0x0: {  	(pc) =	sbr.rel $0x88, $3  }
0x1: {  	(tag) =	ssettag $0x0;
	lr =	simm.s32 $0x1  }
0x2: {  	[smem:$0x3F99] =	sst lr;
	_ =	strace $0xD0000000  }
0x3: {  	_ = 	snop  }
0x4: {  	_ = 	snop  }
0x5: {  	_ = 	snop  }
0x6: {  	_ = 	snop  }
0x7: {  	_ = 	snop  }
__scs_overlays_trampoline_lowered:
0x8: {  	[smem:$0x3FA8] =	sst s0  }
0x9: {  	[smem:$0x3FA9] =	sst s1  }
0xa: {  	[smem:$0x3FAA] =	sst s2  }
0xb: {  	[smem:$0x3FAB] =	sst s3  }
0xc: {  	[smem:$0x3FAC] =	sst s4  }
0xd: {  	[smem:$0x3FAD] =	sst s5  }
0xe: {  	[smem:$0x3FAE] =	sst s6  }
0xf: {  	[smem:$0x3FAF] =	sst s7  }
0x10: {  	[smem:$0x3FB0] =	sst s8  }
0x11: {  	[smem:$0x3FB1] =	sst s9;
	s0 =	simm.s32 @!p0 $0x0  }
0x12: {  	s1 =	sld [smem:$0x3F97];
	s0 =	simm.s32 @p0 $0x1  }
0x13: {  	[smem:$0x3FB2] =	sst s0;
	s0 =	simm.s32 @!p1 $0x0  }
0x14: {  	s2 =	sld [smem:$0x3F96];
	s0 =	simm.s32 @p1 $0x1  }
0x15: {  	[smem:$0x3FB3] =	sst s0;
	s0 =	simm.s32 @!p2 $0x0  }
0x16: {  	s3 =	sld [smem:$0x3FDB];
	s0 =	simm.s32 @p2 $0x1  }
0x17: {  	s4 =	simm.s32 $0x1BF5;
	[smem:$0x3FB5] =	sst s0  }
0x18: {  	s0 =	sld [smem:$0x3F98];
	_ =	swait.ge [sflag:s4], $0x0  }
0x19: {  	s7 =	sld [smem:$0x3F99]  }
0x1a: {  	s8 =	sadd.s32 $0xFFFFE003, lr  }
0x1b: {  	s9 =	sadd.s32 $0xFFFFFEF7, lr;
	s5 =	simm.s32 $0xFFFFFFFF;
	p2 =	slt.u32 s8, $0xFFFFF086  }
0x1c: {  	p1 =	slt.u32 s9, $0xF7A;
	s5 =	simm.s32 @!p2 $0x0  }
0x1d: {  	s5 =	simm.s32 @p1 $0x1;
	p0 =	seq.s32 s7, s2  }
0x1e: {  	s7 =	smul.u32 @!p0 $0xF7A, s2;
	p2 =	seq.s32 @!p0 s5, $0x0  }
0x1f: {  	s9 =	smul.u32 $0xF7A, s1;
	s8 =	simm.s32 @!p0 $0x1BF5;
	p2 =	por !p2, p0  }
0x20: {  	[sflag:s8] =	ssyncset.s32 @!p0 $0xFFFFF086;
	s6 =	sadd.s32 @!p0 s3, s7;
	s7 =	simm.s32 @!p0 $0x108  }
0x21: {  	s3 =	sadd.s32 s3, s9;
	s6 =	sadd.s32 @!p0 $0x88, s6;
	s7 =	simm.s32 @p2 $0x1082  }
0x22: {  	[simem:s7], [sflag:s8] =	dma.local @!p0 [hbm:s6], $0xF7A  }
0x23: {  	s9 =	sor.u32 $0xD0000000, s2;
	s6 =	simm.s32 $0x108;
	_ =	swait.ge @!p0 [sflag:s8], $0x0  }
0x24: {  	s3 =	sadd.s32 $0x88, s3;
	s6 =	simm.s32 @!p1 $0x1082;
	[sflag:s4] =	ssyncset.s32 $0xFFFFF086  }
0x25: {  	[simem:s6], [sflag:s4] =	dma.local [hbm:s3], $0xF7A  }
0x26: {  	[smem:$0x3F99] =	sst s1;
	(tag) =	ssettag s2;
	_ =	strace s9  }
0x27: {  	s1 =	sld [smem:$0x3FA9]  }
0x28: {  	s2 =	sld [smem:$0x3FAA]  }
0x29: {  	s4 =	sld [smem:$0x3FAC]  }
0x2a: {  	p0 =	seq.s32 s5, $0x0;
	s5 =	sld [smem:$0x3FAD]  }
0x2b: {  	s6 =	sld [smem:$0x3FAE]  }
0x2c: {  	s7 =	sld [smem:$0x3FAF]  }
0x2d: {  	s3 =	simm.s32 $0x108;
	s8 =	sld [smem:$0x3FB0]  }
0x2e: {  	s3 =	simm.s32 @!p0 $0x1082;
	s9 =	sld [smem:$0x3FB1]  }
0x2f: {  	lr =	sadd.s32 s0, s3;
	s0 =	sld [smem:$0x3FA8]  }
0x30: {  	s3 =	sld [smem:$0x3FAB]  }
0x31: {  	[smem:$0x3FB4] =	sst s10  }
0x32: {  	s10 =	sld [smem:$0x3FB2];
	_ =	sdelay $0x3  }
0x33: {  	p0 =	seq.s32 s10, $0x1;
	s10 =	sld [smem:$0x3FB4];
	_ =	sdelay $0x3  }
0x34: {  	[smem:$0x3FB4] =	sst s10  }
0x35: {  	s10 =	sld [smem:$0x3FB3];
	_ =	sdelay $0x3  }
0x36: {  	p1 =	seq.s32 s10, $0x1;
	s10 =	sld [smem:$0x3FB4];
	_ =	sdelay $0x3  }
0x37: {  	[smem:$0x3FB4] =	sst s10  }
0x38: {  	s10 =	sld [smem:$0x3FB5]  }
0x39: {  	_ = 	snop;
	(pc) =	sbr.ind lr, $3  }
0x3a: {  	_ = 	snop  }
0x3b: {  	_ = 	snop  }
0x3c: {  	p2 =	seq.s32 s10, $0x1;
	s10 =	sld [smem:$0x3FB4]  }
0x3d: {  	_ =	shalt  }
0x3e: {  	_ =	shalt  }
0x3f: {  	_ =	shalt  }
0x40: {  	_ =	shalt  }
0x41: {  	_ =	shalt  }
0x42: {  	_ =	shalt  }
0x43: {  	_ =	shalt  }
0x44: {  	_ =	shalt  }
0x45: {  	_ =	shalt  }
0x46: {  	_ =	shalt  }
0x47: {  	_ =	shalt  }
0x48: {  	_ =	shalt  }
0x49: {  	_ =	shalt  }
0x4a: {  	_ =	shalt  }
0x4b: {  	_ =	shalt  }
0x4c: {  	_ =	shalt  }
0x4d: {  	_ =	shalt  }
0x4e: {  	_ =	shalt  }
0x4f: {  	_ =	shalt  }
0x50: {  	_ =	shalt  }
0x51: {  	_ =	shalt  }
0x52: {  	_ =	shalt  }
0x53: {  	_ =	shalt  }
0x54: {  	_ =	shalt  }
0x55: {  	_ =	shalt  }
0x56: {  	_ =	shalt  }
0x57: {  	_ =	shalt  }
0x58: {  	_ =	shalt  }
0x59: {  	_ =	shalt  }
0x5a: {  	_ =	shalt  }
0x5b: {  	_ =	shalt  }
0x5c: {  	_ =	shalt  }
0x5d: {  	_ =	shalt  }
0x5e: {  	_ =	shalt  }
0x5f: {  	_ =	shalt  }
0x60: {  	_ =	shalt  }
0x61: {  	_ =	shalt  }
0x62: {  	_ =	shalt  }
0x63: {  	_ =	shalt  }
0x64: {  	_ =	shalt  }
0x65: {  	_ =	shalt  }
0x66: {  	_ =	shalt  }
0x67: {  	_ =	shalt  }
0x68: {  	_ =	shalt  }
0x69: {  	_ =	shalt  }
0x6a: {  	_ =	shalt  }
0x6b: {  	_ =	shalt  }
0x6c: {  	_ =	shalt  }
0x6d: {  	_ =	shalt  }
0x6e: {  	_ =	shalt  }
0x6f: {  	_ =	shalt  }
0x70: {  	_ =	shalt  }
0x71: {  	_ =	shalt  }
0x72: {  	_ =	shalt  }
0x73: {  	_ =	shalt  }
0x74: {  	_ =	shalt  }
0x75: {  	_ =	shalt  }
0x76: {  	_ =	shalt  }
0x77: {  	_ =	shalt  }
0x78: {  	_ =	shalt  }
0x79: {  	_ =	shalt  }
0x7a: {  	_ =	shalt  }
0x7b: {  	_ =	shalt  }
0x7c: {  	_ =	shalt  }
0x7d: {  	_ =	shalt  }
0x7e: {  	_ =	shalt  }
0x7f: {  	_ =	shalt  }
0x80: {  	_ =	shalt  }
0x81: {  	_ =	shalt  }
0x82: {  	_ =	shalt  }
0x83: {  	_ =	shalt  }
0x84: {  	_ =	shalt  }
0x85: {  	_ =	shalt  }
0x86: {  	_ =	shalt  }
0x87: {  	_ =	shalt  }
.Lfunc_end0:
.L_simem_size_0:
called_computation_lowered:
.L_overlay_start_0:
0x88: {  	s2 =	sld [smem:$0x3FD9]  }
0x89: {  	s3 =	sld [smem:$0x3FFE];
	_ =	sdelay $0x1  }
0x8a: {  	s1 =	srdreg.scid  }
0x8b: {  	s0 =	sand.u32 $0x1, s1  }
0x8c: {  	s16 =	sshll.u32 s0, $0xA;
	s2 =	sadd.s32 s3, s2  }
0x8d: {  	s2 =	sadd.s32 s2, s16  }
0x8e: {  	[smem:$0x3FC0] =	sst s2  }
0x8f: {  	_ = 	snop  }
0x90: {  	(tm) =	ssettm $0x1  }
0x91: {  	s17 =	sld [smem:$0x3FFB];
	_ =	sdelay $0x3  }
0x92: {  	_ =	strace s17  }
0x93: {  	s2 =	sld [smem:$0x3FFC];
	_ =	sdelay $0x3  }
0x94: {  	_ =	strace s2  }
0x95: {  	s2 =	sld [smem:$0x3FFD];
	_ =	sdelay $0x3  }
0x96: {  	_ =	strace s2  }
0x97: {  	_ =	strace $0x8FFFFFFF  }
0x98: {  	s18 =	sld [smem:$0x3FDB];
	_ =	sdelay $0x1  }
0x99: {  	s19 =	simm.s32 $_scs_section_size  }
0x9a: {  	s4 =	simm.s32 $_size__tile_overlayer_lowered;
	s5 =	simm.s32 $_tile_overlayer_lowered  }
0x9b: {  	s22 =	simm.s32 $0x1BFF;
	s21 =	sshll.u32 s5, $0x1;
	s2 =	sadd.s32 s19, s18  }
0x9c: {  	s6 =	simm.s32 $0x0;
	s20 =	sshll.u32 s4, $0x1;
	s4 =	sadd.s32 s21, s2  }
0x9d: {  	[timem:s6], [sflag:s22] =	dma.local [hbm:s4], s20  }
0x9e: {  	_ =	swait.ge [sflag:s22], s20  }
0x9f: {  	s3 =	ssub.s32 $0x0, s20;
	[sflag:s22] =	ssyncset.done $0x0  }
0xa0: {  	[sflag:s22] =	ssyncadd.s32 s3;
	_ =	sdelay $0x1  }
0xa1: {  	s23 =	simm.s32 $0x1B8B  }
0xa2: {  	_ =	swait.ge [sflag:s23], $0x1  }
0xa3: {  	[sflag:s23] =	ssyncset.done $0x0  }
0xa4: {  	s25 =	simm.s32 $0x1B8E;
	s24 =	sld [smem:$0x3FFE];
	[sflag:s23] =	ssyncadd.s32 $0xFFFFFFFF  }
0xa5: {  	s26 =	simm.s32 $execute0_lowered;
	[smem:$0x3FD2] =	sst s25  }
0xa6: {  	s4 =	sshll.u32 s26, $0x1;
	_ =	strace $0x80000046;
	[dreg:$0x1] =	wrdreg $0xFFFFFFFF  }
0xa7: {  	s28 =	simm.s32 $_size_execute0_lowered;
	s2 =	sadd.s32 s2, s4;
	[dreg:$0x0] =	wrdreg $0x0  }
0xa8: {  	s4 =	sshll.u32 s28, $0x1;
	[dreg:$0x2] =	wrdreg s2  }
0xa9: {  	[dreg:$0x3] =	wrdreg s4  }
0xaa: {  	[dreg:$0x4] =	wrdreg $0xC0  }
0xab: {  	_ =	task [dreg:s6], $0x5FFFF  }
0xac: {  	[dreg:$0x1] =	wrdreg $0xFFFFFFFF  }
0xad: {  	[dreg:$0x0] =	wrdreg $0x60  }
0xae: {  	[dreg:$0x2] =	wrdreg s24  }
0xaf: {  	[dreg:$0x3] =	wrdreg $0x9  }
0xb0: {  	_ =	task.clear_ibuf [dreg:s6], $0x4FFFF;
	_ =	strace $0x90000046  }
0xb1: {  	s29 =	simm.s32 $0x9;
	_ =	strace $0x80000048  }
0xb2: {  	_ =	swait.ge [sflag:s29], $0x1  }
0xb3: {  	[sflag:s29] =	ssyncadd.s32 $0xFFFFFFFF  }
0xb4: {  	_ =	strace $0x90000048  }
0xb5: {  	_ =	sfence  }
0xb6: {  	s30 =	sld [smem:$0x0];
	_ =	sdelay $0x2  }
0xb7: {  	s31 =	sshll.u32 s1, $0xD;
	s1 =	sshrl.u32 s1, $0x2  }
0xb8: {  	s3 =	sand.u32 $0x4000, s31;
	s1 =	sadd.s32 s1, s30  }
0xb9: {  	s0 =	sor.u32 s3, s0;
	s1 =	sshll.u32 s1, $0x11  }
0xba: {  	s0 =	sor.u32 s1, s0  }
0xbb: {  	s0 =	sadd.s32 $0x8F2B, s0  }
0xbc: {  	[sflag:s0] =	ssyncadd.remote.s32 $0x1  }
0xbd: {  	_ =	sfence.sel $0xFFFF  }
0xbe: {  	[dreg:$0x0] =	wrdreg $0xFFFFFFFF;
	(pc) =	sbr.abs _section_cstart, $3  }
0xbf: {  	[dreg:$0x1] =	wrdreg $0xFFFFFFFF  }
0xc0: {  	_ =	task.clear_ibuf [dreg:s6], $0x2FFFF;
	_ =	strace $0x9FFFFFFF  }
0xc1: {  	(tm) =	ssettm $0x7FFFFFFF  }
tec
execute0_lowered:
.L_overlay_start_1:
0x0: {  	(tag) =	ssettag $0x1  }
0x1: {  	s0 =	rddreg [dreg:$0x0];
	s11 =	simm.s32 $0x0  }
0x2: {  	s1 =	srdreg.scid;
	s2 =	stileid.u32;
	s13 =	simm.s32 $0x5  }
0x3: {  	s15 =	simm.s32 $0x50;
	s17 =	simm.s32 $0x28;
	s28 =	simm.s32 $0x320  }
0x4: {  	s29 =	simm.s32 $0x708;
	s12 =	simm.s32 $0xC5D0;
	s30 =	simm.s32 $0x730  }
0x5: {  	s31 =	simm.s32 $0xEDD0;
	s16 =	simm.s32 $0x780;
	s18 =	simm.s32 $0xF7D0  }
0x6: {  	s19 =	simm.s32 $0x7A8;
	s20 =	simm.s32 $0xFCD0;
	s21 =	simm.s32 $0x1  }
0x7: {  	s22 =	simm.s32 $0x3;
	s23 =	simm.s32 $0x2;
	s24 =	simm.s32 $0x4  }
0x8: {  	[smem:$0x7FF] =	sst s11;
	s3 =	sadd.s32 $0x1E00, s0;
	s1 =	sand.u32 $0x1, s1  }
0x9: {  	s2 =	sshll.u32 s2, $0x1;
	s4 =	sadd.s32 $0x65E00, s0;
	s5 =	sadd.s32 $0xF44200, s0  }
0xa: {  	s6 =	sadd.s32 $0x188800, s0;
	_ =	strace $0x80000047;
	s2 =	sor.u32 s1, s2  }
0xb: {  	s1 =	ssub.s32 $0x2, s1;
	s8 =	smul.u32 $0x3200, s2;
	s7 =	sshll.u32 s2, $0xC  }
0xc: {  	s9 =	sshrl.u32 s1, $0x1;
	s10 =	smul.u32 $0xC80, s2;
	s0 =	sadd.s32 s7, s0  }
0xd: {  	s1 =	ssub.s32 s1, s9;
	s7 =	smul.u32 $0x500, s2;
	s8 =	sadd.s32 s3, s8  }
0xe: {  	s9 =	smul.u32 $0x280, s2;
	s25 =	sadd.s32 s4, s10;
	[dreg:$0x2] =	wrdreg s8  }
0xf: {  	s2 =	simm.s32 $0xE8D0;
	s0 =	sadd.s32 $0x7EE00, s0;
	[dreg:$0x3] =	wrdreg s25  }
0x10: {  	s26 =	smax.u32 s1, $0x1;
	s1 =	simm.s32 $0xF2D0;
	[dreg:$0x4] =	wrdreg s0  }
0x11: {  	s10 =	simm.s32 $0x0;
	[dreg:$0x5] =	wrdreg s26;
	s0 =	simm.s32 $0x758  }
.LBB2_1:
0x12: {  	[dreg:$0x6] =	wrdreg s10  }
0x13: {  	s8 =	rddreg [dreg:$0x2]  }
0x14: {  	[tilespmem:s11], [sflag:$0x5] =	stream.linear.gather [hbm4b:s8+s11], $0x320, $0x38;
	[tilespmem:$0x181D0] =	vst v63  }
0x15: {  	_ =	swait.ge [sflag:s13], $0x320  }
0x16: {  	[sflag:s13] =	ssyncset.done $0x0  }
0x17: {  	s10 =	simm.s32 $0x640;
	s25 =	rddreg [dreg:$0x3];
	[sflag:s13] =	ssyncadd.s32 $0xFFFFFCE0  }
0x18: {  	[tilespmem:s10], [sflag:$0x5] =	stream.linear.gather [hbm4b:s25+s11], $0xC8, $0x38;
	[tilespmem:$0x181D0] =	vst v63  }
0x19: {  	_ =	swait.ge [sflag:s13], $0xC8  }
0x1a: {  	[sflag:s13] =	ssyncset.done $0x0  }
0x1b: {  	s26 =	simm.s32 $0x7D0;
	[sflag:s13] =	ssyncadd.s32 $0xFFFFFF38  }
0x1c: {  	[tilespmem:s26], [sflag:$0x1] =	stream.indirect.gather [hbm4b:s5+s15], $0x20, s11, s15, $0xb8;
	[tilespmem:$0x181D0] =	vst v63  }
0x1d: {  	s14 =	simm.s32 $0x11D0  }
0x1e: {  	[tilespmem:s14], [sflag:$0x1] =	stream.indirect.gather [hbm4b:s5+s15], $0x20, s15, s15, $0xb8;
	[tilespmem:$0x181D0] =	vst v63  }
0x1f: {  	s25 =	simm.s32 $0xA0;
	s26 =	simm.s32 $0x1BD0  }
0x20: {  	[tilespmem:s26], [sflag:$0x1] =	stream.indirect.gather [hbm4b:s5+s15], $0x20, s25, s15, $0xb8;
	[tilespmem:$0x181D0] =	vst v63  }
0x21: {  	s11 =	simm.s32 $0xF0;
	s14 =	simm.s32 $0x25D0  }
0x22: {  	[tilespmem:s14], [sflag:$0x1] =	stream.indirect.gather [hbm4b:s5+s15], $0x20, s11, s15, $0xb8;
	[tilespmem:$0x181D0] =	vst v63  }
0x23: {  	s25 =	simm.s32 $0x140;
	s26 =	simm.s32 $0x2FD0  }
0x24: {  	[tilespmem:s26], [sflag:$0x1] =	stream.indirect.gather [hbm4b:s5+s15], $0x20, s25, s15, $0xb8;
	[tilespmem:$0x181D0] =	vst v63  }
0x25: {  	s11 =	simm.s32 $0x190;
	s14 =	simm.s32 $0x39D0  }
0x26: {  	[tilespmem:s14], [sflag:$0x1] =	stream.indirect.gather [hbm4b:s5+s15], $0x20, s11, s15, $0xb8;
	[tilespmem:$0x181D0] =	vst v63  }
0x27: {  	s25 =	simm.s32 $0x1E0;
	s26 =	simm.s32 $0x43D0  }
0x28: {  	[tilespmem:s26], [sflag:$0x1] =	stream.indirect.gather [hbm4b:s5+s15], $0x20, s25, s15, $0xb8;
	[tilespmem:$0x181D0] =	vst v63  }
0x29: {  	s11 =	simm.s32 $0x230;
	s14 =	simm.s32 $0x4DD0  }
0x2a: {  	[tilespmem:s14], [sflag:$0x1] =	stream.indirect.gather [hbm4b:s5+s15], $0x20, s11, s15, $0xb8;
	[tilespmem:$0x181D0] =	vst v63  }
0x2b: {  	s25 =	simm.s32 $0x280;
	s26 =	simm.s32 $0x57D0  }
0x2c: {  	[tilespmem:s26], [sflag:$0x1] =	stream.indirect.gather [hbm4b:s5+s15], $0x20, s25, s15, $0xb8;
	[tilespmem:$0x181D0] =	vst v63  }
0x2d: {  	s14 =	simm.s32 $0x2D0;
	s25 =	simm.s32 $0x61D0  }
0x2e: {  	[tilespmem:s25], [sflag:$0x1] =	stream.indirect.gather [hbm4b:s5+s15], $0x20, s14, s15, $0xb8;
	[tilespmem:$0x181D0] =	vst v63  }
0x2f: {  	s26 =	simm.s32 $0xCFD0  }
0x30: {  	[tilespmem:s26], [sflag:$0x3] =	stream.indirect.gather [hbm4b:s6+s17], $0x20, s10, s17, $0xb8;
	[tilespmem:$0x181D0] =	vst v63  }
0x31: {  	s11 =	simm.s32 $0x668;
	s14 =	simm.s32 $0xD4D0  }
0x32: {  	[tilespmem:s14], [sflag:$0x3] =	stream.indirect.gather [hbm4b:s6+s17], $0x20, s11, s17, $0xb8;
	[tilespmem:$0x181D0] =	vst v63  }
0x33: {  	s25 =	simm.s32 $0x690;
	s26 =	simm.s32 $0xD9D0  }
0x34: {  	[tilespmem:s26], [sflag:$0x3] =	stream.indirect.gather [hbm4b:s6+s17], $0x20, s25, s17, $0xb8;
	[tilespmem:$0x181D0] =	vst v63  }
0x35: {  	s11 =	simm.s32 $0x6B8;
	s14 =	simm.s32 $0xDED0  }
0x36: {  	[tilespmem:s14], [sflag:$0x3] =	stream.indirect.gather [hbm4b:s6+s17], $0x20, s11, s17, $0xb8;
	[tilespmem:$0x181D0] =	vst v63  }
0x37: {  	s25 =	simm.s32 $0x6E0;
	s26 =	simm.s32 $0xE3D0  }
0x38: {  	[tilespmem:s26], [sflag:$0x3] =	stream.indirect.gather [hbm4b:s6+s17], $0x20, s25, s17, $0xb8;
	[tilespmem:$0x181D0] =	vst v63  }
0x39: {  	s25 =	simm.s32 $0x0  }
.LBB2_2:
0x3a: {  	s26 =	sshllo.u32 s25, $0x1  }
0x3b: {  	s8 =	smul.u32 $0xA, s26;
	_ =	sdelay $0x1  }
0x3c: {  	s11 =	smul.u32 $0x5, s26;
	s8 =	sadd.s32 s7, s8  }
0x3d: {  	s8 =	smul.u32 $0xA, s8;
	_ =	sdelay $0x1  }
0x3e: {  	s10 =	simm.s32 $0x0;
	s14 =	sadd.s32 s9, s11;
	s8 =	sadd.s32 s3, s8  }
0x3f: {  	[tilespmem:s28], [sflag:$0x5] =	stream.linear.gather [hbm4b:s8+s10], $0x320, $0x38;
	[tilespmem:$0x181D0] =	vst v63  }
0x40: {  	s8 =	smul.u32 $0x5, s14;
	_ =	swait.ge [sflag:s13], $0x320  }
0x41: {  	[sflag:s13] =	ssyncset.done $0x0  }
0x42: {  	s8 =	sadd.s32 s4, s8;
	[sflag:s13] =	ssyncadd.s32 $0xFFFFFCE0  }
0x43: {  	[tilespmem:s29], [sflag:$0x5] =	stream.linear.gather [hbm4b:s8+s10], $0xC8, $0x38;
	[tilespmem:$0x181D0] =	vst v63  }
0x44: {  	_ =	swait.ge [sflag:s13], $0xC8  }
0x45: {  	[sflag:s13] =	ssyncset.done $0x0  }
0x46: {  	s10 =	simm.s32 $0x6BD0;
	[sflag:s13] =	ssyncadd.s32 $0xFFFFFF38  }
0x47: {  	[tilespmem:s10], [sflag:$0x2] =	stream.indirect.gather [hbm4b:s5+s15], $0x20, s28, s15, $0xb8;
	[tilespmem:$0x181D0] =	vst v63  }
0x48: {  	s11 =	simm.s32 $0x370;
	s14 =	simm.s32 $0x75D0  }
0x49: {  	[tilespmem:s14], [sflag:$0x2] =	stream.indirect.gather [hbm4b:s5+s15], $0x20, s11, s15, $0xb8;
	[tilespmem:$0x181D0] =	vst v63  }
0x4a: {  	s11 =	simm.s32 $0x3C0;
	s14 =	simm.s32 $0x7FD0  }
0x4b: {  	[tilespmem:s14], [sflag:$0x2] =	stream.indirect.gather [hbm4b:s5+s15], $0x20, s11, s15, $0xb8;
	[tilespmem:$0x181D0] =	vst v63  }
0x4c: {  	s11 =	simm.s32 $0x410;
	s14 =	simm.s32 $0x89D0  }
0x4d: {  	[tilespmem:s14], [sflag:$0x2] =	stream.indirect.gather [hbm4b:s5+s15], $0x20, s11, s15, $0xb8;
	[tilespmem:$0x181D0] =	vst v63  }
0x4e: {  	s11 =	simm.s32 $0x460;
	s14 =	simm.s32 $0x93D0  }
0x4f: {  	[tilespmem:s14], [sflag:$0x2] =	stream.indirect.gather [hbm4b:s5+s15], $0x20, s11, s15, $0xb8;
	[tilespmem:$0x181D0] =	vst v63  }
0x50: {  	s11 =	simm.s32 $0x4B0;
	s14 =	simm.s32 $0x9DD0  }
0x51: {  	[tilespmem:s14], [sflag:$0x2] =	stream.indirect.gather [hbm4b:s5+s15], $0x20, s11, s15, $0xb8;
	[tilespmem:$0x181D0] =	vst v63  }
0x52: {  	s11 =	simm.s32 $0x500;
	s14 =	simm.s32 $0xA7D0  }
0x53: {  	[tilespmem:s14], [sflag:$0x2] =	stream.indirect.gather [hbm4b:s5+s15], $0x20, s11, s15, $0xb8;
	[tilespmem:$0x181D0] =	vst v63  }
0x54: {  	s11 =	simm.s32 $0x550;
	s14 =	simm.s32 $0xB1D0  }
0x55: {  	[tilespmem:s14], [sflag:$0x2] =	stream.indirect.gather [hbm4b:s5+s15], $0x20, s11, s15, $0xb8;
	[tilespmem:$0x181D0] =	vst v63  }
0x56: {  	s10 =	simm.s32 $0x5A0;
	s11 =	simm.s32 $0xBBD0  }
0x57: {  	[tilespmem:s11], [sflag:$0x2] =	stream.indirect.gather [hbm4b:s5+s15], $0x20, s10, s15, $0xb8;
	[tilespmem:$0x181D0] =	vst v63  }
0x58: {  	s14 =	simm.s32 $0x5F0  }
0x59: {  	[tilespmem:s12], [sflag:$0x2] =	stream.indirect.gather [hbm4b:s5+s15], $0x20, s14, s15, $0xb8;
	[tilespmem:$0x181D0] =	vst v63  }
0x5a: {  	_ = 	snop  }
0x5b: {  	[tilespmem:s2], [sflag:$0x4] =	stream.indirect.gather [hbm4b:s6+s17], $0x20, s29, s17, $0xb8;
	[tilespmem:$0x181D0] =	vst v63  }
0x5c: {  	_ = 	snop  }
0x5d: {  	[tilespmem:s31], [sflag:$0x4] =	stream.indirect.gather [hbm4b:s6+s17], $0x20, s30, s17, $0xb8;
	[tilespmem:$0x181D0] =	vst v63  }
0x5e: {  	_ = 	snop  }
0x5f: {  	[tilespmem:s1], [sflag:$0x4] =	stream.indirect.gather [hbm4b:s6+s17], $0x20, s0, s17, $0xb8;
	[tilespmem:$0x181D0] =	vst v63  }
0x60: {  	_ = 	snop  }
0x61: {  	[tilespmem:s18], [sflag:$0x4] =	stream.indirect.gather [hbm4b:s6+s17], $0x20, s16, s17, $0xb8;
	[tilespmem:$0x181D0] =	vst v63  }
0x62: {  	_ = 	snop  }
0x63: {  	[tilespmem:s20], [sflag:$0x4] =	stream.indirect.gather [hbm4b:s6+s17], $0x20, s19, s17, $0xb8;
	[tilespmem:$0x181D0] =	vst v63  }
0x64: {  	_ =	swait.ge [sflag:s21], $0x6400  }
0x65: {  	[sflag:s21] =	ssyncset.done $0x0  }
0x66: {  	[sflag:s21] =	ssyncadd.s32 $0xFFFF9C00  }
0x67: {  	_ =	swait.ge [sflag:s22], $0x1900  }
0x68: {  	[sflag:s22] =	ssyncset.done $0x0  }
0x69: {  	s8 =	simm.s32 $0x0;
	[sflag:s22] =	ssyncadd.s32 $0xFFFFE700  }
0x6a: {  	v4 =	vld [tilespmem:s8+$0x890]  }
0x6b: {  	v7 =	vld [tilespmem:s8+$0x8A0]  }
0x6c: {  	v6 =	vld [tilespmem:s8+$0x850]  }
0x6d: {  	v8 =	vld [tilespmem:s8+$0x860]  }
0x6e: {  	v9 =	vld [tilespmem:s8+$0x810]  }
0x6f: {  	v10 =	vld [tilespmem:s8+$0x820]  }
0x70: {  	v13 =	vld [tilespmem:s8+$0x7D0]  }
0x71: {  	v0 =	vimm.f32 $0.0e+00;
	v3 =	vimm.f32 $0.0e+00;
	v14 =	vld [tilespmem:s8+$0x7E0]  }
0x72: {  	v12 =	vimm.f32 $0.0e+00;
	v5 =	vimm.f32 $0.0e+00;
	v11 =	vimm.f32 $0.0e+00;
	s10 =	simm.s32 $0x400;
	s14 =	sshll.u32 s25, $0x1;
	v15 =	vld [tilespmem:s8+$0x7F0]  }
.LBB2_3:
0x73: {  	p0 =	sne.s32 s10, $0x6000;
	v1 =	vld [tilespmem:s8+$0x800]  }
0x74: {  	v2 =	vld [tilespmem:s8+$0x830]  }
0x75: {  	v16 =	vld [tilespmem:s8+$0x840]  }
0x76: {  	v17 =	vld [tilespmem:s8+$0x870]  }
0x77: {  	v3 =	vadd.f32 v13, v3;
	v12 =	vadd.f32 v14, v12;
	v13 =	vld [tilespmem:s8+$0x880]  }
0x78: {  	v5 =	vadd.f32 v15, v5;
	v1 =	vadd.f32 v1, v11;
	v11 =	vld [tilespmem:s8+$0x8B0]  }
0x79: {  	v3 =	vadd.f32 v9, v3;
	v9 =	vadd.f32 v10, v12;
	v10 =	vld [tilespmem:s8+$0x8C0];
	s8 =	sshra.s32 s10, $0x2  }
0x7a: {  	v2 =	vadd.f32 v2, v5;
	v14 =	vld [tilespmem:s8+$0x890];
	v1 =	vadd.f32 v16, v1  }
0x7b: {  	v3 =	vadd.f32 v6, v3;
	v5 =	vadd.f32 v8, v9;
	v15 =	vld [tilespmem:s8+$0x8A0]  }
0x7c: {  	v2 =	vadd.f32 v17, v2;
	v6 =	vld [tilespmem:s8+$0x850];
	v1 =	vadd.f32 v13, v1  }
0x7d: {  	v3 =	vadd.f32 v4, v3;
	v12 =	vadd.f32 v7, v5;
	v8 =	vld [tilespmem:s8+$0x860]  }
.Ltmp0:
0x7e: {  	v5 =	vadd.f32 v11, v2;
	v9 =	vld [tilespmem:s8+$0x810];
	v11 =	vadd.f32 v10, v1;
	(pc) =	sbr.rel @p0 .LBB2_3-.Ltmp0, $4  }
0x7f: {  	v10 =	vld [tilespmem:s8+$0x820];
	v4 =	vmov v14  }
0x80: {  	v13 =	vld [tilespmem:s8+$0x7D0];
	v7 =	vmov v15  }
0x81: {  	v14 =	vld [tilespmem:s8+$0x7E0]  }
0x82: {  	s10 =	sadd.s32 $0x400, s10;
	v15 =	vld [tilespmem:s8+$0x7F0]  }
0x83: {  	v16 =	vld [tilespmem:s8+$0x800]  }
0x84: {  	v17 =	vld [tilespmem:s8+$0x830]  }
0x85: {  	v18 =	vld [tilespmem:s8+$0x840]  }
0x86: {  	v19 =	vld [tilespmem:s8+$0x870]  }
0x87: {  	v20 =	vld [tilespmem:s8+$0x880]  }
0x88: {  	v21 =	vld [tilespmem:s8+$0x8B0]  }
0x89: {  	v22 =	vld [tilespmem:s8+$0x8C0];
	s8 =	simm.s32 $0x0  }
0x8a: {  	v1 =	vld [tilespmem:s8+$0xD0D0]  }
0x8b: {  	v2 =	vld [tilespmem:s8+$0xD0E0]  }
0x8c: {  	v13 =	vadd.f32 v13, v3;
	v3 =	vld [tilespmem:s8+$0xD090]  }
0x8d: {  	v12 =	vadd.f32 v14, v12;
	v14 =	vadd.f32 v15, v5;
	v5 =	vld [tilespmem:s8+$0xD0A0]  }
0x8e: {  	v13 =	vadd.f32 v9, v13;
	v9 =	vld [tilespmem:s8+$0xD050];
	v11 =	vadd.f32 v16, v11  }
0x8f: {  	v12 =	vadd.f32 v10, v12;
	v10 =	vld [tilespmem:s8+$0xD060];
	v14 =	vadd.f32 v17, v14  }
0x90: {  	v16 =	vld [tilespmem:s8+$0xCFD0];
	v6 =	vadd.f32 v6, v13;
	v15 =	vadd.f32 v18, v11  }
0x91: {  	v17 =	vld [tilespmem:s8+$0xCFF0];
	v8 =	vadd.f32 v8, v12;
	v13 =	vadd.f32 v19, v14  }
0x92: {  	v11 =	vld [tilespmem:s8+$0xD010];
	v6 =	vadd.f32 v4, v6;
	v14 =	vadd.f32 v20, v15  }
0x93: {  	v12 =	vld [tilespmem:s8+$0xD020];
	v4 =	vadd.f32 v7, v8;
	v15 =	vimm.f32 $0.0e+00;
	v8 =	vadd.f32 v21, v13  }
0x94: {  	s10 =	simm.s32 $0x500;
	v18 =	vld [tilespmem:s8+$0xCFE0];
	v13 =	vimm.f32 $0.0e+00;
	v7 =	vadd.f32 v22, v14;
	v14 =	vimm.f32 $0.0e+00  }
.LBB2_5:
0x95: {  	p0 =	sne.s32 s10, $0x1400;
	v19 =	vld [tilespmem:s8+$0xD000]  }
0x96: {  	v20 =	vld [tilespmem:s8+$0xD030]  }
0x97: {  	v21 =	vld [tilespmem:s8+$0xD040]  }
0x98: {  	v22 =	vld [tilespmem:s8+$0xD070]  }
0x99: {  	v0 =	vadd.f32 v16, v0;
	v15 =	vadd.f32 v18, v15;
	v16 =	vld [tilespmem:s8+$0xD080]  }
0x9a: {  	v13 =	vadd.f32 v17, v13;
	v14 =	vadd.f32 v19, v14;
	v17 =	vld [tilespmem:s8+$0xD0B0]  }
0x9b: {  	v0 =	vadd.f32 v11, v0;
	v11 =	vadd.f32 v12, v15;
	v12 =	vld [tilespmem:s8+$0xD0C0]  }
0x9c: {  	v13 =	vadd.f32 v20, v13;
	v14 =	vadd.f32 v21, v14;
	v18 =	vld [tilespmem:s8+$0xD0F0]  }
0x9d: {  	v0 =	vadd.f32 v9, v0;
	v9 =	vadd.f32 v10, v11;
	v10 =	vld [tilespmem:s8+$0xD100];
	s8 =	sshra.s32 s10, $0x2  }
0x9e: {  	v13 =	vadd.f32 v22, v13;
	v11 =	vld [tilespmem:s8+$0xD0D0];
	v14 =	vadd.f32 v16, v14  }
0x9f: {  	v0 =	vadd.f32 v3, v0;
	v9 =	vadd.f32 v5, v9;
	v16 =	vld [tilespmem:s8+$0xD0E0]  }
0xa0: {  	v13 =	vadd.f32 v17, v13;
	v3 =	vld [tilespmem:s8+$0xD090];
	v12 =	vadd.f32 v12, v14  }
0xa1: {  	v0 =	vadd.f32 v1, v0;
	v15 =	vadd.f32 v2, v9;
	v5 =	vld [tilespmem:s8+$0xD0A0]  }
0xa2: {  	v13 =	vadd.f32 v18, v13;
	v9 =	vld [tilespmem:s8+$0xD050];
	v14 =	vadd.f32 v10, v12  }
0xa3: {  	v10 =	vld [tilespmem:s8+$0xD060];
	v1 =	vmov v11  }
.Ltmp1:
0xa4: {  	v11 =	vld [tilespmem:s8+$0xD010];
	v2 =	vmov v16;
	(pc) =	sbr.rel @p0 .LBB2_5-.Ltmp1, $4  }
0xa5: {  	v12 =	vld [tilespmem:s8+$0xD020]  }
0xa6: {  	v16 =	vld [tilespmem:s8+$0xCFD0]  }
0xa7: {  	v18 =	vld [tilespmem:s8+$0xCFE0]  }
0xa8: {  	s10 =	sadd.s32 $0x500, s10;
	v17 =	vld [tilespmem:s8+$0xCFF0]  }
0xa9: {  	v19 =	vld [tilespmem:s8+$0xD000]  }
0xaa: {  	v20 =	vld [tilespmem:s8+$0xD030]  }
0xab: {  	v21 =	vld [tilespmem:s8+$0xD040];
	v0 =	vadd.f32 v16, v0  }
0xac: {  	v22 =	vld [tilespmem:s8+$0xD070];
	v15 =	vadd.f32 v18, v15  }
0xad: {  	v16 =	vld [tilespmem:s8+$0xD080];
	v13 =	vadd.f32 v17, v13;
	v0 =	vadd.f32 v11, v0  }
0xae: {  	v17 =	vld [tilespmem:s8+$0xD0B0];
	v14 =	vadd.f32 v19, v14;
	v11 =	vadd.f32 v12, v15  }
0xaf: {  	v12 =	vld [tilespmem:s8+$0xD0C0];
	v13 =	vadd.f32 v20, v13;
	v0 =	vadd.f32 v9, v0  }
0xb0: {  	v15 =	vld [tilespmem:s8+$0xD0F0];
	v14 =	vadd.f32 v21, v14;
	v9 =	vadd.f32 v10, v11  }
0xb1: {  	v10 =	vld [tilespmem:s8+$0xD100];
	v11 =	vadd.f32 v22, v13;
	v0 =	vadd.f32 v3, v0  }
0xb2: {  	v13 =	vadd.f32 v16, v14;
	v3 =	vadd.f32 v5, v9  }
0xb3: {  	v5 =	vadd.f32 v17, v11;
	v0 =	vadd.f32 v1, v0  }
0xb4: {  	v9 =	vadd.f32 v12, v13;
	v1 =	vadd.f32 v2, v3  }
0xb5: {  	v3 =	vadd.f32 v8, v6;
	v2 =	vadd.f32 v15, v5  }
0xb6: {  	v4 =	vadd.f32 v7, v4;
	v5 =	vadd.f32 v10, v9  }
0xb7: {  	s11 =	sshll.u32 s25, $0x9;
	v0 =	vadd.f32 v2, v0;
	v2 =	vmul.f32 $4.999999890e-03, v3  }
0xb8: {  	s8 =	sand.u32 $0x3FFFFE00, s11;
	v3 =	vmul.f32 $4.999999890e-03, v4;
	v1 =	vadd.f32 v5, v1  }
0xb9: {  	[tilespmem:s8+$0x101D0] =	vst v2;
	v0 =	vmul.f32 $1.999999960e-02, v0  }
0xba: {  	[tilespmem:s8+$0x101E0] =	vst v3;
	v1 =	vmul.f32 $1.999999960e-02, v1  }
0xbb: {  	[tilespmem:s8+$0x101F0] =	vst v0  }
0xbc: {  	s10 =	simm.s32 $0x0;
	[tilespmem:s8+$0x10200] =	vst v1  }
0xbd: {  	v4 =	vld [tilespmem:s10+$0x2190]  }
0xbe: {  	v7 =	vld [tilespmem:s10+$0x21A0]  }
0xbf: {  	v6 =	vld [tilespmem:s10+$0x2150]  }
0xc0: {  	v8 =	vld [tilespmem:s10+$0x2160]  }
0xc1: {  	v9 =	vld [tilespmem:s10+$0x2110]  }
0xc2: {  	v10 =	vld [tilespmem:s10+$0x2120]  }
0xc3: {  	v13 =	vld [tilespmem:s10+$0x20D0]  }
0xc4: {  	v11 =	vimm.f32 $0.0e+00;
	v12 =	vimm.f32 $0.0e+00;
	v15 =	vld [tilespmem:s10+$0x20E0]  }
0xc5: {  	s11 =	simm.s32 $0x400;
	v5 =	vimm.f32 $0.0e+00;
	v3 =	vimm.f32 $0.0e+00;
	v0 =	vimm.f32 $0.0e+00;
	v14 =	vld [tilespmem:s10+$0x20F0]  }
.LBB2_7:
0xc6: {  	p0 =	sne.s32 s11, $0x6000;
	v1 =	vld [tilespmem:s10+$0x2100]  }
0xc7: {  	v2 =	vld [tilespmem:s10+$0x2130]  }
0xc8: {  	v16 =	vld [tilespmem:s10+$0x2140]  }
0xc9: {  	v17 =	vld [tilespmem:s10+$0x2170]  }
0xca: {  	v3 =	vadd.f32 v13, v3;
	v12 =	vadd.f32 v15, v12;
	v13 =	vld [tilespmem:s10+$0x2180]  }
0xcb: {  	v5 =	vadd.f32 v14, v5;
	v1 =	vadd.f32 v1, v11;
	v11 =	vld [tilespmem:s10+$0x21B0]  }
0xcc: {  	v3 =	vadd.f32 v9, v3;
	v9 =	vadd.f32 v10, v12;
	v10 =	vld [tilespmem:s10+$0x21C0];
	s10 =	sshra.s32 s11, $0x2  }
0xcd: {  	v2 =	vadd.f32 v2, v5;
	v14 =	vld [tilespmem:s10+$0x2190];
	v1 =	vadd.f32 v16, v1  }
0xce: {  	v3 =	vadd.f32 v6, v3;
	v5 =	vadd.f32 v8, v9;
	v15 =	vld [tilespmem:s10+$0x21A0]  }
0xcf: {  	v2 =	vadd.f32 v17, v2;
	v6 =	vld [tilespmem:s10+$0x2150];
	v1 =	vadd.f32 v13, v1  }
0xd0: {  	v3 =	vadd.f32 v4, v3;
	v12 =	vadd.f32 v7, v5;
	v8 =	vld [tilespmem:s10+$0x2160]  }
.Ltmp2:
0xd1: {  	v5 =	vadd.f32 v11, v2;
	v9 =	vld [tilespmem:s10+$0x2110];
	v11 =	vadd.f32 v10, v1;
	(pc) =	sbr.rel @p0 .LBB2_7-.Ltmp2, $4  }
0xd2: {  	v10 =	vld [tilespmem:s10+$0x2120];
	v4 =	vmov v14  }
0xd3: {  	v13 =	vld [tilespmem:s10+$0x20D0];
	v7 =	vmov v15  }
0xd4: {  	v15 =	vld [tilespmem:s10+$0x20E0]  }
0xd5: {  	s11 =	sadd.s32 $0x400, s11;
	v14 =	vld [tilespmem:s10+$0x20F0]  }
0xd6: {  	v16 =	vld [tilespmem:s10+$0x2100]  }
0xd7: {  	v17 =	vld [tilespmem:s10+$0x2130]  }
0xd8: {  	v18 =	vld [tilespmem:s10+$0x2140]  }
0xd9: {  	v19 =	vld [tilespmem:s10+$0x2170]  }
0xda: {  	v20 =	vld [tilespmem:s10+$0x2180]  }
0xdb: {  	v21 =	vld [tilespmem:s10+$0x21B0]  }
0xdc: {  	v22 =	vld [tilespmem:s10+$0x21C0];
	s10 =	simm.s32 $0x0  }
0xdd: {  	v1 =	vld [tilespmem:s10+$0xD710]  }
0xde: {  	v2 =	vld [tilespmem:s10+$0xD720]  }
0xdf: {  	v13 =	vadd.f32 v13, v3;
	v3 =	vld [tilespmem:s10+$0xD6D0]  }
0xe0: {  	v12 =	vadd.f32 v15, v12;
	v14 =	vadd.f32 v14, v5;
	v5 =	vld [tilespmem:s10+$0xD6E0]  }
0xe1: {  	v13 =	vadd.f32 v9, v13;
	v9 =	vld [tilespmem:s10+$0xD690];
	v11 =	vadd.f32 v16, v11  }
0xe2: {  	v12 =	vadd.f32 v10, v12;
	v10 =	vld [tilespmem:s10+$0xD6A0];
	v14 =	vadd.f32 v17, v14  }
0xe3: {  	v16 =	vld [tilespmem:s10+$0xD610];
	v6 =	vadd.f32 v6, v13;
	v15 =	vadd.f32 v18, v11  }
0xe4: {  	v17 =	vld [tilespmem:s10+$0xD630];
	v8 =	vadd.f32 v8, v12;
	v13 =	vadd.f32 v19, v14  }
0xe5: {  	v11 =	vld [tilespmem:s10+$0xD650];
	v6 =	vadd.f32 v4, v6;
	v14 =	vadd.f32 v20, v15  }
0xe6: {  	v12 =	vld [tilespmem:s10+$0xD660];
	v4 =	vadd.f32 v7, v8;
	v15 =	vimm.f32 $0.0e+00;
	v8 =	vadd.f32 v21, v13  }
0xe7: {  	s11 =	simm.s32 $0x500;
	v18 =	vld [tilespmem:s10+$0xD620];
	v13 =	vimm.f32 $0.0e+00;
	v7 =	vadd.f32 v22, v14;
	v14 =	vimm.f32 $0.0e+00  }
.LBB2_9:
0xe8: {  	p0 =	sne.s32 s11, $0x1400;
	v19 =	vld [tilespmem:s10+$0xD640]  }
0xe9: {  	v20 =	vld [tilespmem:s10+$0xD670]  }
0xea: {  	v21 =	vld [tilespmem:s10+$0xD680]  }
0xeb: {  	v22 =	vld [tilespmem:s10+$0xD6B0]  }
0xec: {  	v0 =	vadd.f32 v16, v0;
	v15 =	vadd.f32 v18, v15;
	v16 =	vld [tilespmem:s10+$0xD6C0]  }
0xed: {  	v13 =	vadd.f32 v17, v13;
	v14 =	vadd.f32 v19, v14;
	v17 =	vld [tilespmem:s10+$0xD6F0]  }
0xee: {  	v0 =	vadd.f32 v11, v0;
	v11 =	vadd.f32 v12, v15;
	v12 =	vld [tilespmem:s10+$0xD700]  }
0xef: {  	v13 =	vadd.f32 v20, v13;
	v14 =	vadd.f32 v21, v14;
	v18 =	vld [tilespmem:s10+$0xD730]  }
0xf0: {  	v0 =	vadd.f32 v9, v0;
	v9 =	vadd.f32 v10, v11;
	v10 =	vld [tilespmem:s10+$0xD740];
	s10 =	sshra.s32 s11, $0x2  }
0xf1: {  	v13 =	vadd.f32 v22, v13;
	v11 =	vld [tilespmem:s10+$0xD710];
	v14 =	vadd.f32 v16, v14  }
0xf2: {  	v0 =	vadd.f32 v3, v0;
	v9 =	vadd.f32 v5, v9;
	v16 =	vld [tilespmem:s10+$0xD720]  }
0xf3: {  	v13 =	vadd.f32 v17, v13;
	v3 =	vld [tilespmem:s10+$0xD6D0];
	v12 =	vadd.f32 v12, v14  }
0xf4: {  	v0 =	vadd.f32 v1, v0;
	v15 =	vadd.f32 v2, v9;
	v5 =	vld [tilespmem:s10+$0xD6E0]  }
0xf5: {  	v13 =	vadd.f32 v18, v13;
	v9 =	vld [tilespmem:s10+$0xD690];
	v14 =	vadd.f32 v10, v12  }
0xf6: {  	v10 =	vld [tilespmem:s10+$0xD6A0];
	v1 =	vmov v11  }
.Ltmp3:
0xf7: {  	v11 =	vld [tilespmem:s10+$0xD650];
	v2 =	vmov v16;
	(pc) =	sbr.rel @p0 .LBB2_9-.Ltmp3, $4  }
0xf8: {  	v12 =	vld [tilespmem:s10+$0xD660]  }
0xf9: {  	v16 =	vld [tilespmem:s10+$0xD610]  }
0xfa: {  	v18 =	vld [tilespmem:s10+$0xD620]  }
0xfb: {  	s11 =	sadd.s32 $0x500, s11;
	v17 =	vld [tilespmem:s10+$0xD630]  }
0xfc: {  	v19 =	vld [tilespmem:s10+$0xD640]  }
0xfd: {  	v20 =	vld [tilespmem:s10+$0xD670]  }
0xfe: {  	v21 =	vld [tilespmem:s10+$0xD680];
	v0 =	vadd.f32 v16, v0  }
0xff: {  	v22 =	vld [tilespmem:s10+$0xD6B0];
	v15 =	vadd.f32 v18, v15  }
0x100: {  	v16 =	vld [tilespmem:s10+$0xD6C0];
	v13 =	vadd.f32 v17, v13;
	v0 =	vadd.f32 v11, v0  }
0x101: {  	v17 =	vld [tilespmem:s10+$0xD6F0];
	v14 =	vadd.f32 v19, v14;
	v11 =	vadd.f32 v12, v15  }
0x102: {  	v12 =	vld [tilespmem:s10+$0xD700];
	v13 =	vadd.f32 v20, v13;
	v0 =	vadd.f32 v9, v0  }
0x103: {  	v15 =	vld [tilespmem:s10+$0xD730];
	v14 =	vadd.f32 v21, v14;
	v9 =	vadd.f32 v10, v11  }
0x104: {  	v10 =	vld [tilespmem:s10+$0xD740];
	v11 =	vadd.f32 v22, v13;
	v0 =	vadd.f32 v3, v0  }
0x105: {  	v13 =	vadd.f32 v16, v14;
	v3 =	vadd.f32 v5, v9  }
0x106: {  	v5 =	vadd.f32 v17, v11;
	v0 =	vadd.f32 v1, v0  }
0x107: {  	v9 =	vadd.f32 v12, v13;
	v1 =	vadd.f32 v2, v3  }
0x108: {  	v3 =	vadd.f32 v8, v6;
	v2 =	vadd.f32 v15, v5  }
0x109: {  	v4 =	vadd.f32 v7, v4;
	v5 =	vadd.f32 v10, v9  }
0x10a: {  	v0 =	vadd.f32 v2, v0;
	v2 =	vmul.f32 $4.999999890e-03, v3  }
0x10b: {  	v3 =	vmul.f32 $4.999999890e-03, v4;
	v1 =	vadd.f32 v5, v1  }
0x10c: {  	[tilespmem:s8+$0x10210] =	vst v2;
	v0 =	vmul.f32 $1.999999960e-02, v0  }
0x10d: {  	[tilespmem:s8+$0x10220] =	vst v3;
	v1 =	vmul.f32 $1.999999960e-02, v1  }
0x10e: {  	[tilespmem:s8+$0x10230] =	vst v0  }
0x10f: {  	s10 =	simm.s32 $0x0;
	[tilespmem:s8+$0x10240] =	vst v1  }
0x110: {  	v4 =	vld [tilespmem:s10+$0x3A90]  }
0x111: {  	v7 =	vld [tilespmem:s10+$0x3AA0]  }
0x112: {  	v6 =	vld [tilespmem:s10+$0x3A50]  }
0x113: {  	v8 =	vld [tilespmem:s10+$0x3A60]  }
0x114: {  	v9 =	vld [tilespmem:s10+$0x3A10]  }
0x115: {  	v10 =	vld [tilespmem:s10+$0x3A20]  }
0x116: {  	v13 =	vld [tilespmem:s10+$0x39D0]  }
0x117: {  	v11 =	vimm.f32 $0.0e+00;
	v12 =	vimm.f32 $0.0e+00;
	v15 =	vld [tilespmem:s10+$0x39E0]  }
0x118: {  	s11 =	simm.s32 $0x400;
	v5 =	vimm.f32 $0.0e+00;
	v3 =	vimm.f32 $0.0e+00;
	v0 =	vimm.f32 $0.0e+00;
	v14 =	vld [tilespmem:s10+$0x39F0]  }
.LBB2_11:
0x119: {  	p0 =	sne.s32 s11, $0x6000;
	v1 =	vld [tilespmem:s10+$0x3A00]  }
0x11a: {  	v2 =	vld [tilespmem:s10+$0x3A30]  }
0x11b: {  	v16 =	vld [tilespmem:s10+$0x3A40]  }
0x11c: {  	v17 =	vld [tilespmem:s10+$0x3A70]  }
0x11d: {  	v3 =	vadd.f32 v13, v3;
	v12 =	vadd.f32 v15, v12;
	v13 =	vld [tilespmem:s10+$0x3A80]  }
0x11e: {  	v5 =	vadd.f32 v14, v5;
	v1 =	vadd.f32 v1, v11;
	v11 =	vld [tilespmem:s10+$0x3AB0]  }
0x11f: {  	v3 =	vadd.f32 v9, v3;
	v9 =	vadd.f32 v10, v12;
	v10 =	vld [tilespmem:s10+$0x3AC0];
	s10 =	sshra.s32 s11, $0x2  }
0x120: {  	v2 =	vadd.f32 v2, v5;
	v14 =	vld [tilespmem:s10+$0x3A90];
	v1 =	vadd.f32 v16, v1  }
0x121: {  	v3 =	vadd.f32 v6, v3;
	v5 =	vadd.f32 v8, v9;
	v15 =	vld [tilespmem:s10+$0x3AA0]  }
0x122: {  	v2 =	vadd.f32 v17, v2;
	v6 =	vld [tilespmem:s10+$0x3A50];
	v1 =	vadd.f32 v13, v1  }
0x123: {  	v3 =	vadd.f32 v4, v3;
	v12 =	vadd.f32 v7, v5;
	v8 =	vld [tilespmem:s10+$0x3A60]  }
.Ltmp4:
0x124: {  	v5 =	vadd.f32 v11, v2;
	v9 =	vld [tilespmem:s10+$0x3A10];
	v11 =	vadd.f32 v10, v1;
	(pc) =	sbr.rel @p0 .LBB2_11-.Ltmp4, $4  }
0x125: {  	v10 =	vld [tilespmem:s10+$0x3A20];
	v4 =	vmov v14  }
0x126: {  	v13 =	vld [tilespmem:s10+$0x39D0];
	v7 =	vmov v15  }
0x127: {  	v15 =	vld [tilespmem:s10+$0x39E0]  }
0x128: {  	s11 =	sadd.s32 $0x400, s11;
	v14 =	vld [tilespmem:s10+$0x39F0]  }
0x129: {  	v16 =	vld [tilespmem:s10+$0x3A00]  }
0x12a: {  	v17 =	vld [tilespmem:s10+$0x3A30]  }
0x12b: {  	v18 =	vld [tilespmem:s10+$0x3A40]  }
0x12c: {  	v19 =	vld [tilespmem:s10+$0x3A70]  }
0x12d: {  	v20 =	vld [tilespmem:s10+$0x3A80]  }
0x12e: {  	v21 =	vld [tilespmem:s10+$0x3AB0]  }
0x12f: {  	v22 =	vld [tilespmem:s10+$0x3AC0];
	s10 =	simm.s32 $0x0  }
0x130: {  	v1 =	vld [tilespmem:s10+$0xDD50]  }
0x131: {  	v2 =	vld [tilespmem:s10+$0xDD60]  }
0x132: {  	v13 =	vadd.f32 v13, v3;
	v3 =	vld [tilespmem:s10+$0xDD10]  }
0x133: {  	v12 =	vadd.f32 v15, v12;
	v14 =	vadd.f32 v14, v5;
	v5 =	vld [tilespmem:s10+$0xDD20]  }
0x134: {  	v13 =	vadd.f32 v9, v13;
	v9 =	vld [tilespmem:s10+$0xDCD0];
	v11 =	vadd.f32 v16, v11  }
0x135: {  	v12 =	vadd.f32 v10, v12;
	v10 =	vld [tilespmem:s10+$0xDCE0];
	v14 =	vadd.f32 v17, v14  }
0x136: {  	v16 =	vld [tilespmem:s10+$0xDC50];
	v6 =	vadd.f32 v6, v13;
	v15 =	vadd.f32 v18, v11  }
0x137: {  	v17 =	vld [tilespmem:s10+$0xDC70];
	v8 =	vadd.f32 v8, v12;
	v13 =	vadd.f32 v19, v14  }
0x138: {  	v11 =	vld [tilespmem:s10+$0xDC90];
	v6 =	vadd.f32 v4, v6;
	v14 =	vadd.f32 v20, v15  }
0x139: {  	v12 =	vld [tilespmem:s10+$0xDCA0];
	v4 =	vadd.f32 v7, v8;
	v15 =	vimm.f32 $0.0e+00;
	v8 =	vadd.f32 v21, v13  }
0x13a: {  	s11 =	simm.s32 $0x500;
	v18 =	vld [tilespmem:s10+$0xDC60];
	v13 =	vimm.f32 $0.0e+00;
	v7 =	vadd.f32 v22, v14;
	v14 =	vimm.f32 $0.0e+00  }
.LBB2_13:
0x13b: {  	p0 =	sne.s32 s11, $0x1400;
	v19 =	vld [tilespmem:s10+$0xDC80]  }
0x13c: {  	v20 =	vld [tilespmem:s10+$0xDCB0]  }
0x13d: {  	v21 =	vld [tilespmem:s10+$0xDCC0]  }
0x13e: {  	v22 =	vld [tilespmem:s10+$0xDCF0]  }
0x13f: {  	v0 =	vadd.f32 v16, v0;
	v15 =	vadd.f32 v18, v15;
	v16 =	vld [tilespmem:s10+$0xDD00]  }
0x140: {  	v13 =	vadd.f32 v17, v13;
	v14 =	vadd.f32 v19, v14;
	v17 =	vld [tilespmem:s10+$0xDD30]  }
0x141: {  	v0 =	vadd.f32 v11, v0;
	v11 =	vadd.f32 v12, v15;
	v12 =	vld [tilespmem:s10+$0xDD40]  }
0x142: {  	v13 =	vadd.f32 v20, v13;
	v14 =	vadd.f32 v21, v14;
	v18 =	vld [tilespmem:s10+$0xDD70]  }
0x143: {  	v0 =	vadd.f32 v9, v0;
	v9 =	vadd.f32 v10, v11;
	v10 =	vld [tilespmem:s10+$0xDD80];
	s10 =	sshra.s32 s11, $0x2  }
0x144: {  	v13 =	vadd.f32 v22, v13;
	v11 =	vld [tilespmem:s10+$0xDD50];
	v14 =	vadd.f32 v16, v14  }
0x145: {  	v0 =	vadd.f32 v3, v0;
	v9 =	vadd.f32 v5, v9;
	v16 =	vld [tilespmem:s10+$0xDD60]  }
0x146: {  	v13 =	vadd.f32 v17, v13;
	v3 =	vld [tilespmem:s10+$0xDD10];
	v12 =	vadd.f32 v12, v14  }
0x147: {  	v0 =	vadd.f32 v1, v0;
	v15 =	vadd.f32 v2, v9;
	v5 =	vld [tilespmem:s10+$0xDD20]  }
0x148: {  	v13 =	vadd.f32 v18, v13;
	v9 =	vld [tilespmem:s10+$0xDCD0];
	v14 =	vadd.f32 v10, v12  }
0x149: {  	v10 =	vld [tilespmem:s10+$0xDCE0];
	v1 =	vmov v11  }
.Ltmp5:
0x14a: {  	v11 =	vld [tilespmem:s10+$0xDC90];
	v2 =	vmov v16;
	(pc) =	sbr.rel @p0 .LBB2_13-.Ltmp5, $4  }
0x14b: {  	v12 =	vld [tilespmem:s10+$0xDCA0]  }
0x14c: {  	v16 =	vld [tilespmem:s10+$0xDC50]  }
0x14d: {  	v18 =	vld [tilespmem:s10+$0xDC60]  }
0x14e: {  	s11 =	sadd.s32 $0x500, s11;
	v17 =	vld [tilespmem:s10+$0xDC70]  }
0x14f: {  	v19 =	vld [tilespmem:s10+$0xDC80]  }
0x150: {  	v20 =	vld [tilespmem:s10+$0xDCB0]  }
0x151: {  	v21 =	vld [tilespmem:s10+$0xDCC0];
	v0 =	vadd.f32 v16, v0  }
0x152: {  	v22 =	vld [tilespmem:s10+$0xDCF0];
	v15 =	vadd.f32 v18, v15  }
0x153: {  	v16 =	vld [tilespmem:s10+$0xDD00];
	v13 =	vadd.f32 v17, v13;
	v0 =	vadd.f32 v11, v0  }
0x154: {  	v17 =	vld [tilespmem:s10+$0xDD30];
	v14 =	vadd.f32 v19, v14;
	v11 =	vadd.f32 v12, v15  }
0x155: {  	v12 =	vld [tilespmem:s10+$0xDD40];
	v13 =	vadd.f32 v20, v13;
	v0 =	vadd.f32 v9, v0  }
0x156: {  	v15 =	vld [tilespmem:s10+$0xDD70];
	v14 =	vadd.f32 v21, v14;
	v9 =	vadd.f32 v10, v11  }
0x157: {  	v10 =	vld [tilespmem:s10+$0xDD80];
	v11 =	vadd.f32 v22, v13;
	v0 =	vadd.f32 v3, v0  }
0x158: {  	v13 =	vadd.f32 v16, v14;
	v3 =	vadd.f32 v5, v9  }
0x159: {  	v5 =	vadd.f32 v17, v11;
	v0 =	vadd.f32 v1, v0  }
0x15a: {  	v9 =	vadd.f32 v12, v13;
	v1 =	vadd.f32 v2, v3  }
0x15b: {  	v3 =	vadd.f32 v8, v6;
	v2 =	vadd.f32 v15, v5  }
0x15c: {  	v4 =	vadd.f32 v7, v4;
	v5 =	vadd.f32 v10, v9  }
0x15d: {  	v0 =	vadd.f32 v2, v0;
	v2 =	vmul.f32 $4.999999890e-03, v3  }
0x15e: {  	v3 =	vmul.f32 $4.999999890e-03, v4;
	v1 =	vadd.f32 v5, v1  }
0x15f: {  	[tilespmem:s8+$0x10250] =	vst v2;
	v0 =	vmul.f32 $1.999999960e-02, v0  }
0x160: {  	[tilespmem:s8+$0x10260] =	vst v3;
	v1 =	vmul.f32 $1.999999960e-02, v1  }
0x161: {  	[tilespmem:s8+$0x10270] =	vst v0  }
0x162: {  	s10 =	simm.s32 $0x0;
	[tilespmem:s8+$0x10280] =	vst v1  }
0x163: {  	v4 =	vld [tilespmem:s10+$0x5390]  }
0x164: {  	v7 =	vld [tilespmem:s10+$0x53A0]  }
0x165: {  	v6 =	vld [tilespmem:s10+$0x5350]  }
0x166: {  	v8 =	vld [tilespmem:s10+$0x5360]  }
0x167: {  	v9 =	vld [tilespmem:s10+$0x5310]  }
0x168: {  	v10 =	vld [tilespmem:s10+$0x5320]  }
0x169: {  	v13 =	vld [tilespmem:s10+$0x52D0]  }
0x16a: {  	v11 =	vimm.f32 $0.0e+00;
	v12 =	vimm.f32 $0.0e+00;
	v15 =	vld [tilespmem:s10+$0x52E0]  }
0x16b: {  	s11 =	simm.s32 $0x400;
	v5 =	vimm.f32 $0.0e+00;
	v3 =	vimm.f32 $0.0e+00;
	v0 =	vimm.f32 $0.0e+00;
	v14 =	vld [tilespmem:s10+$0x52F0]  }
.LBB2_15:
0x16c: {  	p0 =	sne.s32 s11, $0x6000;
	v1 =	vld [tilespmem:s10+$0x5300]  }
0x16d: {  	v2 =	vld [tilespmem:s10+$0x5330]  }
0x16e: {  	v16 =	vld [tilespmem:s10+$0x5340]  }
0x16f: {  	v17 =	vld [tilespmem:s10+$0x5370]  }
0x170: {  	v3 =	vadd.f32 v13, v3;
	v12 =	vadd.f32 v15, v12;
	v13 =	vld [tilespmem:s10+$0x5380]  }
0x171: {  	v5 =	vadd.f32 v14, v5;
	v1 =	vadd.f32 v1, v11;
	v11 =	vld [tilespmem:s10+$0x53B0]  }
0x172: {  	v3 =	vadd.f32 v9, v3;
	v9 =	vadd.f32 v10, v12;
	v10 =	vld [tilespmem:s10+$0x53C0];
	s10 =	sshra.s32 s11, $0x2  }
0x173: {  	v2 =	vadd.f32 v2, v5;
	v14 =	vld [tilespmem:s10+$0x5390];
	v1 =	vadd.f32 v16, v1  }
0x174: {  	v3 =	vadd.f32 v6, v3;
	v5 =	vadd.f32 v8, v9;
	v15 =	vld [tilespmem:s10+$0x53A0]  }
0x175: {  	v2 =	vadd.f32 v17, v2;
	v6 =	vld [tilespmem:s10+$0x5350];
	v1 =	vadd.f32 v13, v1  }
0x176: {  	v3 =	vadd.f32 v4, v3;
	v12 =	vadd.f32 v7, v5;
	v8 =	vld [tilespmem:s10+$0x5360]  }
.Ltmp6:
0x177: {  	v5 =	vadd.f32 v11, v2;
	v9 =	vld [tilespmem:s10+$0x5310];
	v11 =	vadd.f32 v10, v1;
	(pc) =	sbr.rel @p0 .LBB2_15-.Ltmp6, $4  }
0x178: {  	v10 =	vld [tilespmem:s10+$0x5320];
	v4 =	vmov v14  }
0x179: {  	v13 =	vld [tilespmem:s10+$0x52D0];
	v7 =	vmov v15  }
0x17a: {  	v15 =	vld [tilespmem:s10+$0x52E0]  }
0x17b: {  	s11 =	sadd.s32 $0x400, s11;
	v14 =	vld [tilespmem:s10+$0x52F0]  }
0x17c: {  	v16 =	vld [tilespmem:s10+$0x5300]  }
0x17d: {  	v17 =	vld [tilespmem:s10+$0x5330]  }
0x17e: {  	v18 =	vld [tilespmem:s10+$0x5340]  }
0x17f: {  	v19 =	vld [tilespmem:s10+$0x5370]  }
0x180: {  	v20 =	vld [tilespmem:s10+$0x5380]  }
0x181: {  	v21 =	vld [tilespmem:s10+$0x53B0]  }
0x182: {  	v22 =	vld [tilespmem:s10+$0x53C0];
	s10 =	simm.s32 $0x0  }
0x183: {  	v1 =	vld [tilespmem:s10+$0xE390]  }
0x184: {  	v2 =	vld [tilespmem:s10+$0xE3A0]  }
0x185: {  	v13 =	vadd.f32 v13, v3;
	v3 =	vld [tilespmem:s10+$0xE350]  }
0x186: {  	v12 =	vadd.f32 v15, v12;
	v14 =	vadd.f32 v14, v5;
	v5 =	vld [tilespmem:s10+$0xE360]  }
0x187: {  	v13 =	vadd.f32 v9, v13;
	v9 =	vld [tilespmem:s10+$0xE310];
	v11 =	vadd.f32 v16, v11  }
0x188: {  	v12 =	vadd.f32 v10, v12;
	v10 =	vld [tilespmem:s10+$0xE320];
	v14 =	vadd.f32 v17, v14  }
0x189: {  	v16 =	vld [tilespmem:s10+$0xE290];
	v6 =	vadd.f32 v6, v13;
	v15 =	vadd.f32 v18, v11  }
0x18a: {  	v17 =	vld [tilespmem:s10+$0xE2B0];
	v8 =	vadd.f32 v8, v12;
	v13 =	vadd.f32 v19, v14  }
0x18b: {  	v11 =	vld [tilespmem:s10+$0xE2D0];
	v6 =	vadd.f32 v4, v6;
	v14 =	vadd.f32 v20, v15  }
0x18c: {  	v12 =	vld [tilespmem:s10+$0xE2E0];
	v4 =	vadd.f32 v7, v8;
	v15 =	vimm.f32 $0.0e+00;
	v8 =	vadd.f32 v21, v13  }
0x18d: {  	s11 =	simm.s32 $0x500;
	v18 =	vld [tilespmem:s10+$0xE2A0];
	v13 =	vimm.f32 $0.0e+00;
	v7 =	vadd.f32 v22, v14;
	v14 =	vimm.f32 $0.0e+00  }
.LBB2_17:
0x18e: {  	p0 =	sne.s32 s11, $0x1400;
	v19 =	vld [tilespmem:s10+$0xE2C0]  }
0x18f: {  	v20 =	vld [tilespmem:s10+$0xE2F0]  }
0x190: {  	v21 =	vld [tilespmem:s10+$0xE300]  }
0x191: {  	v22 =	vld [tilespmem:s10+$0xE330]  }
0x192: {  	v0 =	vadd.f32 v16, v0;
	v15 =	vadd.f32 v18, v15;
	v16 =	vld [tilespmem:s10+$0xE340]  }
0x193: {  	v13 =	vadd.f32 v17, v13;
	v14 =	vadd.f32 v19, v14;
	v17 =	vld [tilespmem:s10+$0xE370]  }
0x194: {  	v0 =	vadd.f32 v11, v0;
	v11 =	vadd.f32 v12, v15;
	v12 =	vld [tilespmem:s10+$0xE380]  }
0x195: {  	v13 =	vadd.f32 v20, v13;
	v14 =	vadd.f32 v21, v14;
	v18 =	vld [tilespmem:s10+$0xE3B0]  }
0x196: {  	v0 =	vadd.f32 v9, v0;
	v9 =	vadd.f32 v10, v11;
	v10 =	vld [tilespmem:s10+$0xE3C0];
	s10 =	sshra.s32 s11, $0x2  }
0x197: {  	v13 =	vadd.f32 v22, v13;
	v11 =	vld [tilespmem:s10+$0xE390];
	v14 =	vadd.f32 v16, v14  }
0x198: {  	v0 =	vadd.f32 v3, v0;
	v9 =	vadd.f32 v5, v9;
	v16 =	vld [tilespmem:s10+$0xE3A0]  }
0x199: {  	v13 =	vadd.f32 v17, v13;
	v3 =	vld [tilespmem:s10+$0xE350];
	v12 =	vadd.f32 v12, v14  }
0x19a: {  	v0 =	vadd.f32 v1, v0;
	v15 =	vadd.f32 v2, v9;
	v5 =	vld [tilespmem:s10+$0xE360]  }
0x19b: {  	v13 =	vadd.f32 v18, v13;
	v9 =	vld [tilespmem:s10+$0xE310];
	v14 =	vadd.f32 v10, v12  }
0x19c: {  	v10 =	vld [tilespmem:s10+$0xE320];
	v1 =	vmov v11  }
.Ltmp7:
0x19d: {  	v11 =	vld [tilespmem:s10+$0xE2D0];
	v2 =	vmov v16;
	(pc) =	sbr.rel @p0 .LBB2_17-.Ltmp7, $4  }
0x19e: {  	v12 =	vld [tilespmem:s10+$0xE2E0]  }
0x19f: {  	v16 =	vld [tilespmem:s10+$0xE290]  }
0x1a0: {  	v18 =	vld [tilespmem:s10+$0xE2A0]  }
0x1a1: {  	s11 =	sadd.s32 $0x500, s11;
	v17 =	vld [tilespmem:s10+$0xE2B0]  }
0x1a2: {  	v19 =	vld [tilespmem:s10+$0xE2C0]  }
0x1a3: {  	v20 =	vld [tilespmem:s10+$0xE2F0]  }
0x1a4: {  	v21 =	vld [tilespmem:s10+$0xE300];
	v0 =	vadd.f32 v16, v0  }
0x1a5: {  	v22 =	vld [tilespmem:s10+$0xE330];
	v15 =	vadd.f32 v18, v15  }
0x1a6: {  	v16 =	vld [tilespmem:s10+$0xE340];
	v13 =	vadd.f32 v17, v13;
	v0 =	vadd.f32 v11, v0  }
0x1a7: {  	v17 =	vld [tilespmem:s10+$0xE370];
	v14 =	vadd.f32 v19, v14;
	v11 =	vadd.f32 v12, v15  }
0x1a8: {  	v12 =	vld [tilespmem:s10+$0xE380];
	v13 =	vadd.f32 v20, v13;
	v0 =	vadd.f32 v9, v0  }
0x1a9: {  	v15 =	vld [tilespmem:s10+$0xE3B0];
	v14 =	vadd.f32 v21, v14;
	v9 =	vadd.f32 v10, v11  }
0x1aa: {  	v10 =	vld [tilespmem:s10+$0xE3C0];
	v11 =	vadd.f32 v22, v13;
	v0 =	vadd.f32 v3, v0  }
0x1ab: {  	v13 =	vadd.f32 v16, v14;
	v3 =	vadd.f32 v5, v9  }
0x1ac: {  	v5 =	vadd.f32 v17, v11;
	v0 =	vadd.f32 v1, v0  }
0x1ad: {  	v9 =	vadd.f32 v12, v13;
	v1 =	vadd.f32 v2, v3  }
0x1ae: {  	p0 =	seq.s32 s25, $0x3F;
	v3 =	vadd.f32 v8, v6;
	v2 =	vadd.f32 v15, v5  }
0x1af: {  	v4 =	vadd.f32 v7, v4;
	s10 =	sadd.s32 @!p0 $0x2, s14;
	v5 =	vadd.f32 v10, v9  }
0x1b0: {  	s11 =	smul.u32 @!p0 $0xA, s10;
	v0 =	vadd.f32 v2, v0;
	v2 =	vmul.f32 $4.999999890e-03, v3  }
0x1b1: {  	v3 =	vmul.f32 $4.999999890e-03, v4;
	v1 =	vadd.f32 v5, v1  }
0x1b2: {  	s11 =	sadd.s32 @!p0 s7, s11;
	[tilespmem:s8+$0x10290] =	vst v2;
	v0 =	vmul.f32 $1.999999960e-02, v0  }
0x1b3: {  	s11 =	smul.u32 @!p0 $0xA, s11;
	[tilespmem:s8+$0x102A0] =	vst v3;
	v1 =	vmul.f32 $1.999999960e-02, v1  }
0x1b4: {  	[tilespmem:s8+$0x102B0] =	vst v0  }
0x1b5: {  	s10 =	smul.u32 @!p0 $0x5, s10;
	[tilespmem:s8+$0x102C0] =	vst v1;
	s8 =	sadd.s32 @!p0 s3, s11;
	s11 =	simm.s32 @!p0 $0x0  }
0x1b6: {  	[tilespmem:s11], [sflag:$0x5] =	stream.linear.gather @!p0 [hbm4b:s8+s11], $0x320, $0x38;
	[tilespmem:$0x181D0] =	vst v63  }
0x1b7: {  	s10 =	sadd.s32 @!p0 s9, s10;
	s8 =	simm.s32 @!p0 $0x5  }
0x1b8: {  	s10 =	smul.u32 @!p0 $0x5, s10;
	_ =	swait.ge @!p0 [sflag:s8], $0x320  }
0x1b9: {  	[sflag:s8] =	ssyncset.done @!p0 $0x0  }
0x1ba: {  	s14 =	simm.s32 @!p0 $0x640;
	s10 =	sadd.s32 @!p0 s4, s10;
	[sflag:s8] =	ssyncadd.s32 @!p0 $0xFFFFFCE0  }
0x1bb: {  	[tilespmem:s14], [sflag:$0x5] =	stream.linear.gather @!p0 [hbm4b:s10+s11], $0xC8, $0x38;
	[tilespmem:$0x181D0] =	vst v63  }
0x1bc: {  	_ =	swait.ge @!p0 [sflag:s8], $0xC8  }
0x1bd: {  	[sflag:s8] =	ssyncset.done @!p0 $0x0  }
0x1be: {  	s10 =	simm.s32 @!p0 $0x7D0;
	[sflag:s8] =	ssyncadd.s32 @!p0 $0xFFFFFF38;
	s8 =	simm.s32 @!p0 $0x50  }
0x1bf: {  	[tilespmem:s10], [sflag:$0x1] =	stream.indirect.gather @!p0 [hbm4b:s5+s8], $0x20, s11, s8, $0xb8;
	[tilespmem:$0x181D0] =	vst v63  }
0x1c0: {  	s10 =	simm.s32 @!p0 $0x11D0  }
0x1c1: {  	[tilespmem:s10], [sflag:$0x1] =	stream.indirect.gather @!p0 [hbm4b:s5+s8], $0x20, s8, s8, $0xb8;
	[tilespmem:$0x181D0] =	vst v63  }
0x1c2: {  	s11 =	simm.s32 @!p0 $0x1BD0;
	s10 =	simm.s32 @!p0 $0xA0  }
0x1c3: {  	[tilespmem:s11], [sflag:$0x1] =	stream.indirect.gather @!p0 [hbm4b:s5+s8], $0x20, s10, s8, $0xb8;
	[tilespmem:$0x181D0] =	vst v63  }
0x1c4: {  	s10 =	simm.s32 @!p0 $0xF0;
	s11 =	simm.s32 @!p0 $0x25D0  }
0x1c5: {  	[tilespmem:s11], [sflag:$0x1] =	stream.indirect.gather @!p0 [hbm4b:s5+s8], $0x20, s10, s8, $0xb8;
	[tilespmem:$0x181D0] =	vst v63  }
0x1c6: {  	s10 =	simm.s32 @!p0 $0x140;
	s11 =	simm.s32 @!p0 $0x2FD0  }
0x1c7: {  	[tilespmem:s11], [sflag:$0x1] =	stream.indirect.gather @!p0 [hbm4b:s5+s8], $0x20, s10, s8, $0xb8;
	[tilespmem:$0x181D0] =	vst v63  }
0x1c8: {  	s10 =	simm.s32 @!p0 $0x190;
	s11 =	simm.s32 @!p0 $0x39D0  }
0x1c9: {  	[tilespmem:s11], [sflag:$0x1] =	stream.indirect.gather @!p0 [hbm4b:s5+s8], $0x20, s10, s8, $0xb8;
	[tilespmem:$0x181D0] =	vst v63  }
0x1ca: {  	s10 =	simm.s32 @!p0 $0x1E0;
	s11 =	simm.s32 @!p0 $0x43D0  }
0x1cb: {  	[tilespmem:s11], [sflag:$0x1] =	stream.indirect.gather @!p0 [hbm4b:s5+s8], $0x20, s10, s8, $0xb8;
	[tilespmem:$0x181D0] =	vst v63  }
0x1cc: {  	s10 =	simm.s32 @!p0 $0x230;
	s11 =	simm.s32 @!p0 $0x4DD0  }
0x1cd: {  	[tilespmem:s11], [sflag:$0x1] =	stream.indirect.gather @!p0 [hbm4b:s5+s8], $0x20, s10, s8, $0xb8;
	[tilespmem:$0x181D0] =	vst v63  }
0x1ce: {  	s10 =	simm.s32 @!p0 $0x280;
	s11 =	simm.s32 @!p0 $0x57D0  }
0x1cf: {  	[tilespmem:s11], [sflag:$0x1] =	stream.indirect.gather @!p0 [hbm4b:s5+s8], $0x20, s10, s8, $0xb8;
	[tilespmem:$0x181D0] =	vst v63  }
0x1d0: {  	s10 =	simm.s32 @!p0 $0x2D0;
	s11 =	simm.s32 @!p0 $0x61D0  }
0x1d1: {  	[tilespmem:s11], [sflag:$0x1] =	stream.indirect.gather @!p0 [hbm4b:s5+s8], $0x20, s10, s8, $0xb8;
	[tilespmem:$0x181D0] =	vst v63  }
0x1d2: {  	s8 =	simm.s32 @!p0 $0x28;
	s10 =	simm.s32 @!p0 $0xCFD0  }
0x1d3: {  	[tilespmem:s10], [sflag:$0x3] =	stream.indirect.gather @!p0 [hbm4b:s6+s8], $0x20, s14, s8, $0xb8;
	[tilespmem:$0x181D0] =	vst v63  }
0x1d4: {  	s11 =	simm.s32 @!p0 $0xD4D0;
	s10 =	simm.s32 @!p0 $0x668  }
0x1d5: {  	[tilespmem:s11], [sflag:$0x3] =	stream.indirect.gather @!p0 [hbm4b:s6+s8], $0x20, s10, s8, $0xb8;
	[tilespmem:$0x181D0] =	vst v63  }
0x1d6: {  	s10 =	simm.s32 @!p0 $0x690;
	s11 =	simm.s32 @!p0 $0xD9D0  }
0x1d7: {  	[tilespmem:s11], [sflag:$0x3] =	stream.indirect.gather @!p0 [hbm4b:s6+s8], $0x20, s10, s8, $0xb8;
	[tilespmem:$0x181D0] =	vst v63  }
0x1d8: {  	s10 =	simm.s32 @!p0 $0x6B8;
	s11 =	simm.s32 @!p0 $0xDED0  }
0x1d9: {  	[tilespmem:s11], [sflag:$0x3] =	stream.indirect.gather @!p0 [hbm4b:s6+s8], $0x20, s10, s8, $0xb8;
	[tilespmem:$0x181D0] =	vst v63  }
0x1da: {  	s10 =	simm.s32 @!p0 $0x6E0;
	s11 =	simm.s32 @!p0 $0xE3D0  }
0x1db: {  	[tilespmem:s11], [sflag:$0x3] =	stream.indirect.gather @!p0 [hbm4b:s6+s8], $0x20, s10, s8, $0xb8;
	[tilespmem:$0x181D0] =	vst v63  }
0x1dc: {  	_ =	swait.ge [sflag:s23], $0x6400  }
0x1dd: {  	[sflag:s23] =	ssyncset.done $0x0  }
0x1de: {  	[sflag:s23] =	ssyncadd.s32 $0xFFFF9C00  }
0x1df: {  	_ =	swait.ge [sflag:s24], $0x1900  }
0x1e0: {  	[sflag:s24] =	ssyncset.done $0x0  }
0x1e1: {  	s8 =	simm.s32 $0x0;
	[sflag:s24] =	ssyncadd.s32 $0xFFFFE700  }
0x1e2: {  	v4 =	vld [tilespmem:s8+$0x6C90]  }
0x1e3: {  	v7 =	vld [tilespmem:s8+$0x6CA0]  }
0x1e4: {  	v6 =	vld [tilespmem:s8+$0x6C50]  }
0x1e5: {  	v8 =	vld [tilespmem:s8+$0x6C60]  }
0x1e6: {  	v9 =	vld [tilespmem:s8+$0x6C10]  }
0x1e7: {  	v10 =	vld [tilespmem:s8+$0x6C20]  }
0x1e8: {  	v13 =	vld [tilespmem:s8+$0x6BD0]  }
0x1e9: {  	v11 =	vimm.f32 $0.0e+00;
	v12 =	vimm.f32 $0.0e+00;
	v15 =	vld [tilespmem:s8+$0x6BE0]  }
0x1ea: {  	v5 =	vimm.f32 $0.0e+00;
	v3 =	vimm.f32 $0.0e+00;
	v0 =	vimm.f32 $0.0e+00;
	s10 =	simm.s32 $0x400;
	v14 =	vld [tilespmem:s8+$0x6BF0]  }
.LBB2_19:
0x1eb: {  	p0 =	sne.s32 s10, $0x6000;
	v1 =	vld [tilespmem:s8+$0x6C00]  }
0x1ec: {  	v2 =	vld [tilespmem:s8+$0x6C30]  }
0x1ed: {  	v16 =	vld [tilespmem:s8+$0x6C40]  }
0x1ee: {  	v17 =	vld [tilespmem:s8+$0x6C70]  }
0x1ef: {  	v3 =	vadd.f32 v13, v3;
	v12 =	vadd.f32 v15, v12;
	v13 =	vld [tilespmem:s8+$0x6C80]  }
0x1f0: {  	v5 =	vadd.f32 v14, v5;
	v1 =	vadd.f32 v1, v11;
	v11 =	vld [tilespmem:s8+$0x6CB0]  }
0x1f1: {  	v3 =	vadd.f32 v9, v3;
	v9 =	vadd.f32 v10, v12;
	v10 =	vld [tilespmem:s8+$0x6CC0];
	s8 =	sshra.s32 s10, $0x2  }
0x1f2: {  	v2 =	vadd.f32 v2, v5;
	v14 =	vld [tilespmem:s8+$0x6C90];
	v1 =	vadd.f32 v16, v1  }
0x1f3: {  	v3 =	vadd.f32 v6, v3;
	v5 =	vadd.f32 v8, v9;
	v15 =	vld [tilespmem:s8+$0x6CA0]  }
0x1f4: {  	v2 =	vadd.f32 v17, v2;
	v6 =	vld [tilespmem:s8+$0x6C50];
	v1 =	vadd.f32 v13, v1  }
0x1f5: {  	v3 =	vadd.f32 v4, v3;
	v12 =	vadd.f32 v7, v5;
	v8 =	vld [tilespmem:s8+$0x6C60]  }
.Ltmp8:
0x1f6: {  	v5 =	vadd.f32 v11, v2;
	v9 =	vld [tilespmem:s8+$0x6C10];
	v11 =	vadd.f32 v10, v1;
	(pc) =	sbr.rel @p0 .LBB2_19-.Ltmp8, $4  }
0x1f7: {  	v10 =	vld [tilespmem:s8+$0x6C20];
	v4 =	vmov v14  }
0x1f8: {  	v13 =	vld [tilespmem:s8+$0x6BD0];
	v7 =	vmov v15  }
0x1f9: {  	v15 =	vld [tilespmem:s8+$0x6BE0]  }
0x1fa: {  	s10 =	sadd.s32 $0x400, s10;
	v14 =	vld [tilespmem:s8+$0x6BF0]  }
0x1fb: {  	v16 =	vld [tilespmem:s8+$0x6C00]  }
0x1fc: {  	v17 =	vld [tilespmem:s8+$0x6C30]  }
0x1fd: {  	v18 =	vld [tilespmem:s8+$0x6C40]  }
0x1fe: {  	v19 =	vld [tilespmem:s8+$0x6C70]  }
0x1ff: {  	v20 =	vld [tilespmem:s8+$0x6C80]  }
0x200: {  	v21 =	vld [tilespmem:s8+$0x6CB0]  }
0x201: {  	v22 =	vld [tilespmem:s8+$0x6CC0];
	s8 =	simm.s32 $0x0  }
0x202: {  	v1 =	vld [tilespmem:s8+$0xE9D0]  }
0x203: {  	v2 =	vld [tilespmem:s8+$0xE9E0]  }
0x204: {  	v13 =	vadd.f32 v13, v3;
	v3 =	vld [tilespmem:s8+$0xE990]  }
0x205: {  	v12 =	vadd.f32 v15, v12;
	v14 =	vadd.f32 v14, v5;
	v5 =	vld [tilespmem:s8+$0xE9A0]  }
0x206: {  	v13 =	vadd.f32 v9, v13;
	v9 =	vld [tilespmem:s8+$0xE950];
	v11 =	vadd.f32 v16, v11  }
0x207: {  	v12 =	vadd.f32 v10, v12;
	v10 =	vld [tilespmem:s8+$0xE960];
	v14 =	vadd.f32 v17, v14  }
0x208: {  	v16 =	vld [tilespmem:s8+$0xE8D0];
	v6 =	vadd.f32 v6, v13;
	v15 =	vadd.f32 v18, v11  }
0x209: {  	v17 =	vld [tilespmem:s8+$0xE8F0];
	v8 =	vadd.f32 v8, v12;
	v13 =	vadd.f32 v19, v14  }
0x20a: {  	v11 =	vld [tilespmem:s8+$0xE910];
	v6 =	vadd.f32 v4, v6;
	v14 =	vadd.f32 v20, v15  }
0x20b: {  	v12 =	vld [tilespmem:s8+$0xE920];
	v4 =	vadd.f32 v7, v8;
	v15 =	vimm.f32 $0.0e+00;
	v8 =	vadd.f32 v21, v13  }
0x20c: {  	s10 =	simm.s32 $0x500;
	v18 =	vld [tilespmem:s8+$0xE8E0];
	v13 =	vimm.f32 $0.0e+00;
	v7 =	vadd.f32 v22, v14;
	v14 =	vimm.f32 $0.0e+00  }
.LBB2_21:
0x20d: {  	p0 =	sne.s32 s10, $0x1400;
	v19 =	vld [tilespmem:s8+$0xE900]  }
0x20e: {  	v20 =	vld [tilespmem:s8+$0xE930]  }
0x20f: {  	v21 =	vld [tilespmem:s8+$0xE940]  }
0x210: {  	v22 =	vld [tilespmem:s8+$0xE970]  }
0x211: {  	v0 =	vadd.f32 v16, v0;
	v15 =	vadd.f32 v18, v15;
	v16 =	vld [tilespmem:s8+$0xE980]  }
0x212: {  	v13 =	vadd.f32 v17, v13;
	v14 =	vadd.f32 v19, v14;
	v17 =	vld [tilespmem:s8+$0xE9B0]  }
0x213: {  	v0 =	vadd.f32 v11, v0;
	v11 =	vadd.f32 v12, v15;
	v12 =	vld [tilespmem:s8+$0xE9C0]  }
0x214: {  	v13 =	vadd.f32 v20, v13;
	v14 =	vadd.f32 v21, v14;
	v18 =	vld [tilespmem:s8+$0xE9F0]  }
0x215: {  	v0 =	vadd.f32 v9, v0;
	v9 =	vadd.f32 v10, v11;
	v10 =	vld [tilespmem:s8+$0xEA00];
	s8 =	sshra.s32 s10, $0x2  }
0x216: {  	v13 =	vadd.f32 v22, v13;
	v11 =	vld [tilespmem:s8+$0xE9D0];
	v14 =	vadd.f32 v16, v14  }
0x217: {  	v0 =	vadd.f32 v3, v0;
	v9 =	vadd.f32 v5, v9;
	v16 =	vld [tilespmem:s8+$0xE9E0]  }
0x218: {  	v13 =	vadd.f32 v17, v13;
	v3 =	vld [tilespmem:s8+$0xE990];
	v12 =	vadd.f32 v12, v14  }
0x219: {  	v0 =	vadd.f32 v1, v0;
	v15 =	vadd.f32 v2, v9;
	v5 =	vld [tilespmem:s8+$0xE9A0]  }
0x21a: {  	v13 =	vadd.f32 v18, v13;
	v9 =	vld [tilespmem:s8+$0xE950];
	v14 =	vadd.f32 v10, v12  }
0x21b: {  	v10 =	vld [tilespmem:s8+$0xE960];
	v1 =	vmov v11  }
.Ltmp9:
0x21c: {  	v11 =	vld [tilespmem:s8+$0xE910];
	v2 =	vmov v16;
	(pc) =	sbr.rel @p0 .LBB2_21-.Ltmp9, $4  }
0x21d: {  	v12 =	vld [tilespmem:s8+$0xE920]  }
0x21e: {  	v16 =	vld [tilespmem:s8+$0xE8D0]  }
0x21f: {  	v18 =	vld [tilespmem:s8+$0xE8E0]  }
0x220: {  	s10 =	sadd.s32 $0x500, s10;
	v17 =	vld [tilespmem:s8+$0xE8F0]  }
0x221: {  	v19 =	vld [tilespmem:s8+$0xE900]  }
0x222: {  	v20 =	vld [tilespmem:s8+$0xE930]  }
0x223: {  	v21 =	vld [tilespmem:s8+$0xE940];
	v0 =	vadd.f32 v16, v0  }
0x224: {  	v22 =	vld [tilespmem:s8+$0xE970];
	v15 =	vadd.f32 v18, v15  }
0x225: {  	v16 =	vld [tilespmem:s8+$0xE980];
	v13 =	vadd.f32 v17, v13;
	v0 =	vadd.f32 v11, v0  }
0x226: {  	v17 =	vld [tilespmem:s8+$0xE9B0];
	v14 =	vadd.f32 v19, v14;
	v11 =	vadd.f32 v12, v15  }
0x227: {  	v12 =	vld [tilespmem:s8+$0xE9C0];
	v13 =	vadd.f32 v20, v13;
	v0 =	vadd.f32 v9, v0  }
0x228: {  	v15 =	vld [tilespmem:s8+$0xE9F0];
	v14 =	vadd.f32 v21, v14;
	v9 =	vadd.f32 v10, v11  }
0x229: {  	v10 =	vld [tilespmem:s8+$0xEA00];
	v11 =	vadd.f32 v22, v13;
	v0 =	vadd.f32 v3, v0  }
0x22a: {  	v13 =	vadd.f32 v16, v14;
	v3 =	vadd.f32 v5, v9  }
0x22b: {  	v5 =	vadd.f32 v17, v11;
	v0 =	vadd.f32 v1, v0  }
0x22c: {  	v9 =	vadd.f32 v12, v13;
	v1 =	vadd.f32 v2, v3  }
0x22d: {  	v3 =	vadd.f32 v8, v6;
	v2 =	vadd.f32 v15, v5  }
0x22e: {  	v4 =	vadd.f32 v7, v4;
	v5 =	vadd.f32 v10, v9  }
0x22f: {  	s26 =	sshll.u32 s26, $0x8;
	v0 =	vadd.f32 v2, v0;
	v2 =	vmul.f32 $4.999999890e-03, v3  }
0x230: {  	s8 =	sand.u32 $0x3FFFFF00, s26;
	v3 =	vmul.f32 $4.999999890e-03, v4;
	v1 =	vadd.f32 v5, v1  }
0x231: {  	[tilespmem:s8+$0x101D0] =	vst v2;
	v0 =	vmul.f32 $1.999999960e-02, v0  }
0x232: {  	[tilespmem:s8+$0x101E0] =	vst v3;
	v1 =	vmul.f32 $1.999999960e-02, v1  }
0x233: {  	[tilespmem:s8+$0x101F0] =	vst v0  }
0x234: {  	s10 =	simm.s32 $0x0;
	[tilespmem:s8+$0x10200] =	vst v1  }
0x235: {  	v4 =	vld [tilespmem:s10+$0x8590]  }
0x236: {  	v7 =	vld [tilespmem:s10+$0x85A0]  }
0x237: {  	v6 =	vld [tilespmem:s10+$0x8550]  }
0x238: {  	v8 =	vld [tilespmem:s10+$0x8560]  }
0x239: {  	v9 =	vld [tilespmem:s10+$0x8510]  }
0x23a: {  	v10 =	vld [tilespmem:s10+$0x8520]  }
0x23b: {  	v13 =	vld [tilespmem:s10+$0x84D0]  }
0x23c: {  	v11 =	vimm.f32 $0.0e+00;
	v12 =	vimm.f32 $0.0e+00;
	v15 =	vld [tilespmem:s10+$0x84E0]  }
0x23d: {  	s11 =	simm.s32 $0x400;
	v5 =	vimm.f32 $0.0e+00;
	v3 =	vimm.f32 $0.0e+00;
	v0 =	vimm.f32 $0.0e+00;
	v14 =	vld [tilespmem:s10+$0x84F0]  }
.LBB2_23:
0x23e: {  	p0 =	sne.s32 s11, $0x6000;
	v1 =	vld [tilespmem:s10+$0x8500]  }
0x23f: {  	v2 =	vld [tilespmem:s10+$0x8530]  }
0x240: {  	v16 =	vld [tilespmem:s10+$0x8540]  }
0x241: {  	v17 =	vld [tilespmem:s10+$0x8570]  }
0x242: {  	v3 =	vadd.f32 v13, v3;
	v12 =	vadd.f32 v15, v12;
	v13 =	vld [tilespmem:s10+$0x8580]  }
0x243: {  	v5 =	vadd.f32 v14, v5;
	v1 =	vadd.f32 v1, v11;
	v11 =	vld [tilespmem:s10+$0x85B0]  }
0x244: {  	v3 =	vadd.f32 v9, v3;
	v9 =	vadd.f32 v10, v12;
	v10 =	vld [tilespmem:s10+$0x85C0];
	s10 =	sshra.s32 s11, $0x2  }
0x245: {  	v2 =	vadd.f32 v2, v5;
	v14 =	vld [tilespmem:s10+$0x8590];
	v1 =	vadd.f32 v16, v1  }
0x246: {  	v3 =	vadd.f32 v6, v3;
	v5 =	vadd.f32 v8, v9;
	v15 =	vld [tilespmem:s10+$0x85A0]  }
0x247: {  	v2 =	vadd.f32 v17, v2;
	v6 =	vld [tilespmem:s10+$0x8550];
	v1 =	vadd.f32 v13, v1  }
0x248: {  	v3 =	vadd.f32 v4, v3;
	v12 =	vadd.f32 v7, v5;
	v8 =	vld [tilespmem:s10+$0x8560]  }
.Ltmp10:
0x249: {  	v5 =	vadd.f32 v11, v2;
	v9 =	vld [tilespmem:s10+$0x8510];
	v11 =	vadd.f32 v10, v1;
	(pc) =	sbr.rel @p0 .LBB2_23-.Ltmp10, $4  }
0x24a: {  	v10 =	vld [tilespmem:s10+$0x8520];
	v4 =	vmov v14  }
0x24b: {  	v13 =	vld [tilespmem:s10+$0x84D0];
	v7 =	vmov v15  }
0x24c: {  	v15 =	vld [tilespmem:s10+$0x84E0]  }
0x24d: {  	s11 =	sadd.s32 $0x400, s11;
	v14 =	vld [tilespmem:s10+$0x84F0]  }
0x24e: {  	v16 =	vld [tilespmem:s10+$0x8500]  }
0x24f: {  	v17 =	vld [tilespmem:s10+$0x8530]  }
0x250: {  	v18 =	vld [tilespmem:s10+$0x8540]  }
0x251: {  	v19 =	vld [tilespmem:s10+$0x8570]  }
0x252: {  	v20 =	vld [tilespmem:s10+$0x8580]  }
0x253: {  	v21 =	vld [tilespmem:s10+$0x85B0]  }
0x254: {  	v22 =	vld [tilespmem:s10+$0x85C0];
	s10 =	simm.s32 $0x0  }
0x255: {  	v1 =	vld [tilespmem:s10+$0xF010]  }
0x256: {  	v2 =	vld [tilespmem:s10+$0xF020]  }
0x257: {  	v13 =	vadd.f32 v13, v3;
	v3 =	vld [tilespmem:s10+$0xEFD0]  }
0x258: {  	v12 =	vadd.f32 v15, v12;
	v14 =	vadd.f32 v14, v5;
	v5 =	vld [tilespmem:s10+$0xEFE0]  }
0x259: {  	v13 =	vadd.f32 v9, v13;
	v9 =	vld [tilespmem:s10+$0xEF90];
	v11 =	vadd.f32 v16, v11  }
0x25a: {  	v12 =	vadd.f32 v10, v12;
	v10 =	vld [tilespmem:s10+$0xEFA0];
	v14 =	vadd.f32 v17, v14  }
0x25b: {  	v16 =	vld [tilespmem:s10+$0xEF10];
	v6 =	vadd.f32 v6, v13;
	v15 =	vadd.f32 v18, v11  }
0x25c: {  	v17 =	vld [tilespmem:s10+$0xEF30];
	v8 =	vadd.f32 v8, v12;
	v13 =	vadd.f32 v19, v14  }
0x25d: {  	v11 =	vld [tilespmem:s10+$0xEF50];
	v6 =	vadd.f32 v4, v6;
	v14 =	vadd.f32 v20, v15  }
0x25e: {  	v12 =	vld [tilespmem:s10+$0xEF60];
	v4 =	vadd.f32 v7, v8;
	v15 =	vimm.f32 $0.0e+00;
	v8 =	vadd.f32 v21, v13  }
0x25f: {  	s11 =	simm.s32 $0x500;
	v18 =	vld [tilespmem:s10+$0xEF20];
	v13 =	vimm.f32 $0.0e+00;
	v7 =	vadd.f32 v22, v14;
	v14 =	vimm.f32 $0.0e+00  }
.LBB2_25:
0x260: {  	p0 =	sne.s32 s11, $0x1400;
	v19 =	vld [tilespmem:s10+$0xEF40]  }
0x261: {  	v20 =	vld [tilespmem:s10+$0xEF70]  }
0x262: {  	v21 =	vld [tilespmem:s10+$0xEF80]  }
0x263: {  	v22 =	vld [tilespmem:s10+$0xEFB0]  }
0x264: {  	v0 =	vadd.f32 v16, v0;
	v15 =	vadd.f32 v18, v15;
	v16 =	vld [tilespmem:s10+$0xEFC0]  }
0x265: {  	v13 =	vadd.f32 v17, v13;
	v14 =	vadd.f32 v19, v14;
	v17 =	vld [tilespmem:s10+$0xEFF0]  }
0x266: {  	v0 =	vadd.f32 v11, v0;
	v11 =	vadd.f32 v12, v15;
	v12 =	vld [tilespmem:s10+$0xF000]  }
0x267: {  	v13 =	vadd.f32 v20, v13;
	v14 =	vadd.f32 v21, v14;
	v18 =	vld [tilespmem:s10+$0xF030]  }
0x268: {  	v0 =	vadd.f32 v9, v0;
	v9 =	vadd.f32 v10, v11;
	v10 =	vld [tilespmem:s10+$0xF040];
	s10 =	sshra.s32 s11, $0x2  }
0x269: {  	v13 =	vadd.f32 v22, v13;
	v11 =	vld [tilespmem:s10+$0xF010];
	v14 =	vadd.f32 v16, v14  }
0x26a: {  	v0 =	vadd.f32 v3, v0;
	v9 =	vadd.f32 v5, v9;
	v16 =	vld [tilespmem:s10+$0xF020]  }
0x26b: {  	v13 =	vadd.f32 v17, v13;
	v3 =	vld [tilespmem:s10+$0xEFD0];
	v12 =	vadd.f32 v12, v14  }
0x26c: {  	v0 =	vadd.f32 v1, v0;
	v15 =	vadd.f32 v2, v9;
	v5 =	vld [tilespmem:s10+$0xEFE0]  }
0x26d: {  	v13 =	vadd.f32 v18, v13;
	v9 =	vld [tilespmem:s10+$0xEF90];
	v14 =	vadd.f32 v10, v12  }
0x26e: {  	v10 =	vld [tilespmem:s10+$0xEFA0];
	v1 =	vmov v11  }
.Ltmp11:
0x26f: {  	v11 =	vld [tilespmem:s10+$0xEF50];
	v2 =	vmov v16;
	(pc) =	sbr.rel @p0 .LBB2_25-.Ltmp11, $4  }
0x270: {  	v12 =	vld [tilespmem:s10+$0xEF60]  }
0x271: {  	v16 =	vld [tilespmem:s10+$0xEF10]  }
0x272: {  	v18 =	vld [tilespmem:s10+$0xEF20]  }
0x273: {  	s11 =	sadd.s32 $0x500, s11;
	v17 =	vld [tilespmem:s10+$0xEF30]  }
0x274: {  	v19 =	vld [tilespmem:s10+$0xEF40]  }
0x275: {  	v20 =	vld [tilespmem:s10+$0xEF70]  }
0x276: {  	v21 =	vld [tilespmem:s10+$0xEF80];
	v0 =	vadd.f32 v16, v0  }
0x277: {  	v22 =	vld [tilespmem:s10+$0xEFB0];
	v15 =	vadd.f32 v18, v15  }
0x278: {  	v16 =	vld [tilespmem:s10+$0xEFC0];
	v13 =	vadd.f32 v17, v13;
	v0 =	vadd.f32 v11, v0  }
0x279: {  	v17 =	vld [tilespmem:s10+$0xEFF0];
	v14 =	vadd.f32 v19, v14;
	v11 =	vadd.f32 v12, v15  }
0x27a: {  	v12 =	vld [tilespmem:s10+$0xF000];
	v13 =	vadd.f32 v20, v13;
	v0 =	vadd.f32 v9, v0  }
0x27b: {  	v15 =	vld [tilespmem:s10+$0xF030];
	v14 =	vadd.f32 v21, v14;
	v9 =	vadd.f32 v10, v11  }
0x27c: {  	v10 =	vld [tilespmem:s10+$0xF040];
	v11 =	vadd.f32 v22, v13;
	v0 =	vadd.f32 v3, v0  }
0x27d: {  	v13 =	vadd.f32 v16, v14;
	v3 =	vadd.f32 v5, v9  }
0x27e: {  	v5 =	vadd.f32 v17, v11;
	v0 =	vadd.f32 v1, v0  }
0x27f: {  	v9 =	vadd.f32 v12, v13;
	v1 =	vadd.f32 v2, v3  }
0x280: {  	v3 =	vadd.f32 v8, v6;
	v2 =	vadd.f32 v15, v5  }
0x281: {  	v4 =	vadd.f32 v7, v4;
	v5 =	vadd.f32 v10, v9  }
0x282: {  	v0 =	vadd.f32 v2, v0;
	v2 =	vmul.f32 $4.999999890e-03, v3  }
0x283: {  	v3 =	vmul.f32 $4.999999890e-03, v4;
	v1 =	vadd.f32 v5, v1  }
0x284: {  	[tilespmem:s8+$0x10210] =	vst v2;
	v0 =	vmul.f32 $1.999999960e-02, v0  }
0x285: {  	[tilespmem:s8+$0x10220] =	vst v3;
	v1 =	vmul.f32 $1.999999960e-02, v1  }
0x286: {  	[tilespmem:s8+$0x10230] =	vst v0  }
0x287: {  	s10 =	simm.s32 $0x0;
	[tilespmem:s8+$0x10240] =	vst v1  }
0x288: {  	v4 =	vld [tilespmem:s10+$0x9E90]  }
0x289: {  	v7 =	vld [tilespmem:s10+$0x9EA0]  }
0x28a: {  	v6 =	vld [tilespmem:s10+$0x9E50]  }
0x28b: {  	v8 =	vld [tilespmem:s10+$0x9E60]  }
0x28c: {  	v9 =	vld [tilespmem:s10+$0x9E10]  }
0x28d: {  	v10 =	vld [tilespmem:s10+$0x9E20]  }
0x28e: {  	v13 =	vld [tilespmem:s10+$0x9DD0]  }
0x28f: {  	v11 =	vimm.f32 $0.0e+00;
	v12 =	vimm.f32 $0.0e+00;
	v15 =	vld [tilespmem:s10+$0x9DE0]  }
0x290: {  	s11 =	simm.s32 $0x400;
	v5 =	vimm.f32 $0.0e+00;
	v3 =	vimm.f32 $0.0e+00;
	v0 =	vimm.f32 $0.0e+00;
	v14 =	vld [tilespmem:s10+$0x9DF0]  }
.LBB2_27:
0x291: {  	p0 =	sne.s32 s11, $0x6000;
	v1 =	vld [tilespmem:s10+$0x9E00]  }
0x292: {  	v2 =	vld [tilespmem:s10+$0x9E30]  }
0x293: {  	v16 =	vld [tilespmem:s10+$0x9E40]  }
0x294: {  	v17 =	vld [tilespmem:s10+$0x9E70]  }
0x295: {  	v3 =	vadd.f32 v13, v3;
	v12 =	vadd.f32 v15, v12;
	v13 =	vld [tilespmem:s10+$0x9E80]  }
0x296: {  	v5 =	vadd.f32 v14, v5;
	v1 =	vadd.f32 v1, v11;
	v11 =	vld [tilespmem:s10+$0x9EB0]  }
0x297: {  	v3 =	vadd.f32 v9, v3;
	v9 =	vadd.f32 v10, v12;
	v10 =	vld [tilespmem:s10+$0x9EC0];
	s10 =	sshra.s32 s11, $0x2  }
0x298: {  	v2 =	vadd.f32 v2, v5;
	v14 =	vld [tilespmem:s10+$0x9E90];
	v1 =	vadd.f32 v16, v1  }
0x299: {  	v3 =	vadd.f32 v6, v3;
	v5 =	vadd.f32 v8, v9;
	v15 =	vld [tilespmem:s10+$0x9EA0]  }
0x29a: {  	v2 =	vadd.f32 v17, v2;
	v6 =	vld [tilespmem:s10+$0x9E50];
	v1 =	vadd.f32 v13, v1  }
0x29b: {  	v3 =	vadd.f32 v4, v3;
	v12 =	vadd.f32 v7, v5;
	v8 =	vld [tilespmem:s10+$0x9E60]  }
.Ltmp12:
0x29c: {  	v5 =	vadd.f32 v11, v2;
	v9 =	vld [tilespmem:s10+$0x9E10];
	v11 =	vadd.f32 v10, v1;
	(pc) =	sbr.rel @p0 .LBB2_27-.Ltmp12, $4  }
0x29d: {  	v10 =	vld [tilespmem:s10+$0x9E20];
	v4 =	vmov v14  }
0x29e: {  	v13 =	vld [tilespmem:s10+$0x9DD0];
	v7 =	vmov v15  }
0x29f: {  	v15 =	vld [tilespmem:s10+$0x9DE0]  }
0x2a0: {  	s11 =	sadd.s32 $0x400, s11;
	v14 =	vld [tilespmem:s10+$0x9DF0]  }
0x2a1: {  	v16 =	vld [tilespmem:s10+$0x9E00]  }
0x2a2: {  	v17 =	vld [tilespmem:s10+$0x9E30]  }
0x2a3: {  	v18 =	vld [tilespmem:s10+$0x9E40]  }
0x2a4: {  	v19 =	vld [tilespmem:s10+$0x9E70]  }
0x2a5: {  	v20 =	vld [tilespmem:s10+$0x9E80]  }
0x2a6: {  	v21 =	vld [tilespmem:s10+$0x9EB0]  }
0x2a7: {  	v22 =	vld [tilespmem:s10+$0x9EC0];
	s10 =	simm.s32 $0x0  }
0x2a8: {  	v1 =	vld [tilespmem:s10+$0xF650]  }
0x2a9: {  	v2 =	vld [tilespmem:s10+$0xF660]  }
0x2aa: {  	v13 =	vadd.f32 v13, v3;
	v3 =	vld [tilespmem:s10+$0xF610]  }
0x2ab: {  	v12 =	vadd.f32 v15, v12;
	v14 =	vadd.f32 v14, v5;
	v5 =	vld [tilespmem:s10+$0xF620]  }
0x2ac: {  	v13 =	vadd.f32 v9, v13;
	v9 =	vld [tilespmem:s10+$0xF5D0];
	v11 =	vadd.f32 v16, v11  }
0x2ad: {  	v12 =	vadd.f32 v10, v12;
	v10 =	vld [tilespmem:s10+$0xF5E0];
	v14 =	vadd.f32 v17, v14  }
0x2ae: {  	v16 =	vld [tilespmem:s10+$0xF550];
	v6 =	vadd.f32 v6, v13;
	v15 =	vadd.f32 v18, v11  }
0x2af: {  	v17 =	vld [tilespmem:s10+$0xF570];
	v8 =	vadd.f32 v8, v12;
	v13 =	vadd.f32 v19, v14  }
0x2b0: {  	v11 =	vld [tilespmem:s10+$0xF590];
	v6 =	vadd.f32 v4, v6;
	v14 =	vadd.f32 v20, v15  }
0x2b1: {  	v12 =	vld [tilespmem:s10+$0xF5A0];
	v4 =	vadd.f32 v7, v8;
	v15 =	vimm.f32 $0.0e+00;
	v8 =	vadd.f32 v21, v13  }
0x2b2: {  	s11 =	simm.s32 $0x500;
	v18 =	vld [tilespmem:s10+$0xF560];
	v13 =	vimm.f32 $0.0e+00;
	v7 =	vadd.f32 v22, v14;
	v14 =	vimm.f32 $0.0e+00  }
.LBB2_29:
0x2b3: {  	p0 =	sne.s32 s11, $0x1400;
	v19 =	vld [tilespmem:s10+$0xF580]  }
0x2b4: {  	v20 =	vld [tilespmem:s10+$0xF5B0]  }
0x2b5: {  	v21 =	vld [tilespmem:s10+$0xF5C0]  }
0x2b6: {  	v22 =	vld [tilespmem:s10+$0xF5F0]  }
0x2b7: {  	v0 =	vadd.f32 v16, v0;
	v15 =	vadd.f32 v18, v15;
	v16 =	vld [tilespmem:s10+$0xF600]  }
0x2b8: {  	v13 =	vadd.f32 v17, v13;
	v14 =	vadd.f32 v19, v14;
	v17 =	vld [tilespmem:s10+$0xF630]  }
0x2b9: {  	v0 =	vadd.f32 v11, v0;
	v11 =	vadd.f32 v12, v15;
	v12 =	vld [tilespmem:s10+$0xF640]  }
0x2ba: {  	v13 =	vadd.f32 v20, v13;
	v14 =	vadd.f32 v21, v14;
	v18 =	vld [tilespmem:s10+$0xF670]  }
0x2bb: {  	v0 =	vadd.f32 v9, v0;
	v9 =	vadd.f32 v10, v11;
	v10 =	vld [tilespmem:s10+$0xF680];
	s10 =	sshra.s32 s11, $0x2  }
0x2bc: {  	v13 =	vadd.f32 v22, v13;
	v11 =	vld [tilespmem:s10+$0xF650];
	v14 =	vadd.f32 v16, v14  }
0x2bd: {  	v0 =	vadd.f32 v3, v0;
	v9 =	vadd.f32 v5, v9;
	v16 =	vld [tilespmem:s10+$0xF660]  }
0x2be: {  	v13 =	vadd.f32 v17, v13;
	v3 =	vld [tilespmem:s10+$0xF610];
	v12 =	vadd.f32 v12, v14  }
0x2bf: {  	v0 =	vadd.f32 v1, v0;
	v15 =	vadd.f32 v2, v9;
	v5 =	vld [tilespmem:s10+$0xF620]  }
0x2c0: {  	v13 =	vadd.f32 v18, v13;
	v9 =	vld [tilespmem:s10+$0xF5D0];
	v14 =	vadd.f32 v10, v12  }
0x2c1: {  	v10 =	vld [tilespmem:s10+$0xF5E0];
	v1 =	vmov v11  }
.Ltmp13:
0x2c2: {  	v11 =	vld [tilespmem:s10+$0xF590];
	v2 =	vmov v16;
	(pc) =	sbr.rel @p0 .LBB2_29-.Ltmp13, $4  }
0x2c3: {  	v12 =	vld [tilespmem:s10+$0xF5A0]  }
0x2c4: {  	v16 =	vld [tilespmem:s10+$0xF550]  }
0x2c5: {  	v18 =	vld [tilespmem:s10+$0xF560]  }
0x2c6: {  	s11 =	sadd.s32 $0x500, s11;
	v17 =	vld [tilespmem:s10+$0xF570]  }
0x2c7: {  	v19 =	vld [tilespmem:s10+$0xF580]  }
0x2c8: {  	v20 =	vld [tilespmem:s10+$0xF5B0]  }
0x2c9: {  	v21 =	vld [tilespmem:s10+$0xF5C0];
	v0 =	vadd.f32 v16, v0  }
0x2ca: {  	v22 =	vld [tilespmem:s10+$0xF5F0];
	v15 =	vadd.f32 v18, v15  }
0x2cb: {  	v16 =	vld [tilespmem:s10+$0xF600];
	v13 =	vadd.f32 v17, v13;
	v0 =	vadd.f32 v11, v0  }
0x2cc: {  	v17 =	vld [tilespmem:s10+$0xF630];
	v14 =	vadd.f32 v19, v14;
	v11 =	vadd.f32 v12, v15  }
0x2cd: {  	v12 =	vld [tilespmem:s10+$0xF640];
	v13 =	vadd.f32 v20, v13;
	v0 =	vadd.f32 v9, v0  }
0x2ce: {  	v15 =	vld [tilespmem:s10+$0xF670];
	v14 =	vadd.f32 v21, v14;
	v9 =	vadd.f32 v10, v11  }
0x2cf: {  	v10 =	vld [tilespmem:s10+$0xF680];
	v11 =	vadd.f32 v22, v13;
	v0 =	vadd.f32 v3, v0  }
0x2d0: {  	v13 =	vadd.f32 v16, v14;
	v3 =	vadd.f32 v5, v9  }
0x2d1: {  	v5 =	vadd.f32 v17, v11;
	v0 =	vadd.f32 v1, v0  }
0x2d2: {  	v9 =	vadd.f32 v12, v13;
	v1 =	vadd.f32 v2, v3  }
0x2d3: {  	v3 =	vadd.f32 v8, v6;
	v2 =	vadd.f32 v15, v5  }
0x2d4: {  	v4 =	vadd.f32 v7, v4;
	v5 =	vadd.f32 v10, v9  }
0x2d5: {  	v0 =	vadd.f32 v2, v0;
	v2 =	vmul.f32 $4.999999890e-03, v3  }
0x2d6: {  	v3 =	vmul.f32 $4.999999890e-03, v4;
	v1 =	vadd.f32 v5, v1  }
0x2d7: {  	[tilespmem:s8+$0x10250] =	vst v2;
	v0 =	vmul.f32 $1.999999960e-02, v0  }
0x2d8: {  	[tilespmem:s8+$0x10260] =	vst v3;
	v1 =	vmul.f32 $1.999999960e-02, v1  }
0x2d9: {  	[tilespmem:s8+$0x10270] =	vst v0  }
0x2da: {  	s10 =	simm.s32 $0x0;
	[tilespmem:s8+$0x10280] =	vst v1  }
0x2db: {  	v4 =	vld [tilespmem:s10+$0xB790]  }
0x2dc: {  	v7 =	vld [tilespmem:s10+$0xB7A0]  }
0x2dd: {  	v6 =	vld [tilespmem:s10+$0xB750]  }
0x2de: {  	v8 =	vld [tilespmem:s10+$0xB760]  }
0x2df: {  	v9 =	vld [tilespmem:s10+$0xB710]  }
0x2e0: {  	v10 =	vld [tilespmem:s10+$0xB720]  }
0x2e1: {  	v13 =	vld [tilespmem:s10+$0xB6D0]  }
0x2e2: {  	v11 =	vimm.f32 $0.0e+00;
	v12 =	vimm.f32 $0.0e+00;
	v15 =	vld [tilespmem:s10+$0xB6E0]  }
0x2e3: {  	s11 =	simm.s32 $0x400;
	v5 =	vimm.f32 $0.0e+00;
	v3 =	vimm.f32 $0.0e+00;
	v0 =	vimm.f32 $0.0e+00;
	v14 =	vld [tilespmem:s10+$0xB6F0]  }
.LBB2_31:
0x2e4: {  	p0 =	sne.s32 s11, $0x6000;
	v1 =	vld [tilespmem:s10+$0xB700]  }
0x2e5: {  	v2 =	vld [tilespmem:s10+$0xB730]  }
0x2e6: {  	v16 =	vld [tilespmem:s10+$0xB740]  }
0x2e7: {  	v17 =	vld [tilespmem:s10+$0xB770]  }
0x2e8: {  	v3 =	vadd.f32 v13, v3;
	v12 =	vadd.f32 v15, v12;
	v13 =	vld [tilespmem:s10+$0xB780]  }
0x2e9: {  	v5 =	vadd.f32 v14, v5;
	v1 =	vadd.f32 v1, v11;
	v11 =	vld [tilespmem:s10+$0xB7B0]  }
0x2ea: {  	v3 =	vadd.f32 v9, v3;
	v9 =	vadd.f32 v10, v12;
	v10 =	vld [tilespmem:s10+$0xB7C0];
	s10 =	sshra.s32 s11, $0x2  }
0x2eb: {  	v2 =	vadd.f32 v2, v5;
	v14 =	vld [tilespmem:s10+$0xB790];
	v1 =	vadd.f32 v16, v1  }
0x2ec: {  	v3 =	vadd.f32 v6, v3;
	v5 =	vadd.f32 v8, v9;
	v15 =	vld [tilespmem:s10+$0xB7A0]  }
0x2ed: {  	v2 =	vadd.f32 v17, v2;
	v6 =	vld [tilespmem:s10+$0xB750];
	v1 =	vadd.f32 v13, v1  }
0x2ee: {  	v3 =	vadd.f32 v4, v3;
	v12 =	vadd.f32 v7, v5;
	v8 =	vld [tilespmem:s10+$0xB760]  }
.Ltmp14:
0x2ef: {  	v5 =	vadd.f32 v11, v2;
	v9 =	vld [tilespmem:s10+$0xB710];
	v11 =	vadd.f32 v10, v1;
	(pc) =	sbr.rel @p0 .LBB2_31-.Ltmp14, $4  }
0x2f0: {  	v10 =	vld [tilespmem:s10+$0xB720];
	v4 =	vmov v14  }
0x2f1: {  	v13 =	vld [tilespmem:s10+$0xB6D0];
	v7 =	vmov v15  }
0x2f2: {  	v15 =	vld [tilespmem:s10+$0xB6E0]  }
0x2f3: {  	s11 =	sadd.s32 $0x400, s11;
	v14 =	vld [tilespmem:s10+$0xB6F0]  }
0x2f4: {  	v16 =	vld [tilespmem:s10+$0xB700]  }
0x2f5: {  	v17 =	vld [tilespmem:s10+$0xB730]  }
0x2f6: {  	v18 =	vld [tilespmem:s10+$0xB740]  }
0x2f7: {  	v19 =	vld [tilespmem:s10+$0xB770]  }
0x2f8: {  	v20 =	vld [tilespmem:s10+$0xB780]  }
0x2f9: {  	v21 =	vld [tilespmem:s10+$0xB7B0]  }
0x2fa: {  	v22 =	vld [tilespmem:s10+$0xB7C0];
	s10 =	simm.s32 $0x0  }
0x2fb: {  	v1 =	vld [tilespmem:s10+$0xFC90]  }
0x2fc: {  	v2 =	vld [tilespmem:s10+$0xFCA0]  }
0x2fd: {  	v13 =	vadd.f32 v13, v3;
	v3 =	vld [tilespmem:s10+$0xFC50]  }
0x2fe: {  	v12 =	vadd.f32 v15, v12;
	v14 =	vadd.f32 v14, v5;
	v5 =	vld [tilespmem:s10+$0xFC60]  }
0x2ff: {  	v13 =	vadd.f32 v9, v13;
	v9 =	vld [tilespmem:s10+$0xFC10];
	v11 =	vadd.f32 v16, v11  }
0x300: {  	v12 =	vadd.f32 v10, v12;
	v10 =	vld [tilespmem:s10+$0xFC20];
	v14 =	vadd.f32 v17, v14  }
0x301: {  	v16 =	vld [tilespmem:s10+$0xFB90];
	v6 =	vadd.f32 v6, v13;
	v15 =	vadd.f32 v18, v11  }
0x302: {  	v17 =	vld [tilespmem:s10+$0xFBB0];
	v8 =	vadd.f32 v8, v12;
	v13 =	vadd.f32 v19, v14  }
0x303: {  	v11 =	vld [tilespmem:s10+$0xFBD0];
	v6 =	vadd.f32 v4, v6;
	v14 =	vadd.f32 v20, v15  }
0x304: {  	v12 =	vld [tilespmem:s10+$0xFBE0];
	v4 =	vadd.f32 v7, v8;
	v15 =	vimm.f32 $0.0e+00;
	v8 =	vadd.f32 v21, v13  }
0x305: {  	s11 =	simm.s32 $0x500;
	v18 =	vld [tilespmem:s10+$0xFBA0];
	v13 =	vimm.f32 $0.0e+00;
	v7 =	vadd.f32 v22, v14;
	v14 =	vimm.f32 $0.0e+00  }
.LBB2_33:
0x306: {  	p0 =	sne.s32 s11, $0x1400;
	v19 =	vld [tilespmem:s10+$0xFBC0]  }
0x307: {  	v20 =	vld [tilespmem:s10+$0xFBF0]  }
0x308: {  	v21 =	vld [tilespmem:s10+$0xFC00]  }
0x309: {  	v22 =	vld [tilespmem:s10+$0xFC30]  }
0x30a: {  	v0 =	vadd.f32 v16, v0;
	v15 =	vadd.f32 v18, v15;
	v16 =	vld [tilespmem:s10+$0xFC40]  }
0x30b: {  	v13 =	vadd.f32 v17, v13;
	v14 =	vadd.f32 v19, v14;
	v17 =	vld [tilespmem:s10+$0xFC70]  }
0x30c: {  	v0 =	vadd.f32 v11, v0;
	v11 =	vadd.f32 v12, v15;
	v12 =	vld [tilespmem:s10+$0xFC80]  }
0x30d: {  	v13 =	vadd.f32 v20, v13;
	v14 =	vadd.f32 v21, v14;
	v18 =	vld [tilespmem:s10+$0xFCB0]  }
0x30e: {  	v0 =	vadd.f32 v9, v0;
	v9 =	vadd.f32 v10, v11;
	v10 =	vld [tilespmem:s10+$0xFCC0];
	s10 =	sshra.s32 s11, $0x2  }
0x30f: {  	v13 =	vadd.f32 v22, v13;
	v11 =	vld [tilespmem:s10+$0xFC90];
	v14 =	vadd.f32 v16, v14  }
0x310: {  	v0 =	vadd.f32 v3, v0;
	v9 =	vadd.f32 v5, v9;
	v16 =	vld [tilespmem:s10+$0xFCA0]  }
0x311: {  	v13 =	vadd.f32 v17, v13;
	v3 =	vld [tilespmem:s10+$0xFC50];
	v12 =	vadd.f32 v12, v14  }
0x312: {  	v0 =	vadd.f32 v1, v0;
	v15 =	vadd.f32 v2, v9;
	v5 =	vld [tilespmem:s10+$0xFC60]  }
0x313: {  	v13 =	vadd.f32 v18, v13;
	v9 =	vld [tilespmem:s10+$0xFC10];
	v14 =	vadd.f32 v10, v12  }
0x314: {  	v10 =	vld [tilespmem:s10+$0xFC20];
	v1 =	vmov v11  }
.Ltmp15:
0x315: {  	v11 =	vld [tilespmem:s10+$0xFBD0];
	v2 =	vmov v16;
	(pc) =	sbr.rel @p0 .LBB2_33-.Ltmp15, $4  }
0x316: {  	v12 =	vld [tilespmem:s10+$0xFBE0]  }
0x317: {  	v16 =	vld [tilespmem:s10+$0xFB90]  }
0x318: {  	v18 =	vld [tilespmem:s10+$0xFBA0]  }
0x319: {  	s11 =	sadd.s32 $0x500, s11;
	v17 =	vld [tilespmem:s10+$0xFBB0]  }
0x31a: {  	v19 =	vld [tilespmem:s10+$0xFBC0]  }
0x31b: {  	v20 =	vld [tilespmem:s10+$0xFBF0]  }
0x31c: {  	v21 =	vld [tilespmem:s10+$0xFC00]  }
0x31d: {  	v22 =	vld [tilespmem:s10+$0xFC30];
	v60 =	vadd.f32 v8, v6;
	v4 =	vadd.f32 v7, v4  }
0x31e: {  	v46 =	vld [tilespmem:s10+$0xFC40];
	v0 =	vadd.f32 v16, v0;
	v13 =	vadd.f32 v17, v13  }
0x31f: {  	v47 =	vld [tilespmem:s10+$0xFC70];
	v15 =	vadd.f32 v18, v15;
	v14 =	vadd.f32 v19, v14  }
0x320: {  	v49 =	vld [tilespmem:s10+$0xFC80];
	v0 =	vadd.f32 v11, v0;
	v13 =	vadd.f32 v20, v13  }
0x321: {  	v50 =	vld [tilespmem:s10+$0xFCB0];
	v48 =	vadd.f32 v12, v15;
	v14 =	vadd.f32 v21, v14  }
0x322: {  	v52 =	vld [tilespmem:s10+$0xFCC0];
	v0 =	vadd.f32 v9, v0;
	v53 =	vadd.f32 v22, v13  }
0x323: {  	v51 =	vadd.f32 v10, v48;
	v54 =	vadd.f32 v46, v14  }
0x324: {  	v0 =	vadd.f32 v3, v0;
	v56 =	vadd.f32 v47, v53  }
0x325: {  	v55 =	vadd.f32 v5, v51;
	v57 =	vadd.f32 v49, v54  }
0x326: {  	v0 =	vadd.f32 v1, v0;
	v59 =	vadd.f32 v50, v56  }
0x327: {  	s25 =	sadd.s32 $0x1, s25;
	v58 =	vadd.f32 v2, v55;
	v61 =	vadd.f32 v52, v57  }
0x328: {  	p0 =	sne.s32 s25, $0x40;
	v62 =	vmul.f32 $4.999999890e-03, v60;
	v0 =	vadd.f32 v59, v0  }
.Ltmp16:
0x329: {  	v63 =	vmul.f32 $4.999999890e-03, v4;
	v1 =	vadd.f32 v61, v58;
	(pc) =	sbr.rel @p0 .LBB2_2-.Ltmp16, $4  }
0x32a: {  	[tilespmem:s8+$0x10290] =	vst v62;
	v0 =	vmul.f32 $1.999999960e-02, v0  }
0x32b: {  	[tilespmem:s8+$0x102A0] =	vst v63;
	v1 =	vmul.f32 $1.999999960e-02, v1  }
0x32c: {  	[tilespmem:s8+$0x102B0] =	vst v0  }
0x32d: {  	[tilespmem:s8+$0x102C0] =	vst v1  }
0x32e: {  	s11 =	simm.s32 $0x0;
	s8 =	rddreg [dreg:$0x4];
	s10 =	simm.s32 $0x101D0  }
0x32f: {  	[hbm4b:s8+s11] =	stream.linear.scatter [tilespmem:s10], [sflag:$0x5], $0x8000, $0x38;
	[tilespmem:$0x181D0] =	vst v63  }
0x330: {  	_ =	swait.ge [sflag:s13], $0x8000  }
0x331: {  	s25 =	rddreg [dreg:$0x6]  }
0x332: {  	s26 =	rddreg [dreg:$0x5];
	s10 =	sadd.s32 $0x1, s25  }
0x333: {  	p0 =	sne.s32 s10, s26  }
.Ltmp17:
0x334: {  	_ = 	snop;
	(pc) =	sbr.rel @p0 .LBB2_1-.Ltmp17, $3  }
0x335: {  	_ =	sdelay $0x1  }
0x336: {  	[sflag:s13] =	ssyncset.done $0x0  }
0x337: {  	[sflag:s13] =	ssyncadd.s32 $0xFFFF8000  }
0x338: {  	_ =	sfence.sel $0x180000  }
0x339: {  	[bflag:$0x0] =	sbarrier.arrive $0xFFFF  }
0x33a: {  	_ =	strace $0x90000047  }
0x33b: {  	s0 =	stileid.u32;
	[bflag:$0x2] =	sbarrier.arrive $0xFFFF  }
0x33c: {  	p0 =	sne.s32 s0, $0x0;
	s0 =	rddreg [dreg:$0x1]  }
0x33d: {  	s0 =	sadd.s32 @!p0 $0x100000, s0  }
0x33e: {  	[sflag:s0] =	ssyncadd.tile.s32 @!p0 $0x1;
	_ =	shalt  }
.Lfunc_end2:
_tile_overlayer_lowered:
.L_overlay_start_2:
0x33f: {  	(tag) =	ssettag $0x2  }
0x340: {  	s0 =	rddreg [dreg:$0x0];
	s2 =	stileid.u32  }
0x341: {  	s1 =	rddreg [dreg:$0x1];
	p0 =	sne.s32 s2, $0x0  }
0x342: {  	s3 =	rddreg [dreg:$0x2];
	[bflag:$0x3] =	sbarrier.arrive $0xFFFF;
	s2 =	simm.s32 @!p0 $0x1C05  }
0x343: {  	[timem:s3], [sflag:s2] =	dma.local @!p0 [hbm:s0], s1  }
0x344: {  	s0 =	simm.s32 @!p0 $0x5  }
0x345: {  	_ =	swait.ge @!p0 [sflag:s0], s1  }
0x346: {  	s1 =	ssub.s32 @!p0 $0x0, s1;
	[sflag:s0] =	ssyncset.done @!p0 $0x0  }
0x347: {  	[sflag:s0] =	ssyncadd.s32 @!p0 s1  }
0x348: {  	[bflag:$0x3] =	sbarrier.arrive $0xFFFF  }
0x349: {  	_ =	shalt  }

</sc_bundles>
